<compile_context>
chip_gen: v7x
topology: tpu7x:2x2x1
jax: 0.10.2.dev20260603
libtpu: 0.0.44.dev20260713+nightly
codegen_flags: <defaults>
</compile_context>

<pallas_src>
import dataclasses
import functools

import jax
import jax.numpy as jnp
from jax import lax
from jax.experimental import pallas as pl
from jax.experimental.pallas import tpu as pltpu
from jax.experimental.pallas import tpu_sc as plsc

N = 10000
NP = 10240
E = 320000
HID = 128
TYPES = 512
OUTD = 64
NC = 2
NS = 16
NPART = NP // NS
EPS = E // (NC * NS)
_MESH = plsc.VectorSubcoreMesh(core_axis_name="c", subcore_axis_name="s",
                               num_cores=NC, num_subcores=NS)


_CP = pltpu.CompilerParams()
if "needs_layout_passes" in pltpu.CompilerParams.__dataclass_fields__:
    _CP = dataclasses.replace(_CP, needs_layout_passes=False)


@functools.partial(
    pl.kernel,
    out_type=jax.ShapeDtypeStruct((NC, NP), jnp.float32),
    mesh=_MESH,
    compiler_params=_CP,
    scratch_types=[
        pltpu.VMEM((1, EPS), jnp.int32),
        pltpu.VMEM((NP,), jnp.float32),
        pltpu.VMEM((NS, NPART), jnp.float32),
        pltpu.VMEM((NPART,), jnp.float32),
        pltpu.VMEM_SHARED((NS * NP,), jnp.float32),
    ],
)
def _sc_degree(row_hbm, out_hbm, idxv, acc, red, outv, shacc):
    c = lax.axis_index("c")
    s = lax.axis_index("s")
    part = pl.ds(s * NPART, NPART)

    @pl.loop(0, NP, step=16)
    def _(i):
        acc[pl.ds(i, 16)] = jnp.zeros((16,), jnp.float32)

    base = (c * NS + s) * EPS
    pltpu.sync_copy(row_hbm.at[pl.ds(base, EPS)], idxv.at[0])
    ones = jnp.ones((16,), jnp.float32)

    @pl.loop(0, EPS, step=80)
    def _(j):
        for u in range(5):
            iv = idxv[0, pl.ds(j + u * 16, 16)]
            plsc.addupdate_scatter(acc, [iv], ones)

    pltpu.sync_copy(acc, shacc.at[pl.ds(s * NP, NP)])
    plsc.subcore_barrier()
    for r in range(NS):
        pltpu.sync_copy(shacc.at[pl.ds(r * NP + s * NPART, NPART)], red.at[r])

    @pl.loop(0, NPART, step=16)
    def _(i):
        tot = red[0, pl.ds(i, 16)]
        for r in range(1, NS):
            tot = tot + red[r, pl.ds(i, 16)]
        outv[pl.ds(i, 16)] = tot

    pltpu.sync_copy(outv, out_hbm.at[c, part])


GBLK = 104
NWAVE = 32
GTAIL = EPS - NWAVE * 3 * GBLK

_AGG_SCRATCH = (
    [pltpu.VMEM((2, GBLK), jnp.int32) for _ in range(6)]
    + [pltpu.VMEM((GBLK, HID), jnp.float32) for _ in range(3)]
    + [pltpu.VMEM((2, GTAIL), jnp.int32),
       pltpu.VMEM((GTAIL, HID), jnp.float32),
       pltpu.VMEM_SHARED((NP, HID), jnp.float32)]
    + [pltpu.SemaphoreType.DMA for _ in range(12)]
)


@functools.partial(
    pl.kernel,
    out_type=jax.ShapeDtypeStruct((NC, NP, HID), jnp.float32),
    mesh=_MESH,
    scratch_types=_AGG_SCRATCH,
)
def _sc_aggregate(row_hbm, col_hbm, y_hbm, zeros_hbm, out_hbm, *scr):
    idxs = scr[0:6]
    rows = scr[6:9]
    tidx, trows, ss = scr[9], scr[10], scr[11]
    semi = scr[12:18]
    semg = scr[18:21]
    sems = scr[21:24]
    c = lax.axis_index("c")
    s = lax.axis_index("s")
    part = pl.ds(s * NPART, NPART)
    base = (c * NS + s) * EPS

    def idx_start(q, b):
        off = pl.ds(base + b * GBLK, GBLK)
        pltpu.async_copy(row_hbm.at[off], idxs[q].at[0], semi[q])
        pltpu.async_copy(col_hbm.at[off], idxs[q].at[1], semi[q])

    def idx_wait(q):
        pltpu.make_async_copy(row_hbm.at[pl.ds(base, GBLK)],
                              idxs[q].at[0], semi[q]).wait()
        pltpu.make_async_copy(col_hbm.at[pl.ds(base, GBLK)],
                              idxs[q].at[1], semi[q]).wait()

    def gather_start(p, q):
        pltpu.async_copy(y_hbm.at[idxs[q].at[1]], rows[p], semg[p])

    def gather_wait(p):
        pltpu.make_async_copy(y_hbm.at[pl.ds(0, GBLK)], rows[p],
                              semg[p]).wait()

    def scatter_start(p, q):
        pltpu.async_copy(rows[p], ss.at[idxs[q].at[0]], sems[p], add=True)

    def scatter_wait(p):
        pltpu.make_async_copy(rows[p], ss.at[pl.ds(0, GBLK)],
                              sems[p]).wait()

    for u in range(6):
        idx_start(u, u)
    pltpu.sync_copy(zeros_hbm, ss.at[part])
    for p in range(3):
        idx_wait(p)
        gather_start(p, p)
    plsc.subcore_barrier()

    def do_wave(w, bank, prefetch):
        obank = 3 - bank
        for p in range(3):
            gather_wait(p)
            scatter_start(p, bank + p)
        for p in range(3):
            scatter_wait(p)
            if prefetch:
                idx_start(bank + p, (w + 2) * 3 + p)
            idx_wait(obank + p)
            gather_start(p, obank + p)

    @pl.loop(0, NWAVE - 2, step=2)
    def _(w):
        do_wave(w, 0, True)
        do_wave(w + 1, 3, True)

    for p in range(3):
        gather_wait(p)
        scatter_start(p, p)
    for p in range(3):
        scatter_wait(p)
        idx_wait(3 + p)
        gather_start(p, 3 + p)
    for p in range(3):
        gather_wait(p)
        scatter_start(p, 3 + p)
    for p in range(3):
        scatter_wait(p)

    toff = pl.ds(base + NWAVE * 3 * GBLK, GTAIL)
    pltpu.sync_copy(row_hbm.at[toff], tidx.at[0])
    pltpu.sync_copy(col_hbm.at[toff], tidx.at[1])
    pltpu.sync_copy(y_hbm.at[tidx.at[1]], trows)
    pltpu.sync_copy(trows, ss.at[tidx.at[0]], add=True)

    plsc.subcore_barrier()
    pltpu.sync_copy(ss.at[part], out_hbm.at[c, part])


_NB = 2048


def _tc_embed_body(h_ref, emb_ref, w1_ref, b1_ref, x_ref):
    t1 = lax.dot_general(emb_ref[...], w1_ref[...],
                         (((1,), (1,)), ((), ())),
                         preferred_element_type=jnp.float32)
    t1 = t1 + b1_ref[...][None, :]
    oh = (h_ref[...] == lax.broadcasted_iota(jnp.int32, (_NB, TYPES), 1))
    x_ref[...] = lax.dot_general(oh.astype(jnp.float32), t1,
                                 (((1,), (0,)), ((), ())),
                                 preferred_element_type=jnp.float32)


def _tc_embed(h2, emb, w1, b1):
    grid = NP // _NB
    return pl.pallas_call(
        _tc_embed_body,
        grid=(grid,),
        in_specs=[
            pl.BlockSpec((_NB, 1), lambda i: (i, 0)),
            pl.BlockSpec((TYPES, HID), lambda i: (0, 0)),
            pl.BlockSpec((HID, HID), lambda i: (0, 0)),
            pl.BlockSpec((HID,), lambda i: (0,)),
        ],
        out_specs=pl.BlockSpec((_NB, HID), lambda i: (i, 0)),
        out_shape=jax.ShapeDtypeStruct((NP, HID), jnp.float32),
    )(h2, emb, w1, b1)


def _tc_scale_body(deg_ref, x_ref, y_ref, dinv_ref):
    deg = deg_ref[0] + deg_ref[1] + 1.0
    dinv = lax.rsqrt(deg)
    y_ref[...] = x_ref[...] * dinv
    dinv_ref[...] = dinv


def _tc_scale(deg3, x1):
    grid = NP // _NB
    return pl.pallas_call(
        _tc_scale_body,
        grid=(grid,),
        in_specs=[
            pl.BlockSpec((NC, _NB, 1), lambda i: (0, i, 0)),
            pl.BlockSpec((_NB, HID), lambda i: (i, 0)),
        ],
        out_specs=[
            pl.BlockSpec((_NB, HID), lambda i: (i, 0)),
            pl.BlockSpec((_NB, 1), lambda i: (i, 0)),
        ],
        out_shape=[
            jax.ShapeDtypeStruct((NP, HID), jnp.float32),
            jax.ShapeDtypeStruct((NP, 1), jnp.float32),
        ],
    )(deg3, x1)


def _tc_mid_body(s_ref, y_ref, dinv_ref, w_ref, b_ref, o_ref):
    z = s_ref[0] + s_ref[1] + y_ref[...]
    dinv = dinv_ref[...]
    x = jnp.maximum(z * dinv, 0.0)
    xp = lax.dot_general(x, w_ref[...], (((1,), (1,)), ((), ())),
                         preferred_element_type=jnp.float32)
    o_ref[...] = (xp + b_ref[...][None, :]) * dinv


def _tc_mid(sh, y, dinv, w2, b2):
    grid = NP // _NB
    return pl.pallas_call(
        _tc_mid_body,
        grid=(grid,),
        in_specs=[
            pl.BlockSpec((NC, _NB, HID), lambda i: (0, i, 0)),
            pl.BlockSpec((_NB, HID), lambda i: (i, 0)),
            pl.BlockSpec((_NB, 1), lambda i: (i, 0)),
            pl.BlockSpec((HID, HID), lambda i: (0, 0)),
            pl.BlockSpec((HID,), lambda i: (0,)),
        ],
        out_specs=pl.BlockSpec((_NB, HID), lambda i: (i, 0)),
        out_shape=jax.ShapeDtypeStruct((NP, HID), jnp.float32),
    )(sh, y, dinv, w2, b2)


def _tc_out_body(s_ref, y_ref, dinv_ref, w_ref, b_ref, out_ref):
    z = s_ref[0] + s_ref[1] + y_ref[...]
    x = jnp.maximum(z * dinv_ref[...], 0.0)
    xp = lax.dot_general(x, w_ref[...], (((1,), (1,)), ((), ())),
                         preferred_element_type=jnp.float32)
    out_ref[...] = xp + b_ref[...][None, :]


def _tc_out(sh, y, dinv, wout, bout):
    grid = NP // _NB
    return pl.pallas_call(
        _tc_out_body,
        grid=(grid,),
        in_specs=[
            pl.BlockSpec((NC, _NB, HID), lambda i: (0, i, 0)),
            pl.BlockSpec((_NB, HID), lambda i: (i, 0)),
            pl.BlockSpec((_NB, 1), lambda i: (i, 0)),
            pl.BlockSpec((OUTD, HID), lambda i: (0, 0)),
            pl.BlockSpec((OUTD,), lambda i: (0,)),
        ],
        out_specs=pl.BlockSpec((_NB, OUTD), lambda i: (i, 0)),
        out_shape=jax.ShapeDtypeStruct((NP, OUTD), jnp.float32),
    )(sh, y, dinv, wout, bout)


def kernel(H, edge_index, emb, W1, b1, W2, b2, Wout, bout):
    row = edge_index[0]
    col = edge_index[1]
    hp = jnp.concatenate([H, jnp.zeros((NP - N, 1), H.dtype)], axis=0)
    zeros128 = jnp.zeros((NPART, HID), jnp.float32)

    deg2 = _sc_degree(row)
    x1 = _tc_embed(hp, emb, W1, b1)
    y1, dinv = _tc_scale(deg2.reshape(NC, NP, 1), x1)
    s1 = _sc_aggregate(row, col, y1, zeros128)
    y2 = _tc_mid(s1, y1, dinv, W2, b2)
    s2 = _sc_aggregate(row, col, y2, zeros128)
    return _tc_out(s2, y2, dinv, Wout, bout)[:N]

# --- scband reference (transcript-rebuilt; emitter-appended) ---
"""Pipeline reference for scband-graph-net-30116310679885 (READ-ONLY COPY).

The authoritative reference and input builder live on the scoring server;
editing this copy changes nothing except your own understanding.
"""

import jax, jax.numpy as jnp
import numpy as np

N_NODES = 10000
NUM_NODE_TYPES = 512
HIDDEN = 128
OUT = 64
N_EDGES = 320000


def setup_inputs(seed: int = 0) -> dict:
    key = jax.random.key(seed)
    ks = jax.random.split(key, 10)
    H = jax.random.randint(ks[0], (N_NODES, 1), 0, NUM_NODE_TYPES, dtype=jnp.int32)
    edge_index = jax.random.randint(ks[1], (2, N_EDGES), 0, N_NODES, dtype=jnp.int32)
    # learned parameters
    emb = jax.random.normal(ks[2], (NUM_NODE_TYPES, HIDDEN), dtype=jnp.float32) * 0.02
    W1 = jax.random.normal(ks[3], (HIDDEN, HIDDEN), dtype=jnp.float32) * (1.0 / np.sqrt(HIDDEN))
    b1 = jnp.zeros((HIDDEN,), dtype=jnp.float32)
    W2 = jax.random.normal(ks[4], (HIDDEN, HIDDEN), dtype=jnp.float32) * (1.0 / np.sqrt(HIDDEN))
    b2 = jnp.zeros((HIDDEN,), dtype=jnp.float32)
    Wout = jax.random.normal(ks[5], (OUT, HIDDEN), dtype=jnp.float32) * (1.0 / np.sqrt(HIDDEN))
    bout = jnp.zeros((OUT,), dtype=jnp.float32)
    return {"H": H, "edge_index": edge_index, "emb": emb, "W1": W1, "b1": b1,
            "W2": W2, "b2": b2, "Wout": Wout, "bout": bout}


def _gcn_layer(X, row, col, norm, W, b, n_nodes):
    X = X @ W.T + b
    msg = X[col] * norm[:, None]
    agg = jax.ops.segment_sum(msg, row, num_segments=n_nodes)
    return jax.nn.relu(agg)


def reference(H, edge_index, emb, W1, b1, W2, b2, Wout, bout):
    n_nodes = H.shape[0]
    # add self loops
    loops = jnp.arange(n_nodes, dtype=edge_index.dtype)
    ei = jnp.concatenate([edge_index, jnp.stack([loops, loops], axis=0)], axis=1)
    row, col = ei[0], ei[1]
    # symmetric degree normalization (degree counted on row, as in pyg.utils.degree(row, N))
    deg = jax.ops.segment_sum(jnp.ones_like(row, dtype=jnp.float32), row, num_segments=n_nodes)
    deg_inv_sqrt = jnp.where(deg > 0, deg ** -0.5, 0.0)
    norm = deg_inv_sqrt[row] * deg_inv_sqrt[col]
    # embedding lookup
    X = jnp.take(emb, H.squeeze(-1), axis=0)
    X = _gcn_layer(X, row, col, norm, W1, b1, n_nodes)
    X = _gcn_layer(X, row, col, norm, W2, b2, n_nodes)
    # dropout is identity at inference
    out = X @ Wout.T + bout
    return jnp.squeeze(out)

if __name__ == "__main__":
    import jax
    _d = setup_inputs()
    print(jax.jit(kernel)(*tuple(_d.values())))

</pallas_src>

<mosaic_0001>
#map = affine_map<(d0, d1) -> (0)>
#map1 = affine_map<(d0, d1) -> (0, 0)>
#map2 = affine_map<(d0, d1) -> (0, 0, 0)>
module attributes {stable_mosaic.version = 14 : i64} {
  func.func @_sc_aggregate(%arg0: i32, %arg1: i32, %arg2: memref<320000xi32, #tpu.memory_space<hbm>>, %arg3: memref<320000xi32, #tpu.memory_space<hbm>>, %arg4: memref<10240x128xf32, #tpu.memory_space<hbm>>, %arg5: memref<640x128xf32, #tpu.memory_space<hbm>>, %arg6: memref<2x10240x128xf32, #tpu.memory_space<hbm>>, %arg7: memref<2x104xi32, #tpu.memory_space<vmem>>, %arg8: memref<2x104xi32, #tpu.memory_space<vmem>>, %arg9: memref<2x104xi32, #tpu.memory_space<vmem>>, %arg10: memref<2x104xi32, #tpu.memory_space<vmem>>, %arg11: memref<2x104xi32, #tpu.memory_space<vmem>>, %arg12: memref<2x104xi32, #tpu.memory_space<vmem>>, %arg13: memref<104x128xf32, #tpu.memory_space<vmem>>, %arg14: memref<104x128xf32, #tpu.memory_space<vmem>>, %arg15: memref<104x128xf32, #tpu.memory_space<vmem>>, %arg16: memref<2x16xi32, #tpu.memory_space<vmem>>, %arg17: memref<16x128xf32, #tpu.memory_space<vmem>>, %arg18: memref<10240x128xf32, #tpu.memory_space<vmem_shared>>, %arg19: memref<!tpu.dma_semaphore, #tpu.memory_space<semaphore_mem>>, %arg20: memref<!tpu.dma_semaphore, #tpu.memory_space<semaphore_mem>>, %arg21: memref<!tpu.dma_semaphore, #tpu.memory_space<semaphore_mem>>, %arg22: memref<!tpu.dma_semaphore, #tpu.memory_space<semaphore_mem>>, %arg23: memref<!tpu.dma_semaphore, #tpu.memory_space<semaphore_mem>>, %arg24: memref<!tpu.dma_semaphore, #tpu.memory_space<semaphore_mem>>, %arg25: memref<!tpu.dma_semaphore, #tpu.memory_space<semaphore_mem>>, %arg26: memref<!tpu.dma_semaphore, #tpu.memory_space<semaphore_mem>>, %arg27: memref<!tpu.dma_semaphore, #tpu.memory_space<semaphore_mem>>, %arg28: memref<!tpu.dma_semaphore, #tpu.memory_space<semaphore_mem>>, %arg29: memref<!tpu.dma_semaphore, #tpu.memory_space<semaphore_mem>>, %arg30: memref<!tpu.dma_semaphore, #tpu.memory_space<semaphore_mem>>) attributes {dimension_semantics = [#tpu.dimension_semantics<core_parallel>, #tpu.dimension_semantics<subcore_parallel>], iteration_bounds = array<i64: 2, 16>, scalar_prefetch = 0 : i64, scratch_operands = 24 : i64, tpu.core_type = #tpu.core_type<sc_vector_subcore>, window_params = [{transform_indices = #map}, {transform_indices = #map}, {transform_indices = #map1}, {transform_indices = #map1}, {transform_indices = #map2}]} {
    %mul3A = arith.constant 640 : i32
    %mul3A_0 = arith.muli %arg1, %mul3A : i32
    %mul3A_1 = arith.constant 16 : i32
    %mul3A_2 = arith.muli %arg0, %mul3A_1 : i32
    %add3A = arith.addi %mul3A_2, %arg1 : i32
    %mul3A_3 = arith.constant 10000 : i32
    %mul3A_4 = arith.muli %add3A, %mul3A_3 : i32
    %add3A_5 = arith.constant 0 : i32
    %add3A_6 = arith.addi %mul3A_4, %add3A_5 : i32
    %dma_start3A = arith.constant 0 : i32
    %dma_start3A_7 = arith.constant 0 : i32
    %dma_start3A_8 = tpu.memref_slice %arg7[%dma_start3A, %dma_start3A_7] : memref<2x104xi32, #tpu.memory_space<vmem>> -> memref<1x104xi32, #tpu.memory_space<vmem>>
    %dma_start3A_9 = tpu.memref_squeeze %dma_start3A_8 : memref<1x104xi32, #tpu.memory_space<vmem>> -> memref<104xi32, #tpu.memory_space<vmem>>
    %dma_start3A_10 = tpu.memref_slice %arg2[%add3A_6] : memref<320000xi32, #tpu.memory_space<hbm>> -> memref<104xi32, #tpu.memory_space<hbm>>
    %dma_start3A_11 = arith.constant 0 : i32
    %dma_start3A_12 = tpu.memref_slice %arg7[%dma_start3A, %dma_start3A_11] : memref<2x104xi32, #tpu.memory_space<vmem>> -> memref<1x104xi32, #tpu.memory_space<vmem>>
    %dma_start3A_13 = tpu.memref_squeeze %dma_start3A_12 : memref<1x104xi32, #tpu.memory_space<vmem>> -> memref<104xi32, #tpu.memory_space<vmem>>
    %dma_start3A_14 = tpu.memref_slice %arg2[%add3A_6] : memref<320000xi32, #tpu.memory_space<hbm>> -> memref<104xi32, #tpu.memory_space<hbm>>
    tpu.enqueue_dma source(%dma_start3A_14 : memref<104xi32, #tpu.memory_space<hbm>>) target(%dma_start3A_13 : memref<104xi32, #tpu.memory_space<vmem>>) target_semaphore(%arg19 : memref<!tpu.dma_semaphore, #tpu.memory_space<semaphore_mem>>)
    %dma_start3A_15 = arith.constant 1 : i32
    %dma_start3A_16 = arith.constant 0 : i32
    %dma_start3A_17 = tpu.memref_slice %arg7[%dma_start3A_15, %dma_start3A_16] : memref<2x104xi32, #tpu.memory_space<vmem>> -> memref<1x104xi32, #tpu.memory_space<vmem>>
    %dma_start3A_18 = tpu.memref_squeeze %dma_start3A_17 : memref<1x104xi32, #tpu.memory_space<vmem>> -> memref<104xi32, #tpu.memory_space<vmem>>
    %dma_start3A_19 = tpu.memref_slice %arg3[%add3A_6] : memref<320000xi32, #tpu.memory_space<hbm>> -> memref<104xi32, #tpu.memory_space<hbm>>
    %dma_start3A_20 = arith.constant 0 : i32
    %dma_start3A_21 = tpu.memref_slice %arg7[%dma_start3A_15, %dma_start3A_20] : memref<2x104xi32, #tpu.memory_space<vmem>> -> memref<1x104xi32, #tpu.memory_space<vmem>>
    %dma_start3A_22 = tpu.memref_squeeze %dma_start3A_21 : memref<1x104xi32, #tpu.memory_space<vmem>> -> memref<104xi32, #tpu.memory_space<vmem>>
    %dma_start3A_23 = tpu.memref_slice %arg3[%add3A_6] : memref<320000xi32, #tpu.memory_space<hbm>> -> memref<104xi32, #tpu.memory_space<hbm>>
    tpu.enqueue_dma source(%dma_start3A_23 : memref<104xi32, #tpu.memory_space<hbm>>) target(%dma_start3A_22 : memref<104xi32, #tpu.memory_space<vmem>>) target_semaphore(%arg19 : memref<!tpu.dma_semaphore, #tpu.memory_space<semaphore_mem>>)
    %add3A_24 = arith.constant 104 : i32
    %add3A_25 = arith.addi %mul3A_4, %add3A_24 : i32
    %dma_start3A_26 = arith.constant 0 : i32
    %dma_start3A_27 = arith.constant 0 : i32
    %dma_start3A_28 = tpu.memref_slice %arg8[%dma_start3A_26, %dma_start3A_27] : memref<2x104xi32, #tpu.memory_space<vmem>> -> memref<1x104xi32, #tpu.memory_space<vmem>>
    %dma_start3A_29 = tpu.memref_squeeze %dma_start3A_28 : memref<1x104xi32, #tpu.memory_space<vmem>> -> memref<104xi32, #tpu.memory_space<vmem>>
    %dma_start3A_30 = tpu.memref_slice %arg2[%add3A_25] : memref<320000xi32, #tpu.memory_space<hbm>> -> memref<104xi32, #tpu.memory_space<hbm>>
    %dma_start3A_31 = arith.constant 0 : i32
    %dma_start3A_32 = tpu.memref_slice %arg8[%dma_start3A_26, %dma_start3A_31] : memref<2x104xi32, #tpu.memory_space<vmem>> -> memref<1x104xi32, #tpu.memory_space<vmem>>
    %dma_start3A_33 = tpu.memref_squeeze %dma_start3A_32 : memref<1x104xi32, #tpu.memory_space<vmem>> -> memref<104xi32, #tpu.memory_space<vmem>>
    %dma_start3A_34 = tpu.memref_slice %arg2[%add3A_25] : memref<320000xi32, #tpu.memory_space<hbm>> -> memref<104xi32, #tpu.memory_space<hbm>>
    tpu.enqueue_dma source(%dma_start3A_34 : memref<104xi32, #tpu.memory_space<hbm>>) target(%dma_start3A_33 : memref<104xi32, #tpu.memory_space<vmem>>) target_semaphore(%arg20 : memref<!tpu.dma_semaphore, #tpu.memory_space<semaphore_mem>>)
    %dma_start3A_35 = arith.constant 1 : i32
    %dma_start3A_36 = arith.constant 0 : i32
    %dma_start3A_37 = tpu.memref_slice %arg8[%dma_start3A_35, %dma_start3A_36] : memref<2x104xi32, #tpu.memory_space<vmem>> -> memref<1x104xi32, #tpu.memory_space<vmem>>
    %dma_start3A_38 = tpu.memref_squeeze %dma_start3A_37 : memref<1x104xi32, #tpu.memory_space<vmem>> -> memref<104xi32, #tpu.memory_space<vmem>>
    %dma_start3A_39 = tpu.memref_slice %arg3[%add3A_25] : memref<320000xi32, #tpu.memory_space<hbm>> -> memref<104xi32, #tpu.memory_space<hbm>>
    %dma_start3A_40 = arith.constant 0 : i32
    %dma_start3A_41 = tpu.memref_slice %arg8[%dma_start3A_35, %dma_start3A_40] : memref<2x104xi32, #tpu.memory_space<vmem>> -> memref<1x104xi32, #tpu.memory_space<vmem>>
    %dma_start3A_42 = tpu.memref_squeeze %dma_start3A_41 : memref<1x104xi32, #tpu.memory_space<vmem>> -> memref<104xi32, #tpu.memory_space<vmem>>
    %dma_start3A_43 = tpu.memref_slice %arg3[%add3A_25] : memref<320000xi32, #tpu.memory_space<hbm>> -> memref<104xi32, #tpu.memory_space<hbm>>
    tpu.enqueue_dma source(%dma_start3A_43 : memref<104xi32, #tpu.memory_space<hbm>>) target(%dma_start3A_42 : memref<104xi32, #tpu.memory_space<vmem>>) target_semaphore(%arg20 : memref<!tpu.dma_semaphore, #tpu.memory_space<semaphore_mem>>)
    %add3A_44 = arith.constant 208 : i32
    %add3A_45 = arith.addi %mul3A_4, %add3A_44 : i32
    %dma_start3A_46 = arith.constant 0 : i32
    %dma_start3A_47 = arith.constant 0 : i32
    %dma_start3A_48 = tpu.memref_slice %arg9[%dma_start3A_46, %dma_start3A_47] : memref<2x104xi32, #tpu.memory_space<vmem>> -> memref<1x104xi32, #tpu.memory_space<vmem>>
    %dma_start3A_49 = tpu.memref_squeeze %dma_start3A_48 : memref<1x104xi32, #tpu.memory_space<vmem>> -> memref<104xi32, #tpu.memory_space<vmem>>
    %dma_start3A_50 = tpu.memref_slice %arg2[%add3A_45] : memref<320000xi32, #tpu.memory_space<hbm>> -> memref<104xi32, #tpu.memory_space<hbm>>
    %dma_start3A_51 = arith.constant 0 : i32
    %dma_start3A_52 = tpu.memref_slice %arg9[%dma_start3A_46, %dma_start3A_51] : memref<2x104xi32, #tpu.memory_space<vmem>> -> memref<1x104xi32, #tpu.memory_space<vmem>>
    %dma_start3A_53 = tpu.memref_squeeze %dma_start3A_52 : memref<1x104xi32, #tpu.memory_space<vmem>> -> memref<104xi32, #tpu.memory_space<vmem>>
    %dma_start3A_54 = tpu.memref_slice %arg2[%add3A_45] : memref<320000xi32, #tpu.memory_space<hbm>> -> memref<104xi32, #tpu.memory_space<hbm>>
    tpu.enqueue_dma source(%dma_start3A_54 : memref<104xi32, #tpu.memory_space<hbm>>) target(%dma_start3A_53 : memref<104xi32, #tpu.memory_space<vmem>>) target_semaphore(%arg21 : memref<!tpu.dma_semaphore, #tpu.memory_space<semaphore_mem>>)
    %dma_start3A_55 = arith.constant 1 : i32
    %dma_start3A_56 = arith.constant 0 : i32
    %dma_start3A_57 = tpu.memref_slice %arg9[%dma_start3A_55, %dma_start3A_56] : memref<2x104xi32, #tpu.memory_space<vmem>> -> memref<1x104xi32, #tpu.memory_space<vmem>>
    %dma_start3A_58 = tpu.memref_squeeze %dma_start3A_57 : memref<1x104xi32, #tpu.memory_space<vmem>> -> memref<104xi32, #tpu.memory_space<vmem>>
    %dma_start3A_59 = tpu.memref_slice %arg3[%add3A_45] : memref<320000xi32, #tpu.memory_space<hbm>> -> memref<104xi32, #tpu.memory_space<hbm>>
    %dma_start3A_60 = arith.constant 0 : i32
    %dma_start3A_61 = tpu.memref_slice %arg9[%dma_start3A_55, %dma_start3A_60] : memref<2x104xi32, #tpu.memory_space<vmem>> -> memref<1x104xi32, #tpu.memory_space<vmem>>
    %dma_start3A_62 = tpu.memref_squeeze %dma_start3A_61 : memref<1x104xi32, #tpu.memory_space<vmem>> -> memref<104xi32, #tpu.memory_space<vmem>>
    %dma_start3A_63 = tpu.memref_slice %arg3[%add3A_45] : memref<320000xi32, #tpu.memory_space<hbm>> -> memref<104xi32, #tpu.memory_space<hbm>>
    tpu.enqueue_dma source(%dma_start3A_63 : memref<104xi32, #tpu.memory_space<hbm>>) target(%dma_start3A_62 : memref<104xi32, #tpu.memory_space<vmem>>) target_semaphore(%arg21 : memref<!tpu.dma_semaphore, #tpu.memory_space<semaphore_mem>>)
    %add3A_64 = arith.constant 312 : i32
    %add3A_65 = arith.addi %mul3A_4, %add3A_64 : i32
    %dma_start3A_66 = arith.constant 0 : i32
    %dma_start3A_67 = arith.constant 0 : i32
    %dma_start3A_68 = tpu.memref_slice %arg10[%dma_start3A_66, %dma_start3A_67] : memref<2x104xi32, #tpu.memory_space<vmem>> -> memref<1x104xi32, #tpu.memory_space<vmem>>
    %dma_start3A_69 = tpu.memref_squeeze %dma_start3A_68 : memref<1x104xi32, #tpu.memory_space<vmem>> -> memref<104xi32, #tpu.memory_space<vmem>>
    %dma_start3A_70 = tpu.memref_slice %arg2[%add3A_65] : memref<320000xi32, #tpu.memory_space<hbm>> -> memref<104xi32, #tpu.memory_space<hbm>>
    %dma_start3A_71 = arith.constant 0 : i32
    %dma_start3A_72 = tpu.memref_slice %arg10[%dma_start3A_66, %dma_start3A_71] : memref<2x104xi32, #tpu.memory_space<vmem>> -> memref<1x104xi32, #tpu.memory_space<vmem>>
    %dma_start3A_73 = tpu.memref_squeeze %dma_start3A_72 : memref<1x104xi32, #tpu.memory_space<vmem>> -> memref<104xi32, #tpu.memory_space<vmem>>
    %dma_start3A_74 = tpu.memref_slice %arg2[%add3A_65] : memref<320000xi32, #tpu.memory_space<hbm>> -> memref<104xi32, #tpu.memory_space<hbm>>
    tpu.enqueue_dma source(%dma_start3A_74 : memref<104xi32, #tpu.memory_space<hbm>>) target(%dma_start3A_73 : memref<104xi32, #tpu.memory_space<vmem>>) target_semaphore(%arg22 : memref<!tpu.dma_semaphore, #tpu.memory_space<semaphore_mem>>)
    %dma_start3A_75 = arith.constant 1 : i32
    %dma_start3A_76 = arith.constant 0 : i32
    %dma_start3A_77 = tpu.memref_slice %arg10[%dma_start3A_75, %dma_start3A_76] : memref<2x104xi32, #tpu.memory_space<vmem>> -> memref<1x104xi32, #tpu.memory_space<vmem>>
    %dma_start3A_78 = tpu.memref_squeeze %dma_start3A_77 : memref<1x104xi32, #tpu.memory_space<vmem>> -> memref<104xi32, #tpu.memory_space<vmem>>
    %dma_start3A_79 = tpu.memref_slice %arg3[%add3A_65] : memref<320000xi32, #tpu.memory_space<hbm>> -> memref<104xi32, #tpu.memory_space<hbm>>
    %dma_start3A_80 = arith.constant 0 : i32
    %dma_start3A_81 = tpu.memref_slice %arg10[%dma_start3A_75, %dma_start3A_80] : memref<2x104xi32, #tpu.memory_space<vmem>> -> memref<1x104xi32, #tpu.memory_space<vmem>>
    %dma_start3A_82 = tpu.memref_squeeze %dma_start3A_81 : memref<1x104xi32, #tpu.memory_space<vmem>> -> memref<104xi32, #tpu.memory_space<vmem>>
    %dma_start3A_83 = tpu.memref_slice %arg3[%add3A_65] : memref<320000xi32, #tpu.memory_space<hbm>> -> memref<104xi32, #tpu.memory_space<hbm>>
    tpu.enqueue_dma source(%dma_start3A_83 : memref<104xi32, #tpu.memory_space<hbm>>) target(%dma_start3A_82 : memref<104xi32, #tpu.memory_space<vmem>>) target_semaphore(%arg22 : memref<!tpu.dma_semaphore, #tpu.memory_space<semaphore_mem>>)
    %add3A_84 = arith.constant 416 : i32
    %add3A_85 = arith.addi %mul3A_4, %add3A_84 : i32
    %dma_start3A_86 = arith.constant 0 : i32
    %dma_start3A_87 = arith.constant 0 : i32
    %dma_start3A_88 = tpu.memref_slice %arg11[%dma_start3A_86, %dma_start3A_87] : memref<2x104xi32, #tpu.memory_space<vmem>> -> memref<1x104xi32, #tpu.memory_space<vmem>>
    %dma_start3A_89 = tpu.memref_squeeze %dma_start3A_88 : memref<1x104xi32, #tpu.memory_space<vmem>> -> memref<104xi32, #tpu.memory_space<vmem>>
    %dma_start3A_90 = tpu.memref_slice %arg2[%add3A_85] : memref<320000xi32, #tpu.memory_space<hbm>> -> memref<104xi32, #tpu.memory_space<hbm>>
    %dma_start3A_91 = arith.constant 0 : i32
    %dma_start3A_92 = tpu.memref_slice %arg11[%dma_start3A_86, %dma_start3A_91] : memref<2x104xi32, #tpu.memory_space<vmem>> -> memref<1x104xi32, #tpu.memory_space<vmem>>
    %dma_start3A_93 = tpu.memref_squeeze %dma_start3A_92 : memref<1x104xi32, #tpu.memory_space<vmem>> -> memref<104xi32, #tpu.memory_space<vmem>>
    %dma_start3A_94 = tpu.memref_slice %arg2[%add3A_85] : memref<320000xi32, #tpu.memory_space<hbm>> -> memref<104xi32, #tpu.memory_space<hbm>>
    tpu.enqueue_dma source(%dma_start3A_94 : memref<104xi32, #tpu.memory_space<hbm>>) target(%dma_start3A_93 : memref<104xi32, #tpu.memory_space<vmem>>) target_semaphore(%arg23 : memref<!tpu.dma_semaphore, #tpu.memory_space<semaphore_mem>>)
    %dma_start3A_95 = arith.constant 1 : i32
    %dma_start3A_96 = arith.constant 0 : i32
    %dma_start3A_97 = tpu.memref_slice %arg11[%dma_start3A_95, %dma_start3A_96] : memref<2x104xi32, #tpu.memory_space<vmem>> -> memref<1x104xi32, #tpu.memory_space<vmem>>
    %dma_start3A_98 = tpu.memref_squeeze %dma_start3A_97 : memref<1x104xi32, #tpu.memory_space<vmem>> -> memref<104xi32, #tpu.memory_space<vmem>>
    %dma_start3A_99 = tpu.memref_slice %arg3[%add3A_85] : memref<320000xi32, #tpu.memory_space<hbm>> -> memref<104xi32, #tpu.memory_space<hbm>>
    %dma_start3A_100 = arith.constant 0 : i32
    %dma_start3A_101 = tpu.memref_slice %arg11[%dma_start3A_95, %dma_start3A_100] : memref<2x104xi32, #tpu.memory_space<vmem>> -> memref<1x104xi32, #tpu.memory_space<vmem>>
    %dma_start3A_102 = tpu.memref_squeeze %dma_start3A_101 : memref<1x104xi32, #tpu.memory_space<vmem>> -> memref<104xi32, #tpu.memory_space<vmem>>
    %dma_start3A_103 = tpu.memref_slice %arg3[%add3A_85] : memref<320000xi32, #tpu.memory_space<hbm>> -> memref<104xi32, #tpu.memory_space<hbm>>
    tpu.enqueue_dma source(%dma_start3A_103 : memref<104xi32, #tpu.memory_space<hbm>>) target(%dma_start3A_102 : memref<104xi32, #tpu.memory_space<vmem>>) target_semaphore(%arg23 : memref<!tpu.dma_semaphore, #tpu.memory_space<semaphore_mem>>)
    %add3A_104 = arith.constant 520 : i32
    %add3A_105 = arith.addi %mul3A_4, %add3A_104 : i32
    %dma_start3A_106 = arith.constant 0 : i32
    %dma_start3A_107 = arith.constant 0 : i32
    %dma_start3A_108 = tpu.memref_slice %arg12[%dma_start3A_106, %dma_start3A_107] : memref<2x104xi32, #tpu.memory_space<vmem>> -> memref<1x104xi32, #tpu.memory_space<vmem>>
    %dma_start3A_109 = tpu.memref_squeeze %dma_start3A_108 : memref<1x104xi32, #tpu.memory_space<vmem>> -> memref<104xi32, #tpu.memory_space<vmem>>
    %dma_start3A_110 = tpu.memref_slice %arg2[%add3A_105] : memref<320000xi32, #tpu.memory_space<hbm>> -> memref<104xi32, #tpu.memory_space<hbm>>
    %dma_start3A_111 = arith.constant 0 : i32
    %dma_start3A_112 = tpu.memref_slice %arg12[%dma_start3A_106, %dma_start3A_111] : memref<2x104xi32, #tpu.memory_space<vmem>> -> memref<1x104xi32, #tpu.memory_space<vmem>>
    %dma_start3A_113 = tpu.memref_squeeze %dma_start3A_112 : memref<1x104xi32, #tpu.memory_space<vmem>> -> memref<104xi32, #tpu.memory_space<vmem>>
    %dma_start3A_114 = tpu.memref_slice %arg2[%add3A_105] : memref<320000xi32, #tpu.memory_space<hbm>> -> memref<104xi32, #tpu.memory_space<hbm>>
    tpu.enqueue_dma source(%dma_start3A_114 : memref<104xi32, #tpu.memory_space<hbm>>) target(%dma_start3A_113 : memref<104xi32, #tpu.memory_space<vmem>>) target_semaphore(%arg24 : memref<!tpu.dma_semaphore, #tpu.memory_space<semaphore_mem>>)
    %dma_start3A_115 = arith.constant 1 : i32
    %dma_start3A_116 = arith.constant 0 : i32
    %dma_start3A_117 = tpu.memref_slice %arg12[%dma_start3A_115, %dma_start3A_116] : memref<2x104xi32, #tpu.memory_space<vmem>> -> memref<1x104xi32, #tpu.memory_space<vmem>>
    %dma_start3A_118 = tpu.memref_squeeze %dma_start3A_117 : memref<1x104xi32, #tpu.memory_space<vmem>> -> memref<104xi32, #tpu.memory_space<vmem>>
    %dma_start3A_119 = tpu.memref_slice %arg3[%add3A_105] : memref<320000xi32, #tpu.memory_space<hbm>> -> memref<104xi32, #tpu.memory_space<hbm>>
    %dma_start3A_120 = arith.constant 0 : i32
    %dma_start3A_121 = tpu.memref_slice %arg12[%dma_start3A_115, %dma_start3A_120] : memref<2x104xi32, #tpu.memory_space<vmem>> -> memref<1x104xi32, #tpu.memory_space<vmem>>
    %dma_start3A_122 = tpu.memref_squeeze %dma_start3A_121 : memref<1x104xi32, #tpu.memory_space<vmem>> -> memref<104xi32, #tpu.memory_space<vmem>>
    %dma_start3A_123 = tpu.memref_slice %arg3[%add3A_105] : memref<320000xi32, #tpu.memory_space<hbm>> -> memref<104xi32, #tpu.memory_space<hbm>>
    tpu.enqueue_dma source(%dma_start3A_123 : memref<104xi32, #tpu.memory_space<hbm>>) target(%dma_start3A_122 : memref<104xi32, #tpu.memory_space<vmem>>) target_semaphore(%arg24 : memref<!tpu.dma_semaphore, #tpu.memory_space<semaphore_mem>>)
    "tpu.region"() ({
      %run_scoped3A_397 = tpu.sem_alloc : memref<!tpu.dma_semaphore, #tpu.memory_space<semaphore_mem>>
      %dma_start3A_398 = arith.constant 0 : i32
      %dma_start3A_399 = tpu.memref_slice %arg18[%mul3A_0, %dma_start3A_398] : memref<10240x128xf32, #tpu.memory_space<vmem_shared>> -> memref<640x128xf32, #tpu.memory_space<vmem_shared>>
      tpu.enqueue_dma source(%arg5 : memref<640x128xf32, #tpu.memory_space<hbm>>) target(%dma_start3A_399 : memref<640x128xf32, #tpu.memory_space<vmem_shared>>) target_semaphore(%run_scoped3A_397 : memref<!tpu.dma_semaphore, #tpu.memory_space<semaphore_mem>>)
      %dma_wait3A_400 = arith.constant 0 : i32
      %dma_wait3A_401 = tpu.memref_slice %arg18[%mul3A_0, %dma_wait3A_400] : memref<10240x128xf32, #tpu.memory_space<vmem_shared>> -> memref<640x128xf32, #tpu.memory_space<vmem_shared>>
      tpu.wait_dma2 semaphore(%run_scoped3A_397 : memref<!tpu.dma_semaphore, #tpu.memory_space<semaphore_mem>>) src(%arg5 : memref<640x128xf32, #tpu.memory_space<hbm>>) dst(%dma_wait3A_401 : memref<640x128xf32, #tpu.memory_space<vmem_shared>>)
      tpu.yield
    }) : () -> ()
    %dma_wait3A = arith.constant 0 : i32
    %dma_wait3A_124 = arith.constant 0 : i32
    %dma_wait3A_125 = tpu.memref_slice %arg7[%dma_wait3A, %dma_wait3A_124] : memref<2x104xi32, #tpu.memory_space<vmem>> -> memref<1x104xi32, #tpu.memory_space<vmem>>
    %dma_wait3A_126 = tpu.memref_squeeze %dma_wait3A_125 : memref<1x104xi32, #tpu.memory_space<vmem>> -> memref<104xi32, #tpu.memory_space<vmem>>
    %dma_wait3A_127 = tpu.memref_slice %arg2[%mul3A_4] : memref<320000xi32, #tpu.memory_space<hbm>> -> memref<104xi32, #tpu.memory_space<hbm>>
    %dma_wait3A_128 = arith.constant 0 : i32
    %dma_wait3A_129 = tpu.memref_slice %arg7[%dma_wait3A, %dma_wait3A_128] : memref<2x104xi32, #tpu.memory_space<vmem>> -> memref<1x104xi32, #tpu.memory_space<vmem>>
    %dma_wait3A_130 = tpu.memref_squeeze %dma_wait3A_129 : memref<1x104xi32, #tpu.memory_space<vmem>> -> memref<104xi32, #tpu.memory_space<vmem>>
    %dma_wait3A_131 = tpu.memref_slice %arg2[%mul3A_4] : memref<320000xi32, #tpu.memory_space<hbm>> -> memref<104xi32, #tpu.memory_space<hbm>>
    tpu.wait_dma2 semaphore(%arg19 : memref<!tpu.dma_semaphore, #tpu.memory_space<semaphore_mem>>) src(%dma_wait3A_131 : memref<104xi32, #tpu.memory_space<hbm>>) dst(%dma_wait3A_130 : memref<104xi32, #tpu.memory_space<vmem>>)
    %dma_wait3A_132 = arith.constant 1 : i32
    %dma_wait3A_133 = arith.constant 0 : i32
    %dma_wait3A_134 = tpu.memref_slice %arg7[%dma_wait3A_132, %dma_wait3A_133] : memref<2x104xi32, #tpu.memory_space<vmem>> -> memref<1x104xi32, #tpu.memory_space<vmem>>
    %dma_wait3A_135 = tpu.memref_squeeze %dma_wait3A_134 : memref<1x104xi32, #tpu.memory_space<vmem>> -> memref<104xi32, #tpu.memory_space<vmem>>
    %dma_wait3A_136 = tpu.memref_slice %arg3[%mul3A_4] : memref<320000xi32, #tpu.memory_space<hbm>> -> memref<104xi32, #tpu.memory_space<hbm>>
    %dma_wait3A_137 = arith.constant 0 : i32
    %dma_wait3A_138 = tpu.memref_slice %arg7[%dma_wait3A_132, %dma_wait3A_137] : memref<2x104xi32, #tpu.memory_space<vmem>> -> memref<1x104xi32, #tpu.memory_space<vmem>>
    %dma_wait3A_139 = tpu.memref_squeeze %dma_wait3A_138 : memref<1x104xi32, #tpu.memory_space<vmem>> -> memref<104xi32, #tpu.memory_space<vmem>>
    %dma_wait3A_140 = tpu.memref_slice %arg3[%mul3A_4] : memref<320000xi32, #tpu.memory_space<hbm>> -> memref<104xi32, #tpu.memory_space<hbm>>
    tpu.wait_dma2 semaphore(%arg19 : memref<!tpu.dma_semaphore, #tpu.memory_space<semaphore_mem>>) src(%dma_wait3A_140 : memref<104xi32, #tpu.memory_space<hbm>>) dst(%dma_wait3A_139 : memref<104xi32, #tpu.memory_space<vmem>>)
    %dma_start3A_141 = arith.constant 1 : i32
    %dma_start3A_142 = arith.constant 0 : i32
    %dma_start3A_143 = tpu.memref_slice %arg7[%dma_start3A_141, %dma_start3A_142] : memref<2x104xi32, #tpu.memory_space<vmem>> -> memref<1x104xi32, #tpu.memory_space<vmem>>
    %dma_start3A_144 = tpu.memref_squeeze %dma_start3A_143 : memref<1x104xi32, #tpu.memory_space<vmem>> -> memref<104xi32, #tpu.memory_space<vmem>>
    %dma_start3A_145 = arith.constant 0 : i32
    %dma_start3A_146 = arith.constant 0 : i32
    %dma_start3A_147 = tpu.memref_slice %arg4[%dma_start3A_145, %dma_start3A_146] : memref<10240x128xf32, #tpu.memory_space<hbm>> -> memref<10240x128xf32, #tpu.memory_space<hbm>>
    tpu.enqueue_indirect_dma source(%dma_start3A_147 : memref<10240x128xf32, #tpu.memory_space<hbm>>) target(%arg13 : memref<104x128xf32, #tpu.memory_space<vmem>>) offsets(%dma_start3A_144 : memref<104xi32, #tpu.memory_space<vmem>>) semaphore(%arg25 : memref<!tpu.dma_semaphore, #tpu.memory_space<semaphore_mem>>)
    %dma_wait3A_148 = arith.constant 0 : i32
    %dma_wait3A_149 = arith.constant 0 : i32
    %dma_wait3A_150 = tpu.memref_slice %arg8[%dma_wait3A_148, %dma_wait3A_149] : memref<2x104xi32, #tpu.memory_space<vmem>> -> memref<1x104xi32, #tpu.memory_space<vmem>>
    %dma_wait3A_151 = tpu.memref_squeeze %dma_wait3A_150 : memref<1x104xi32, #tpu.memory_space<vmem>> -> memref<104xi32, #tpu.memory_space<vmem>>
    %dma_wait3A_152 = tpu.memref_slice %arg2[%mul3A_4] : memref<320000xi32, #tpu.memory_space<hbm>> -> memref<104xi32, #tpu.memory_space<hbm>>
    %dma_wait3A_153 = arith.constant 0 : i32
    %dma_wait3A_154 = tpu.memref_slice %arg8[%dma_wait3A_148, %dma_wait3A_153] : memref<2x104xi32, #tpu.memory_space<vmem>> -> memref<1x104xi32, #tpu.memory_space<vmem>>
    %dma_wait3A_155 = tpu.memref_squeeze %dma_wait3A_154 : memref<1x104xi32, #tpu.memory_space<vmem>> -> memref<104xi32, #tpu.memory_space<vmem>>
    %dma_wait3A_156 = tpu.memref_slice %arg2[%mul3A_4] : memref<320000xi32, #tpu.memory_space<hbm>> -> memref<104xi32, #tpu.memory_space<hbm>>
    tpu.wait_dma2 semaphore(%arg20 : memref<!tpu.dma_semaphore, #tpu.memory_space<semaphore_mem>>) src(%dma_wait3A_156 : memref<104xi32, #tpu.memory_space<hbm>>) dst(%dma_wait3A_155 : memref<104xi32, #tpu.memory_space<vmem>>)
    %dma_wait3A_157 = arith.constant 1 : i32
    %dma_wait3A_158 = arith.constant 0 : i32
    %dma_wait3A_159 = tpu.memref_slice %arg8[%dma_wait3A_157, %dma_wait3A_158] : memref<2x104xi32, #tpu.memory_space<vmem>> -> memref<1x104xi32, #tpu.memory_space<vmem>>
    %dma_wait3A_160 = tpu.memref_squeeze %dma_wait3A_159 : memref<1x104xi32, #tpu.memory_space<vmem>> -> memref<104xi32, #tpu.memory_space<vmem>>
    %dma_wait3A_161 = tpu.memref_slice %arg3[%mul3A_4] : memref<320000xi32, #tpu.memory_space<hbm>> -> memref<104xi32, #tpu.memory_space<hbm>>
    %dma_wait3A_162 = arith.constant 0 : i32
    %dma_wait3A_163 = tpu.memref_slice %arg8[%dma_wait3A_157, %dma_wait3A_162] : memref<2x104xi32, #tpu.memory_space<vmem>> -> memref<1x104xi32, #tpu.memory_space<vmem>>
    %dma_wait3A_164 = tpu.memref_squeeze %dma_wait3A_163 : memref<1x104xi32, #tpu.memory_space<vmem>> -> memref<104xi32, #tpu.memory_space<vmem>>
    %dma_wait3A_165 = tpu.memref_slice %arg3[%mul3A_4] : memref<320000xi32, #tpu.memory_space<hbm>> -> memref<104xi32, #tpu.memory_space<hbm>>
    tpu.wait_dma2 semaphore(%arg20 : memref<!tpu.dma_semaphore, #tpu.memory_space<semaphore_mem>>) src(%dma_wait3A_165 : memref<104xi32, #tpu.memory_space<hbm>>) dst(%dma_wait3A_164 : memref<104xi32, #tpu.memory_space<vmem>>)
    %dma_start3A_166 = arith.constant 1 : i32
    %dma_start3A_167 = arith.constant 0 : i32
    %dma_start3A_168 = tpu.memref_slice %arg8[%dma_start3A_166, %dma_start3A_167] : memref<2x104xi32, #tpu.memory_space<vmem>> -> memref<1x104xi32, #tpu.memory_space<vmem>>
    %dma_start3A_169 = tpu.memref_squeeze %dma_start3A_168 : memref<1x104xi32, #tpu.memory_space<vmem>> -> memref<104xi32, #tpu.memory_space<vmem>>
    %dma_start3A_170 = arith.constant 0 : i32
    %dma_start3A_171 = arith.constant 0 : i32
    %dma_start3A_172 = tpu.memref_slice %arg4[%dma_start3A_170, %dma_start3A_171] : memref<10240x128xf32, #tpu.memory_space<hbm>> -> memref<10240x128xf32, #tpu.memory_space<hbm>>
    tpu.enqueue_indirect_dma source(%dma_start3A_172 : memref<10240x128xf32, #tpu.memory_space<hbm>>) target(%arg14 : memref<104x128xf32, #tpu.memory_space<vmem>>) offsets(%dma_start3A_169 : memref<104xi32, #tpu.memory_space<vmem>>) semaphore(%arg26 : memref<!tpu.dma_semaphore, #tpu.memory_space<semaphore_mem>>)
    %dma_wait3A_173 = arith.constant 0 : i32
    %dma_wait3A_174 = arith.constant 0 : i32
    %dma_wait3A_175 = tpu.memref_slice %arg9[%dma_wait3A_173, %dma_wait3A_174] : memref<2x104xi32, #tpu.memory_space<vmem>> -> memref<1x104xi32, #tpu.memory_space<vmem>>
    %dma_wait3A_176 = tpu.memref_squeeze %dma_wait3A_175 : memref<1x104xi32, #tpu.memory_space<vmem>> -> memref<104xi32, #tpu.memory_space<vmem>>
    %dma_wait3A_177 = tpu.memref_slice %arg2[%mul3A_4] : memref<320000xi32, #tpu.memory_space<hbm>> -> memref<104xi32, #tpu.memory_space<hbm>>
    %dma_wait3A_178 = arith.constant 0 : i32
    %dma_wait3A_179 = tpu.memref_slice %arg9[%dma_wait3A_173, %dma_wait3A_178] : memref<2x104xi32, #tpu.memory_space<vmem>> -> memref<1x104xi32, #tpu.memory_space<vmem>>
    %dma_wait3A_180 = tpu.memref_squeeze %dma_wait3A_179 : memref<1x104xi32, #tpu.memory_space<vmem>> -> memref<104xi32, #tpu.memory_space<vmem>>
    %dma_wait3A_181 = tpu.memref_slice %arg2[%mul3A_4] : memref<320000xi32, #tpu.memory_space<hbm>> -> memref<104xi32, #tpu.memory_space<hbm>>
    tpu.wait_dma2 semaphore(%arg21 : memref<!tpu.dma_semaphore, #tpu.memory_space<semaphore_mem>>) src(%dma_wait3A_181 : memref<104xi32, #tpu.memory_space<hbm>>) dst(%dma_wait3A_180 : memref<104xi32, #tpu.memory_space<vmem>>)
    %dma_wait3A_182 = arith.constant 1 : i32
    %dma_wait3A_183 = arith.constant 0 : i32
    %dma_wait3A_184 = tpu.memref_slice %arg9[%dma_wait3A_182, %dma_wait3A_183] : memref<2x104xi32, #tpu.memory_space<vmem>> -> memref<1x104xi32, #tpu.memory_space<vmem>>
    %dma_wait3A_185 = tpu.memref_squeeze %dma_wait3A_184 : memref<1x104xi32, #tpu.memory_space<vmem>> -> memref<104xi32, #tpu.memory_space<vmem>>
    %dma_wait3A_186 = tpu.memref_slice %arg3[%mul3A_4] : memref<320000xi32, #tpu.memory_space<hbm>> -> memref<104xi32, #tpu.memory_space<hbm>>
    %dma_wait3A_187 = arith.constant 0 : i32
    %dma_wait3A_188 = tpu.memref_slice %arg9[%dma_wait3A_182, %dma_wait3A_187] : memref<2x104xi32, #tpu.memory_space<vmem>> -> memref<1x104xi32, #tpu.memory_space<vmem>>
    %dma_wait3A_189 = tpu.memref_squeeze %dma_wait3A_188 : memref<1x104xi32, #tpu.memory_space<vmem>> -> memref<104xi32, #tpu.memory_space<vmem>>
    %dma_wait3A_190 = tpu.memref_slice %arg3[%mul3A_4] : memref<320000xi32, #tpu.memory_space<hbm>> -> memref<104xi32, #tpu.memory_space<hbm>>
    tpu.wait_dma2 semaphore(%arg21 : memref<!tpu.dma_semaphore, #tpu.memory_space<semaphore_mem>>) src(%dma_wait3A_190 : memref<104xi32, #tpu.memory_space<hbm>>) dst(%dma_wait3A_189 : memref<104xi32, #tpu.memory_space<vmem>>)
    %dma_start3A_191 = arith.constant 1 : i32
    %dma_start3A_192 = arith.constant 0 : i32
    %dma_start3A_193 = tpu.memref_slice %arg9[%dma_start3A_191, %dma_start3A_192] : memref<2x104xi32, #tpu.memory_space<vmem>> -> memref<1x104xi32, #tpu.memory_space<vmem>>
    %dma_start3A_194 = tpu.memref_squeeze %dma_start3A_193 : memref<1x104xi32, #tpu.memory_space<vmem>> -> memref<104xi32, #tpu.memory_space<vmem>>
    %dma_start3A_195 = arith.constant 0 : i32
    %dma_start3A_196 = arith.constant 0 : i32
    %dma_start3A_197 = tpu.memref_slice %arg4[%dma_start3A_195, %dma_start3A_196] : memref<10240x128xf32, #tpu.memory_space<hbm>> -> memref<10240x128xf32, #tpu.memory_space<hbm>>
    tpu.enqueue_indirect_dma source(%dma_start3A_197 : memref<10240x128xf32, #tpu.memory_space<hbm>>) target(%arg15 : memref<104x128xf32, #tpu.memory_space<vmem>>) offsets(%dma_start3A_194 : memref<104xi32, #tpu.memory_space<vmem>>) semaphore(%arg27 : memref<!tpu.dma_semaphore, #tpu.memory_space<semaphore_mem>>)
    %barrier3A = arith.constant 0 : index
    tpu.barrier barrier_id(%barrier3A)
    %scan3A = arith.constant 0 : i32
    %scan3A_198 = arith.constant 15 : i32
    %scan3A_199 = arith.addi %scan3A, %scan3A_198 : i32
    %scan3A_200 = arith.constant 1 : i32
    scf.for %scan3A_397 = %scan3A to %scan3A_199 step %scan3A_200  : i32 {
      %mul3A_398 = arith.constant 2 : i32
      %mul3A_399 = arith.muli %scan3A_397, %mul3A_398 : i32
      %add3A_400 = arith.constant 0 : i32
      %add3A_401 = arith.addi %add3A_400, %mul3A_399 : i32
      %dma_wait3A_402 = arith.constant 0 : i32
      %dma_wait3A_403 = arith.constant 0 : i32
      %dma_wait3A_404 = tpu.memref_slice %arg4[%dma_wait3A_402, %dma_wait3A_403] : memref<10240x128xf32, #tpu.memory_space<hbm>> -> memref<104x128xf32, #tpu.memory_space<hbm>>
      %dma_wait3A_405 = arith.constant 0 : i32
      %dma_wait3A_406 = arith.constant 0 : i32
      %dma_wait3A_407 = tpu.memref_slice %arg4[%dma_wait3A_405, %dma_wait3A_406] : memref<10240x128xf32, #tpu.memory_space<hbm>> -> memref<104x128xf32, #tpu.memory_space<hbm>>
      tpu.wait_dma2 semaphore(%arg25 : memref<!tpu.dma_semaphore, #tpu.memory_space<semaphore_mem>>) src(%dma_wait3A_407 : memref<104x128xf32, #tpu.memory_space<hbm>>) dst(%arg13 : memref<104x128xf32, #tpu.memory_space<vmem>>)
      %dma_start3A_408 = arith.constant 0 : i32
      %dma_start3A_409 = arith.constant 0 : i32
      %dma_start3A_410 = tpu.memref_slice %arg7[%dma_start3A_408, %dma_start3A_409] : memref<2x104xi32, #tpu.memory_space<vmem>> -> memref<1x104xi32, #tpu.memory_space<vmem>>
      %dma_start3A_411 = tpu.memref_squeeze %dma_start3A_410 : memref<1x104xi32, #tpu.memory_space<vmem>> -> memref<104xi32, #tpu.memory_space<vmem>>
      %dma_start3A_412 = arith.constant 0 : i32
      %dma_start3A_413 = arith.constant 0 : i32
      %dma_start3A_414 = tpu.memref_slice %arg18[%dma_start3A_412, %dma_start3A_413] : memref<10240x128xf32, #tpu.memory_space<vmem_shared>> -> memref<10240x128xf32, #tpu.memory_space<vmem_shared>>
      tpu.enqueue_indirect_dma source(%arg13 : memref<104x128xf32, #tpu.memory_space<vmem>>) target(%dma_start3A_414 : memref<10240x128xf32, #tpu.memory_space<vmem_shared>>) offsets(%dma_start3A_411 : memref<104xi32, #tpu.memory_space<vmem>>) semaphore(%arg28 : memref<!tpu.dma_semaphore, #tpu.memory_space<semaphore_mem>>) {add = true}
      %dma_wait3A_415 = arith.constant 0 : i32
      %dma_wait3A_416 = arith.constant 0 : i32
      %dma_wait3A_417 = tpu.memref_slice %arg4[%dma_wait3A_415, %dma_wait3A_416] : memref<10240x128xf32, #tpu.memory_space<hbm>> -> memref<104x128xf32, #tpu.memory_space<hbm>>
      %dma_wait3A_418 = arith.constant 0 : i32
      %dma_wait3A_419 = arith.constant 0 : i32
      %dma_wait3A_420 = tpu.memref_slice %arg4[%dma_wait3A_418, %dma_wait3A_419] : memref<10240x128xf32, #tpu.memory_space<hbm>> -> memref<104x128xf32, #tpu.memory_space<hbm>>
      tpu.wait_dma2 semaphore(%arg26 : memref<!tpu.dma_semaphore, #tpu.memory_space<semaphore_mem>>) src(%dma_wait3A_420 : memref<104x128xf32, #tpu.memory_space<hbm>>) dst(%arg14 : memref<104x128xf32, #tpu.memory_space<vmem>>)
      %dma_start3A_421 = arith.constant 0 : i32
      %dma_start3A_422 = arith.constant 0 : i32
      %dma_start3A_423 = tpu.memref_slice %arg8[%dma_start3A_421, %dma_start3A_422] : memref<2x104xi32, #tpu.memory_space<vmem>> -> memref<1x104xi32, #tpu.memory_space<vmem>>
      %dma_start3A_424 = tpu.memref_squeeze %dma_start3A_423 : memref<1x104xi32, #tpu.memory_space<vmem>> -> memref<104xi32, #tpu.memory_space<vmem>>
      %dma_start3A_425 = arith.constant 0 : i32
      %dma_start3A_426 = arith.constant 0 : i32
      %dma_start3A_427 = tpu.memref_slice %arg18[%dma_start3A_425, %dma_start3A_426] : memref<10240x128xf32, #tpu.memory_space<vmem_shared>> -> memref<10240x128xf32, #tpu.memory_space<vmem_shared>>
      tpu.enqueue_indirect_dma source(%arg14 : memref<104x128xf32, #tpu.memory_space<vmem>>) target(%dma_start3A_427 : memref<10240x128xf32, #tpu.memory_space<vmem_shared>>) offsets(%dma_start3A_424 : memref<104xi32, #tpu.memory_space<vmem>>) semaphore(%arg29 : memref<!tpu.dma_semaphore, #tpu.memory_space<semaphore_mem>>) {add = true}
      %dma_wait3A_428 = arith.constant 0 : i32
      %dma_wait3A_429 = arith.constant 0 : i32
      %dma_wait3A_430 = tpu.memref_slice %arg4[%dma_wait3A_428, %dma_wait3A_429] : memref<10240x128xf32, #tpu.memory_space<hbm>> -> memref<104x128xf32, #tpu.memory_space<hbm>>
      %dma_wait3A_431 = arith.constant 0 : i32
      %dma_wait3A_432 = arith.constant 0 : i32
      %dma_wait3A_433 = tpu.memref_slice %arg4[%dma_wait3A_431, %dma_wait3A_432] : memref<10240x128xf32, #tpu.memory_space<hbm>> -> memref<104x128xf32, #tpu.memory_space<hbm>>
      tpu.wait_dma2 semaphore(%arg27 : memref<!tpu.dma_semaphore, #tpu.memory_space<semaphore_mem>>) src(%dma_wait3A_433 : memref<104x128xf32, #tpu.memory_space<hbm>>) dst(%arg15 : memref<104x128xf32, #tpu.memory_space<vmem>>)
      %dma_start3A_434 = arith.constant 0 : i32
      %dma_start3A_435 = arith.constant 0 : i32
      %dma_start3A_436 = tpu.memref_slice %arg9[%dma_start3A_434, %dma_start3A_435] : memref<2x104xi32, #tpu.memory_space<vmem>> -> memref<1x104xi32, #tpu.memory_space<vmem>>
      %dma_start3A_437 = tpu.memref_squeeze %dma_start3A_436 : memref<1x104xi32, #tpu.memory_space<vmem>> -> memref<104xi32, #tpu.memory_space<vmem>>
      %dma_start3A_438 = arith.constant 0 : i32
      %dma_start3A_439 = arith.constant 0 : i32
      %dma_start3A_440 = tpu.memref_slice %arg18[%dma_start3A_438, %dma_start3A_439] : memref<10240x128xf32, #tpu.memory_space<vmem_shared>> -> memref<10240x128xf32, #tpu.memory_space<vmem_shared>>
      tpu.enqueue_indirect_dma source(%arg15 : memref<104x128xf32, #tpu.memory_space<vmem>>) target(%dma_start3A_440 : memref<10240x128xf32, #tpu.memory_space<vmem_shared>>) offsets(%dma_start3A_437 : memref<104xi32, #tpu.memory_space<vmem>>) semaphore(%arg30 : memref<!tpu.dma_semaphore, #tpu.memory_space<semaphore_mem>>) {add = true}
      %dma_wait3A_441 = arith.constant 0 : i32
      %dma_wait3A_442 = arith.constant 0 : i32
      %dma_wait3A_443 = tpu.memref_slice %arg18[%dma_wait3A_441, %dma_wait3A_442] : memref<10240x128xf32, #tpu.memory_space<vmem_shared>> -> memref<104x128xf32, #tpu.memory_space<vmem_shared>>
      %dma_wait3A_444 = arith.constant 0 : i32
      %dma_wait3A_445 = arith.constant 0 : i32
      %dma_wait3A_446 = tpu.memref_slice %arg18[%dma_wait3A_444, %dma_wait3A_445] : memref<10240x128xf32, #tpu.memory_space<vmem_shared>> -> memref<104x128xf32, #tpu.memory_space<vmem_shared>>
      tpu.wait_dma2 semaphore(%arg28 : memref<!tpu.dma_semaphore, #tpu.memory_space<semaphore_mem>>) src(%arg13 : memref<104x128xf32, #tpu.memory_space<vmem>>) dst(%dma_wait3A_446 : memref<104x128xf32, #tpu.memory_space<vmem_shared>>)
      %add3A_447 = arith.constant 2 : i32
      %add3A_448 = arith.addi %add3A_401, %add3A_447 : i32
      %mul3A_449 = arith.constant 3 : i32
      %mul3A_450 = arith.muli %add3A_448, %mul3A_449 : i32
      %add3A_451 = arith.constant 0 : i32
      %add3A_452 = arith.addi %mul3A_450, %add3A_451 : i32
      %mul3A_453 = arith.constant 104 : i32
      %mul3A_454 = arith.muli %add3A_452, %mul3A_453 : i32
      %add3A_455 = arith.addi %mul3A_4, %mul3A_454 : i32
      %dma_start3A_456 = arith.constant 0 : i32
      %dma_start3A_457 = arith.constant 0 : i32
      %dma_start3A_458 = tpu.memref_slice %arg7[%dma_start3A_456, %dma_start3A_457] : memref<2x104xi32, #tpu.memory_space<vmem>> -> memref<1x104xi32, #tpu.memory_space<vmem>>
      %dma_start3A_459 = tpu.memref_squeeze %dma_start3A_458 : memref<1x104xi32, #tpu.memory_space<vmem>> -> memref<104xi32, #tpu.memory_space<vmem>>
      %dma_start3A_460 = tpu.memref_slice %arg2[%add3A_455] : memref<320000xi32, #tpu.memory_space<hbm>> -> memref<104xi32, #tpu.memory_space<hbm>>
      %dma_start3A_461 = arith.constant 0 : i32
      %dma_start3A_462 = tpu.memref_slice %arg7[%dma_start3A_456, %dma_start3A_461] : memref<2x104xi32, #tpu.memory_space<vmem>> -> memref<1x104xi32, #tpu.memory_space<vmem>>
      %dma_start3A_463 = tpu.memref_squeeze %dma_start3A_462 : memref<1x104xi32, #tpu.memory_space<vmem>> -> memref<104xi32, #tpu.memory_space<vmem>>
      %dma_start3A_464 = tpu.memref_slice %arg2[%add3A_455] : memref<320000xi32, #tpu.memory_space<hbm>> -> memref<104xi32, #tpu.memory_space<hbm>>
      tpu.enqueue_dma source(%dma_start3A_464 : memref<104xi32, #tpu.memory_space<hbm>>) target(%dma_start3A_463 : memref<104xi32, #tpu.memory_space<vmem>>) target_semaphore(%arg19 : memref<!tpu.dma_semaphore, #tpu.memory_space<semaphore_mem>>)
      %dma_start3A_465 = arith.constant 1 : i32
      %dma_start3A_466 = arith.constant 0 : i32
      %dma_start3A_467 = tpu.memref_slice %arg7[%dma_start3A_465, %dma_start3A_466] : memref<2x104xi32, #tpu.memory_space<vmem>> -> memref<1x104xi32, #tpu.memory_space<vmem>>
      %dma_start3A_468 = tpu.memref_squeeze %dma_start3A_467 : memref<1x104xi32, #tpu.memory_space<vmem>> -> memref<104xi32, #tpu.memory_space<vmem>>
      %dma_start3A_469 = tpu.memref_slice %arg3[%add3A_455] : memref<320000xi32, #tpu.memory_space<hbm>> -> memref<104xi32, #tpu.memory_space<hbm>>
      %dma_start3A_470 = arith.constant 0 : i32
      %dma_start3A_471 = tpu.memref_slice %arg7[%dma_start3A_465, %dma_start3A_470] : memref<2x104xi32, #tpu.memory_space<vmem>> -> memref<1x104xi32, #tpu.memory_space<vmem>>
      %dma_start3A_472 = tpu.memref_squeeze %dma_start3A_471 : memref<1x104xi32, #tpu.memory_space<vmem>> -> memref<104xi32, #tpu.memory_space<vmem>>
      %dma_start3A_473 = tpu.memref_slice %arg3[%add3A_455] : memref<320000xi32, #tpu.memory_space<hbm>> -> memref<104xi32, #tpu.memory_space<hbm>>
      tpu.enqueue_dma source(%dma_start3A_473 : memref<104xi32, #tpu.memory_space<hbm>>) target(%dma_start3A_472 : memref<104xi32, #tpu.memory_space<vmem>>) target_semaphore(%arg19 : memref<!tpu.dma_semaphore, #tpu.memory_space<semaphore_mem>>)
      %dma_wait3A_474 = arith.constant 0 : i32
      %dma_wait3A_475 = arith.constant 0 : i32
      %dma_wait3A_476 = tpu.memref_slice %arg10[%dma_wait3A_474, %dma_wait3A_475] : memref<2x104xi32, #tpu.memory_space<vmem>> -> memref<1x104xi32, #tpu.memory_space<vmem>>
      %dma_wait3A_477 = tpu.memref_squeeze %dma_wait3A_476 : memref<1x104xi32, #tpu.memory_space<vmem>> -> memref<104xi32, #tpu.memory_space<vmem>>
      %dma_wait3A_478 = tpu.memref_slice %arg2[%mul3A_4] : memref<320000xi32, #tpu.memory_space<hbm>> -> memref<104xi32, #tpu.memory_space<hbm>>
      %dma_wait3A_479 = arith.constant 0 : i32
      %dma_wait3A_480 = tpu.memref_slice %arg10[%dma_wait3A_474, %dma_wait3A_479] : memref<2x104xi32, #tpu.memory_space<vmem>> -> memref<1x104xi32, #tpu.memory_space<vmem>>
      %dma_wait3A_481 = tpu.memref_squeeze %dma_wait3A_480 : memref<1x104xi32, #tpu.memory_space<vmem>> -> memref<104xi32, #tpu.memory_space<vmem>>
      %dma_wait3A_482 = tpu.memref_slice %arg2[%mul3A_4] : memref<320000xi32, #tpu.memory_space<hbm>> -> memref<104xi32, #tpu.memory_space<hbm>>
      tpu.wait_dma2 semaphore(%arg22 : memref<!tpu.dma_semaphore, #tpu.memory_space<semaphore_mem>>) src(%dma_wait3A_482 : memref<104xi32, #tpu.memory_space<hbm>>) dst(%dma_wait3A_481 : memref<104xi32, #tpu.memory_space<vmem>>)
      %dma_wait3A_483 = arith.constant 1 : i32
      %dma_wait3A_484 = arith.constant 0 : i32
      %dma_wait3A_485 = tpu.memref_slice %arg10[%dma_wait3A_483, %dma_wait3A_484] : memref<2x104xi32, #tpu.memory_space<vmem>> -> memref<1x104xi32, #tpu.memory_space<vmem>>
      %dma_wait3A_486 = tpu.memref_squeeze %dma_wait3A_485 : memref<1x104xi32, #tpu.memory_space<vmem>> -> memref<104xi32, #tpu.memory_space<vmem>>
      %dma_wait3A_487 = tpu.memref_slice %arg3[%mul3A_4] : memref<320000xi32, #tpu.memory_space<hbm>> -> memref<104xi32, #tpu.memory_space<hbm>>
      %dma_wait3A_488 = arith.constant 0 : i32
      %dma_wait3A_489 = tpu.memref_slice %arg10[%dma_wait3A_483, %dma_wait3A_488] : memref<2x104xi32, #tpu.memory_space<vmem>> -> memref<1x104xi32, #tpu.memory_space<vmem>>
      %dma_wait3A_490 = tpu.memref_squeeze %dma_wait3A_489 : memref<1x104xi32, #tpu.memory_space<vmem>> -> memref<104xi32, #tpu.memory_space<vmem>>
      %dma_wait3A_491 = tpu.memref_slice %arg3[%mul3A_4] : memref<320000xi32, #tpu.memory_space<hbm>> -> memref<104xi32, #tpu.memory_space<hbm>>
      tpu.wait_dma2 semaphore(%arg22 : memref<!tpu.dma_semaphore, #tpu.memory_space<semaphore_mem>>) src(%dma_wait3A_491 : memref<104xi32, #tpu.memory_space<hbm>>) dst(%dma_wait3A_490 : memref<104xi32, #tpu.memory_space<vmem>>)
      %dma_start3A_492 = arith.constant 1 : i32
      %dma_start3A_493 = arith.constant 0 : i32
      %dma_start3A_494 = tpu.memref_slice %arg10[%dma_start3A_492, %dma_start3A_493] : memref<2x104xi32, #tpu.memory_space<vmem>> -> memref<1x104xi32, #tpu.memory_space<vmem>>
      %dma_start3A_495 = tpu.memref_squeeze %dma_start3A_494 : memref<1x104xi32, #tpu.memory_space<vmem>> -> memref<104xi32, #tpu.memory_space<vmem>>
      %dma_start3A_496 = arith.constant 0 : i32
      %dma_start3A_497 = arith.constant 0 : i32
      %dma_start3A_498 = tpu.memref_slice %arg4[%dma_start3A_496, %dma_start3A_497] : memref<10240x128xf32, #tpu.memory_space<hbm>> -> memref<10240x128xf32, #tpu.memory_space<hbm>>
      tpu.enqueue_indirect_dma source(%dma_start3A_498 : memref<10240x128xf32, #tpu.memory_space<hbm>>) target(%arg13 : memref<104x128xf32, #tpu.memory_space<vmem>>) offsets(%dma_start3A_495 : memref<104xi32, #tpu.memory_space<vmem>>) semaphore(%arg25 : memref<!tpu.dma_semaphore, #tpu.memory_space<semaphore_mem>>)
      %dma_wait3A_499 = arith.constant 0 : i32
      %dma_wait3A_500 = arith.constant 0 : i32
      %dma_wait3A_501 = tpu.memref_slice %arg18[%dma_wait3A_499, %dma_wait3A_500] : memref<10240x128xf32, #tpu.memory_space<vmem_shared>> -> memref<104x128xf32, #tpu.memory_space<vmem_shared>>
      %dma_wait3A_502 = arith.constant 0 : i32
      %dma_wait3A_503 = arith.constant 0 : i32
      %dma_wait3A_504 = tpu.memref_slice %arg18[%dma_wait3A_502, %dma_wait3A_503] : memref<10240x128xf32, #tpu.memory_space<vmem_shared>> -> memref<104x128xf32, #tpu.memory_space<vmem_shared>>
      tpu.wait_dma2 semaphore(%arg29 : memref<!tpu.dma_semaphore, #tpu.memory_space<semaphore_mem>>) src(%arg14 : memref<104x128xf32, #tpu.memory_space<vmem>>) dst(%dma_wait3A_504 : memref<104x128xf32, #tpu.memory_space<vmem_shared>>)
      %add3A_505 = arith.constant 2 : i32
      %add3A_506 = arith.addi %add3A_401, %add3A_505 : i32
      %mul3A_507 = arith.constant 3 : i32
      %mul3A_508 = arith.muli %add3A_506, %mul3A_507 : i32
      %add3A_509 = arith.constant 1 : i32
      %add3A_510 = arith.addi %mul3A_508, %add3A_509 : i32
      %mul3A_511 = arith.constant 104 : i32
      %mul3A_512 = arith.muli %add3A_510, %mul3A_511 : i32
      %add3A_513 = arith.addi %mul3A_4, %mul3A_512 : i32
      %dma_start3A_514 = arith.constant 0 : i32
      %dma_start3A_515 = arith.constant 0 : i32
      %dma_start3A_516 = tpu.memref_slice %arg8[%dma_start3A_514, %dma_start3A_515] : memref<2x104xi32, #tpu.memory_space<vmem>> -> memref<1x104xi32, #tpu.memory_space<vmem>>
      %dma_start3A_517 = tpu.memref_squeeze %dma_start3A_516 : memref<1x104xi32, #tpu.memory_space<vmem>> -> memref<104xi32, #tpu.memory_space<vmem>>
      %dma_start3A_518 = tpu.memref_slice %arg2[%add3A_513] : memref<320000xi32, #tpu.memory_space<hbm>> -> memref<104xi32, #tpu.memory_space<hbm>>
      %dma_start3A_519 = arith.constant 0 : i32
      %dma_start3A_520 = tpu.memref_slice %arg8[%dma_start3A_514, %dma_start3A_519] : memref<2x104xi32, #tpu.memory_space<vmem>> -> memref<1x104xi32, #tpu.memory_space<vmem>>
      %dma_start3A_521 = tpu.memref_squeeze %dma_start3A_520 : memref<1x104xi32, #tpu.memory_space<vmem>> -> memref<104xi32, #tpu.memory_space<vmem>>
      %dma_start3A_522 = tpu.memref_slice %arg2[%add3A_513] : memref<320000xi32, #tpu.memory_space<hbm>> -> memref<104xi32, #tpu.memory_space<hbm>>
      tpu.enqueue_dma source(%dma_start3A_522 : memref<104xi32, #tpu.memory_space<hbm>>) target(%dma_start3A_521 : memref<104xi32, #tpu.memory_space<vmem>>) target_semaphore(%arg20 : memref<!tpu.dma_semaphore, #tpu.memory_space<semaphore_mem>>)
      %dma_start3A_523 = arith.constant 1 : i32
      %dma_start3A_524 = arith.constant 0 : i32
      %dma_start3A_525 = tpu.memref_slice %arg8[%dma_start3A_523, %dma_start3A_524] : memref<2x104xi32, #tpu.memory_space<vmem>> -> memref<1x104xi32, #tpu.memory_space<vmem>>
      %dma_start3A_526 = tpu.memref_squeeze %dma_start3A_525 : memref<1x104xi32, #tpu.memory_space<vmem>> -> memref<104xi32, #tpu.memory_space<vmem>>
      %dma_start3A_527 = tpu.memref_slice %arg3[%add3A_513] : memref<320000xi32, #tpu.memory_space<hbm>> -> memref<104xi32, #tpu.memory_space<hbm>>
      %dma_start3A_528 = arith.constant 0 : i32
      %dma_start3A_529 = tpu.memref_slice %arg8[%dma_start3A_523, %dma_start3A_528] : memref<2x104xi32, #tpu.memory_space<vmem>> -> memref<1x104xi32, #tpu.memory_space<vmem>>
      %dma_start3A_530 = tpu.memref_squeeze %dma_start3A_529 : memref<1x104xi32, #tpu.memory_space<vmem>> -> memref<104xi32, #tpu.memory_space<vmem>>
      %dma_start3A_531 = tpu.memref_slice %arg3[%add3A_513] : memref<320000xi32, #tpu.memory_space<hbm>> -> memref<104xi32, #tpu.memory_space<hbm>>
      tpu.enqueue_dma source(%dma_start3A_531 : memref<104xi32, #tpu.memory_space<hbm>>) target(%dma_start3A_530 : memref<104xi32, #tpu.memory_space<vmem>>) target_semaphore(%arg20 : memref<!tpu.dma_semaphore, #tpu.memory_space<semaphore_mem>>)
      %dma_wait3A_532 = arith.constant 0 : i32
      %dma_wait3A_533 = arith.constant 0 : i32
      %dma_wait3A_534 = tpu.memref_slice %arg11[%dma_wait3A_532, %dma_wait3A_533] : memref<2x104xi32, #tpu.memory_space<vmem>> -> memref<1x104xi32, #tpu.memory_space<vmem>>
      %dma_wait3A_535 = tpu.memref_squeeze %dma_wait3A_534 : memref<1x104xi32, #tpu.memory_space<vmem>> -> memref<104xi32, #tpu.memory_space<vmem>>
      %dma_wait3A_536 = tpu.memref_slice %arg2[%mul3A_4] : memref<320000xi32, #tpu.memory_space<hbm>> -> memref<104xi32, #tpu.memory_space<hbm>>
      %dma_wait3A_537 = arith.constant 0 : i32
      %dma_wait3A_538 = tpu.memref_slice %arg11[%dma_wait3A_532, %dma_wait3A_537] : memref<2x104xi32, #tpu.memory_space<vmem>> -> memref<1x104xi32, #tpu.memory_space<vmem>>
      %dma_wait3A_539 = tpu.memref_squeeze %dma_wait3A_538 : memref<1x104xi32, #tpu.memory_space<vmem>> -> memref<104xi32, #tpu.memory_space<vmem>>
      %dma_wait3A_540 = tpu.memref_slice %arg2[%mul3A_4] : memref<320000xi32, #tpu.memory_space<hbm>> -> memref<104xi32, #tpu.memory_space<hbm>>
      tpu.wait_dma2 semaphore(%arg23 : memref<!tpu.dma_semaphore, #tpu.memory_space<semaphore_mem>>) src(%dma_wait3A_540 : memref<104xi32, #tpu.memory_space<hbm>>) dst(%dma_wait3A_539 : memref<104xi32, #tpu.memory_space<vmem>>)
      %dma_wait3A_541 = arith.constant 1 : i32
      %dma_wait3A_542 = arith.constant 0 : i32
      %dma_wait3A_543 = tpu.memref_slice %arg11[%dma_wait3A_541, %dma_wait3A_542] : memref<2x104xi32, #tpu.memory_space<vmem>> -> memref<1x104xi32, #tpu.memory_space<vmem>>
      %dma_wait3A_544 = tpu.memref_squeeze %dma_wait3A_543 : memref<1x104xi32, #tpu.memory_space<vmem>> -> memref<104xi32, #tpu.memory_space<vmem>>
      %dma_wait3A_545 = tpu.memref_slice %arg3[%mul3A_4] : memref<320000xi32, #tpu.memory_space<hbm>> -> memref<104xi32, #tpu.memory_space<hbm>>
      %dma_wait3A_546 = arith.constant 0 : i32
      %dma_wait3A_547 = tpu.memref_slice %arg11[%dma_wait3A_541, %dma_wait3A_546] : memref<2x104xi32, #tpu.memory_space<vmem>> -> memref<1x104xi32, #tpu.memory_space<vmem>>
      %dma_wait3A_548 = tpu.memref_squeeze %dma_wait3A_547 : memref<1x104xi32, #tpu.memory_space<vmem>> -> memref<104xi32, #tpu.memory_space<vmem>>
      %dma_wait3A_549 = tpu.memref_slice %arg3[%mul3A_4] : memref<320000xi32, #tpu.memory_space<hbm>> -> memref<104xi32, #tpu.memory_space<hbm>>
      tpu.wait_dma2 semaphore(%arg23 : memref<!tpu.dma_semaphore, #tpu.memory_space<semaphore_mem>>) src(%dma_wait3A_549 : memref<104xi32, #tpu.memory_space<hbm>>) dst(%dma_wait3A_548 : memref<104xi32, #tpu.memory_space<vmem>>)
      %dma_start3A_550 = arith.constant 1 : i32
      %dma_start3A_551 = arith.constant 0 : i32
      %dma_start3A_552 = tpu.memref_slice %arg11[%dma_start3A_550, %dma_start3A_551] : memref<2x104xi32, #tpu.memory_space<vmem>> -> memref<1x104xi32, #tpu.memory_space<vmem>>
      %dma_start3A_553 = tpu.memref_squeeze %dma_start3A_552 : memref<1x104xi32, #tpu.memory_space<vmem>> -> memref<104xi32, #tpu.memory_space<vmem>>
      %dma_start3A_554 = arith.constant 0 : i32
      %dma_start3A_555 = arith.constant 0 : i32
      %dma_start3A_556 = tpu.memref_slice %arg4[%dma_start3A_554, %dma_start3A_555] : memref<10240x128xf32, #tpu.memory_space<hbm>> -> memref<10240x128xf32, #tpu.memory_space<hbm>>
      tpu.enqueue_indirect_dma source(%dma_start3A_556 : memref<10240x128xf32, #tpu.memory_space<hbm>>) target(%arg14 : memref<104x128xf32, #tpu.memory_space<vmem>>) offsets(%dma_start3A_553 : memref<104xi32, #tpu.memory_space<vmem>>) semaphore(%arg26 : memref<!tpu.dma_semaphore, #tpu.memory_space<semaphore_mem>>)
      %dma_wait3A_557 = arith.constant 0 : i32
      %dma_wait3A_558 = arith.constant 0 : i32
      %dma_wait3A_559 = tpu.memref_slice %arg18[%dma_wait3A_557, %dma_wait3A_558] : memref<10240x128xf32, #tpu.memory_space<vmem_shared>> -> memref<104x128xf32, #tpu.memory_space<vmem_shared>>
      %dma_wait3A_560 = arith.constant 0 : i32
      %dma_wait3A_561 = arith.constant 0 : i32
      %dma_wait3A_562 = tpu.memref_slice %arg18[%dma_wait3A_560, %dma_wait3A_561] : memref<10240x128xf32, #tpu.memory_space<vmem_shared>> -> memref<104x128xf32, #tpu.memory_space<vmem_shared>>
      tpu.wait_dma2 semaphore(%arg30 : memref<!tpu.dma_semaphore, #tpu.memory_space<semaphore_mem>>) src(%arg15 : memref<104x128xf32, #tpu.memory_space<vmem>>) dst(%dma_wait3A_562 : memref<104x128xf32, #tpu.memory_space<vmem_shared>>)
      %add3A_563 = arith.constant 2 : i32
      %add3A_564 = arith.addi %add3A_401, %add3A_563 : i32
      %mul3A_565 = arith.constant 3 : i32
      %mul3A_566 = arith.muli %add3A_564, %mul3A_565 : i32
      %add3A_567 = arith.constant 2 : i32
      %add3A_568 = arith.addi %mul3A_566, %add3A_567 : i32
      %mul3A_569 = arith.constant 104 : i32
      %mul3A_570 = arith.muli %add3A_568, %mul3A_569 : i32
      %add3A_571 = arith.addi %mul3A_4, %mul3A_570 : i32
      %dma_start3A_572 = arith.constant 0 : i32
      %dma_start3A_573 = arith.constant 0 : i32
      %dma_start3A_574 = tpu.memref_slice %arg9[%dma_start3A_572, %dma_start3A_573] : memref<2x104xi32, #tpu.memory_space<vmem>> -> memref<1x104xi32, #tpu.memory_space<vmem>>
      %dma_start3A_575 = tpu.memref_squeeze %dma_start3A_574 : memref<1x104xi32, #tpu.memory_space<vmem>> -> memref<104xi32, #tpu.memory_space<vmem>>
      %dma_start3A_576 = tpu.memref_slice %arg2[%add3A_571] : memref<320000xi32, #tpu.memory_space<hbm>> -> memref<104xi32, #tpu.memory_space<hbm>>
      %dma_start3A_577 = arith.constant 0 : i32
      %dma_start3A_578 = tpu.memref_slice %arg9[%dma_start3A_572, %dma_start3A_577] : memref<2x104xi32, #tpu.memory_space<vmem>> -> memref<1x104xi32, #tpu.memory_space<vmem>>
      %dma_start3A_579 = tpu.memref_squeeze %dma_start3A_578 : memref<1x104xi32, #tpu.memory_space<vmem>> -> memref<104xi32, #tpu.memory_space<vmem>>
      %dma_start3A_580 = tpu.memref_slice %arg2[%add3A_571] : memref<320000xi32, #tpu.memory_space<hbm>> -> memref<104xi32, #tpu.memory_space<hbm>>
      tpu.enqueue_dma source(%dma_start3A_580 : memref<104xi32, #tpu.memory_space<hbm>>) target(%dma_start3A_579 : memref<104xi32, #tpu.memory_space<vmem>>) target_semaphore(%arg21 : memref<!tpu.dma_semaphore, #tpu.memory_space<semaphore_mem>>)
      %dma_start3A_581 = arith.constant 1 : i32
      %dma_start3A_582 = arith.constant 0 : i32
      %dma_start3A_583 = tpu.memref_slice %arg9[%dma_start3A_581, %dma_start3A_582] : memref<2x104xi32, #tpu.memory_space<vmem>> -> memref<1x104xi32, #tpu.memory_space<vmem>>
      %dma_start3A_584 = tpu.memref_squeeze %dma_start3A_583 : memref<1x104xi32, #tpu.memory_space<vmem>> -> memref<104xi32, #tpu.memory_space<vmem>>
      %dma_start3A_585 = tpu.memref_slice %arg3[%add3A_571] : memref<320000xi32, #tpu.memory_space<hbm>> -> memref<104xi32, #tpu.memory_space<hbm>>
      %dma_start3A_586 = arith.constant 0 : i32
      %dma_start3A_587 = tpu.memref_slice %arg9[%dma_start3A_581, %dma_start3A_586] : memref<2x104xi32, #tpu.memory_space<vmem>> -> memref<1x104xi32, #tpu.memory_space<vmem>>
      %dma_start3A_588 = tpu.memref_squeeze %dma_start3A_587 : memref<1x104xi32, #tpu.memory_space<vmem>> -> memref<104xi32, #tpu.memory_space<vmem>>
      %dma_start3A_589 = tpu.memref_slice %arg3[%add3A_571] : memref<320000xi32, #tpu.memory_space<hbm>> -> memref<104xi32, #tpu.memory_space<hbm>>
      tpu.enqueue_dma source(%dma_start3A_589 : memref<104xi32, #tpu.memory_space<hbm>>) target(%dma_start3A_588 : memref<104xi32, #tpu.memory_space<vmem>>) target_semaphore(%arg21 : memref<!tpu.dma_semaphore, #tpu.memory_space<semaphore_mem>>)
      %dma_wait3A_590 = arith.constant 0 : i32
      %dma_wait3A_591 = arith.constant 0 : i32
      %dma_wait3A_592 = tpu.memref_slice %arg12[%dma_wait3A_590, %dma_wait3A_591] : memref<2x104xi32, #tpu.memory_space<vmem>> -> memref<1x104xi32, #tpu.memory_space<vmem>>
      %dma_wait3A_593 = tpu.memref_squeeze %dma_wait3A_592 : memref<1x104xi32, #tpu.memory_space<vmem>> -> memref<104xi32, #tpu.memory_space<vmem>>
      %dma_wait3A_594 = tpu.memref_slice %arg2[%mul3A_4] : memref<320000xi32, #tpu.memory_space<hbm>> -> memref<104xi32, #tpu.memory_space<hbm>>
      %dma_wait3A_595 = arith.constant 0 : i32
      %dma_wait3A_596 = tpu.memref_slice %arg12[%dma_wait3A_590, %dma_wait3A_595] : memref<2x104xi32, #tpu.memory_space<vmem>> -> memref<1x104xi32, #tpu.memory_space<vmem>>
      %dma_wait3A_597 = tpu.memref_squeeze %dma_wait3A_596 : memref<1x104xi32, #tpu.memory_space<vmem>> -> memref<104xi32, #tpu.memory_space<vmem>>
      %dma_wait3A_598 = tpu.memref_slice %arg2[%mul3A_4] : memref<320000xi32, #tpu.memory_space<hbm>> -> memref<104xi32, #tpu.memory_space<hbm>>
      tpu.wait_dma2 semaphore(%arg24 : memref<!tpu.dma_semaphore, #tpu.memory_space<semaphore_mem>>) src(%dma_wait3A_598 : memref<104xi32, #tpu.memory_space<hbm>>) dst(%dma_wait3A_597 : memref<104xi32, #tpu.memory_space<vmem>>)
      %dma_wait3A_599 = arith.constant 1 : i32
      %dma_wait3A_600 = arith.constant 0 : i32
      %dma_wait3A_601 = tpu.memref_slice %arg12[%dma_wait3A_599, %dma_wait3A_600] : memref<2x104xi32, #tpu.memory_space<vmem>> -> memref<1x104xi32, #tpu.memory_space<vmem>>
      %dma_wait3A_602 = tpu.memref_squeeze %dma_wait3A_601 : memref<1x104xi32, #tpu.memory_space<vmem>> -> memref<104xi32, #tpu.memory_space<vmem>>
      %dma_wait3A_603 = tpu.memref_slice %arg3[%mul3A_4] : memref<320000xi32, #tpu.memory_space<hbm>> -> memref<104xi32, #tpu.memory_space<hbm>>
      %dma_wait3A_604 = arith.constant 0 : i32
      %dma_wait3A_605 = tpu.memref_slice %arg12[%dma_wait3A_599, %dma_wait3A_604] : memref<2x104xi32, #tpu.memory_space<vmem>> -> memref<1x104xi32, #tpu.memory_space<vmem>>
      %dma_wait3A_606 = tpu.memref_squeeze %dma_wait3A_605 : memref<1x104xi32, #tpu.memory_space<vmem>> -> memref<104xi32, #tpu.memory_space<vmem>>
      %dma_wait3A_607 = tpu.memref_slice %arg3[%mul3A_4] : memref<320000xi32, #tpu.memory_space<hbm>> -> memref<104xi32, #tpu.memory_space<hbm>>
      tpu.wait_dma2 semaphore(%arg24 : memref<!tpu.dma_semaphore, #tpu.memory_space<semaphore_mem>>) src(%dma_wait3A_607 : memref<104xi32, #tpu.memory_space<hbm>>) dst(%dma_wait3A_606 : memref<104xi32, #tpu.memory_space<vmem>>)
      %dma_start3A_608 = arith.constant 1 : i32
      %dma_start3A_609 = arith.constant 0 : i32
      %dma_start3A_610 = tpu.memref_slice %arg12[%dma_start3A_608, %dma_start3A_609] : memref<2x104xi32, #tpu.memory_space<vmem>> -> memref<1x104xi32, #tpu.memory_space<vmem>>
      %dma_start3A_611 = tpu.memref_squeeze %dma_start3A_610 : memref<1x104xi32, #tpu.memory_space<vmem>> -> memref<104xi32, #tpu.memory_space<vmem>>
      %dma_start3A_612 = arith.constant 0 : i32
      %dma_start3A_613 = arith.constant 0 : i32
      %dma_start3A_614 = tpu.memref_slice %arg4[%dma_start3A_612, %dma_start3A_613] : memref<10240x128xf32, #tpu.memory_space<hbm>> -> memref<10240x128xf32, #tpu.memory_space<hbm>>
      tpu.enqueue_indirect_dma source(%dma_start3A_614 : memref<10240x128xf32, #tpu.memory_space<hbm>>) target(%arg15 : memref<104x128xf32, #tpu.memory_space<vmem>>) offsets(%dma_start3A_611 : memref<104xi32, #tpu.memory_space<vmem>>) semaphore(%arg27 : memref<!tpu.dma_semaphore, #tpu.memory_space<semaphore_mem>>)
      %add3A_615 = arith.constant 1 : i32
      %add3A_616 = arith.addi %add3A_401, %add3A_615 : i32
      %dma_wait3A_617 = arith.constant 0 : i32
      %dma_wait3A_618 = arith.constant 0 : i32
      %dma_wait3A_619 = tpu.memref_slice %arg4[%dma_wait3A_617, %dma_wait3A_618] : memref<10240x128xf32, #tpu.memory_space<hbm>> -> memref<104x128xf32, #tpu.memory_space<hbm>>
      %dma_wait3A_620 = arith.constant 0 : i32
      %dma_wait3A_621 = arith.constant 0 : i32
      %dma_wait3A_622 = tpu.memref_slice %arg4[%dma_wait3A_620, %dma_wait3A_621] : memref<10240x128xf32, #tpu.memory_space<hbm>> -> memref<104x128xf32, #tpu.memory_space<hbm>>
      tpu.wait_dma2 semaphore(%arg25 : memref<!tpu.dma_semaphore, #tpu.memory_space<semaphore_mem>>) src(%dma_wait3A_622 : memref<104x128xf32, #tpu.memory_space<hbm>>) dst(%arg13 : memref<104x128xf32, #tpu.memory_space<vmem>>)
      %dma_start3A_623 = arith.constant 0 : i32
      %dma_start3A_624 = arith.constant 0 : i32
      %dma_start3A_625 = tpu.memref_slice %arg10[%dma_start3A_623, %dma_start3A_624] : memref<2x104xi32, #tpu.memory_space<vmem>> -> memref<1x104xi32, #tpu.memory_space<vmem>>
      %dma_start3A_626 = tpu.memref_squeeze %dma_start3A_625 : memref<1x104xi32, #tpu.memory_space<vmem>> -> memref<104xi32, #tpu.memory_space<vmem>>
      %dma_start3A_627 = arith.constant 0 : i32
      %dma_start3A_628 = arith.constant 0 : i32
      %dma_start3A_629 = tpu.memref_slice %arg18[%dma_start3A_627, %dma_start3A_628] : memref<10240x128xf32, #tpu.memory_space<vmem_shared>> -> memref<10240x128xf32, #tpu.memory_space<vmem_shared>>
      tpu.enqueue_indirect_dma source(%arg13 : memref<104x128xf32, #tpu.memory_space<vmem>>) target(%dma_start3A_629 : memref<10240x128xf32, #tpu.memory_space<vmem_shared>>) offsets(%dma_start3A_626 : memref<104xi32, #tpu.memory_space<vmem>>) semaphore(%arg28 : memref<!tpu.dma_semaphore, #tpu.memory_space<semaphore_mem>>) {add = true}
      %dma_wait3A_630 = arith.constant 0 : i32
      %dma_wait3A_631 = arith.constant 0 : i32
      %dma_wait3A_632 = tpu.memref_slice %arg4[%dma_wait3A_630, %dma_wait3A_631] : memref<10240x128xf32, #tpu.memory_space<hbm>> -> memref<104x128xf32, #tpu.memory_space<hbm>>
      %dma_wait3A_633 = arith.constant 0 : i32
      %dma_wait3A_634 = arith.constant 0 : i32
      %dma_wait3A_635 = tpu.memref_slice %arg4[%dma_wait3A_633, %dma_wait3A_634] : memref<10240x128xf32, #tpu.memory_space<hbm>> -> memref<104x128xf32, #tpu.memory_space<hbm>>
      tpu.wait_dma2 semaphore(%arg26 : memref<!tpu.dma_semaphore, #tpu.memory_space<semaphore_mem>>) src(%dma_wait3A_635 : memref<104x128xf32, #tpu.memory_space<hbm>>) dst(%arg14 : memref<104x128xf32, #tpu.memory_space<vmem>>)
      %dma_start3A_636 = arith.constant 0 : i32
      %dma_start3A_637 = arith.constant 0 : i32
      %dma_start3A_638 = tpu.memref_slice %arg11[%dma_start3A_636, %dma_start3A_637] : memref<2x104xi32, #tpu.memory_space<vmem>> -> memref<1x104xi32, #tpu.memory_space<vmem>>
      %dma_start3A_639 = tpu.memref_squeeze %dma_start3A_638 : memref<1x104xi32, #tpu.memory_space<vmem>> -> memref<104xi32, #tpu.memory_space<vmem>>
      %dma_start3A_640 = arith.constant 0 : i32
      %dma_start3A_641 = arith.constant 0 : i32
      %dma_start3A_642 = tpu.memref_slice %arg18[%dma_start3A_640, %dma_start3A_641] : memref<10240x128xf32, #tpu.memory_space<vmem_shared>> -> memref<10240x128xf32, #tpu.memory_space<vmem_shared>>
      tpu.enqueue_indirect_dma source(%arg14 : memref<104x128xf32, #tpu.memory_space<vmem>>) target(%dma_start3A_642 : memref<10240x128xf32, #tpu.memory_space<vmem_shared>>) offsets(%dma_start3A_639 : memref<104xi32, #tpu.memory_space<vmem>>) semaphore(%arg29 : memref<!tpu.dma_semaphore, #tpu.memory_space<semaphore_mem>>) {add = true}
      %dma_wait3A_643 = arith.constant 0 : i32
      %dma_wait3A_644 = arith.constant 0 : i32
      %dma_wait3A_645 = tpu.memref_slice %arg4[%dma_wait3A_643, %dma_wait3A_644] : memref<10240x128xf32, #tpu.memory_space<hbm>> -> memref<104x128xf32, #tpu.memory_space<hbm>>
      %dma_wait3A_646 = arith.constant 0 : i32
      %dma_wait3A_647 = arith.constant 0 : i32
      %dma_wait3A_648 = tpu.memref_slice %arg4[%dma_wait3A_646, %dma_wait3A_647] : memref<10240x128xf32, #tpu.memory_space<hbm>> -> memref<104x128xf32, #tpu.memory_space<hbm>>
      tpu.wait_dma2 semaphore(%arg27 : memref<!tpu.dma_semaphore, #tpu.memory_space<semaphore_mem>>) src(%dma_wait3A_648 : memref<104x128xf32, #tpu.memory_space<hbm>>) dst(%arg15 : memref<104x128xf32, #tpu.memory_space<vmem>>)
      %dma_start3A_649 = arith.constant 0 : i32
      %dma_start3A_650 = arith.constant 0 : i32
      %dma_start3A_651 = tpu.memref_slice %arg12[%dma_start3A_649, %dma_start3A_650] : memref<2x104xi32, #tpu.memory_space<vmem>> -> memref<1x104xi32, #tpu.memory_space<vmem>>
      %dma_start3A_652 = tpu.memref_squeeze %dma_start3A_651 : memref<1x104xi32, #tpu.memory_space<vmem>> -> memref<104xi32, #tpu.memory_space<vmem>>
      %dma_start3A_653 = arith.constant 0 : i32
      %dma_start3A_654 = arith.constant 0 : i32
      %dma_start3A_655 = tpu.memref_slice %arg18[%dma_start3A_653, %dma_start3A_654] : memref<10240x128xf32, #tpu.memory_space<vmem_shared>> -> memref<10240x128xf32, #tpu.memory_space<vmem_shared>>
      tpu.enqueue_indirect_dma source(%arg15 : memref<104x128xf32, #tpu.memory_space<vmem>>) target(%dma_start3A_655 : memref<10240x128xf32, #tpu.memory_space<vmem_shared>>) offsets(%dma_start3A_652 : memref<104xi32, #tpu.memory_space<vmem>>) semaphore(%arg30 : memref<!tpu.dma_semaphore, #tpu.memory_space<semaphore_mem>>) {add = true}
      %dma_wait3A_656 = arith.constant 0 : i32
      %dma_wait3A_657 = arith.constant 0 : i32
      %dma_wait3A_658 = tpu.memref_slice %arg18[%dma_wait3A_656, %dma_wait3A_657] : memref<10240x128xf32, #tpu.memory_space<vmem_shared>> -> memref<104x128xf32, #tpu.memory_space<vmem_shared>>
      %dma_wait3A_659 = arith.constant 0 : i32
      %dma_wait3A_660 = arith.constant 0 : i32
      %dma_wait3A_661 = tpu.memref_slice %arg18[%dma_wait3A_659, %dma_wait3A_660] : memref<10240x128xf32, #tpu.memory_space<vmem_shared>> -> memref<104x128xf32, #tpu.memory_space<vmem_shared>>
      tpu.wait_dma2 semaphore(%arg28 : memref<!tpu.dma_semaphore, #tpu.memory_space<semaphore_mem>>) src(%arg13 : memref<104x128xf32, #tpu.memory_space<vmem>>) dst(%dma_wait3A_661 : memref<104x128xf32, #tpu.memory_space<vmem_shared>>)
      %add3A_662 = arith.constant 2 : i32
      %add3A_663 = arith.addi %add3A_616, %add3A_662 : i32
      %mul3A_664 = arith.constant 3 : i32
      %mul3A_665 = arith.muli %add3A_663, %mul3A_664 : i32
      %add3A_666 = arith.constant 0 : i32
      %add3A_667 = arith.addi %mul3A_665, %add3A_666 : i32
      %mul3A_668 = arith.constant 104 : i32
      %mul3A_669 = arith.muli %add3A_667, %mul3A_668 : i32
      %add3A_670 = arith.addi %mul3A_4, %mul3A_669 : i32
      %dma_start3A_671 = arith.constant 0 : i32
      %dma_start3A_672 = arith.constant 0 : i32
      %dma_start3A_673 = tpu.memref_slice %arg10[%dma_start3A_671, %dma_start3A_672] : memref<2x104xi32, #tpu.memory_space<vmem>> -> memref<1x104xi32, #tpu.memory_space<vmem>>
      %dma_start3A_674 = tpu.memref_squeeze %dma_start3A_673 : memref<1x104xi32, #tpu.memory_space<vmem>> -> memref<104xi32, #tpu.memory_space<vmem>>
      %dma_start3A_675 = tpu.memref_slice %arg2[%add3A_670] : memref<320000xi32, #tpu.memory_space<hbm>> -> memref<104xi32, #tpu.memory_space<hbm>>
      %dma_start3A_676 = arith.constant 0 : i32
      %dma_start3A_677 = tpu.memref_slice %arg10[%dma_start3A_671, %dma_start3A_676] : memref<2x104xi32, #tpu.memory_space<vmem>> -> memref<1x104xi32, #tpu.memory_space<vmem>>
      %dma_start3A_678 = tpu.memref_squeeze %dma_start3A_677 : memref<1x104xi32, #tpu.memory_space<vmem>> -> memref<104xi32, #tpu.memory_space<vmem>>
      %dma_start3A_679 = tpu.memref_slice %arg2[%add3A_670] : memref<320000xi32, #tpu.memory_space<hbm>> -> memref<104xi32, #tpu.memory_space<hbm>>
      tpu.enqueue_dma source(%dma_start3A_679 : memref<104xi32, #tpu.memory_space<hbm>>) target(%dma_start3A_678 : memref<104xi32, #tpu.memory_space<vmem>>) target_semaphore(%arg22 : memref<!tpu.dma_semaphore, #tpu.memory_space<semaphore_mem>>)
      %dma_start3A_680 = arith.constant 1 : i32
      %dma_start3A_681 = arith.constant 0 : i32
      %dma_start3A_682 = tpu.memref_slice %arg10[%dma_start3A_680, %dma_start3A_681] : memref<2x104xi32, #tpu.memory_space<vmem>> -> memref<1x104xi32, #tpu.memory_space<vmem>>
      %dma_start3A_683 = tpu.memref_squeeze %dma_start3A_682 : memref<1x104xi32, #tpu.memory_space<vmem>> -> memref<104xi32, #tpu.memory_space<vmem>>
      %dma_start3A_684 = tpu.memref_slice %arg3[%add3A_670] : memref<320000xi32, #tpu.memory_space<hbm>> -> memref<104xi32, #tpu.memory_space<hbm>>
      %dma_start3A_685 = arith.constant 0 : i32
      %dma_start3A_686 = tpu.memref_slice %arg10[%dma_start3A_680, %dma_start3A_685] : memref<2x104xi32, #tpu.memory_space<vmem>> -> memref<1x104xi32, #tpu.memory_space<vmem>>
      %dma_start3A_687 = tpu.memref_squeeze %dma_start3A_686 : memref<1x104xi32, #tpu.memory_space<vmem>> -> memref<104xi32, #tpu.memory_space<vmem>>
      %dma_start3A_688 = tpu.memref_slice %arg3[%add3A_670] : memref<320000xi32, #tpu.memory_space<hbm>> -> memref<104xi32, #tpu.memory_space<hbm>>
      tpu.enqueue_dma source(%dma_start3A_688 : memref<104xi32, #tpu.memory_space<hbm>>) target(%dma_start3A_687 : memref<104xi32, #tpu.memory_space<vmem>>) target_semaphore(%arg22 : memref<!tpu.dma_semaphore, #tpu.memory_space<semaphore_mem>>)
      %dma_wait3A_689 = arith.constant 0 : i32
      %dma_wait3A_690 = arith.constant 0 : i32
      %dma_wait3A_691 = tpu.memref_slice %arg7[%dma_wait3A_689, %dma_wait3A_690] : memref<2x104xi32, #tpu.memory_space<vmem>> -> memref<1x104xi32, #tpu.memory_space<vmem>>
      %dma_wait3A_692 = tpu.memref_squeeze %dma_wait3A_691 : memref<1x104xi32, #tpu.memory_space<vmem>> -> memref<104xi32, #tpu.memory_space<vmem>>
      %dma_wait3A_693 = tpu.memref_slice %arg2[%mul3A_4] : memref<320000xi32, #tpu.memory_space<hbm>> -> memref<104xi32, #tpu.memory_space<hbm>>
      %dma_wait3A_694 = arith.constant 0 : i32
      %dma_wait3A_695 = tpu.memref_slice %arg7[%dma_wait3A_689, %dma_wait3A_694] : memref<2x104xi32, #tpu.memory_space<vmem>> -> memref<1x104xi32, #tpu.memory_space<vmem>>
      %dma_wait3A_696 = tpu.memref_squeeze %dma_wait3A_695 : memref<1x104xi32, #tpu.memory_space<vmem>> -> memref<104xi32, #tpu.memory_space<vmem>>
      %dma_wait3A_697 = tpu.memref_slice %arg2[%mul3A_4] : memref<320000xi32, #tpu.memory_space<hbm>> -> memref<104xi32, #tpu.memory_space<hbm>>
      tpu.wait_dma2 semaphore(%arg19 : memref<!tpu.dma_semaphore, #tpu.memory_space<semaphore_mem>>) src(%dma_wait3A_697 : memref<104xi32, #tpu.memory_space<hbm>>) dst(%dma_wait3A_696 : memref<104xi32, #tpu.memory_space<vmem>>)
      %dma_wait3A_698 = arith.constant 1 : i32
      %dma_wait3A_699 = arith.constant 0 : i32
      %dma_wait3A_700 = tpu.memref_slice %arg7[%dma_wait3A_698, %dma_wait3A_699] : memref<2x104xi32, #tpu.memory_space<vmem>> -> memref<1x104xi32, #tpu.memory_space<vmem>>
      %dma_wait3A_701 = tpu.memref_squeeze %dma_wait3A_700 : memref<1x104xi32, #tpu.memory_space<vmem>> -> memref<104xi32, #tpu.memory_space<vmem>>
      %dma_wait3A_702 = tpu.memref_slice %arg3[%mul3A_4] : memref<320000xi32, #tpu.memory_space<hbm>> -> memref<104xi32, #tpu.memory_space<hbm>>
      %dma_wait3A_703 = arith.constant 0 : i32
      %dma_wait3A_704 = tpu.memref_slice %arg7[%dma_wait3A_698, %dma_wait3A_703] : memref<2x104xi32, #tpu.memory_space<vmem>> -> memref<1x104xi32, #tpu.memory_space<vmem>>
      %dma_wait3A_705 = tpu.memref_squeeze %dma_wait3A_704 : memref<1x104xi32, #tpu.memory_space<vmem>> -> memref<104xi32, #tpu.memory_space<vmem>>
      %dma_wait3A_706 = tpu.memref_slice %arg3[%mul3A_4] : memref<320000xi32, #tpu.memory_space<hbm>> -> memref<104xi32, #tpu.memory_space<hbm>>
      tpu.wait_dma2 semaphore(%arg19 : memref<!tpu.dma_semaphore, #tpu.memory_space<semaphore_mem>>) src(%dma_wait3A_706 : memref<104xi32, #tpu.memory_space<hbm>>) dst(%dma_wait3A_705 : memref<104xi32, #tpu.memory_space<vmem>>)
      %dma_start3A_707 = arith.constant 1 : i32
      %dma_start3A_708 = arith.constant 0 : i32
      %dma_start3A_709 = tpu.memref_slice %arg7[%dma_start3A_707, %dma_start3A_708] : memref<2x104xi32, #tpu.memory_space<vmem>> -> memref<1x104xi32, #tpu.memory_space<vmem>>
      %dma_start3A_710 = tpu.memref_squeeze %dma_start3A_709 : memref<1x104xi32, #tpu.memory_space<vmem>> -> memref<104xi32, #tpu.memory_space<vmem>>
      %dma_start3A_711 = arith.constant 0 : i32
      %dma_start3A_712 = arith.constant 0 : i32
      %dma_start3A_713 = tpu.memref_slice %arg4[%dma_start3A_711, %dma_start3A_712] : memref<10240x128xf32, #tpu.memory_space<hbm>> -> memref<10240x128xf32, #tpu.memory_space<hbm>>
      tpu.enqueue_indirect_dma source(%dma_start3A_713 : memref<10240x128xf32, #tpu.memory_space<hbm>>) target(%arg13 : memref<104x128xf32, #tpu.memory_space<vmem>>) offsets(%dma_start3A_710 : memref<104xi32, #tpu.memory_space<vmem>>) semaphore(%arg25 : memref<!tpu.dma_semaphore, #tpu.memory_space<semaphore_mem>>)
      %dma_wait3A_714 = arith.constant 0 : i32
      %dma_wait3A_715 = arith.constant 0 : i32
      %dma_wait3A_716 = tpu.memref_slice %arg18[%dma_wait3A_714, %dma_wait3A_715] : memref<10240x128xf32, #tpu.memory_space<vmem_shared>> -> memref<104x128xf32, #tpu.memory_space<vmem_shared>>
      %dma_wait3A_717 = arith.constant 0 : i32
      %dma_wait3A_718 = arith.constant 0 : i32
      %dma_wait3A_719 = tpu.memref_slice %arg18[%dma_wait3A_717, %dma_wait3A_718] : memref<10240x128xf32, #tpu.memory_space<vmem_shared>> -> memref<104x128xf32, #tpu.memory_space<vmem_shared>>
      tpu.wait_dma2 semaphore(%arg29 : memref<!tpu.dma_semaphore, #tpu.memory_space<semaphore_mem>>) src(%arg14 : memref<104x128xf32, #tpu.memory_space<vmem>>) dst(%dma_wait3A_719 : memref<104x128xf32, #tpu.memory_space<vmem_shared>>)
      %add3A_720 = arith.constant 2 : i32
      %add3A_721 = arith.addi %add3A_616, %add3A_720 : i32
      %mul3A_722 = arith.constant 3 : i32
      %mul3A_723 = arith.muli %add3A_721, %mul3A_722 : i32
      %add3A_724 = arith.constant 1 : i32
      %add3A_725 = arith.addi %mul3A_723, %add3A_724 : i32
      %mul3A_726 = arith.constant 104 : i32
      %mul3A_727 = arith.muli %add3A_725, %mul3A_726 : i32
      %add3A_728 = arith.addi %mul3A_4, %mul3A_727 : i32
      %dma_start3A_729 = arith.constant 0 : i32
      %dma_start3A_730 = arith.constant 0 : i32
      %dma_start3A_731 = tpu.memref_slice %arg11[%dma_start3A_729, %dma_start3A_730] : memref<2x104xi32, #tpu.memory_space<vmem>> -> memref<1x104xi32, #tpu.memory_space<vmem>>
      %dma_start3A_732 = tpu.memref_squeeze %dma_start3A_731 : memref<1x104xi32, #tpu.memory_space<vmem>> -> memref<104xi32, #tpu.memory_space<vmem>>
      %dma_start3A_733 = tpu.memref_slice %arg2[%add3A_728] : memref<320000xi32, #tpu.memory_space<hbm>> -> memref<104xi32, #tpu.memory_space<hbm>>
      %dma_start3A_734 = arith.constant 0 : i32
      %dma_start3A_735 = tpu.memref_slice %arg11[%dma_start3A_729, %dma_start3A_734] : memref<2x104xi32, #tpu.memory_space<vmem>> -> memref<1x104xi32, #tpu.memory_space<vmem>>
      %dma_start3A_736 = tpu.memref_squeeze %dma_start3A_735 : memref<1x104xi32, #tpu.memory_space<vmem>> -> memref<104xi32, #tpu.memory_space<vmem>>
      %dma_start3A_737 = tpu.memref_slice %arg2[%add3A_728] : memref<320000xi32, #tpu.memory_space<hbm>> -> memref<104xi32, #tpu.memory_space<hbm>>
      tpu.enqueue_dma source(%dma_start3A_737 : memref<104xi32, #tpu.memory_space<hbm>>) target(%dma_start3A_736 : memref<104xi32, #tpu.memory_space<vmem>>) target_semaphore(%arg23 : memref<!tpu.dma_semaphore, #tpu.memory_space<semaphore_mem>>)
      %dma_start3A_738 = arith.constant 1 : i32
      %dma_start3A_739 = arith.constant 0 : i32
      %dma_start3A_740 = tpu.memref_slice %arg11[%dma_start3A_738, %dma_start3A_739] : memref<2x104xi32, #tpu.memory_space<vmem>> -> memref<1x104xi32, #tpu.memory_space<vmem>>
      %dma_start3A_741 = tpu.memref_squeeze %dma_start3A_740 : memref<1x104xi32, #tpu.memory_space<vmem>> -> memref<104xi32, #tpu.memory_space<vmem>>
      %dma_start3A_742 = tpu.memref_slice %arg3[%add3A_728] : memref<320000xi32, #tpu.memory_space<hbm>> -> memref<104xi32, #tpu.memory_space<hbm>>
      %dma_start3A_743 = arith.constant 0 : i32
      %dma_start3A_744 = tpu.memref_slice %arg11[%dma_start3A_738, %dma_start3A_743] : memref<2x104xi32, #tpu.memory_space<vmem>> -> memref<1x104xi32, #tpu.memory_space<vmem>>
      %dma_start3A_745 = tpu.memref_squeeze %dma_start3A_744 : memref<1x104xi32, #tpu.memory_space<vmem>> -> memref<104xi32, #tpu.memory_space<vmem>>
      %dma_start3A_746 = tpu.memref_slice %arg3[%add3A_728] : memref<320000xi32, #tpu.memory_space<hbm>> -> memref<104xi32, #tpu.memory_space<hbm>>
      tpu.enqueue_dma source(%dma_start3A_746 : memref<104xi32, #tpu.memory_space<hbm>>) target(%dma_start3A_745 : memref<104xi32, #tpu.memory_space<vmem>>) target_semaphore(%arg23 : memref<!tpu.dma_semaphore, #tpu.memory_space<semaphore_mem>>)
      %dma_wait3A_747 = arith.constant 0 : i32
      %dma_wait3A_748 = arith.constant 0 : i32
      %dma_wait3A_749 = tpu.memref_slice %arg8[%dma_wait3A_747, %dma_wait3A_748] : memref<2x104xi32, #tpu.memory_space<vmem>> -> memref<1x104xi32, #tpu.memory_space<vmem>>
      %dma_wait3A_750 = tpu.memref_squeeze %dma_wait3A_749 : memref<1x104xi32, #tpu.memory_space<vmem>> -> memref<104xi32, #tpu.memory_space<vmem>>
      %dma_wait3A_751 = tpu.memref_slice %arg2[%mul3A_4] : memref<320000xi32, #tpu.memory_space<hbm>> -> memref<104xi32, #tpu.memory_space<hbm>>
      %dma_wait3A_752 = arith.constant 0 : i32
      %dma_wait3A_753 = tpu.memref_slice %arg8[%dma_wait3A_747, %dma_wait3A_752] : memref<2x104xi32, #tpu.memory_space<vmem>> -> memref<1x104xi32, #tpu.memory_space<vmem>>
      %dma_wait3A_754 = tpu.memref_squeeze %dma_wait3A_753 : memref<1x104xi32, #tpu.memory_space<vmem>> -> memref<104xi32, #tpu.memory_space<vmem>>
      %dma_wait3A_755 = tpu.memref_slice %arg2[%mul3A_4] : memref<320000xi32, #tpu.memory_space<hbm>> -> memref<104xi32, #tpu.memory_space<hbm>>
      tpu.wait_dma2 semaphore(%arg20 : memref<!tpu.dma_semaphore, #tpu.memory_space<semaphore_mem>>) src(%dma_wait3A_755 : memref<104xi32, #tpu.memory_space<hbm>>) dst(%dma_wait3A_754 : memref<104xi32, #tpu.memory_space<vmem>>)
      %dma_wait3A_756 = arith.constant 1 : i32
      %dma_wait3A_757 = arith.constant 0 : i32
      %dma_wait3A_758 = tpu.memref_slice %arg8[%dma_wait3A_756, %dma_wait3A_757] : memref<2x104xi32, #tpu.memory_space<vmem>> -> memref<1x104xi32, #tpu.memory_space<vmem>>
      %dma_wait3A_759 = tpu.memref_squeeze %dma_wait3A_758 : memref<1x104xi32, #tpu.memory_space<vmem>> -> memref<104xi32, #tpu.memory_space<vmem>>
      %dma_wait3A_760 = tpu.memref_slice %arg3[%mul3A_4] : memref<320000xi32, #tpu.memory_space<hbm>> -> memref<104xi32, #tpu.memory_space<hbm>>
      %dma_wait3A_761 = arith.constant 0 : i32
      %dma_wait3A_762 = tpu.memref_slice %arg8[%dma_wait3A_756, %dma_wait3A_761] : memref<2x104xi32, #tpu.memory_space<vmem>> -> memref<1x104xi32, #tpu.memory_space<vmem>>
      %dma_wait3A_763 = tpu.memref_squeeze %dma_wait3A_762 : memref<1x104xi32, #tpu.memory_space<vmem>> -> memref<104xi32, #tpu.memory_space<vmem>>
      %dma_wait3A_764 = tpu.memref_slice %arg3[%mul3A_4] : memref<320000xi32, #tpu.memory_space<hbm>> -> memref<104xi32, #tpu.memory_space<hbm>>
      tpu.wait_dma2 semaphore(%arg20 : memref<!tpu.dma_semaphore, #tpu.memory_space<semaphore_mem>>) src(%dma_wait3A_764 : memref<104xi32, #tpu.memory_space<hbm>>) dst(%dma_wait3A_763 : memref<104xi32, #tpu.memory_space<vmem>>)
      %dma_start3A_765 = arith.constant 1 : i32
      %dma_start3A_766 = arith.constant 0 : i32
      %dma_start3A_767 = tpu.memref_slice %arg8[%dma_start3A_765, %dma_start3A_766] : memref<2x104xi32, #tpu.memory_space<vmem>> -> memref<1x104xi32, #tpu.memory_space<vmem>>
      %dma_start3A_768 = tpu.memref_squeeze %dma_start3A_767 : memref<1x104xi32, #tpu.memory_space<vmem>> -> memref<104xi32, #tpu.memory_space<vmem>>
      %dma_start3A_769 = arith.constant 0 : i32
      %dma_start3A_770 = arith.constant 0 : i32
      %dma_start3A_771 = tpu.memref_slice %arg4[%dma_start3A_769, %dma_start3A_770] : memref<10240x128xf32, #tpu.memory_space<hbm>> -> memref<10240x128xf32, #tpu.memory_space<hbm>>
      tpu.enqueue_indirect_dma source(%dma_start3A_771 : memref<10240x128xf32, #tpu.memory_space<hbm>>) target(%arg14 : memref<104x128xf32, #tpu.memory_space<vmem>>) offsets(%dma_start3A_768 : memref<104xi32, #tpu.memory_space<vmem>>) semaphore(%arg26 : memref<!tpu.dma_semaphore, #tpu.memory_space<semaphore_mem>>)
      %dma_wait3A_772 = arith.constant 0 : i32
      %dma_wait3A_773 = arith.constant 0 : i32
      %dma_wait3A_774 = tpu.memref_slice %arg18[%dma_wait3A_772, %dma_wait3A_773] : memref<10240x128xf32, #tpu.memory_space<vmem_shared>> -> memref<104x128xf32, #tpu.memory_space<vmem_shared>>
      %dma_wait3A_775 = arith.constant 0 : i32
      %dma_wait3A_776 = arith.constant 0 : i32
      %dma_wait3A_777 = tpu.memref_slice %arg18[%dma_wait3A_775, %dma_wait3A_776] : memref<10240x128xf32, #tpu.memory_space<vmem_shared>> -> memref<104x128xf32, #tpu.memory_space<vmem_shared>>
      tpu.wait_dma2 semaphore(%arg30 : memref<!tpu.dma_semaphore, #tpu.memory_space<semaphore_mem>>) src(%arg15 : memref<104x128xf32, #tpu.memory_space<vmem>>) dst(%dma_wait3A_777 : memref<104x128xf32, #tpu.memory_space<vmem_shared>>)
      %add3A_778 = arith.constant 2 : i32
      %add3A_779 = arith.addi %add3A_616, %add3A_778 : i32
      %mul3A_780 = arith.constant 3 : i32
      %mul3A_781 = arith.muli %add3A_779, %mul3A_780 : i32
      %add3A_782 = arith.constant 2 : i32
      %add3A_783 = arith.addi %mul3A_781, %add3A_782 : i32
      %mul3A_784 = arith.constant 104 : i32
      %mul3A_785 = arith.muli %add3A_783, %mul3A_784 : i32
      %add3A_786 = arith.addi %mul3A_4, %mul3A_785 : i32
      %dma_start3A_787 = arith.constant 0 : i32
      %dma_start3A_788 = arith.constant 0 : i32
      %dma_start3A_789 = tpu.memref_slice %arg12[%dma_start3A_787, %dma_start3A_788] : memref<2x104xi32, #tpu.memory_space<vmem>> -> memref<1x104xi32, #tpu.memory_space<vmem>>
      %dma_start3A_790 = tpu.memref_squeeze %dma_start3A_789 : memref<1x104xi32, #tpu.memory_space<vmem>> -> memref<104xi32, #tpu.memory_space<vmem>>
      %dma_start3A_791 = tpu.memref_slice %arg2[%add3A_786] : memref<320000xi32, #tpu.memory_space<hbm>> -> memref<104xi32, #tpu.memory_space<hbm>>
      %dma_start3A_792 = arith.constant 0 : i32
      %dma_start3A_793 = tpu.memref_slice %arg12[%dma_start3A_787, %dma_start3A_792] : memref<2x104xi32, #tpu.memory_space<vmem>> -> memref<1x104xi32, #tpu.memory_space<vmem>>
      %dma_start3A_794 = tpu.memref_squeeze %dma_start3A_793 : memref<1x104xi32, #tpu.memory_space<vmem>> -> memref<104xi32, #tpu.memory_space<vmem>>
      %dma_start3A_795 = tpu.memref_slice %arg2[%add3A_786] : memref<320000xi32, #tpu.memory_space<hbm>> -> memref<104xi32, #tpu.memory_space<hbm>>
      tpu.enqueue_dma source(%dma_start3A_795 : memref<104xi32, #tpu.memory_space<hbm>>) target(%dma_start3A_794 : memref<104xi32, #tpu.memory_space<vmem>>) target_semaphore(%arg24 : memref<!tpu.dma_semaphore, #tpu.memory_space<semaphore_mem>>)
      %dma_start3A_796 = arith.constant 1 : i32
      %dma_start3A_797 = arith.constant 0 : i32
      %dma_start3A_798 = tpu.memref_slice %arg12[%dma_start3A_796, %dma_start3A_797] : memref<2x104xi32, #tpu.memory_space<vmem>> -> memref<1x104xi32, #tpu.memory_space<vmem>>
      %dma_start3A_799 = tpu.memref_squeeze %dma_start3A_798 : memref<1x104xi32, #tpu.memory_space<vmem>> -> memref<104xi32, #tpu.memory_space<vmem>>
      %dma_start3A_800 = tpu.memref_slice %arg3[%add3A_786] : memref<320000xi32, #tpu.memory_space<hbm>> -> memref<104xi32, #tpu.memory_space<hbm>>
      %dma_start3A_801 = arith.constant 0 : i32
      %dma_start3A_802 = tpu.memref_slice %arg12[%dma_start3A_796, %dma_start3A_801] : memref<2x104xi32, #tpu.memory_space<vmem>> -> memref<1x104xi32, #tpu.memory_space<vmem>>
      %dma_start3A_803 = tpu.memref_squeeze %dma_start3A_802 : memref<1x104xi32, #tpu.memory_space<vmem>> -> memref<104xi32, #tpu.memory_space<vmem>>
      %dma_start3A_804 = tpu.memref_slice %arg3[%add3A_786] : memref<320000xi32, #tpu.memory_space<hbm>> -> memref<104xi32, #tpu.memory_space<hbm>>
      tpu.enqueue_dma source(%dma_start3A_804 : memref<104xi32, #tpu.memory_space<hbm>>) target(%dma_start3A_803 : memref<104xi32, #tpu.memory_space<vmem>>) target_semaphore(%arg24 : memref<!tpu.dma_semaphore, #tpu.memory_space<semaphore_mem>>)
      %dma_wait3A_805 = arith.constant 0 : i32
      %dma_wait3A_806 = arith.constant 0 : i32
      %dma_wait3A_807 = tpu.memref_slice %arg9[%dma_wait3A_805, %dma_wait3A_806] : memref<2x104xi32, #tpu.memory_space<vmem>> -> memref<1x104xi32, #tpu.memory_space<vmem>>
      %dma_wait3A_808 = tpu.memref_squeeze %dma_wait3A_807 : memref<1x104xi32, #tpu.memory_space<vmem>> -> memref<104xi32, #tpu.memory_space<vmem>>
      %dma_wait3A_809 = tpu.memref_slice %arg2[%mul3A_4] : memref<320000xi32, #tpu.memory_space<hbm>> -> memref<104xi32, #tpu.memory_space<hbm>>
      %dma_wait3A_810 = arith.constant 0 : i32
      %dma_wait3A_811 = tpu.memref_slice %arg9[%dma_wait3A_805, %dma_wait3A_810] : memref<2x104xi32, #tpu.memory_space<vmem>> -> memref<1x104xi32, #tpu.memory_space<vmem>>
      %dma_wait3A_812 = tpu.memref_squeeze %dma_wait3A_811 : memref<1x104xi32, #tpu.memory_space<vmem>> -> memref<104xi32, #tpu.memory_space<vmem>>
      %dma_wait3A_813 = tpu.memref_slice %arg2[%mul3A_4] : memref<320000xi32, #tpu.memory_space<hbm>> -> memref<104xi32, #tpu.memory_space<hbm>>
      tpu.wait_dma2 semaphore(%arg21 : memref<!tpu.dma_semaphore, #tpu.memory_space<semaphore_mem>>) src(%dma_wait3A_813 : memref<104xi32, #tpu.memory_space<hbm>>) dst(%dma_wait3A_812 : memref<104xi32, #tpu.memory_space<vmem>>)
      %dma_wait3A_814 = arith.constant 1 : i32
      %dma_wait3A_815 = arith.constant 0 : i32
      %dma_wait3A_816 = tpu.memref_slice %arg9[%dma_wait3A_814, %dma_wait3A_815] : memref<2x104xi32, #tpu.memory_space<vmem>> -> memref<1x104xi32, #tpu.memory_space<vmem>>
      %dma_wait3A_817 = tpu.memref_squeeze %dma_wait3A_816 : memref<1x104xi32, #tpu.memory_space<vmem>> -> memref<104xi32, #tpu.memory_space<vmem>>
      %dma_wait3A_818 = tpu.memref_slice %arg3[%mul3A_4] : memref<320000xi32, #tpu.memory_space<hbm>> -> memref<104xi32, #tpu.memory_space<hbm>>
      %dma_wait3A_819 = arith.constant 0 : i32
      %dma_wait3A_820 = tpu.memref_slice %arg9[%dma_wait3A_814, %dma_wait3A_819] : memref<2x104xi32, #tpu.memory_space<vmem>> -> memref<1x104xi32, #tpu.memory_space<vmem>>
      %dma_wait3A_821 = tpu.memref_squeeze %dma_wait3A_820 : memref<1x104xi32, #tpu.memory_space<vmem>> -> memref<104xi32, #tpu.memory_space<vmem>>
      %dma_wait3A_822 = tpu.memref_slice %arg3[%mul3A_4] : memref<320000xi32, #tpu.memory_space<hbm>> -> memref<104xi32, #tpu.memory_space<hbm>>
      tpu.wait_dma2 semaphore(%arg21 : memref<!tpu.dma_semaphore, #tpu.memory_space<semaphore_mem>>) src(%dma_wait3A_822 : memref<104xi32, #tpu.memory_space<hbm>>) dst(%dma_wait3A_821 : memref<104xi32, #tpu.memory_space<vmem>>)
      %dma_start3A_823 = arith.constant 1 : i32
      %dma_start3A_824 = arith.constant 0 : i32
      %dma_start3A_825 = tpu.memref_slice %arg9[%dma_start3A_823, %dma_start3A_824] : memref<2x104xi32, #tpu.memory_space<vmem>> -> memref<1x104xi32, #tpu.memory_space<vmem>>
      %dma_start3A_826 = tpu.memref_squeeze %dma_start3A_825 : memref<1x104xi32, #tpu.memory_space<vmem>> -> memref<104xi32, #tpu.memory_space<vmem>>
      %dma_start3A_827 = arith.constant 0 : i32
      %dma_start3A_828 = arith.constant 0 : i32
      %dma_start3A_829 = tpu.memref_slice %arg4[%dma_start3A_827, %dma_start3A_828] : memref<10240x128xf32, #tpu.memory_space<hbm>> -> memref<10240x128xf32, #tpu.memory_space<hbm>>
      tpu.enqueue_indirect_dma source(%dma_start3A_829 : memref<10240x128xf32, #tpu.memory_space<hbm>>) target(%arg15 : memref<104x128xf32, #tpu.memory_space<vmem>>) offsets(%dma_start3A_826 : memref<104xi32, #tpu.memory_space<vmem>>) semaphore(%arg27 : memref<!tpu.dma_semaphore, #tpu.memory_space<semaphore_mem>>)
    }
    %scan3A_201 = arith.constant 15 : i32
    %dma_wait3A_202 = arith.constant 0 : i32
    %dma_wait3A_203 = arith.constant 0 : i32
    %dma_wait3A_204 = tpu.memref_slice %arg4[%dma_wait3A_202, %dma_wait3A_203] : memref<10240x128xf32, #tpu.memory_space<hbm>> -> memref<104x128xf32, #tpu.memory_space<hbm>>
    %dma_wait3A_205 = arith.constant 0 : i32
    %dma_wait3A_206 = arith.constant 0 : i32
    %dma_wait3A_207 = tpu.memref_slice %arg4[%dma_wait3A_205, %dma_wait3A_206] : memref<10240x128xf32, #tpu.memory_space<hbm>> -> memref<104x128xf32, #tpu.memory_space<hbm>>
    tpu.wait_dma2 semaphore(%arg25 : memref<!tpu.dma_semaphore, #tpu.memory_space<semaphore_mem>>) src(%dma_wait3A_207 : memref<104x128xf32, #tpu.memory_space<hbm>>) dst(%arg13 : memref<104x128xf32, #tpu.memory_space<vmem>>)
    %dma_start3A_208 = arith.constant 0 : i32
    %dma_start3A_209 = arith.constant 0 : i32
    %dma_start3A_210 = tpu.memref_slice %arg7[%dma_start3A_208, %dma_start3A_209] : memref<2x104xi32, #tpu.memory_space<vmem>> -> memref<1x104xi32, #tpu.memory_space<vmem>>
    %dma_start3A_211 = tpu.memref_squeeze %dma_start3A_210 : memref<1x104xi32, #tpu.memory_space<vmem>> -> memref<104xi32, #tpu.memory_space<vmem>>
    %dma_start3A_212 = arith.constant 0 : i32
    %dma_start3A_213 = arith.constant 0 : i32
    %dma_start3A_214 = tpu.memref_slice %arg18[%dma_start3A_212, %dma_start3A_213] : memref<10240x128xf32, #tpu.memory_space<vmem_shared>> -> memref<10240x128xf32, #tpu.memory_space<vmem_shared>>
    tpu.enqueue_indirect_dma source(%arg13 : memref<104x128xf32, #tpu.memory_space<vmem>>) target(%dma_start3A_214 : memref<10240x128xf32, #tpu.memory_space<vmem_shared>>) offsets(%dma_start3A_211 : memref<104xi32, #tpu.memory_space<vmem>>) semaphore(%arg28 : memref<!tpu.dma_semaphore, #tpu.memory_space<semaphore_mem>>) {add = true}
    %dma_wait3A_215 = arith.constant 0 : i32
    %dma_wait3A_216 = arith.constant 0 : i32
    %dma_wait3A_217 = tpu.memref_slice %arg4[%dma_wait3A_215, %dma_wait3A_216] : memref<10240x128xf32, #tpu.memory_space<hbm>> -> memref<104x128xf32, #tpu.memory_space<hbm>>
    %dma_wait3A_218 = arith.constant 0 : i32
    %dma_wait3A_219 = arith.constant 0 : i32
    %dma_wait3A_220 = tpu.memref_slice %arg4[%dma_wait3A_218, %dma_wait3A_219] : memref<10240x128xf32, #tpu.memory_space<hbm>> -> memref<104x128xf32, #tpu.memory_space<hbm>>
    tpu.wait_dma2 semaphore(%arg26 : memref<!tpu.dma_semaphore, #tpu.memory_space<semaphore_mem>>) src(%dma_wait3A_220 : memref<104x128xf32, #tpu.memory_space<hbm>>) dst(%arg14 : memref<104x128xf32, #tpu.memory_space<vmem>>)
    %dma_start3A_221 = arith.constant 0 : i32
    %dma_start3A_222 = arith.constant 0 : i32
    %dma_start3A_223 = tpu.memref_slice %arg8[%dma_start3A_221, %dma_start3A_222] : memref<2x104xi32, #tpu.memory_space<vmem>> -> memref<1x104xi32, #tpu.memory_space<vmem>>
    %dma_start3A_224 = tpu.memref_squeeze %dma_start3A_223 : memref<1x104xi32, #tpu.memory_space<vmem>> -> memref<104xi32, #tpu.memory_space<vmem>>
    %dma_start3A_225 = arith.constant 0 : i32
    %dma_start3A_226 = arith.constant 0 : i32
    %dma_start3A_227 = tpu.memref_slice %arg18[%dma_start3A_225, %dma_start3A_226] : memref<10240x128xf32, #tpu.memory_space<vmem_shared>> -> memref<10240x128xf32, #tpu.memory_space<vmem_shared>>
    tpu.enqueue_indirect_dma source(%arg14 : memref<104x128xf32, #tpu.memory_space<vmem>>) target(%dma_start3A_227 : memref<10240x128xf32, #tpu.memory_space<vmem_shared>>) offsets(%dma_start3A_224 : memref<104xi32, #tpu.memory_space<vmem>>) semaphore(%arg29 : memref<!tpu.dma_semaphore, #tpu.memory_space<semaphore_mem>>) {add = true}
    %dma_wait3A_228 = arith.constant 0 : i32
    %dma_wait3A_229 = arith.constant 0 : i32
    %dma_wait3A_230 = tpu.memref_slice %arg4[%dma_wait3A_228, %dma_wait3A_229] : memref<10240x128xf32, #tpu.memory_space<hbm>> -> memref<104x128xf32, #tpu.memory_space<hbm>>
    %dma_wait3A_231 = arith.constant 0 : i32
    %dma_wait3A_232 = arith.constant 0 : i32
    %dma_wait3A_233 = tpu.memref_slice %arg4[%dma_wait3A_231, %dma_wait3A_232] : memref<10240x128xf32, #tpu.memory_space<hbm>> -> memref<104x128xf32, #tpu.memory_space<hbm>>
    tpu.wait_dma2 semaphore(%arg27 : memref<!tpu.dma_semaphore, #tpu.memory_space<semaphore_mem>>) src(%dma_wait3A_233 : memref<104x128xf32, #tpu.memory_space<hbm>>) dst(%arg15 : memref<104x128xf32, #tpu.memory_space<vmem>>)
    %dma_start3A_234 = arith.constant 0 : i32
    %dma_start3A_235 = arith.constant 0 : i32
    %dma_start3A_236 = tpu.memref_slice %arg9[%dma_start3A_234, %dma_start3A_235] : memref<2x104xi32, #tpu.memory_space<vmem>> -> memref<1x104xi32, #tpu.memory_space<vmem>>
    %dma_start3A_237 = tpu.memref_squeeze %dma_start3A_236 : memref<1x104xi32, #tpu.memory_space<vmem>> -> memref<104xi32, #tpu.memory_space<vmem>>
    %dma_start3A_238 = arith.constant 0 : i32
    %dma_start3A_239 = arith.constant 0 : i32
    %dma_start3A_240 = tpu.memref_slice %arg18[%dma_start3A_238, %dma_start3A_239] : memref<10240x128xf32, #tpu.memory_space<vmem_shared>> -> memref<10240x128xf32, #tpu.memory_space<vmem_shared>>
    tpu.enqueue_indirect_dma source(%arg15 : memref<104x128xf32, #tpu.memory_space<vmem>>) target(%dma_start3A_240 : memref<10240x128xf32, #tpu.memory_space<vmem_shared>>) offsets(%dma_start3A_237 : memref<104xi32, #tpu.memory_space<vmem>>) semaphore(%arg30 : memref<!tpu.dma_semaphore, #tpu.memory_space<semaphore_mem>>) {add = true}
    %dma_wait3A_241 = arith.constant 0 : i32
    %dma_wait3A_242 = arith.constant 0 : i32
    %dma_wait3A_243 = tpu.memref_slice %arg18[%dma_wait3A_241, %dma_wait3A_242] : memref<10240x128xf32, #tpu.memory_space<vmem_shared>> -> memref<104x128xf32, #tpu.memory_space<vmem_shared>>
    %dma_wait3A_244 = arith.constant 0 : i32
    %dma_wait3A_245 = arith.constant 0 : i32
    %dma_wait3A_246 = tpu.memref_slice %arg18[%dma_wait3A_244, %dma_wait3A_245] : memref<10240x128xf32, #tpu.memory_space<vmem_shared>> -> memref<104x128xf32, #tpu.memory_space<vmem_shared>>
    tpu.wait_dma2 semaphore(%arg28 : memref<!tpu.dma_semaphore, #tpu.memory_space<semaphore_mem>>) src(%arg13 : memref<104x128xf32, #tpu.memory_space<vmem>>) dst(%dma_wait3A_246 : memref<104x128xf32, #tpu.memory_space<vmem_shared>>)
    %dma_wait3A_247 = arith.constant 0 : i32
    %dma_wait3A_248 = arith.constant 0 : i32
    %dma_wait3A_249 = tpu.memref_slice %arg10[%dma_wait3A_247, %dma_wait3A_248] : memref<2x104xi32, #tpu.memory_space<vmem>> -> memref<1x104xi32, #tpu.memory_space<vmem>>
    %dma_wait3A_250 = tpu.memref_squeeze %dma_wait3A_249 : memref<1x104xi32, #tpu.memory_space<vmem>> -> memref<104xi32, #tpu.memory_space<vmem>>
    %dma_wait3A_251 = tpu.memref_slice %arg2[%mul3A_4] : memref<320000xi32, #tpu.memory_space<hbm>> -> memref<104xi32, #tpu.memory_space<hbm>>
    %dma_wait3A_252 = arith.constant 0 : i32
    %dma_wait3A_253 = tpu.memref_slice %arg10[%dma_wait3A_247, %dma_wait3A_252] : memref<2x104xi32, #tpu.memory_space<vmem>> -> memref<1x104xi32, #tpu.memory_space<vmem>>
    %dma_wait3A_254 = tpu.memref_squeeze %dma_wait3A_253 : memref<1x104xi32, #tpu.memory_space<vmem>> -> memref<104xi32, #tpu.memory_space<vmem>>
    %dma_wait3A_255 = tpu.memref_slice %arg2[%mul3A_4] : memref<320000xi32, #tpu.memory_space<hbm>> -> memref<104xi32, #tpu.memory_space<hbm>>
    tpu.wait_dma2 semaphore(%arg22 : memref<!tpu.dma_semaphore, #tpu.memory_space<semaphore_mem>>) src(%dma_wait3A_255 : memref<104xi32, #tpu.memory_space<hbm>>) dst(%dma_wait3A_254 : memref<104xi32, #tpu.memory_space<vmem>>)
    %dma_wait3A_256 = arith.constant 1 : i32
    %dma_wait3A_257 = arith.constant 0 : i32
    %dma_wait3A_258 = tpu.memref_slice %arg10[%dma_wait3A_256, %dma_wait3A_257] : memref<2x104xi32, #tpu.memory_space<vmem>> -> memref<1x104xi32, #tpu.memory_space<vmem>>
    %dma_wait3A_259 = tpu.memref_squeeze %dma_wait3A_258 : memref<1x104xi32, #tpu.memory_space<vmem>> -> memref<104xi32, #tpu.memory_space<vmem>>
    %dma_wait3A_260 = tpu.memref_slice %arg3[%mul3A_4] : memref<320000xi32, #tpu.memory_space<hbm>> -> memref<104xi32, #tpu.memory_space<hbm>>
    %dma_wait3A_261 = arith.constant 0 : i32
    %dma_wait3A_262 = tpu.memref_slice %arg10[%dma_wait3A_256, %dma_wait3A_261] : memref<2x104xi32, #tpu.memory_space<vmem>> -> memref<1x104xi32, #tpu.memory_space<vmem>>
    %dma_wait3A_263 = tpu.memref_squeeze %dma_wait3A_262 : memref<1x104xi32, #tpu.memory_space<vmem>> -> memref<104xi32, #tpu.memory_space<vmem>>
    %dma_wait3A_264 = tpu.memref_slice %arg3[%mul3A_4] : memref<320000xi32, #tpu.memory_space<hbm>> -> memref<104xi32, #tpu.memory_space<hbm>>
    tpu.wait_dma2 semaphore(%arg22 : memref<!tpu.dma_semaphore, #tpu.memory_space<semaphore_mem>>) src(%dma_wait3A_264 : memref<104xi32, #tpu.memory_space<hbm>>) dst(%dma_wait3A_263 : memref<104xi32, #tpu.memory_space<vmem>>)
    %dma_start3A_265 = arith.constant 1 : i32
    %dma_start3A_266 = arith.constant 0 : i32
    %dma_start3A_267 = tpu.memref_slice %arg10[%dma_start3A_265, %dma_start3A_266] : memref<2x104xi32, #tpu.memory_space<vmem>> -> memref<1x104xi32, #tpu.memory_space<vmem>>
    %dma_start3A_268 = tpu.memref_squeeze %dma_start3A_267 : memref<1x104xi32, #tpu.memory_space<vmem>> -> memref<104xi32, #tpu.memory_space<vmem>>
    %dma_start3A_269 = arith.constant 0 : i32
    %dma_start3A_270 = arith.constant 0 : i32
    %dma_start3A_271 = tpu.memref_slice %arg4[%dma_start3A_269, %dma_start3A_270] : memref<10240x128xf32, #tpu.memory_space<hbm>> -> memref<10240x128xf32, #tpu.memory_space<hbm>>
    tpu.enqueue_indirect_dma source(%dma_start3A_271 : memref<10240x128xf32, #tpu.memory_space<hbm>>) target(%arg13 : memref<104x128xf32, #tpu.memory_space<vmem>>) offsets(%dma_start3A_268 : memref<104xi32, #tpu.memory_space<vmem>>) semaphore(%arg25 : memref<!tpu.dma_semaphore, #tpu.memory_space<semaphore_mem>>)
    %dma_wait3A_272 = arith.constant 0 : i32
    %dma_wait3A_273 = arith.constant 0 : i32
    %dma_wait3A_274 = tpu.memref_slice %arg18[%dma_wait3A_272, %dma_wait3A_273] : memref<10240x128xf32, #tpu.memory_space<vmem_shared>> -> memref<104x128xf32, #tpu.memory_space<vmem_shared>>
    %dma_wait3A_275 = arith.constant 0 : i32
    %dma_wait3A_276 = arith.constant 0 : i32
    %dma_wait3A_277 = tpu.memref_slice %arg18[%dma_wait3A_275, %dma_wait3A_276] : memref<10240x128xf32, #tpu.memory_space<vmem_shared>> -> memref<104x128xf32, #tpu.memory_space<vmem_shared>>
    tpu.wait_dma2 semaphore(%arg29 : memref<!tpu.dma_semaphore, #tpu.memory_space<semaphore_mem>>) src(%arg14 : memref<104x128xf32, #tpu.memory_space<vmem>>) dst(%dma_wait3A_277 : memref<104x128xf32, #tpu.memory_space<vmem_shared>>)
    %dma_wait3A_278 = arith.constant 0 : i32
    %dma_wait3A_279 = arith.constant 0 : i32
    %dma_wait3A_280 = tpu.memref_slice %arg11[%dma_wait3A_278, %dma_wait3A_279] : memref<2x104xi32, #tpu.memory_space<vmem>> -> memref<1x104xi32, #tpu.memory_space<vmem>>
    %dma_wait3A_281 = tpu.memref_squeeze %dma_wait3A_280 : memref<1x104xi32, #tpu.memory_space<vmem>> -> memref<104xi32, #tpu.memory_space<vmem>>
    %dma_wait3A_282 = tpu.memref_slice %arg2[%mul3A_4] : memref<320000xi32, #tpu.memory_space<hbm>> -> memref<104xi32, #tpu.memory_space<hbm>>
    %dma_wait3A_283 = arith.constant 0 : i32
    %dma_wait3A_284 = tpu.memref_slice %arg11[%dma_wait3A_278, %dma_wait3A_283] : memref<2x104xi32, #tpu.memory_space<vmem>> -> memref<1x104xi32, #tpu.memory_space<vmem>>
    %dma_wait3A_285 = tpu.memref_squeeze %dma_wait3A_284 : memref<1x104xi32, #tpu.memory_space<vmem>> -> memref<104xi32, #tpu.memory_space<vmem>>
    %dma_wait3A_286 = tpu.memref_slice %arg2[%mul3A_4] : memref<320000xi32, #tpu.memory_space<hbm>> -> memref<104xi32, #tpu.memory_space<hbm>>
    tpu.wait_dma2 semaphore(%arg23 : memref<!tpu.dma_semaphore, #tpu.memory_space<semaphore_mem>>) src(%dma_wait3A_286 : memref<104xi32, #tpu.memory_space<hbm>>) dst(%dma_wait3A_285 : memref<104xi32, #tpu.memory_space<vmem>>)
    %dma_wait3A_287 = arith.constant 1 : i32
    %dma_wait3A_288 = arith.constant 0 : i32
    %dma_wait3A_289 = tpu.memref_slice %arg11[%dma_wait3A_287, %dma_wait3A_288] : memref<2x104xi32, #tpu.memory_space<vmem>> -> memref<1x104xi32, #tpu.memory_space<vmem>>
    %dma_wait3A_290 = tpu.memref_squeeze %dma_wait3A_289 : memref<1x104xi32, #tpu.memory_space<vmem>> -> memref<104xi32, #tpu.memory_space<vmem>>
    %dma_wait3A_291 = tpu.memref_slice %arg3[%mul3A_4] : memref<320000xi32, #tpu.memory_space<hbm>> -> memref<104xi32, #tpu.memory_space<hbm>>
    %dma_wait3A_292 = arith.constant 0 : i32
    %dma_wait3A_293 = tpu.memref_slice %arg11[%dma_wait3A_287, %dma_wait3A_292] : memref<2x104xi32, #tpu.memory_space<vmem>> -> memref<1x104xi32, #tpu.memory_space<vmem>>
    %dma_wait3A_294 = tpu.memref_squeeze %dma_wait3A_293 : memref<1x104xi32, #tpu.memory_space<vmem>> -> memref<104xi32, #tpu.memory_space<vmem>>
    %dma_wait3A_295 = tpu.memref_slice %arg3[%mul3A_4] : memref<320000xi32, #tpu.memory_space<hbm>> -> memref<104xi32, #tpu.memory_space<hbm>>
    tpu.wait_dma2 semaphore(%arg23 : memref<!tpu.dma_semaphore, #tpu.memory_space<semaphore_mem>>) src(%dma_wait3A_295 : memref<104xi32, #tpu.memory_space<hbm>>) dst(%dma_wait3A_294 : memref<104xi32, #tpu.memory_space<vmem>>)
    %dma_start3A_296 = arith.constant 1 : i32
    %dma_start3A_297 = arith.constant 0 : i32
    %dma_start3A_298 = tpu.memref_slice %arg11[%dma_start3A_296, %dma_start3A_297] : memref<2x104xi32, #tpu.memory_space<vmem>> -> memref<1x104xi32, #tpu.memory_space<vmem>>
    %dma_start3A_299 = tpu.memref_squeeze %dma_start3A_298 : memref<1x104xi32, #tpu.memory_space<vmem>> -> memref<104xi32, #tpu.memory_space<vmem>>
    %dma_start3A_300 = arith.constant 0 : i32
    %dma_start3A_301 = arith.constant 0 : i32
    %dma_start3A_302 = tpu.memref_slice %arg4[%dma_start3A_300, %dma_start3A_301] : memref<10240x128xf32, #tpu.memory_space<hbm>> -> memref<10240x128xf32, #tpu.memory_space<hbm>>
    tpu.enqueue_indirect_dma source(%dma_start3A_302 : memref<10240x128xf32, #tpu.memory_space<hbm>>) target(%arg14 : memref<104x128xf32, #tpu.memory_space<vmem>>) offsets(%dma_start3A_299 : memref<104xi32, #tpu.memory_space<vmem>>) semaphore(%arg26 : memref<!tpu.dma_semaphore, #tpu.memory_space<semaphore_mem>>)
    %dma_wait3A_303 = arith.constant 0 : i32
    %dma_wait3A_304 = arith.constant 0 : i32
    %dma_wait3A_305 = tpu.memref_slice %arg18[%dma_wait3A_303, %dma_wait3A_304] : memref<10240x128xf32, #tpu.memory_space<vmem_shared>> -> memref<104x128xf32, #tpu.memory_space<vmem_shared>>
    %dma_wait3A_306 = arith.constant 0 : i32
    %dma_wait3A_307 = arith.constant 0 : i32
    %dma_wait3A_308 = tpu.memref_slice %arg18[%dma_wait3A_306, %dma_wait3A_307] : memref<10240x128xf32, #tpu.memory_space<vmem_shared>> -> memref<104x128xf32, #tpu.memory_space<vmem_shared>>
    tpu.wait_dma2 semaphore(%arg30 : memref<!tpu.dma_semaphore, #tpu.memory_space<semaphore_mem>>) src(%arg15 : memref<104x128xf32, #tpu.memory_space<vmem>>) dst(%dma_wait3A_308 : memref<104x128xf32, #tpu.memory_space<vmem_shared>>)
    %dma_wait3A_309 = arith.constant 0 : i32
    %dma_wait3A_310 = arith.constant 0 : i32
    %dma_wait3A_311 = tpu.memref_slice %arg12[%dma_wait3A_309, %dma_wait3A_310] : memref<2x104xi32, #tpu.memory_space<vmem>> -> memref<1x104xi32, #tpu.memory_space<vmem>>
    %dma_wait3A_312 = tpu.memref_squeeze %dma_wait3A_311 : memref<1x104xi32, #tpu.memory_space<vmem>> -> memref<104xi32, #tpu.memory_space<vmem>>
    %dma_wait3A_313 = tpu.memref_slice %arg2[%mul3A_4] : memref<320000xi32, #tpu.memory_space<hbm>> -> memref<104xi32, #tpu.memory_space<hbm>>
    %dma_wait3A_314 = arith.constant 0 : i32
    %dma_wait3A_315 = tpu.memref_slice %arg12[%dma_wait3A_309, %dma_wait3A_314] : memref<2x104xi32, #tpu.memory_space<vmem>> -> memref<1x104xi32, #tpu.memory_space<vmem>>
    %dma_wait3A_316 = tpu.memref_squeeze %dma_wait3A_315 : memref<1x104xi32, #tpu.memory_space<vmem>> -> memref<104xi32, #tpu.memory_space<vmem>>
    %dma_wait3A_317 = tpu.memref_slice %arg2[%mul3A_4] : memref<320000xi32, #tpu.memory_space<hbm>> -> memref<104xi32, #tpu.memory_space<hbm>>
    tpu.wait_dma2 semaphore(%arg24 : memref<!tpu.dma_semaphore, #tpu.memory_space<semaphore_mem>>) src(%dma_wait3A_317 : memref<104xi32, #tpu.memory_space<hbm>>) dst(%dma_wait3A_316 : memref<104xi32, #tpu.memory_space<vmem>>)
    %dma_wait3A_318 = arith.constant 1 : i32
    %dma_wait3A_319 = arith.constant 0 : i32
    %dma_wait3A_320 = tpu.memref_slice %arg12[%dma_wait3A_318, %dma_wait3A_319] : memref<2x104xi32, #tpu.memory_space<vmem>> -> memref<1x104xi32, #tpu.memory_space<vmem>>
    %dma_wait3A_321 = tpu.memref_squeeze %dma_wait3A_320 : memref<1x104xi32, #tpu.memory_space<vmem>> -> memref<104xi32, #tpu.memory_space<vmem>>
    %dma_wait3A_322 = tpu.memref_slice %arg3[%mul3A_4] : memref<320000xi32, #tpu.memory_space<hbm>> -> memref<104xi32, #tpu.memory_space<hbm>>
    %dma_wait3A_323 = arith.constant 0 : i32
    %dma_wait3A_324 = tpu.memref_slice %arg12[%dma_wait3A_318, %dma_wait3A_323] : memref<2x104xi32, #tpu.memory_space<vmem>> -> memref<1x104xi32, #tpu.memory_space<vmem>>
    %dma_wait3A_325 = tpu.memref_squeeze %dma_wait3A_324 : memref<1x104xi32, #tpu.memory_space<vmem>> -> memref<104xi32, #tpu.memory_space<vmem>>
    %dma_wait3A_326 = tpu.memref_slice %arg3[%mul3A_4] : memref<320000xi32, #tpu.memory_space<hbm>> -> memref<104xi32, #tpu.memory_space<hbm>>
    tpu.wait_dma2 semaphore(%arg24 : memref<!tpu.dma_semaphore, #tpu.memory_space<semaphore_mem>>) src(%dma_wait3A_326 : memref<104xi32, #tpu.memory_space<hbm>>) dst(%dma_wait3A_325 : memref<104xi32, #tpu.memory_space<vmem>>)
    %dma_start3A_327 = arith.constant 1 : i32
    %dma_start3A_328 = arith.constant 0 : i32
    %dma_start3A_329 = tpu.memref_slice %arg12[%dma_start3A_327, %dma_start3A_328] : memref<2x104xi32, #tpu.memory_space<vmem>> -> memref<1x104xi32, #tpu.memory_space<vmem>>
    %dma_start3A_330 = tpu.memref_squeeze %dma_start3A_329 : memref<1x104xi32, #tpu.memory_space<vmem>> -> memref<104xi32, #tpu.memory_space<vmem>>
    %dma_start3A_331 = arith.constant 0 : i32
    %dma_start3A_332 = arith.constant 0 : i32
    %dma_start3A_333 = tpu.memref_slice %arg4[%dma_start3A_331, %dma_start3A_332] : memref<10240x128xf32, #tpu.memory_space<hbm>> -> memref<10240x128xf32, #tpu.memory_space<hbm>>
    tpu.enqueue_indirect_dma source(%dma_start3A_333 : memref<10240x128xf32, #tpu.memory_space<hbm>>) target(%arg15 : memref<104x128xf32, #tpu.memory_space<vmem>>) offsets(%dma_start3A_330 : memref<104xi32, #tpu.memory_space<vmem>>) semaphore(%arg27 : memref<!tpu.dma_semaphore, #tpu.memory_space<semaphore_mem>>)
    %dma_wait3A_334 = arith.constant 0 : i32
    %dma_wait3A_335 = arith.constant 0 : i32
    %dma_wait3A_336 = tpu.memref_slice %arg4[%dma_wait3A_334, %dma_wait3A_335] : memref<10240x128xf32, #tpu.memory_space<hbm>> -> memref<104x128xf32, #tpu.memory_space<hbm>>
    %dma_wait3A_337 = arith.constant 0 : i32
    %dma_wait3A_338 = arith.constant 0 : i32
    %dma_wait3A_339 = tpu.memref_slice %arg4[%dma_wait3A_337, %dma_wait3A_338] : memref<10240x128xf32, #tpu.memory_space<hbm>> -> memref<104x128xf32, #tpu.memory_space<hbm>>
    tpu.wait_dma2 semaphore(%arg25 : memref<!tpu.dma_semaphore, #tpu.memory_space<semaphore_mem>>) src(%dma_wait3A_339 : memref<104x128xf32, #tpu.memory_space<hbm>>) dst(%arg13 : memref<104x128xf32, #tpu.memory_space<vmem>>)
    %dma_start3A_340 = arith.constant 0 : i32
    %dma_start3A_341 = arith.constant 0 : i32
    %dma_start3A_342 = tpu.memref_slice %arg10[%dma_start3A_340, %dma_start3A_341] : memref<2x104xi32, #tpu.memory_space<vmem>> -> memref<1x104xi32, #tpu.memory_space<vmem>>
    %dma_start3A_343 = tpu.memref_squeeze %dma_start3A_342 : memref<1x104xi32, #tpu.memory_space<vmem>> -> memref<104xi32, #tpu.memory_space<vmem>>
    %dma_start3A_344 = arith.constant 0 : i32
    %dma_start3A_345 = arith.constant 0 : i32
    %dma_start3A_346 = tpu.memref_slice %arg18[%dma_start3A_344, %dma_start3A_345] : memref<10240x128xf32, #tpu.memory_space<vmem_shared>> -> memref<10240x128xf32, #tpu.memory_space<vmem_shared>>
    tpu.enqueue_indirect_dma source(%arg13 : memref<104x128xf32, #tpu.memory_space<vmem>>) target(%dma_start3A_346 : memref<10240x128xf32, #tpu.memory_space<vmem_shared>>) offsets(%dma_start3A_343 : memref<104xi32, #tpu.memory_space<vmem>>) semaphore(%arg28 : memref<!tpu.dma_semaphore, #tpu.memory_space<semaphore_mem>>) {add = true}
    %dma_wait3A_347 = arith.constant 0 : i32
    %dma_wait3A_348 = arith.constant 0 : i32
    %dma_wait3A_349 = tpu.memref_slice %arg4[%dma_wait3A_347, %dma_wait3A_348] : memref<10240x128xf32, #tpu.memory_space<hbm>> -> memref<104x128xf32, #tpu.memory_space<hbm>>
    %dma_wait3A_350 = arith.constant 0 : i32
    %dma_wait3A_351 = arith.constant 0 : i32
    %dma_wait3A_352 = tpu.memref_slice %arg4[%dma_wait3A_350, %dma_wait3A_351] : memref<10240x128xf32, #tpu.memory_space<hbm>> -> memref<104x128xf32, #tpu.memory_space<hbm>>
    tpu.wait_dma2 semaphore(%arg26 : memref<!tpu.dma_semaphore, #tpu.memory_space<semaphore_mem>>) src(%dma_wait3A_352 : memref<104x128xf32, #tpu.memory_space<hbm>>) dst(%arg14 : memref<104x128xf32, #tpu.memory_space<vmem>>)
    %dma_start3A_353 = arith.constant 0 : i32
    %dma_start3A_354 = arith.constant 0 : i32
    %dma_start3A_355 = tpu.memref_slice %arg11[%dma_start3A_353, %dma_start3A_354] : memref<2x104xi32, #tpu.memory_space<vmem>> -> memref<1x104xi32, #tpu.memory_space<vmem>>
    %dma_start3A_356 = tpu.memref_squeeze %dma_start3A_355 : memref<1x104xi32, #tpu.memory_space<vmem>> -> memref<104xi32, #tpu.memory_space<vmem>>
    %dma_start3A_357 = arith.constant 0 : i32
    %dma_start3A_358 = arith.constant 0 : i32
    %dma_start3A_359 = tpu.memref_slice %arg18[%dma_start3A_357, %dma_start3A_358] : memref<10240x128xf32, #tpu.memory_space<vmem_shared>> -> memref<10240x128xf32, #tpu.memory_space<vmem_shared>>
    tpu.enqueue_indirect_dma source(%arg14 : memref<104x128xf32, #tpu.memory_space<vmem>>) target(%dma_start3A_359 : memref<10240x128xf32, #tpu.memory_space<vmem_shared>>) offsets(%dma_start3A_356 : memref<104xi32, #tpu.memory_space<vmem>>) semaphore(%arg29 : memref<!tpu.dma_semaphore, #tpu.memory_space<semaphore_mem>>) {add = true}
    %dma_wait3A_360 = arith.constant 0 : i32
    %dma_wait3A_361 = arith.constant 0 : i32
    %dma_wait3A_362 = tpu.memref_slice %arg4[%dma_wait3A_360, %dma_wait3A_361] : memref<10240x128xf32, #tpu.memory_space<hbm>> -> memref<104x128xf32, #tpu.memory_space<hbm>>
    %dma_wait3A_363 = arith.constant 0 : i32
    %dma_wait3A_364 = arith.constant 0 : i32
    %dma_wait3A_365 = tpu.memref_slice %arg4[%dma_wait3A_363, %dma_wait3A_364] : memref<10240x128xf32, #tpu.memory_space<hbm>> -> memref<104x128xf32, #tpu.memory_space<hbm>>
    tpu.wait_dma2 semaphore(%arg27 : memref<!tpu.dma_semaphore, #tpu.memory_space<semaphore_mem>>) src(%dma_wait3A_365 : memref<104x128xf32, #tpu.memory_space<hbm>>) dst(%arg15 : memref<104x128xf32, #tpu.memory_space<vmem>>)
    %dma_start3A_366 = arith.constant 0 : i32
    %dma_start3A_367 = arith.constant 0 : i32
    %dma_start3A_368 = tpu.memref_slice %arg12[%dma_start3A_366, %dma_start3A_367] : memref<2x104xi32, #tpu.memory_space<vmem>> -> memref<1x104xi32, #tpu.memory_space<vmem>>
    %dma_start3A_369 = tpu.memref_squeeze %dma_start3A_368 : memref<1x104xi32, #tpu.memory_space<vmem>> -> memref<104xi32, #tpu.memory_space<vmem>>
    %dma_start3A_370 = arith.constant 0 : i32
    %dma_start3A_371 = arith.constant 0 : i32
    %dma_start3A_372 = tpu.memref_slice %arg18[%dma_start3A_370, %dma_start3A_371] : memref<10240x128xf32, #tpu.memory_space<vmem_shared>> -> memref<10240x128xf32, #tpu.memory_space<vmem_shared>>
    tpu.enqueue_indirect_dma source(%arg15 : memref<104x128xf32, #tpu.memory_space<vmem>>) target(%dma_start3A_372 : memref<10240x128xf32, #tpu.memory_space<vmem_shared>>) offsets(%dma_start3A_369 : memref<104xi32, #tpu.memory_space<vmem>>) semaphore(%arg30 : memref<!tpu.dma_semaphore, #tpu.memory_space<semaphore_mem>>) {add = true}
    %dma_wait3A_373 = arith.constant 0 : i32
    %dma_wait3A_374 = arith.constant 0 : i32
    %dma_wait3A_375 = tpu.memref_slice %arg18[%dma_wait3A_373, %dma_wait3A_374] : memref<10240x128xf32, #tpu.memory_space<vmem_shared>> -> memref<104x128xf32, #tpu.memory_space<vmem_shared>>
    %dma_wait3A_376 = arith.constant 0 : i32
    %dma_wait3A_377 = arith.constant 0 : i32
    %dma_wait3A_378 = tpu.memref_slice %arg18[%dma_wait3A_376, %dma_wait3A_377] : memref<10240x128xf32, #tpu.memory_space<vmem_shared>> -> memref<104x128xf32, #tpu.memory_space<vmem_shared>>
    tpu.wait_dma2 semaphore(%arg28 : memref<!tpu.dma_semaphore, #tpu.memory_space<semaphore_mem>>) src(%arg13 : memref<104x128xf32, #tpu.memory_space<vmem>>) dst(%dma_wait3A_378 : memref<104x128xf32, #tpu.memory_space<vmem_shared>>)
    %dma_wait3A_379 = arith.constant 0 : i32
    %dma_wait3A_380 = arith.constant 0 : i32
    %dma_wait3A_381 = tpu.memref_slice %arg18[%dma_wait3A_379, %dma_wait3A_380] : memref<10240x128xf32, #tpu.memory_space<vmem_shared>> -> memref<104x128xf32, #tpu.memory_space<vmem_shared>>
    %dma_wait3A_382 = arith.constant 0 : i32
    %dma_wait3A_383 = arith.constant 0 : i32
    %dma_wait3A_384 = tpu.memref_slice %arg18[%dma_wait3A_382, %dma_wait3A_383] : memref<10240x128xf32, #tpu.memory_space<vmem_shared>> -> memref<104x128xf32, #tpu.memory_space<vmem_shared>>
    tpu.wait_dma2 semaphore(%arg29 : memref<!tpu.dma_semaphore, #tpu.memory_space<semaphore_mem>>) src(%arg14 : memref<104x128xf32, #tpu.memory_space<vmem>>) dst(%dma_wait3A_384 : memref<104x128xf32, #tpu.memory_space<vmem_shared>>)
    %dma_wait3A_385 = arith.constant 0 : i32
    %dma_wait3A_386 = arith.constant 0 : i32
    %dma_wait3A_387 = tpu.memref_slice %arg18[%dma_wait3A_385, %dma_wait3A_386] : memref<10240x128xf32, #tpu.memory_space<vmem_shared>> -> memref<104x128xf32, #tpu.memory_space<vmem_shared>>
    %dma_wait3A_388 = arith.constant 0 : i32
    %dma_wait3A_389 = arith.constant 0 : i32
    %dma_wait3A_390 = tpu.memref_slice %arg18[%dma_wait3A_388, %dma_wait3A_389] : memref<10240x128xf32, #tpu.memory_space<vmem_shared>> -> memref<104x128xf32, #tpu.memory_space<vmem_shared>>
    tpu.wait_dma2 semaphore(%arg30 : memref<!tpu.dma_semaphore, #tpu.memory_space<semaphore_mem>>) src(%arg15 : memref<104x128xf32, #tpu.memory_space<vmem>>) dst(%dma_wait3A_390 : memref<104x128xf32, #tpu.memory_space<vmem_shared>>)
    %add3A_391 = arith.constant 9984 : i32
    %add3A_392 = arith.addi %mul3A_4, %add3A_391 : i32
    %run_scoped3A = arith.constant 0 : i32
    "tpu.region"() ({
      %run_scoped3A_397 = tpu.sem_alloc : memref<!tpu.dma_semaphore, #tpu.memory_space<semaphore_mem>>
      %dma_start3A_398 = arith.constant 0 : i32
      %dma_start3A_399 = tpu.memref_slice %arg16[%run_scoped3A, %dma_start3A_398] : memref<2x16xi32, #tpu.memory_space<vmem>> -> memref<1x16xi32, #tpu.memory_space<vmem>>
      %dma_start3A_400 = tpu.memref_squeeze %dma_start3A_399 : memref<1x16xi32, #tpu.memory_space<vmem>> -> memref<16xi32, #tpu.memory_space<vmem>>
      %dma_start3A_401 = tpu.memref_slice %arg2[%add3A_392] : memref<320000xi32, #tpu.memory_space<hbm>> -> memref<16xi32, #tpu.memory_space<hbm>>
      %dma_start3A_402 = arith.constant 0 : i32
      %dma_start3A_403 = tpu.memref_slice %arg16[%run_scoped3A, %dma_start3A_402] : memref<2x16xi32, #tpu.memory_space<vmem>> -> memref<1x16xi32, #tpu.memory_space<vmem>>
      %dma_start3A_404 = tpu.memref_squeeze %dma_start3A_403 : memref<1x16xi32, #tpu.memory_space<vmem>> -> memref<16xi32, #tpu.memory_space<vmem>>
      %dma_start3A_405 = tpu.memref_slice %arg2[%add3A_392] : memref<320000xi32, #tpu.memory_space<hbm>> -> memref<16xi32, #tpu.memory_space<hbm>>
      tpu.enqueue_dma source(%dma_start3A_405 : memref<16xi32, #tpu.memory_space<hbm>>) target(%dma_start3A_404 : memref<16xi32, #tpu.memory_space<vmem>>) target_semaphore(%run_scoped3A_397 : memref<!tpu.dma_semaphore, #tpu.memory_space<semaphore_mem>>)
      %dma_wait3A_406 = arith.constant 0 : i32
      %dma_wait3A_407 = tpu.memref_slice %arg16[%run_scoped3A, %dma_wait3A_406] : memref<2x16xi32, #tpu.memory_space<vmem>> -> memref<1x16xi32, #tpu.memory_space<vmem>>
      %dma_wait3A_408 = tpu.memref_squeeze %dma_wait3A_407 : memref<1x16xi32, #tpu.memory_space<vmem>> -> memref<16xi32, #tpu.memory_space<vmem>>
      %dma_wait3A_409 = tpu.memref_slice %arg2[%add3A_392] : memref<320000xi32, #tpu.memory_space<hbm>> -> memref<16xi32, #tpu.memory_space<hbm>>
      %dma_wait3A_410 = arith.constant 0 : i32
      %dma_wait3A_411 = tpu.memref_slice %arg16[%run_scoped3A, %dma_wait3A_410] : memref<2x16xi32, #tpu.memory_space<vmem>> -> memref<1x16xi32, #tpu.memory_space<vmem>>
      %dma_wait3A_412 = tpu.memref_squeeze %dma_wait3A_411 : memref<1x16xi32, #tpu.memory_space<vmem>> -> memref<16xi32, #tpu.memory_space<vmem>>
      %dma_wait3A_413 = tpu.memref_slice %arg2[%add3A_392] : memref<320000xi32, #tpu.memory_space<hbm>> -> memref<16xi32, #tpu.memory_space<hbm>>
      tpu.wait_dma2 semaphore(%run_scoped3A_397 : memref<!tpu.dma_semaphore, #tpu.memory_space<semaphore_mem>>) src(%dma_wait3A_413 : memref<16xi32, #tpu.memory_space<hbm>>) dst(%dma_wait3A_412 : memref<16xi32, #tpu.memory_space<vmem>>)
      tpu.yield
    }) : () -> ()
    %run_scoped3A_393 = arith.constant 1 : i32
    "tpu.region"() ({
      %run_scoped3A_397 = tpu.sem_alloc : memref<!tpu.dma_semaphore, #tpu.memory_space<semaphore_mem>>
      %dma_start3A_398 = arith.constant 0 : i32
      %dma_start3A_399 = tpu.memref_slice %arg16[%run_scoped3A_393, %dma_start3A_398] : memref<2x16xi32, #tpu.memory_space<vmem>> -> memref<1x16xi32, #tpu.memory_space<vmem>>
      %dma_start3A_400 = tpu.memref_squeeze %dma_start3A_399 : memref<1x16xi32, #tpu.memory_space<vmem>> -> memref<16xi32, #tpu.memory_space<vmem>>
      %dma_start3A_401 = tpu.memref_slice %arg3[%add3A_392] : memref<320000xi32, #tpu.memory_space<hbm>> -> memref<16xi32, #tpu.memory_space<hbm>>
      %dma_start3A_402 = arith.constant 0 : i32
      %dma_start3A_403 = tpu.memref_slice %arg16[%run_scoped3A_393, %dma_start3A_402] : memref<2x16xi32, #tpu.memory_space<vmem>> -> memref<1x16xi32, #tpu.memory_space<vmem>>
      %dma_start3A_404 = tpu.memref_squeeze %dma_start3A_403 : memref<1x16xi32, #tpu.memory_space<vmem>> -> memref<16xi32, #tpu.memory_space<vmem>>
      %dma_start3A_405 = tpu.memref_slice %arg3[%add3A_392] : memref<320000xi32, #tpu.memory_space<hbm>> -> memref<16xi32, #tpu.memory_space<hbm>>
      tpu.enqueue_dma source(%dma_start3A_405 : memref<16xi32, #tpu.memory_space<hbm>>) target(%dma_start3A_404 : memref<16xi32, #tpu.memory_space<vmem>>) target_semaphore(%run_scoped3A_397 : memref<!tpu.dma_semaphore, #tpu.memory_space<semaphore_mem>>)
      %dma_wait3A_406 = arith.constant 0 : i32
      %dma_wait3A_407 = tpu.memref_slice %arg16[%run_scoped3A_393, %dma_wait3A_406] : memref<2x16xi32, #tpu.memory_space<vmem>> -> memref<1x16xi32, #tpu.memory_space<vmem>>
      %dma_wait3A_408 = tpu.memref_squeeze %dma_wait3A_407 : memref<1x16xi32, #tpu.memory_space<vmem>> -> memref<16xi32, #tpu.memory_space<vmem>>
      %dma_wait3A_409 = tpu.memref_slice %arg3[%add3A_392] : memref<320000xi32, #tpu.memory_space<hbm>> -> memref<16xi32, #tpu.memory_space<hbm>>
      %dma_wait3A_410 = arith.constant 0 : i32
      %dma_wait3A_411 = tpu.memref_slice %arg16[%run_scoped3A_393, %dma_wait3A_410] : memref<2x16xi32, #tpu.memory_space<vmem>> -> memref<1x16xi32, #tpu.memory_space<vmem>>
      %dma_wait3A_412 = tpu.memref_squeeze %dma_wait3A_411 : memref<1x16xi32, #tpu.memory_space<vmem>> -> memref<16xi32, #tpu.memory_space<vmem>>
      %dma_wait3A_413 = tpu.memref_slice %arg3[%add3A_392] : memref<320000xi32, #tpu.memory_space<hbm>> -> memref<16xi32, #tpu.memory_space<hbm>>
      tpu.wait_dma2 semaphore(%run_scoped3A_397 : memref<!tpu.dma_semaphore, #tpu.memory_space<semaphore_mem>>) src(%dma_wait3A_413 : memref<16xi32, #tpu.memory_space<hbm>>) dst(%dma_wait3A_412 : memref<16xi32, #tpu.memory_space<vmem>>)
      tpu.yield
    }) : () -> ()
    %run_scoped3A_394 = arith.constant 1 : i32
    "tpu.region"() ({
      %run_scoped3A_397 = tpu.sem_alloc : memref<!tpu.dma_semaphore, #tpu.memory_space<semaphore_mem>>
      %dma_start3A_398 = arith.constant 0 : i32
      %dma_start3A_399 = tpu.memref_slice %arg16[%run_scoped3A_394, %dma_start3A_398] : memref<2x16xi32, #tpu.memory_space<vmem>> -> memref<1x16xi32, #tpu.memory_space<vmem>>
      %dma_start3A_400 = tpu.memref_squeeze %dma_start3A_399 : memref<1x16xi32, #tpu.memory_space<vmem>> -> memref<16xi32, #tpu.memory_space<vmem>>
      %dma_start3A_401 = arith.constant 0 : i32
      %dma_start3A_402 = arith.constant 0 : i32
      %dma_start3A_403 = tpu.memref_slice %arg4[%dma_start3A_401, %dma_start3A_402] : memref<10240x128xf32, #tpu.memory_space<hbm>> -> memref<10240x128xf32, #tpu.memory_space<hbm>>
      tpu.enqueue_indirect_dma source(%dma_start3A_403 : memref<10240x128xf32, #tpu.memory_space<hbm>>) target(%arg17 : memref<16x128xf32, #tpu.memory_space<vmem>>) offsets(%dma_start3A_400 : memref<16xi32, #tpu.memory_space<vmem>>) semaphore(%run_scoped3A_397 : memref<!tpu.dma_semaphore, #tpu.memory_space<semaphore_mem>>)
      %dma_wait3A_404 = arith.constant 0 : i32
      %dma_wait3A_405 = tpu.memref_slice %arg16[%run_scoped3A_394, %dma_wait3A_404] : memref<2x16xi32, #tpu.memory_space<vmem>> -> memref<1x16xi32, #tpu.memory_space<vmem>>
      %dma_wait3A_406 = tpu.memref_squeeze %dma_wait3A_405 : memref<1x16xi32, #tpu.memory_space<vmem>> -> memref<16xi32, #tpu.memory_space<vmem>>
      %dma_wait3A_407 = arith.constant 0 : i32
      %dma_wait3A_408 = arith.constant 0 : i32
      %dma_wait3A_409 = tpu.memref_slice %arg4[%dma_wait3A_407, %dma_wait3A_408] : memref<10240x128xf32, #tpu.memory_space<hbm>> -> memref<10240x128xf32, #tpu.memory_space<hbm>>
      tpu.wait_indirect_dma semaphore(%run_scoped3A_397 : memref<!tpu.dma_semaphore, #tpu.memory_space<semaphore_mem>>) src(%dma_wait3A_409 : memref<10240x128xf32, #tpu.memory_space<hbm>>) dst(%arg17 : memref<16x128xf32, #tpu.memory_space<vmem>>)
      tpu.yield
    }) : () -> ()
    %run_scoped3A_395 = arith.constant 0 : i32
    "tpu.region"() ({
      %run_scoped3A_397 = tpu.sem_alloc : memref<!tpu.dma_semaphore, #tpu.memory_space<semaphore_mem>>
      %dma_start3A_398 = arith.constant 0 : i32
      %dma_start3A_399 = tpu.memref_slice %arg16[%run_scoped3A_395, %dma_start3A_398] : memref<2x16xi32, #tpu.memory_space<vmem>> -> memref<1x16xi32, #tpu.memory_space<vmem>>
      %dma_start3A_400 = tpu.memref_squeeze %dma_start3A_399 : memref<1x16xi32, #tpu.memory_space<vmem>> -> memref<16xi32, #tpu.memory_space<vmem>>
      %dma_start3A_401 = arith.constant 0 : i32
      %dma_start3A_402 = arith.constant 0 : i32
      %dma_start3A_403 = tpu.memref_slice %arg18[%dma_start3A_401, %dma_start3A_402] : memref<10240x128xf32, #tpu.memory_space<vmem_shared>> -> memref<10240x128xf32, #tpu.memory_space<vmem_shared>>
      tpu.enqueue_indirect_dma source(%arg17 : memref<16x128xf32, #tpu.memory_space<vmem>>) target(%dma_start3A_403 : memref<10240x128xf32, #tpu.memory_space<vmem_shared>>) offsets(%dma_start3A_400 : memref<16xi32, #tpu.memory_space<vmem>>) semaphore(%run_scoped3A_397 : memref<!tpu.dma_semaphore, #tpu.memory_space<semaphore_mem>>) {add = true}
      %dma_wait3A_404 = arith.constant 0 : i32
      %dma_wait3A_405 = tpu.memref_slice %arg16[%run_scoped3A_395, %dma_wait3A_404] : memref<2x16xi32, #tpu.memory_space<vmem>> -> memref<1x16xi32, #tpu.memory_space<vmem>>
      %dma_wait3A_406 = tpu.memref_squeeze %dma_wait3A_405 : memref<1x16xi32, #tpu.memory_space<vmem>> -> memref<16xi32, #tpu.memory_space<vmem>>
      %dma_wait3A_407 = arith.constant 0 : i32
      %dma_wait3A_408 = arith.constant 0 : i32
      %dma_wait3A_409 = tpu.memref_slice %arg18[%dma_wait3A_407, %dma_wait3A_408] : memref<10240x128xf32, #tpu.memory_space<vmem_shared>> -> memref<10240x128xf32, #tpu.memory_space<vmem_shared>>
      tpu.wait_indirect_dma semaphore(%run_scoped3A_397 : memref<!tpu.dma_semaphore, #tpu.memory_space<semaphore_mem>>) src(%arg17 : memref<16x128xf32, #tpu.memory_space<vmem>>) dst(%dma_wait3A_409 : memref<10240x128xf32, #tpu.memory_space<vmem_shared>>)
      tpu.yield
    }) : () -> ()
    %barrier3A_396 = arith.constant 0 : index
    tpu.barrier barrier_id(%barrier3A_396)
    "tpu.region"() ({
      %run_scoped3A_397 = tpu.sem_alloc : memref<!tpu.dma_semaphore, #tpu.memory_space<semaphore_mem>>
      %dma_start3A_398 = arith.constant 0 : i32
      %dma_start3A_399 = tpu.memref_slice %arg6[%arg0, %mul3A_0, %dma_start3A_398] : memref<2x10240x128xf32, #tpu.memory_space<hbm>> -> memref<1x640x128xf32, #tpu.memory_space<hbm>>
      %dma_start3A_400 = tpu.memref_squeeze %dma_start3A_399 : memref<1x640x128xf32, #tpu.memory_space<hbm>> -> memref<640x128xf32, #tpu.memory_space<hbm>>
      %dma_start3A_401 = arith.constant 0 : i32
      %dma_start3A_402 = tpu.memref_slice %arg18[%mul3A_0, %dma_start3A_401] : memref<10240x128xf32, #tpu.memory_space<vmem_shared>> -> memref<640x128xf32, #tpu.memory_space<vmem_shared>>
      tpu.enqueue_dma source(%dma_start3A_402 : memref<640x128xf32, #tpu.memory_space<vmem_shared>>) target(%dma_start3A_400 : memref<640x128xf32, #tpu.memory_space<hbm>>) target_semaphore(%run_scoped3A_397 : memref<!tpu.dma_semaphore, #tpu.memory_space<semaphore_mem>>)
      %dma_wait3A_403 = arith.constant 0 : i32
      %dma_wait3A_404 = tpu.memref_slice %arg6[%arg0, %mul3A_0, %dma_wait3A_403] : memref<2x10240x128xf32, #tpu.memory_space<hbm>> -> memref<1x640x128xf32, #tpu.memory_space<hbm>>
      %dma_wait3A_405 = tpu.memref_squeeze %dma_wait3A_404 : memref<1x640x128xf32, #tpu.memory_space<hbm>> -> memref<640x128xf32, #tpu.memory_space<hbm>>
      %dma_wait3A_406 = arith.constant 0 : i32
      %dma_wait3A_407 = tpu.memref_slice %arg18[%mul3A_0, %dma_wait3A_406] : memref<10240x128xf32, #tpu.memory_space<vmem_shared>> -> memref<640x128xf32, #tpu.memory_space<vmem_shared>>
      tpu.wait_dma2 semaphore(%run_scoped3A_397 : memref<!tpu.dma_semaphore, #tpu.memory_space<semaphore_mem>>) src(%dma_wait3A_407 : memref<640x128xf32, #tpu.memory_space<vmem_shared>>) dst(%dma_wait3A_405 : memref<640x128xf32, #tpu.memory_space<hbm>>)
      tpu.yield
    }) : () -> ()
    return
  }
}

#map = affine_map<(d0, d1) -> (0)>
#map1 = affine_map<(d0, d1) -> (0, 0)>
#map2 = affine_map<(d0, d1) -> (0, 0, 0)>
module attributes {stable_mosaic.version = 14 : i64} {
  func.func @_sc_aggregate(%arg0: i32, %arg1: i32, %arg2: memref<320000xi32, #tpu.memory_space<hbm>>, %arg3: memref<320000xi32, #tpu.memory_space<hbm>>, %arg4: memref<10240x128xf32, #tpu.memory_space<hbm>>, %arg5: memref<640x128xf32, #tpu.memory_space<hbm>>, %arg6: memref<2x10240x128xf32, #tpu.memory_space<hbm>>, %arg7: memref<2x104xi32, #tpu.memory_space<vmem>>, %arg8: memref<2x104xi32, #tpu.memory_space<vmem>>, %arg9: memref<2x104xi32, #tpu.memory_space<vmem>>, %arg10: memref<2x104xi32, #tpu.memory_space<vmem>>, %arg11: memref<2x104xi32, #tpu.memory_space<vmem>>, %arg12: memref<2x104xi32, #tpu.memory_space<vmem>>, %arg13: memref<104x128xf32, #tpu.memory_space<vmem>>, %arg14: memref<104x128xf32, #tpu.memory_space<vmem>>, %arg15: memref<104x128xf32, #tpu.memory_space<vmem>>, %arg16: memref<2x16xi32, #tpu.memory_space<vmem>>, %arg17: memref<16x128xf32, #tpu.memory_space<vmem>>, %arg18: memref<10240x128xf32, #tpu.memory_space<vmem_shared>>, %arg19: memref<!tpu.dma_semaphore, #tpu.memory_space<semaphore_mem>>, %arg20: memref<!tpu.dma_semaphore, #tpu.memory_space<semaphore_mem>>, %arg21: memref<!tpu.dma_semaphore, #tpu.memory_space<semaphore_mem>>, %arg22: memref<!tpu.dma_semaphore, #tpu.memory_space<semaphore_mem>>, %arg23: memref<!tpu.dma_semaphore, #tpu.memory_space<semaphore_mem>>, %arg24: memref<!tpu.dma_semaphore, #tpu.memory_space<semaphore_mem>>, %arg25: memref<!tpu.dma_semaphore, #tpu.memory_space<semaphore_mem>>, %arg26: memref<!tpu.dma_semaphore, #tpu.memory_space<semaphore_mem>>, %arg27: memref<!tpu.dma_semaphore, #tpu.memory_space<semaphore_mem>>, %arg28: memref<!tpu.dma_semaphore, #tpu.memory_space<semaphore_mem>>, %arg29: memref<!tpu.dma_semaphore, #tpu.memory_space<semaphore_mem>>, %arg30: memref<!tpu.dma_semaphore, #tpu.memory_space<semaphore_mem>>) attributes {dimension_semantics = [#tpu.dimension_semantics<core_parallel>, #tpu.dimension_semantics<subcore_parallel>], iteration_bounds = array<i64: 2, 16>, scalar_prefetch = 0 : i64, scratch_operands = 24 : i64, tpu.core_type = #tpu.core_type<sc_vector_subcore>, window_params = [{transform_indices = #map}, {transform_indices = #map}, {transform_indices = #map1}, {transform_indices = #map1}, {transform_indices = #map2}]} {
    %mul3A = arith.constant 640 : i32
    %mul3A_0 = arith.muli %arg1, %mul3A : i32
    %mul3A_1 = arith.constant 16 : i32
    %mul3A_2 = arith.muli %arg0, %mul3A_1 : i32
    %add3A = arith.addi %mul3A_2, %arg1 : i32
    %mul3A_3 = arith.constant 10000 : i32
    %mul3A_4 = arith.muli %add3A, %mul3A_3 : i32
    %add3A_5 = arith.constant 0 : i32
    %add3A_6 = arith.addi %mul3A_4, %add3A_5 : i32
    %dma_start3A = arith.constant 0 : i32
    %dma_start3A_7 = arith.constant 0 : i32
    %dma_start3A_8 = tpu.memref_slice %arg7[%dma_start3A, %dma_start3A_7] : memref<2x104xi32, #tpu.memory_space<vmem>> -> memref<1x104xi32, #tpu.memory_space<vmem>>
    %dma_start3A_9 = tpu.memref_squeeze %dma_start3A_8 : memref<1x104xi32, #tpu.memory_space<vmem>> -> memref<104xi32, #tpu.memory_space<vmem>>
    %dma_start3A_10 = tpu.memref_slice %arg2[%add3A_6] : memref<320000xi32, #tpu.memory_space<hbm>> -> memref<104xi32, #tpu.memory_space<hbm>>
    %dma_start3A_11 = arith.constant 0 : i32
    %dma_start3A_12 = tpu.memref_slice %arg7[%dma_start3A, %dma_start3A_11] : memref<2x104xi32, #tpu.memory_space<vmem>> -> memref<1x104xi32, #tpu.memory_space<vmem>>
    %dma_start3A_13 = tpu.memref_squeeze %dma_start3A_12 : memref<1x104xi32, #tpu.memory_space<vmem>> -> memref<104xi32, #tpu.memory_space<vmem>>
    %dma_start3A_14 = tpu.memref_slice %arg2[%add3A_6] : memref<320000xi32, #tpu.memory_space<hbm>> -> memref<104xi32, #tpu.memory_space<hbm>>
    tpu.enqueue_dma source(%dma_start3A_14 : memref<104xi32, #tpu.memory_space<hbm>>) target(%dma_start3A_13 : memref<104xi32, #tpu.memory_space<vmem>>) target_semaphore(%arg19 : memref<!tpu.dma_semaphore, #tpu.memory_space<semaphore_mem>>)
    %dma_start3A_15 = arith.constant 1 : i32
    %dma_start3A_16 = arith.constant 0 : i32
    %dma_start3A_17 = tpu.memref_slice %arg7[%dma_start3A_15, %dma_start3A_16] : memref<2x104xi32, #tpu.memory_space<vmem>> -> memref<1x104xi32, #tpu.memory_space<vmem>>
    %dma_start3A_18 = tpu.memref_squeeze %dma_start3A_17 : memref<1x104xi32, #tpu.memory_space<vmem>> -> memref<104xi32, #tpu.memory_space<vmem>>
    %dma_start3A_19 = tpu.memref_slice %arg3[%add3A_6] : memref<320000xi32, #tpu.memory_space<hbm>> -> memref<104xi32, #tpu.memory_space<hbm>>
    %dma_start3A_20 = arith.constant 0 : i32
    %dma_start3A_21 = tpu.memref_slice %arg7[%dma_start3A_15, %dma_start3A_20] : memref<2x104xi32, #tpu.memory_space<vmem>> -> memref<1x104xi32, #tpu.memory_space<vmem>>
    %dma_start3A_22 = tpu.memref_squeeze %dma_start3A_21 : memref<1x104xi32, #tpu.memory_space<vmem>> -> memref<104xi32, #tpu.memory_space<vmem>>
    %dma_start3A_23 = tpu.memref_slice %arg3[%add3A_6] : memref<320000xi32, #tpu.memory_space<hbm>> -> memref<104xi32, #tpu.memory_space<hbm>>
    tpu.enqueue_dma source(%dma_start3A_23 : memref<104xi32, #tpu.memory_space<hbm>>) target(%dma_start3A_22 : memref<104xi32, #tpu.memory_space<vmem>>) target_semaphore(%arg19 : memref<!tpu.dma_semaphore, #tpu.memory_space<semaphore_mem>>)
    %add3A_24 = arith.constant 104 : i32
    %add3A_25 = arith.addi %mul3A_4, %add3A_24 : i32
    %dma_start3A_26 = arith.constant 0 : i32
    %dma_start3A_27 = arith.constant 0 : i32
    %dma_start3A_28 = tpu.memref_slice %arg8[%dma_start3A_26, %dma_start3A_27] : memref<2x104xi32, #tpu.memory_space<vmem>> -> memref<1x104xi32, #tpu.memory_space<vmem>>
    %dma_start3A_29 = tpu.memref_squeeze %dma_start3A_28 : memref<1x104xi32, #tpu.memory_space<vmem>> -> memref<104xi32, #tpu.memory_space<vmem>>
    %dma_start3A_30 = tpu.memref_slice %arg2[%add3A_25] : memref<320000xi32, #tpu.memory_space<hbm>> -> memref<104xi32, #tpu.memory_space<hbm>>
    %dma_start3A_31 = arith.constant 0 : i32
    %dma_start3A_32 = tpu.memref_slice %arg8[%dma_start3A_26, %dma_start3A_31] : memref<2x104xi32, #tpu.memory_space<vmem>> -> memref<1x104xi32, #tpu.memory_space<vmem>>
    %dma_start3A_33 = tpu.memref_squeeze %dma_start3A_32 : memref<1x104xi32, #tpu.memory_space<vmem>> -> memref<104xi32, #tpu.memory_space<vmem>>
    %dma_start3A_34 = tpu.memref_slice %arg2[%add3A_25] : memref<320000xi32, #tpu.memory_space<hbm>> -> memref<104xi32, #tpu.memory_space<hbm>>
    tpu.enqueue_dma source(%dma_start3A_34 : memref<104xi32, #tpu.memory_space<hbm>>) target(%dma_start3A_33 : memref<104xi32, #tpu.memory_space<vmem>>) target_semaphore(%arg20 : memref<!tpu.dma_semaphore, #tpu.memory_space<semaphore_mem>>)
    %dma_start3A_35 = arith.constant 1 : i32
    %dma_start3A_36 = arith.constant 0 : i32
    %dma_start3A_37 = tpu.memref_slice %arg8[%dma_start3A_35, %dma_start3A_36] : memref<2x104xi32, #tpu.memory_space<vmem>> -> memref<1x104xi32, #tpu.memory_space<vmem>>
    %dma_start3A_38 = tpu.memref_squeeze %dma_start3A_37 : memref<1x104xi32, #tpu.memory_space<vmem>> -> memref<104xi32, #tpu.memory_space<vmem>>
    %dma_start3A_39 = tpu.memref_slice %arg3[%add3A_25] : memref<320000xi32, #tpu.memory_space<hbm>> -> memref<104xi32, #tpu.memory_space<hbm>>
    %dma_start3A_40 = arith.constant 0 : i32
    %dma_start3A_41 = tpu.memref_slice %arg8[%dma_start3A_35, %dma_start3A_40] : memref<2x104xi32, #tpu.memory_space<vmem>> -> memref<1x104xi32, #tpu.memory_space<vmem>>
    %dma_start3A_42 = tpu.memref_squeeze %dma_start3A_41 : memref<1x104xi32, #tpu.memory_space<vmem>> -> memref<104xi32, #tpu.memory_space<vmem>>
    %dma_start3A_43 = tpu.memref_slice %arg3[%add3A_25] : memref<320000xi32, #tpu.memory_space<hbm>> -> memref<104xi32, #tpu.memory_space<hbm>>
    tpu.enqueue_dma source(%dma_start3A_43 : memref<104xi32, #tpu.memory_space<hbm>>) target(%dma_start3A_42 : memref<104xi32, #tpu.memory_space<vmem>>) target_semaphore(%arg20 : memref<!tpu.dma_semaphore, #tpu.memory_space<semaphore_mem>>)
    %add3A_44 = arith.constant 208 : i32
    %add3A_45 = arith.addi %mul3A_4, %add3A_44 : i32
    %dma_start3A_46 = arith.constant 0 : i32
    %dma_start3A_47 = arith.constant 0 : i32
    %dma_start3A_48 = tpu.memref_slice %arg9[%dma_start3A_46, %dma_start3A_47] : memref<2x104xi32, #tpu.memory_space<vmem>> -> memref<1x104xi32, #tpu.memory_space<vmem>>
    %dma_start3A_49 = tpu.memref_squeeze %dma_start3A_48 : memref<1x104xi32, #tpu.memory_space<vmem>> -> memref<104xi32, #tpu.memory_space<vmem>>
    %dma_start3A_50 = tpu.memref_slice %arg2[%add3A_45] : memref<320000xi32, #tpu.memory_space<hbm>> -> memref<104xi32, #tpu.memory_space<hbm>>
    %dma_start3A_51 = arith.constant 0 : i32
    %dma_start3A_52 = tpu.memref_slice %arg9[%dma_start3A_46, %dma_start3A_51] : memref<2x104xi32, #tpu.memory_space<vmem>> -> memref<1x104xi32, #tpu.memory_space<vmem>>
    %dma_start3A_53 = tpu.memref_squeeze %dma_start3A_52 : memref<1x104xi32, #tpu.memory_space<vmem>> -> memref<104xi32, #tpu.memory_space<vmem>>
    %dma_start3A_54 = tpu.memref_slice %arg2[%add3A_45] : memref<320000xi32, #tpu.memory_space<hbm>> -> memref<104xi32, #tpu.memory_space<hbm>>
    tpu.enqueue_dma source(%dma_start3A_54 : memref<104xi32, #tpu.memory_space<hbm>>) target(%dma_start3A_53 : memref<104xi32, #tpu.memory_space<vmem>>) target_semaphore(%arg21 : memref<!tpu.dma_semaphore, #tpu.memory_space<semaphore_mem>>)
    %dma_start3A_55 = arith.constant 1 : i32
    %dma_start3A_56 = arith.constant 0 : i32
    %dma_start3A_57 = tpu.memref_slice %arg9[%dma_start3A_55, %dma_start3A_56] : memref<2x104xi32, #tpu.memory_space<vmem>> -> memref<1x104xi32, #tpu.memory_space<vmem>>
    %dma_start3A_58 = tpu.memref_squeeze %dma_start3A_57 : memref<1x104xi32, #tpu.memory_space<vmem>> -> memref<104xi32, #tpu.memory_space<vmem>>
    %dma_start3A_59 = tpu.memref_slice %arg3[%add3A_45] : memref<320000xi32, #tpu.memory_space<hbm>> -> memref<104xi32, #tpu.memory_space<hbm>>
    %dma_start3A_60 = arith.constant 0 : i32
    %dma_start3A_61 = tpu.memref_slice %arg9[%dma_start3A_55, %dma_start3A_60] : memref<2x104xi32, #tpu.memory_space<vmem>> -> memref<1x104xi32, #tpu.memory_space<vmem>>
    %dma_start3A_62 = tpu.memref_squeeze %dma_start3A_61 : memref<1x104xi32, #tpu.memory_space<vmem>> -> memref<104xi32, #tpu.memory_space<vmem>>
    %dma_start3A_63 = tpu.memref_slice %arg3[%add3A_45] : memref<320000xi32, #tpu.memory_space<hbm>> -> memref<104xi32, #tpu.memory_space<hbm>>
    tpu.enqueue_dma source(%dma_start3A_63 : memref<104xi32, #tpu.memory_space<hbm>>) target(%dma_start3A_62 : memref<104xi32, #tpu.memory_space<vmem>>) target_semaphore(%arg21 : memref<!tpu.dma_semaphore, #tpu.memory_space<semaphore_mem>>)
    %add3A_64 = arith.constant 312 : i32
    %add3A_65 = arith.addi %mul3A_4, %add3A_64 : i32
    %dma_start3A_66 = arith.constant 0 : i32
    %dma_start3A_67 = arith.constant 0 : i32
    %dma_start3A_68 = tpu.memref_slice %arg10[%dma_start3A_66, %dma_start3A_67] : memref<2x104xi32, #tpu.memory_space<vmem>> -> memref<1x104xi32, #tpu.memory_space<vmem>>
    %dma_start3A_69 = tpu.memref_squeeze %dma_start3A_68 : memref<1x104xi32, #tpu.memory_space<vmem>> -> memref<104xi32, #tpu.memory_space<vmem>>
    %dma_start3A_70 = tpu.memref_slice %arg2[%add3A_65] : memref<320000xi32, #tpu.memory_space<hbm>> -> memref<104xi32, #tpu.memory_space<hbm>>
    %dma_start3A_71 = arith.constant 0 : i32
    %dma_start3A_72 = tpu.memref_slice %arg10[%dma_start3A_66, %dma_start3A_71] : memref<2x104xi32, #tpu.memory_space<vmem>> -> memref<1x104xi32, #tpu.memory_space<vmem>>
    %dma_start3A_73 = tpu.memref_squeeze %dma_start3A_72 : memref<1x104xi32, #tpu.memory_space<vmem>> -> memref<104xi32, #tpu.memory_space<vmem>>
    %dma_start3A_74 = tpu.memref_slice %arg2[%add3A_65] : memref<320000xi32, #tpu.memory_space<hbm>> -> memref<104xi32, #tpu.memory_space<hbm>>
    tpu.enqueue_dma source(%dma_start3A_74 : memref<104xi32, #tpu.memory_space<hbm>>) target(%dma_start3A_73 : memref<104xi32, #tpu.memory_space<vmem>>) target_semaphore(%arg22 : memref<!tpu.dma_semaphore, #tpu.memory_space<semaphore_mem>>)
    %dma_start3A_75 = arith.constant 1 : i32
    %dma_start3A_76 = arith.constant 0 : i32
    %dma_start3A_77 = tpu.memref_slice %arg10[%dma_start3A_75, %dma_start3A_76] : memref<2x104xi32, #tpu.memory_space<vmem>> -> memref<1x104xi32, #tpu.memory_space<vmem>>
    %dma_start3A_78 = tpu.memref_squeeze %dma_start3A_77 : memref<1x104xi32, #tpu.memory_space<vmem>> -> memref<104xi32, #tpu.memory_space<vmem>>
    %dma_start3A_79 = tpu.memref_slice %arg3[%add3A_65] : memref<320000xi32, #tpu.memory_space<hbm>> -> memref<104xi32, #tpu.memory_space<hbm>>
    %dma_start3A_80 = arith.constant 0 : i32
    %dma_start3A_81 = tpu.memref_slice %arg10[%dma_start3A_75, %dma_start3A_80] : memref<2x104xi32, #tpu.memory_space<vmem>> -> memref<1x104xi32, #tpu.memory_space<vmem>>
    %dma_start3A_82 = tpu.memref_squeeze %dma_start3A_81 : memref<1x104xi32, #tpu.memory_space<vmem>> -> memref<104xi32, #tpu.memory_space<vmem>>
    %dma_start3A_83 = tpu.memref_slice %arg3[%add3A_65] : memref<320000xi32, #tpu.memory_space<hbm>> -> memref<104xi32, #tpu.memory_space<hbm>>
    tpu.enqueue_dma source(%dma_start3A_83 : memref<104xi32, #tpu.memory_space<hbm>>) target(%dma_start3A_82 : memref<104xi32, #tpu.memory_space<vmem>>) target_semaphore(%arg22 : memref<!tpu.dma_semaphore, #tpu.memory_space<semaphore_mem>>)
    %add3A_84 = arith.constant 416 : i32
    %add3A_85 = arith.addi %mul3A_4, %add3A_84 : i32
    %dma_start3A_86 = arith.constant 0 : i32
    %dma_start3A_87 = arith.constant 0 : i32
    %dma_start3A_88 = tpu.memref_slice %arg11[%dma_start3A_86, %dma_start3A_87] : memref<2x104xi32, #tpu.memory_space<vmem>> -> memref<1x104xi32, #tpu.memory_space<vmem>>
    %dma_start3A_89 = tpu.memref_squeeze %dma_start3A_88 : memref<1x104xi32, #tpu.memory_space<vmem>> -> memref<104xi32, #tpu.memory_space<vmem>>
    %dma_start3A_90 = tpu.memref_slice %arg2[%add3A_85] : memref<320000xi32, #tpu.memory_space<hbm>> -> memref<104xi32, #tpu.memory_space<hbm>>
    %dma_start3A_91 = arith.constant 0 : i32
    %dma_start3A_92 = tpu.memref_slice %arg11[%dma_start3A_86, %dma_start3A_91] : memref<2x104xi32, #tpu.memory_space<vmem>> -> memref<1x104xi32, #tpu.memory_space<vmem>>
    %dma_start3A_93 = tpu.memref_squeeze %dma_start3A_92 : memref<1x104xi32, #tpu.memory_space<vmem>> -> memref<104xi32, #tpu.memory_space<vmem>>
    %dma_start3A_94 = tpu.memref_slice %arg2[%add3A_85] : memref<320000xi32, #tpu.memory_space<hbm>> -> memref<104xi32, #tpu.memory_space<hbm>>
    tpu.enqueue_dma source(%dma_start3A_94 : memref<104xi32, #tpu.memory_space<hbm>>) target(%dma_start3A_93 : memref<104xi32, #tpu.memory_space<vmem>>) target_semaphore(%arg23 : memref<!tpu.dma_semaphore, #tpu.memory_space<semaphore_mem>>)
    %dma_start3A_95 = arith.constant 1 : i32
    %dma_start3A_96 = arith.constant 0 : i32
    %dma_start3A_97 = tpu.memref_slice %arg11[%dma_start3A_95, %dma_start3A_96] : memref<2x104xi32, #tpu.memory_space<vmem>> -> memref<1x104xi32, #tpu.memory_space<vmem>>
    %dma_start3A_98 = tpu.memref_squeeze %dma_start3A_97 : memref<1x104xi32, #tpu.memory_space<vmem>> -> memref<104xi32, #tpu.memory_space<vmem>>
    %dma_start3A_99 = tpu.memref_slice %arg3[%add3A_85] : memref<320000xi32, #tpu.memory_space<hbm>> -> memref<104xi32, #tpu.memory_space<hbm>>
    %dma_start3A_100 = arith.constant 0 : i32
    %dma_start3A_101 = tpu.memref_slice %arg11[%dma_start3A_95, %dma_start3A_100] : memref<2x104xi32, #tpu.memory_space<vmem>> -> memref<1x104xi32, #tpu.memory_space<vmem>>
    %dma_start3A_102 = tpu.memref_squeeze %dma_start3A_101 : memref<1x104xi32, #tpu.memory_space<vmem>> -> memref<104xi32, #tpu.memory_space<vmem>>
    %dma_start3A_103 = tpu.memref_slice %arg3[%add3A_85] : memref<320000xi32, #tpu.memory_space<hbm>> -> memref<104xi32, #tpu.memory_space<hbm>>
    tpu.enqueue_dma source(%dma_start3A_103 : memref<104xi32, #tpu.memory_space<hbm>>) target(%dma_start3A_102 : memref<104xi32, #tpu.memory_space<vmem>>) target_semaphore(%arg23 : memref<!tpu.dma_semaphore, #tpu.memory_space<semaphore_mem>>)
    %add3A_104 = arith.constant 520 : i32
    %add3A_105 = arith.addi %mul3A_4, %add3A_104 : i32
    %dma_start3A_106 = arith.constant 0 : i32
    %dma_start3A_107 = arith.constant 0 : i32
    %dma_start3A_108 = tpu.memref_slice %arg12[%dma_start3A_106, %dma_start3A_107] : memref<2x104xi32, #tpu.memory_space<vmem>> -> memref<1x104xi32, #tpu.memory_space<vmem>>
    %dma_start3A_109 = tpu.memref_squeeze %dma_start3A_108 : memref<1x104xi32, #tpu.memory_space<vmem>> -> memref<104xi32, #tpu.memory_space<vmem>>
    %dma_start3A_110 = tpu.memref_slice %arg2[%add3A_105] : memref<320000xi32, #tpu.memory_space<hbm>> -> memref<104xi32, #tpu.memory_space<hbm>>
    %dma_start3A_111 = arith.constant 0 : i32
    %dma_start3A_112 = tpu.memref_slice %arg12[%dma_start3A_106, %dma_start3A_111] : memref<2x104xi32, #tpu.memory_space<vmem>> -> memref<1x104xi32, #tpu.memory_space<vmem>>
    %dma_start3A_113 = tpu.memref_squeeze %dma_start3A_112 : memref<1x104xi32, #tpu.memory_space<vmem>> -> memref<104xi32, #tpu.memory_space<vmem>>
    %dma_start3A_114 = tpu.memref_slice %arg2[%add3A_105] : memref<320000xi32, #tpu.memory_space<hbm>> -> memref<104xi32, #tpu.memory_space<hbm>>
    tpu.enqueue_dma source(%dma_start3A_114 : memref<104xi32, #tpu.memory_space<hbm>>) target(%dma_start3A_113 : memref<104xi32, #tpu.memory_space<vmem>>) target_semaphore(%arg24 : memref<!tpu.dma_semaphore, #tpu.memory_space<semaphore_mem>>)
    %dma_start3A_115 = arith.constant 1 : i32
    %dma_start3A_116 = arith.constant 0 : i32
    %dma_start3A_117 = tpu.memref_slice %arg12[%dma_start3A_115, %dma_start3A_116] : memref<2x104xi32, #tpu.memory_space<vmem>> -> memref<1x104xi32, #tpu.memory_space<vmem>>
    %dma_start3A_118 = tpu.memref_squeeze %dma_start3A_117 : memref<1x104xi32, #tpu.memory_space<vmem>> -> memref<104xi32, #tpu.memory_space<vmem>>
    %dma_start3A_119 = tpu.memref_slice %arg3[%add3A_105] : memref<320000xi32, #tpu.memory_space<hbm>> -> memref<104xi32, #tpu.memory_space<hbm>>
    %dma_start3A_120 = arith.constant 0 : i32
    %dma_start3A_121 = tpu.memref_slice %arg12[%dma_start3A_115, %dma_start3A_120] : memref<2x104xi32, #tpu.memory_space<vmem>> -> memref<1x104xi32, #tpu.memory_space<vmem>>
    %dma_start3A_122 = tpu.memref_squeeze %dma_start3A_121 : memref<1x104xi32, #tpu.memory_space<vmem>> -> memref<104xi32, #tpu.memory_space<vmem>>
    %dma_start3A_123 = tpu.memref_slice %arg3[%add3A_105] : memref<320000xi32, #tpu.memory_space<hbm>> -> memref<104xi32, #tpu.memory_space<hbm>>
    tpu.enqueue_dma source(%dma_start3A_123 : memref<104xi32, #tpu.memory_space<hbm>>) target(%dma_start3A_122 : memref<104xi32, #tpu.memory_space<vmem>>) target_semaphore(%arg24 : memref<!tpu.dma_semaphore, #tpu.memory_space<semaphore_mem>>)
    "tpu.region"() ({
      %run_scoped3A_397 = tpu.sem_alloc : memref<!tpu.dma_semaphore, #tpu.memory_space<semaphore_mem>>
      %dma_start3A_398 = arith.constant 0 : i32
      %dma_start3A_399 = tpu.memref_slice %arg18[%mul3A_0, %dma_start3A_398] : memref<10240x128xf32, #tpu.memory_space<vmem_shared>> -> memref<640x128xf32, #tpu.memory_space<vmem_shared>>
      tpu.enqueue_dma source(%arg5 : memref<640x128xf32, #tpu.memory_space<hbm>>) target(%dma_start3A_399 : memref<640x128xf32, #tpu.memory_space<vmem_shared>>) target_semaphore(%run_scoped3A_397 : memref<!tpu.dma_semaphore, #tpu.memory_space<semaphore_mem>>)
      %dma_wait3A_400 = arith.constant 0 : i32
      %dma_wait3A_401 = tpu.memref_slice %arg18[%mul3A_0, %dma_wait3A_400] : memref<10240x128xf32, #tpu.memory_space<vmem_shared>> -> memref<640x128xf32, #tpu.memory_space<vmem_shared>>
      tpu.wait_dma2 semaphore(%run_scoped3A_397 : memref<!tpu.dma_semaphore, #tpu.memory_space<semaphore_mem>>) src(%arg5 : memref<640x128xf32, #tpu.memory_space<hbm>>) dst(%dma_wait3A_401 : memref<640x128xf32, #tpu.memory_space<vmem_shared>>)
      tpu.yield
    }) : () -> ()
    %dma_wait3A = arith.constant 0 : i32
    %dma_wait3A_124 = arith.constant 0 : i32
    %dma_wait3A_125 = tpu.memref_slice %arg7[%dma_wait3A, %dma_wait3A_124] : memref<2x104xi32, #tpu.memory_space<vmem>> -> memref<1x104xi32, #tpu.memory_space<vmem>>
    %dma_wait3A_126 = tpu.memref_squeeze %dma_wait3A_125 : memref<1x104xi32, #tpu.memory_space<vmem>> -> memref<104xi32, #tpu.memory_space<vmem>>
    %dma_wait3A_127 = tpu.memref_slice %arg2[%mul3A_4] : memref<320000xi32, #tpu.memory_space<hbm>> -> memref<104xi32, #tpu.memory_space<hbm>>
    %dma_wait3A_128 = arith.constant 0 : i32
    %dma_wait3A_129 = tpu.memref_slice %arg7[%dma_wait3A, %dma_wait3A_128] : memref<2x104xi32, #tpu.memory_space<vmem>> -> memref<1x104xi32, #tpu.memory_space<vmem>>
    %dma_wait3A_130 = tpu.memref_squeeze %dma_wait3A_129 : memref<1x104xi32, #tpu.memory_space<vmem>> -> memref<104xi32, #tpu.memory_space<vmem>>
    %dma_wait3A_131 = tpu.memref_slice %arg2[%mul3A_4] : memref<320000xi32, #tpu.memory_space<hbm>> -> memref<104xi32, #tpu.memory_space<hbm>>
    tpu.wait_dma2 semaphore(%arg19 : memref<!tpu.dma_semaphore, #tpu.memory_space<semaphore_mem>>) src(%dma_wait3A_131 : memref<104xi32, #tpu.memory_space<hbm>>) dst(%dma_wait3A_130 : memref<104xi32, #tpu.memory_space<vmem>>)
    %dma_wait3A_132 = arith.constant 1 : i32
    %dma_wait3A_133 = arith.constant 0 : i32
    %dma_wait3A_134 = tpu.memref_slice %arg7[%dma_wait3A_132, %dma_wait3A_133] : memref<2x104xi32, #tpu.memory_space<vmem>> -> memref<1x104xi32, #tpu.memory_space<vmem>>
    %dma_wait3A_135 = tpu.memref_squeeze %dma_wait3A_134 : memref<1x104xi32, #tpu.memory_space<vmem>> -> memref<104xi32, #tpu.memory_space<vmem>>
    %dma_wait3A_136 = tpu.memref_slice %arg3[%mul3A_4] : memref<320000xi32, #tpu.memory_space<hbm>> -> memref<104xi32, #tpu.memory_space<hbm>>
    %dma_wait3A_137 = arith.constant 0 : i32
    %dma_wait3A_138 = tpu.memref_slice %arg7[%dma_wait3A_132, %dma_wait3A_137] : memref<2x104xi32, #tpu.memory_space<vmem>> -> memref<1x104xi32, #tpu.memory_space<vmem>>
    %dma_wait3A_139 = tpu.memref_squeeze %dma_wait3A_138 : memref<1x104xi32, #tpu.memory_space<vmem>> -> memref<104xi32, #tpu.memory_space<vmem>>
    %dma_wait3A_140 = tpu.memref_slice %arg3[%mul3A_4] : memref<320000xi32, #tpu.memory_space<hbm>> -> memref<104xi32, #tpu.memory_space<hbm>>
    tpu.wait_dma2 semaphore(%arg19 : memref<!tpu.dma_semaphore, #tpu.memory_space<semaphore_mem>>) src(%dma_wait3A_140 : memref<104xi32, #tpu.memory_space<hbm>>) dst(%dma_wait3A_139 : memref<104xi32, #tpu.memory_space<vmem>>)
    %dma_start3A_141 = arith.constant 1 : i32
    %dma_start3A_142 = arith.constant 0 : i32
    %dma_start3A_143 = tpu.memref_slice %arg7[%dma_start3A_141, %dma_start3A_142] : memref<2x104xi32, #tpu.memory_space<vmem>> -> memref<1x104xi32, #tpu.memory_space<vmem>>
    %dma_start3A_144 = tpu.memref_squeeze %dma_start3A_143 : memref<1x104xi32, #tpu.memory_space<vmem>> -> memref<104xi32, #tpu.memory_space<vmem>>
    %dma_start3A_145 = arith.constant 0 : i32
    %dma_start3A_146 = arith.constant 0 : i32
    %dma_start3A_147 = tpu.memref_slice %arg4[%dma_start3A_145, %dma_start3A_146] : memref<10240x128xf32, #tpu.memory_space<hbm>> -> memref<10240x128xf32, #tpu.memory_space<hbm>>
    tpu.enqueue_indirect_dma source(%dma_start3A_147 : memref<10240x128xf32, #tpu.memory_space<hbm>>) target(%arg13 : memref<104x128xf32, #tpu.memory_space<vmem>>) offsets(%dma_start3A_144 : memref<104xi32, #tpu.memory_space<vmem>>) semaphore(%arg25 : memref<!tpu.dma_semaphore, #tpu.memory_space<semaphore_mem>>)
    %dma_wait3A_148 = arith.constant 0 : i32
    %dma_wait3A_149 = arith.constant 0 : i32
    %dma_wait3A_150 = tpu.memref_slice %arg8[%dma_wait3A_148, %dma_wait3A_149] : memref<2x104xi32, #tpu.memory_space<vmem>> -> memref<1x104xi32, #tpu.memory_space<vmem>>
    %dma_wait3A_151 = tpu.memref_squeeze %dma_wait3A_150 : memref<1x104xi32, #tpu.memory_space<vmem>> -> memref<104xi32, #tpu.memory_space<vmem>>
    %dma_wait3A_152 = tpu.memref_slice %arg2[%mul3A_4] : memref<320000xi32, #tpu.memory_space<hbm>> -> memref<104xi32, #tpu.memory_space<hbm>>
    %dma_wait3A_153 = arith.constant 0 : i32
    %dma_wait3A_154 = tpu.memref_slice %arg8[%dma_wait3A_148, %dma_wait3A_153] : memref<2x104xi32, #tpu.memory_space<vmem>> -> memref<1x104xi32, #tpu.memory_space<vmem>>
    %dma_wait3A_155 = tpu.memref_squeeze %dma_wait3A_154 : memref<1x104xi32, #tpu.memory_space<vmem>> -> memref<104xi32, #tpu.memory_space<vmem>>
    %dma_wait3A_156 = tpu.memref_slice %arg2[%mul3A_4] : memref<320000xi32, #tpu.memory_space<hbm>> -> memref<104xi32, #tpu.memory_space<hbm>>
    tpu.wait_dma2 semaphore(%arg20 : memref<!tpu.dma_semaphore, #tpu.memory_space<semaphore_mem>>) src(%dma_wait3A_156 : memref<104xi32, #tpu.memory_space<hbm>>) dst(%dma_wait3A_155 : memref<104xi32, #tpu.memory_space<vmem>>)
    %dma_wait3A_157 = arith.constant 1 : i32
    %dma_wait3A_158 = arith.constant 0 : i32
    %dma_wait3A_159 = tpu.memref_slice %arg8[%dma_wait3A_157, %dma_wait3A_158] : memref<2x104xi32, #tpu.memory_space<vmem>> -> memref<1x104xi32, #tpu.memory_space<vmem>>
    %dma_wait3A_160 = tpu.memref_squeeze %dma_wait3A_159 : memref<1x104xi32, #tpu.memory_space<vmem>> -> memref<104xi32, #tpu.memory_space<vmem>>
    %dma_wait3A_161 = tpu.memref_slice %arg3[%mul3A_4] : memref<320000xi32, #tpu.memory_space<hbm>> -> memref<104xi32, #tpu.memory_space<hbm>>
    %dma_wait3A_162 = arith.constant 0 : i32
    %dma_wait3A_163 = tpu.memref_slice %arg8[%dma_wait3A_157, %dma_wait3A_162] : memref<2x104xi32, #tpu.memory_space<vmem>> -> memref<1x104xi32, #tpu.memory_space<vmem>>
    %dma_wait3A_164 = tpu.memref_squeeze %dma_wait3A_163 : memref<1x104xi32, #tpu.memory_space<vmem>> -> memref<104xi32, #tpu.memory_space<vmem>>
    %dma_wait3A_165 = tpu.memref_slice %arg3[%mul3A_4] : memref<320000xi32, #tpu.memory_space<hbm>> -> memref<104xi32, #tpu.memory_space<hbm>>
    tpu.wait_dma2 semaphore(%arg20 : memref<!tpu.dma_semaphore, #tpu.memory_space<semaphore_mem>>) src(%dma_wait3A_165 : memref<104xi32, #tpu.memory_space<hbm>>) dst(%dma_wait3A_164 : memref<104xi32, #tpu.memory_space<vmem>>)
    %dma_start3A_166 = arith.constant 1 : i32
    %dma_start3A_167 = arith.constant 0 : i32
    %dma_start3A_168 = tpu.memref_slice %arg8[%dma_start3A_166, %dma_start3A_167] : memref<2x104xi32, #tpu.memory_space<vmem>> -> memref<1x104xi32, #tpu.memory_space<vmem>>
    %dma_start3A_169 = tpu.memref_squeeze %dma_start3A_168 : memref<1x104xi32, #tpu.memory_space<vmem>> -> memref<104xi32, #tpu.memory_space<vmem>>
    %dma_start3A_170 = arith.constant 0 : i32
    %dma_start3A_171 = arith.constant 0 : i32
    %dma_start3A_172 = tpu.memref_slice %arg4[%dma_start3A_170, %dma_start3A_171] : memref<10240x128xf32, #tpu.memory_space<hbm>> -> memref<10240x128xf32, #tpu.memory_space<hbm>>
    tpu.enqueue_indirect_dma source(%dma_start3A_172 : memref<10240x128xf32, #tpu.memory_space<hbm>>) target(%arg14 : memref<104x128xf32, #tpu.memory_space<vmem>>) offsets(%dma_start3A_169 : memref<104xi32, #tpu.memory_space<vmem>>) semaphore(%arg26 : memref<!tpu.dma_semaphore, #tpu.memory_space<semaphore_mem>>)
    %dma_wait3A_173 = arith.constant 0 : i32
    %dma_wait3A_174 = arith.constant 0 : i32
    %dma_wait3A_175 = tpu.memref_slice %arg9[%dma_wait3A_173, %dma_wait3A_174] : memref<2x104xi32, #tpu.memory_space<vmem>> -> memref<1x104xi32, #tpu.memory_space<vmem>>
    %dma_wait3A_176 = tpu.memref_squeeze %dma_wait3A_175 : memref<1x104xi32, #tpu.memory_space<vmem>> -> memref<104xi32, #tpu.memory_space<vmem>>
    %dma_wait3A_177 = tpu.memref_slice %arg2[%mul3A_4] : memref<320000xi32, #tpu.memory_space<hbm>> -> memref<104xi32, #tpu.memory_space<hbm>>
    %dma_wait3A_178 = arith.constant 0 : i32
    %dma_wait3A_179 = tpu.memref_slice %arg9[%dma_wait3A_173, %dma_wait3A_178] : memref<2x104xi32, #tpu.memory_space<vmem>> -> memref<1x104xi32, #tpu.memory_space<vmem>>
    %dma_wait3A_180 = tpu.memref_squeeze %dma_wait3A_179 : memref<1x104xi32, #tpu.memory_space<vmem>> -> memref<104xi32, #tpu.memory_space<vmem>>
    %dma_wait3A_181 = tpu.memref_slice %arg2[%mul3A_4] : memref<320000xi32, #tpu.memory_space<hbm>> -> memref<104xi32, #tpu.memory_space<hbm>>
    tpu.wait_dma2 semaphore(%arg21 : memref<!tpu.dma_semaphore, #tpu.memory_space<semaphore_mem>>) src(%dma_wait3A_181 : memref<104xi32, #tpu.memory_space<hbm>>) dst(%dma_wait3A_180 : memref<104xi32, #tpu.memory_space<vmem>>)
    %dma_wait3A_182 = arith.constant 1 : i32
    %dma_wait3A_183 = arith.constant 0 : i32
    %dma_wait3A_184 = tpu.memref_slice %arg9[%dma_wait3A_182, %dma_wait3A_183] : memref<2x104xi32, #tpu.memory_space<vmem>> -> memref<1x104xi32, #tpu.memory_space<vmem>>
    %dma_wait3A_185 = tpu.memref_squeeze %dma_wait3A_184 : memref<1x104xi32, #tpu.memory_space<vmem>> -> memref<104xi32, #tpu.memory_space<vmem>>
    %dma_wait3A_186 = tpu.memref_slice %arg3[%mul3A_4] : memref<320000xi32, #tpu.memory_space<hbm>> -> memref<104xi32, #tpu.memory_space<hbm>>
    %dma_wait3A_187 = arith.constant 0 : i32
    %dma_wait3A_188 = tpu.memref_slice %arg9[%dma_wait3A_182, %dma_wait3A_187] : memref<2x104xi32, #tpu.memory_space<vmem>> -> memref<1x104xi32, #tpu.memory_space<vmem>>
    %dma_wait3A_189 = tpu.memref_squeeze %dma_wait3A_188 : memref<1x104xi32, #tpu.memory_space<vmem>> -> memref<104xi32, #tpu.memory_space<vmem>>
    %dma_wait3A_190 = tpu.memref_slice %arg3[%mul3A_4] : memref<320000xi32, #tpu.memory_space<hbm>> -> memref<104xi32, #tpu.memory_space<hbm>>
    tpu.wait_dma2 semaphore(%arg21 : memref<!tpu.dma_semaphore, #tpu.memory_space<semaphore_mem>>) src(%dma_wait3A_190 : memref<104xi32, #tpu.memory_space<hbm>>) dst(%dma_wait3A_189 : memref<104xi32, #tpu.memory_space<vmem>>)
    %dma_start3A_191 = arith.constant 1 : i32
    %dma_start3A_192 = arith.constant 0 : i32
    %dma_start3A_193 = tpu.memref_slice %arg9[%dma_start3A_191, %dma_start3A_192] : memref<2x104xi32, #tpu.memory_space<vmem>> -> memref<1x104xi32, #tpu.memory_space<vmem>>
    %dma_start3A_194 = tpu.memref_squeeze %dma_start3A_193 : memref<1x104xi32, #tpu.memory_space<vmem>> -> memref<104xi32, #tpu.memory_space<vmem>>
    %dma_start3A_195 = arith.constant 0 : i32
    %dma_start3A_196 = arith.constant 0 : i32
    %dma_start3A_197 = tpu.memref_slice %arg4[%dma_start3A_195, %dma_start3A_196] : memref<10240x128xf32, #tpu.memory_space<hbm>> -> memref<10240x128xf32, #tpu.memory_space<hbm>>
    tpu.enqueue_indirect_dma source(%dma_start3A_197 : memref<10240x128xf32, #tpu.memory_space<hbm>>) target(%arg15 : memref<104x128xf32, #tpu.memory_space<vmem>>) offsets(%dma_start3A_194 : memref<104xi32, #tpu.memory_space<vmem>>) semaphore(%arg27 : memref<!tpu.dma_semaphore, #tpu.memory_space<semaphore_mem>>)
    %barrier3A = arith.constant 0 : index
    tpu.barrier barrier_id(%barrier3A)
    %scan3A = arith.constant 0 : i32
    %scan3A_198 = arith.constant 15 : i32
    %scan3A_199 = arith.addi %scan3A, %scan3A_198 : i32
    %scan3A_200 = arith.constant 1 : i32
    scf.for %scan3A_397 = %scan3A to %scan3A_199 step %scan3A_200  : i32 {
      %mul3A_398 = arith.constant 2 : i32
      %mul3A_399 = arith.muli %scan3A_397, %mul3A_398 : i32
      %add3A_400 = arith.constant 0 : i32
      %add3A_401 = arith.addi %add3A_400, %mul3A_399 : i32
      %dma_wait3A_402 = arith.constant 0 : i32
      %dma_wait3A_403 = arith.constant 0 : i32
      %dma_wait3A_404 = tpu.memref_slice %arg4[%dma_wait3A_402, %dma_wait3A_403] : memref<10240x128xf32, #tpu.memory_space<hbm>> -> memref<104x128xf32, #tpu.memory_space<hbm>>
      %dma_wait3A_405 = arith.constant 0 : i32
      %dma_wait3A_406 = arith.constant 0 : i32
      %dma_wait3A_407 = tpu.memref_slice %arg4[%dma_wait3A_405, %dma_wait3A_406] : memref<10240x128xf32, #tpu.memory_space<hbm>> -> memref<104x128xf32, #tpu.memory_space<hbm>>
      tpu.wait_dma2 semaphore(%arg25 : memref<!tpu.dma_semaphore, #tpu.memory_space<semaphore_mem>>) src(%dma_wait3A_407 : memref<104x128xf32, #tpu.memory_space<hbm>>) dst(%arg13 : memref<104x128xf32, #tpu.memory_space<vmem>>)
      %dma_start3A_408 = arith.constant 0 : i32
      %dma_start3A_409 = arith.constant 0 : i32
      %dma_start3A_410 = tpu.memref_slice %arg7[%dma_start3A_408, %dma_start3A_409] : memref<2x104xi32, #tpu.memory_space<vmem>> -> memref<1x104xi32, #tpu.memory_space<vmem>>
      %dma_start3A_411 = tpu.memref_squeeze %dma_start3A_410 : memref<1x104xi32, #tpu.memory_space<vmem>> -> memref<104xi32, #tpu.memory_space<vmem>>
      %dma_start3A_412 = arith.constant 0 : i32
      %dma_start3A_413 = arith.constant 0 : i32
      %dma_start3A_414 = tpu.memref_slice %arg18[%dma_start3A_412, %dma_start3A_413] : memref<10240x128xf32, #tpu.memory_space<vmem_shared>> -> memref<10240x128xf32, #tpu.memory_space<vmem_shared>>
      tpu.enqueue_indirect_dma source(%arg13 : memref<104x128xf32, #tpu.memory_space<vmem>>) target(%dma_start3A_414 : memref<10240x128xf32, #tpu.memory_space<vmem_shared>>) offsets(%dma_start3A_411 : memref<104xi32, #tpu.memory_space<vmem>>) semaphore(%arg28 : memref<!tpu.dma_semaphore, #tpu.memory_space<semaphore_mem>>) {add = true}
      %dma_wait3A_415 = arith.constant 0 : i32
      %dma_wait3A_416 = arith.constant 0 : i32
      %dma_wait3A_417 = tpu.memref_slice %arg4[%dma_wait3A_415, %dma_wait3A_416] : memref<10240x128xf32, #tpu.memory_space<hbm>> -> memref<104x128xf32, #tpu.memory_space<hbm>>
      %dma_wait3A_418 = arith.constant 0 : i32
      %dma_wait3A_419 = arith.constant 0 : i32
      %dma_wait3A_420 = tpu.memref_slice %arg4[%dma_wait3A_418, %dma_wait3A_419] : memref<10240x128xf32, #tpu.memory_space<hbm>> -> memref<104x128xf32, #tpu.memory_space<hbm>>
      tpu.wait_dma2 semaphore(%arg26 : memref<!tpu.dma_semaphore, #tpu.memory_space<semaphore_mem>>) src(%dma_wait3A_420 : memref<104x128xf32, #tpu.memory_space<hbm>>) dst(%arg14 : memref<104x128xf32, #tpu.memory_space<vmem>>)
      %dma_start3A_421 = arith.constant 0 : i32
      %dma_start3A_422 = arith.constant 0 : i32
      %dma_start3A_423 = tpu.memref_slice %arg8[%dma_start3A_421, %dma_start3A_422] : memref<2x104xi32, #tpu.memory_space<vmem>> -> memref<1x104xi32, #tpu.memory_space<vmem>>
      %dma_start3A_424 = tpu.memref_squeeze %dma_start3A_423 : memref<1x104xi32, #tpu.memory_space<vmem>> -> memref<104xi32, #tpu.memory_space<vmem>>
      %dma_start3A_425 = arith.constant 0 : i32
      %dma_start3A_426 = arith.constant 0 : i32
      %dma_start3A_427 = tpu.memref_slice %arg18[%dma_start3A_425, %dma_start3A_426] : memref<10240x128xf32, #tpu.memory_space<vmem_shared>> -> memref<10240x128xf32, #tpu.memory_space<vmem_shared>>
      tpu.enqueue_indirect_dma source(%arg14 : memref<104x128xf32, #tpu.memory_space<vmem>>) target(%dma_start3A_427 : memref<10240x128xf32, #tpu.memory_space<vmem_shared>>) offsets(%dma_start3A_424 : memref<104xi32, #tpu.memory_space<vmem>>) semaphore(%arg29 : memref<!tpu.dma_semaphore, #tpu.memory_space<semaphore_mem>>) {add = true}
      %dma_wait3A_428 = arith.constant 0 : i32
      %dma_wait3A_429 = arith.constant 0 : i32
      %dma_wait3A_430 = tpu.memref_slice %arg4[%dma_wait3A_428, %dma_wait3A_429] : memref<10240x128xf32, #tpu.memory_space<hbm>> -> memref<104x128xf32, #tpu.memory_space<hbm>>
      %dma_wait3A_431 = arith.constant 0 : i32
      %dma_wait3A_432 = arith.constant 0 : i32
      %dma_wait3A_433 = tpu.memref_slice %arg4[%dma_wait3A_431, %dma_wait3A_432] : memref<10240x128xf32, #tpu.memory_space<hbm>> -> memref<104x128xf32, #tpu.memory_space<hbm>>
      tpu.wait_dma2 semaphore(%arg27 : memref<!tpu.dma_semaphore, #tpu.memory_space<semaphore_mem>>) src(%dma_wait3A_433 : memref<104x128xf32, #tpu.memory_space<hbm>>) dst(%arg15 : memref<104x128xf32, #tpu.memory_space<vmem>>)
      %dma_start3A_434 = arith.constant 0 : i32
      %dma_start3A_435 = arith.constant 0 : i32
      %dma_start3A_436 = tpu.memref_slice %arg9[%dma_start3A_434, %dma_start3A_435] : memref<2x104xi32, #tpu.memory_space<vmem>> -> memref<1x104xi32, #tpu.memory_space<vmem>>
      %dma_start3A_437 = tpu.memref_squeeze %dma_start3A_436 : memref<1x104xi32, #tpu.memory_space<vmem>> -> memref<104xi32, #tpu.memory_space<vmem>>
      %dma_start3A_438 = arith.constant 0 : i32
      %dma_start3A_439 = arith.constant 0 : i32
      %dma_start3A_440 = tpu.memref_slice %arg18[%dma_start3A_438, %dma_start3A_439] : memref<10240x128xf32, #tpu.memory_space<vmem_shared>> -> memref<10240x128xf32, #tpu.memory_space<vmem_shared>>
      tpu.enqueue_indirect_dma source(%arg15 : memref<104x128xf32, #tpu.memory_space<vmem>>) target(%dma_start3A_440 : memref<10240x128xf32, #tpu.memory_space<vmem_shared>>) offsets(%dma_start3A_437 : memref<104xi32, #tpu.memory_space<vmem>>) semaphore(%arg30 : memref<!tpu.dma_semaphore, #tpu.memory_space<semaphore_mem>>) {add = true}
      %dma_wait3A_441 = arith.constant 0 : i32
      %dma_wait3A_442 = arith.constant 0 : i32
      %dma_wait3A_443 = tpu.memref_slice %arg18[%dma_wait3A_441, %dma_wait3A_442] : memref<10240x128xf32, #tpu.memory_space<vmem_shared>> -> memref<104x128xf32, #tpu.memory_space<vmem_shared>>
      %dma_wait3A_444 = arith.constant 0 : i32
      %dma_wait3A_445 = arith.constant 0 : i32
      %dma_wait3A_446 = tpu.memref_slice %arg18[%dma_wait3A_444, %dma_wait3A_445] : memref<10240x128xf32, #tpu.memory_space<vmem_shared>> -> memref<104x128xf32, #tpu.memory_space<vmem_shared>>
      tpu.wait_dma2 semaphore(%arg28 : memref<!tpu.dma_semaphore, #tpu.memory_space<semaphore_mem>>) src(%arg13 : memref<104x128xf32, #tpu.memory_space<vmem>>) dst(%dma_wait3A_446 : memref<104x128xf32, #tpu.memory_space<vmem_shared>>)
      %add3A_447 = arith.constant 2 : i32
      %add3A_448 = arith.addi %add3A_401, %add3A_447 : i32
      %mul3A_449 = arith.constant 3 : i32
      %mul3A_450 = arith.muli %add3A_448, %mul3A_449 : i32
      %add3A_451 = arith.constant 0 : i32
      %add3A_452 = arith.addi %mul3A_450, %add3A_451 : i32
      %mul3A_453 = arith.constant 104 : i32
      %mul3A_454 = arith.muli %add3A_452, %mul3A_453 : i32
      %add3A_455 = arith.addi %mul3A_4, %mul3A_454 : i32
      %dma_start3A_456 = arith.constant 0 : i32
      %dma_start3A_457 = arith.constant 0 : i32
      %dma_start3A_458 = tpu.memref_slice %arg7[%dma_start3A_456, %dma_start3A_457] : memref<2x104xi32, #tpu.memory_space<vmem>> -> memref<1x104xi32, #tpu.memory_space<vmem>>
      %dma_start3A_459 = tpu.memref_squeeze %dma_start3A_458 : memref<1x104xi32, #tpu.memory_space<vmem>> -> memref<104xi32, #tpu.memory_space<vmem>>
      %dma_start3A_460 = tpu.memref_slice %arg2[%add3A_455] : memref<320000xi32, #tpu.memory_space<hbm>> -> memref<104xi32, #tpu.memory_space<hbm>>
      %dma_start3A_461 = arith.constant 0 : i32
      %dma_start3A_462 = tpu.memref_slice %arg7[%dma_start3A_456, %dma_start3A_461] : memref<2x104xi32, #tpu.memory_space<vmem>> -> memref<1x104xi32, #tpu.memory_space<vmem>>
      %dma_start3A_463 = tpu.memref_squeeze %dma_start3A_462 : memref<1x104xi32, #tpu.memory_space<vmem>> -> memref<104xi32, #tpu.memory_space<vmem>>
      %dma_start3A_464 = tpu.memref_slice %arg2[%add3A_455] : memref<320000xi32, #tpu.memory_space<hbm>> -> memref<104xi32, #tpu.memory_space<hbm>>
      tpu.enqueue_dma source(%dma_start3A_464 : memref<104xi32, #tpu.memory_space<hbm>>) target(%dma_start3A_463 : memref<104xi32, #tpu.memory_space<vmem>>) target_semaphore(%arg19 : memref<!tpu.dma_semaphore, #tpu.memory_space<semaphore_mem>>)
      %dma_start3A_465 = arith.constant 1 : i32
      %dma_start3A_466 = arith.constant 0 : i32
      %dma_start3A_467 = tpu.memref_slice %arg7[%dma_start3A_465, %dma_start3A_466] : memref<2x104xi32, #tpu.memory_space<vmem>> -> memref<1x104xi32, #tpu.memory_space<vmem>>
      %dma_start3A_468 = tpu.memref_squeeze %dma_start3A_467 : memref<1x104xi32, #tpu.memory_space<vmem>> -> memref<104xi32, #tpu.memory_space<vmem>>
      %dma_start3A_469 = tpu.memref_slice %arg3[%add3A_455] : memref<320000xi32, #tpu.memory_space<hbm>> -> memref<104xi32, #tpu.memory_space<hbm>>
      %dma_start3A_470 = arith.constant 0 : i32
      %dma_start3A_471 = tpu.memref_slice %arg7[%dma_start3A_465, %dma_start3A_470] : memref<2x104xi32, #tpu.memory_space<vmem>> -> memref<1x104xi32, #tpu.memory_space<vmem>>
      %dma_start3A_472 = tpu.memref_squeeze %dma_start3A_471 : memref<1x104xi32, #tpu.memory_space<vmem>> -> memref<104xi32, #tpu.memory_space<vmem>>
      %dma_start3A_473 = tpu.memref_slice %arg3[%add3A_455] : memref<320000xi32, #tpu.memory_space<hbm>> -> memref<104xi32, #tpu.memory_space<hbm>>
      tpu.enqueue_dma source(%dma_start3A_473 : memref<104xi32, #tpu.memory_space<hbm>>) target(%dma_start3A_472 : memref<104xi32, #tpu.memory_space<vmem>>) target_semaphore(%arg19 : memref<!tpu.dma_semaphore, #tpu.memory_space<semaphore_mem>>)
      %dma_wait3A_474 = arith.constant 0 : i32
      %dma_wait3A_475 = arith.constant 0 : i32
      %dma_wait3A_476 = tpu.memref_slice %arg10[%dma_wait3A_474, %dma_wait3A_475] : memref<2x104xi32, #tpu.memory_space<vmem>> -> memref<1x104xi32, #tpu.memory_space<vmem>>
      %dma_wait3A_477 = tpu.memref_squeeze %dma_wait3A_476 : memref<1x104xi32, #tpu.memory_space<vmem>> -> memref<104xi32, #tpu.memory_space<vmem>>
      %dma_wait3A_478 = tpu.memref_slice %arg2[%mul3A_4] : memref<320000xi32, #tpu.memory_space<hbm>> -> memref<104xi32, #tpu.memory_space<hbm>>
      %dma_wait3A_479 = arith.constant 0 : i32
      %dma_wait3A_480 = tpu.memref_slice %arg10[%dma_wait3A_474, %dma_wait3A_479] : memref<2x104xi32, #tpu.memory_space<vmem>> -> memref<1x104xi32, #tpu.memory_space<vmem>>
      %dma_wait3A_481 = tpu.memref_squeeze %dma_wait3A_480 : memref<1x104xi32, #tpu.memory_space<vmem>> -> memref<104xi32, #tpu.memory_space<vmem>>
      %dma_wait3A_482 = tpu.memref_slice %arg2[%mul3A_4] : memref<320000xi32, #tpu.memory_space<hbm>> -> memref<104xi32, #tpu.memory_space<hbm>>
      tpu.wait_dma2 semaphore(%arg22 : memref<!tpu.dma_semaphore, #tpu.memory_space<semaphore_mem>>) src(%dma_wait3A_482 : memref<104xi32, #tpu.memory_space<hbm>>) dst(%dma_wait3A_481 : memref<104xi32, #tpu.memory_space<vmem>>)
      %dma_wait3A_483 = arith.constant 1 : i32
      %dma_wait3A_484 = arith.constant 0 : i32
      %dma_wait3A_485 = tpu.memref_slice %arg10[%dma_wait3A_483, %dma_wait3A_484] : memref<2x104xi32, #tpu.memory_space<vmem>> -> memref<1x104xi32, #tpu.memory_space<vmem>>
      %dma_wait3A_486 = tpu.memref_squeeze %dma_wait3A_485 : memref<1x104xi32, #tpu.memory_space<vmem>> -> memref<104xi32, #tpu.memory_space<vmem>>
      %dma_wait3A_487 = tpu.memref_slice %arg3[%mul3A_4] : memref<320000xi32, #tpu.memory_space<hbm>> -> memref<104xi32, #tpu.memory_space<hbm>>
      %dma_wait3A_488 = arith.constant 0 : i32
      %dma_wait3A_489 = tpu.memref_slice %arg10[%dma_wait3A_483, %dma_wait3A_488] : memref<2x104xi32, #tpu.memory_space<vmem>> -> memref<1x104xi32, #tpu.memory_space<vmem>>
      %dma_wait3A_490 = tpu.memref_squeeze %dma_wait3A_489 : memref<1x104xi32, #tpu.memory_space<vmem>> -> memref<104xi32, #tpu.memory_space<vmem>>
      %dma_wait3A_491 = tpu.memref_slice %arg3[%mul3A_4] : memref<320000xi32, #tpu.memory_space<hbm>> -> memref<104xi32, #tpu.memory_space<hbm>>
      tpu.wait_dma2 semaphore(%arg22 : memref<!tpu.dma_semaphore, #tpu.memory_space<semaphore_mem>>) src(%dma_wait3A_491 : memref<104xi32, #tpu.memory_space<hbm>>) dst(%dma_wait3A_490 : memref<104xi32, #tpu.memory_space<vmem>>)
      %dma_start3A_492 = arith.constant 1 : i32
      %dma_start3A_493 = arith.constant 0 : i32
      %dma_start3A_494 = tpu.memref_slice %arg10[%dma_start3A_492, %dma_start3A_493] : memref<2x104xi32, #tpu.memory_space<vmem>> -> memref<1x104xi32, #tpu.memory_space<vmem>>
      %dma_start3A_495 = tpu.memref_squeeze %dma_start3A_494 : memref<1x104xi32, #tpu.memory_space<vmem>> -> memref<104xi32, #tpu.memory_space<vmem>>
      %dma_start3A_496 = arith.constant 0 : i32
      %dma_start3A_497 = arith.constant 0 : i32
      %dma_start3A_498 = tpu.memref_slice %arg4[%dma_start3A_496, %dma_start3A_497] : memref<10240x128xf32, #tpu.memory_space<hbm>> -> memref<10240x128xf32, #tpu.memory_space<hbm>>
      tpu.enqueue_indirect_dma source(%dma_start3A_498 : memref<10240x128xf32, #tpu.memory_space<hbm>>) target(%arg13 : memref<104x128xf32, #tpu.memory_space<vmem>>) offsets(%dma_start3A_495 : memref<104xi32, #tpu.memory_space<vmem>>) semaphore(%arg25 : memref<!tpu.dma_semaphore, #tpu.memory_space<semaphore_mem>>)
      %dma_wait3A_499 = arith.constant 0 : i32
      %dma_wait3A_500 = arith.constant 0 : i32
      %dma_wait3A_501 = tpu.memref_slice %arg18[%dma_wait3A_499, %dma_wait3A_500] : memref<10240x128xf32, #tpu.memory_space<vmem_shared>> -> memref<104x128xf32, #tpu.memory_space<vmem_shared>>
      %dma_wait3A_502 = arith.constant 0 : i32
      %dma_wait3A_503 = arith.constant 0 : i32
      %dma_wait3A_504 = tpu.memref_slice %arg18[%dma_wait3A_502, %dma_wait3A_503] : memref<10240x128xf32, #tpu.memory_space<vmem_shared>> -> memref<104x128xf32, #tpu.memory_space<vmem_shared>>
      tpu.wait_dma2 semaphore(%arg29 : memref<!tpu.dma_semaphore, #tpu.memory_space<semaphore_mem>>) src(%arg14 : memref<104x128xf32, #tpu.memory_space<vmem>>) dst(%dma_wait3A_504 : memref<104x128xf32, #tpu.memory_space<vmem_shared>>)
      %add3A_505 = arith.constant 2 : i32
      %add3A_506 = arith.addi %add3A_401, %add3A_505 : i32
      %mul3A_507 = arith.constant 3 : i32
      %mul3A_508 = arith.muli %add3A_506, %mul3A_507 : i32
      %add3A_509 = arith.constant 1 : i32
      %add3A_510 = arith.addi %mul3A_508, %add3A_509 : i32
      %mul3A_511 = arith.constant 104 : i32
      %mul3A_512 = arith.muli %add3A_510, %mul3A_511 : i32
      %add3A_513 = arith.addi %mul3A_4, %mul3A_512 : i32
      %dma_start3A_514 = arith.constant 0 : i32
      %dma_start3A_515 = arith.constant 0 : i32
      %dma_start3A_516 = tpu.memref_slice %arg8[%dma_start3A_514, %dma_start3A_515] : memref<2x104xi32, #tpu.memory_space<vmem>> -> memref<1x104xi32, #tpu.memory_space<vmem>>
      %dma_start3A_517 = tpu.memref_squeeze %dma_start3A_516 : memref<1x104xi32, #tpu.memory_space<vmem>> -> memref<104xi32, #tpu.memory_space<vmem>>
      %dma_start3A_518 = tpu.memref_slice %arg2[%add3A_513] : memref<320000xi32, #tpu.memory_space<hbm>> -> memref<104xi32, #tpu.memory_space<hbm>>
      %dma_start3A_519 = arith.constant 0 : i32
      %dma_start3A_520 = tpu.memref_slice %arg8[%dma_start3A_514, %dma_start3A_519] : memref<2x104xi32, #tpu.memory_space<vmem>> -> memref<1x104xi32, #tpu.memory_space<vmem>>
      %dma_start3A_521 = tpu.memref_squeeze %dma_start3A_520 : memref<1x104xi32, #tpu.memory_space<vmem>> -> memref<104xi32, #tpu.memory_space<vmem>>
      %dma_start3A_522 = tpu.memref_slice %arg2[%add3A_513] : memref<320000xi32, #tpu.memory_space<hbm>> -> memref<104xi32, #tpu.memory_space<hbm>>
      tpu.enqueue_dma source(%dma_start3A_522 : memref<104xi32, #tpu.memory_space<hbm>>) target(%dma_start3A_521 : memref<104xi32, #tpu.memory_space<vmem>>) target_semaphore(%arg20 : memref<!tpu.dma_semaphore, #tpu.memory_space<semaphore_mem>>)
      %dma_start3A_523 = arith.constant 1 : i32
      %dma_start3A_524 = arith.constant 0 : i32
      %dma_start3A_525 = tpu.memref_slice %arg8[%dma_start3A_523, %dma_start3A_524] : memref<2x104xi32, #tpu.memory_space<vmem>> -> memref<1x104xi32, #tpu.memory_space<vmem>>
      %dma_start3A_526 = tpu.memref_squeeze %dma_start3A_525 : memref<1x104xi32, #tpu.memory_space<vmem>> -> memref<104xi32, #tpu.memory_space<vmem>>
      %dma_start3A_527 = tpu.memref_slice %arg3[%add3A_513] : memref<320000xi32, #tpu.memory_space<hbm>> -> memref<104xi32, #tpu.memory_space<hbm>>
      %dma_start3A_528 = arith.constant 0 : i32
      %dma_start3A_529 = tpu.memref_slice %arg8[%dma_start3A_523, %dma_start3A_528] : memref<2x104xi32, #tpu.memory_space<vmem>> -> memref<1x104xi32, #tpu.memory_space<vmem>>
      %dma_start3A_530 = tpu.memref_squeeze %dma_start3A_529 : memref<1x104xi32, #tpu.memory_space<vmem>> -> memref<104xi32, #tpu.memory_space<vmem>>
      %dma_start3A_531 = tpu.memref_slice %arg3[%add3A_513] : memref<320000xi32, #tpu.memory_space<hbm>> -> memref<104xi32, #tpu.memory_space<hbm>>
      tpu.enqueue_dma source(%dma_start3A_531 : memref<104xi32, #tpu.memory_space<hbm>>) target(%dma_start3A_530 : memref<104xi32, #tpu.memory_space<vmem>>) target_semaphore(%arg20 : memref<!tpu.dma_semaphore, #tpu.memory_space<semaphore_mem>>)
      %dma_wait3A_532 = arith.constant 0 : i32
      %dma_wait3A_533 = arith.constant 0 : i32
      %dma_wait3A_534 = tpu.memref_slice %arg11[%dma_wait3A_532, %dma_wait3A_533] : memref<2x104xi32, #tpu.memory_space<vmem>> -> memref<1x104xi32, #tpu.memory_space<vmem>>
      %dma_wait3A_535 = tpu.memref_squeeze %dma_wait3A_534 : memref<1x104xi32, #tpu.memory_space<vmem>> -> memref<104xi32, #tpu.memory_space<vmem>>
      %dma_wait3A_536 = tpu.memref_slice %arg2[%mul3A_4] : memref<320000xi32, #tpu.memory_space<hbm>> -> memref<104xi32, #tpu.memory_space<hbm>>
      %dma_wait3A_537 = arith.constant 0 : i32
      %dma_wait3A_538 = tpu.memref_slice %arg11[%dma_wait3A_532, %dma_wait3A_537] : memref<2x104xi32, #tpu.memory_space<vmem>> -> memref<1x104xi32, #tpu.memory_space<vmem>>
      %dma_wait3A_539 = tpu.memref_squeeze %dma_wait3A_538 : memref<1x104xi32, #tpu.memory_space<vmem>> -> memref<104xi32, #tpu.memory_space<vmem>>
      %dma_wait3A_540 = tpu.memref_slice %arg2[%mul3A_4] : memref<320000xi32, #tpu.memory_space<hbm>> -> memref<104xi32, #tpu.memory_space<hbm>>
      tpu.wait_dma2 semaphore(%arg23 : memref<!tpu.dma_semaphore, #tpu.memory_space<semaphore_mem>>) src(%dma_wait3A_540 : memref<104xi32, #tpu.memory_space<hbm>>) dst(%dma_wait3A_539 : memref<104xi32, #tpu.memory_space<vmem>>)
      %dma_wait3A_541 = arith.constant 1 : i32
      %dma_wait3A_542 = arith.constant 0 : i32
      %dma_wait3A_543 = tpu.memref_slice %arg11[%dma_wait3A_541, %dma_wait3A_542] : memref<2x104xi32, #tpu.memory_space<vmem>> -> memref<1x104xi32, #tpu.memory_space<vmem>>
      %dma_wait3A_544 = tpu.memref_squeeze %dma_wait3A_543 : memref<1x104xi32, #tpu.memory_space<vmem>> -> memref<104xi32, #tpu.memory_space<vmem>>
      %dma_wait3A_545 = tpu.memref_slice %arg3[%mul3A_4] : memref<320000xi32, #tpu.memory_space<hbm>> -> memref<104xi32, #tpu.memory_space<hbm>>
      %dma_wait3A_546 = arith.constant 0 : i32
      %dma_wait3A_547 = tpu.memref_slice %arg11[%dma_wait3A_541, %dma_wait3A_546] : memref<2x104xi32, #tpu.memory_space<vmem>> -> memref<1x104xi32, #tpu.memory_space<vmem>>
      %dma_wait3A_548 = tpu.memref_squeeze %dma_wait3A_547 : memref<1x104xi32, #tpu.memory_space<vmem>> -> memref<104xi32, #tpu.memory_space<vmem>>
      %dma_wait3A_549 = tpu.memref_slice %arg3[%mul3A_4] : memref<320000xi32, #tpu.memory_space<hbm>> -> memref<104xi32, #tpu.memory_space<hbm>>
      tpu.wait_dma2 semaphore(%arg23 : memref<!tpu.dma_semaphore, #tpu.memory_space<semaphore_mem>>) src(%dma_wait3A_549 : memref<104xi32, #tpu.memory_space<hbm>>) dst(%dma_wait3A_548 : memref<104xi32, #tpu.memory_space<vmem>>)
      %dma_start3A_550 = arith.constant 1 : i32
      %dma_start3A_551 = arith.constant 0 : i32
      %dma_start3A_552 = tpu.memref_slice %arg11[%dma_start3A_550, %dma_start3A_551] : memref<2x104xi32, #tpu.memory_space<vmem>> -> memref<1x104xi32, #tpu.memory_space<vmem>>
      %dma_start3A_553 = tpu.memref_squeeze %dma_start3A_552 : memref<1x104xi32, #tpu.memory_space<vmem>> -> memref<104xi32, #tpu.memory_space<vmem>>
      %dma_start3A_554 = arith.constant 0 : i32
      %dma_start3A_555 = arith.constant 0 : i32
      %dma_start3A_556 = tpu.memref_slice %arg4[%dma_start3A_554, %dma_start3A_555] : memref<10240x128xf32, #tpu.memory_space<hbm>> -> memref<10240x128xf32, #tpu.memory_space<hbm>>
      tpu.enqueue_indirect_dma source(%dma_start3A_556 : memref<10240x128xf32, #tpu.memory_space<hbm>>) target(%arg14 : memref<104x128xf32, #tpu.memory_space<vmem>>) offsets(%dma_start3A_553 : memref<104xi32, #tpu.memory_space<vmem>>) semaphore(%arg26 : memref<!tpu.dma_semaphore, #tpu.memory_space<semaphore_mem>>)
      %dma_wait3A_557 = arith.constant 0 : i32
      %dma_wait3A_558 = arith.constant 0 : i32
      %dma_wait3A_559 = tpu.memref_slice %arg18[%dma_wait3A_557, %dma_wait3A_558] : memref<10240x128xf32, #tpu.memory_space<vmem_shared>> -> memref<104x128xf32, #tpu.memory_space<vmem_shared>>
      %dma_wait3A_560 = arith.constant 0 : i32
      %dma_wait3A_561 = arith.constant 0 : i32
      %dma_wait3A_562 = tpu.memref_slice %arg18[%dma_wait3A_560, %dma_wait3A_561] : memref<10240x128xf32, #tpu.memory_space<vmem_shared>> -> memref<104x128xf32, #tpu.memory_space<vmem_shared>>
      tpu.wait_dma2 semaphore(%arg30 : memref<!tpu.dma_semaphore, #tpu.memory_space<semaphore_mem>>) src(%arg15 : memref<104x128xf32, #tpu.memory_space<vmem>>) dst(%dma_wait3A_562 : memref<104x128xf32, #tpu.memory_space<vmem_shared>>)
      %add3A_563 = arith.constant 2 : i32
      %add3A_564 = arith.addi %add3A_401, %add3A_563 : i32
      %mul3A_565 = arith.constant 3 : i32
      %mul3A_566 = arith.muli %add3A_564, %mul3A_565 : i32
      %add3A_567 = arith.constant 2 : i32
      %add3A_568 = arith.addi %mul3A_566, %add3A_567 : i32
      %mul3A_569 = arith.constant 104 : i32
      %mul3A_570 = arith.muli %add3A_568, %mul3A_569 : i32
      %add3A_571 = arith.addi %mul3A_4, %mul3A_570 : i32
      %dma_start3A_572 = arith.constant 0 : i32
      %dma_start3A_573 = arith.constant 0 : i32
      %dma_start3A_574 = tpu.memref_slice %arg9[%dma_start3A_572, %dma_start3A_573] : memref<2x104xi32, #tpu.memory_space<vmem>> -> memref<1x104xi32, #tpu.memory_space<vmem>>
      %dma_start3A_575 = tpu.memref_squeeze %dma_start3A_574 : memref<1x104xi32, #tpu.memory_space<vmem>> -> memref<104xi32, #tpu.memory_space<vmem>>
      %dma_start3A_576 = tpu.memref_slice %arg2[%add3A_571] : memref<320000xi32, #tpu.memory_space<hbm>> -> memref<104xi32, #tpu.memory_space<hbm>>
      %dma_start3A_577 = arith.constant 0 : i32
      %dma_start3A_578 = tpu.memref_slice %arg9[%dma_start3A_572, %dma_start3A_577] : memref<2x104xi32, #tpu.memory_space<vmem>> -> memref<1x104xi32, #tpu.memory_space<vmem>>
      %dma_start3A_579 = tpu.memref_squeeze %dma_start3A_578 : memref<1x104xi32, #tpu.memory_space<vmem>> -> memref<104xi32, #tpu.memory_space<vmem>>
      %dma_start3A_580 = tpu.memref_slice %arg2[%add3A_571] : memref<320000xi32, #tpu.memory_space<hbm>> -> memref<104xi32, #tpu.memory_space<hbm>>
      tpu.enqueue_dma source(%dma_start3A_580 : memref<104xi32, #tpu.memory_space<hbm>>) target(%dma_start3A_579 : memref<104xi32, #tpu.memory_space<vmem>>) target_semaphore(%arg21 : memref<!tpu.dma_semaphore, #tpu.memory_space<semaphore_mem>>)
      %dma_start3A_581 = arith.constant 1 : i32
      %dma_start3A_582 = arith.constant 0 : i32
      %dma_start3A_583 = tpu.memref_slice %arg9[%dma_start3A_581, %dma_start3A_582] : memref<2x104xi32, #tpu.memory_space<vmem>> -> memref<1x104xi32, #tpu.memory_space<vmem>>
      %dma_start3A_584 = tpu.memref_squeeze %dma_start3A_583 : memref<1x104xi32, #tpu.memory_space<vmem>> -> memref<104xi32, #tpu.memory_space<vmem>>
      %dma_start3A_585 = tpu.memref_slice %arg3[%add3A_571] : memref<320000xi32, #tpu.memory_space<hbm>> -> memref<104xi32, #tpu.memory_space<hbm>>
      %dma_start3A_586 = arith.constant 0 : i32
      %dma_start3A_587 = tpu.memref_slice %arg9[%dma_start3A_581, %dma_start3A_586] : memref<2x104xi32, #tpu.memory_space<vmem>> -> memref<1x104xi32, #tpu.memory_space<vmem>>
      %dma_start3A_588 = tpu.memref_squeeze %dma_start3A_587 : memref<1x104xi32, #tpu.memory_space<vmem>> -> memref<104xi32, #tpu.memory_space<vmem>>
      %dma_start3A_589 = tpu.memref_slice %arg3[%add3A_571] : memref<320000xi32, #tpu.memory_space<hbm>> -> memref<104xi32, #tpu.memory_space<hbm>>
      tpu.enqueue_dma source(%dma_start3A_589 : memref<104xi32, #tpu.memory_space<hbm>>) target(%dma_start3A_588 : memref<104xi32, #tpu.memory_space<vmem>>) target_semaphore(%arg21 : memref<!tpu.dma_semaphore, #tpu.memory_space<semaphore_mem>>)
      %dma_wait3A_590 = arith.constant 0 : i32
      %dma_wait3A_591 = arith.constant 0 : i32
      %dma_wait3A_592 = tpu.memref_slice %arg12[%dma_wait3A_590, %dma_wait3A_591] : memref<2x104xi32, #tpu.memory_space<vmem>> -> memref<1x104xi32, #tpu.memory_space<vmem>>
      %dma_wait3A_593 = tpu.memref_squeeze %dma_wait3A_592 : memref<1x104xi32, #tpu.memory_space<vmem>> -> memref<104xi32, #tpu.memory_space<vmem>>
      %dma_wait3A_594 = tpu.memref_slice %arg2[%mul3A_4] : memref<320000xi32, #tpu.memory_space<hbm>> -> memref<104xi32, #tpu.memory_space<hbm>>
      %dma_wait3A_595 = arith.constant 0 : i32
      %dma_wait3A_596 = tpu.memref_slice %arg12[%dma_wait3A_590, %dma_wait3A_595] : memref<2x104xi32, #tpu.memory_space<vmem>> -> memref<1x104xi32, #tpu.memory_space<vmem>>
      %dma_wait3A_597 = tpu.memref_squeeze %dma_wait3A_596 : memref<1x104xi32, #tpu.memory_space<vmem>> -> memref<104xi32, #tpu.memory_space<vmem>>
      %dma_wait3A_598 = tpu.memref_slice %arg2[%mul3A_4] : memref<320000xi32, #tpu.memory_space<hbm>> -> memref<104xi32, #tpu.memory_space<hbm>>
      tpu.wait_dma2 semaphore(%arg24 : memref<!tpu.dma_semaphore, #tpu.memory_space<semaphore_mem>>) src(%dma_wait3A_598 : memref<104xi32, #tpu.memory_space<hbm>>) dst(%dma_wait3A_597 : memref<104xi32, #tpu.memory_space<vmem>>)
      %dma_wait3A_599 = arith.constant 1 : i32
      %dma_wait3A_600 = arith.constant 0 : i32
      %dma_wait3A_601 = tpu.memref_slice %arg12[%dma_wait3A_599, %dma_wait3A_600] : memref<2x104xi32, #tpu.memory_space<vmem>> -> memref<1x104xi32, #tpu.memory_space<vmem>>
      %dma_wait3A_602 = tpu.memref_squeeze %dma_wait3A_601 : memref<1x104xi32, #tpu.memory_space<vmem>> -> memref<104xi32, #tpu.memory_space<vmem>>
      %dma_wait3A_603 = tpu.memref_slice %arg3[%mul3A_4] : memref<320000xi32, #tpu.memory_space<hbm>> -> memref<104xi32, #tpu.memory_space<hbm>>
      %dma_wait3A_604 = arith.constant 0 : i32
      %dma_wait3A_605 = tpu.memref_slice %arg12[%dma_wait3A_599, %dma_wait3A_604] : memref<2x104xi32, #tpu.memory_space<vmem>> -> memref<1x104xi32, #tpu.memory_space<vmem>>
      %dma_wait3A_606 = tpu.memref_squeeze %dma_wait3A_605 : memref<1x104xi32, #tpu.memory_space<vmem>> -> memref<104xi32, #tpu.memory_space<vmem>>
      %dma_wait3A_607 = tpu.memref_slice %arg3[%mul3A_4] : memref<320000xi32, #tpu.memory_space<hbm>> -> memref<104xi32, #tpu.memory_space<hbm>>
      tpu.wait_dma2 semaphore(%arg24 : memref<!tpu.dma_semaphore, #tpu.memory_space<semaphore_mem>>) src(%dma_wait3A_607 : memref<104xi32, #tpu.memory_space<hbm>>) dst(%dma_wait3A_606 : memref<104xi32, #tpu.memory_space<vmem>>)
      %dma_start3A_608 = arith.constant 1 : i32
      %dma_start3A_609 = arith.constant 0 : i32
      %dma_start3A_610 = tpu.memref_slice %arg12[%dma_start3A_608, %dma_start3A_609] : memref<2x104xi32, #tpu.memory_space<vmem>> -> memref<1x104xi32, #tpu.memory_space<vmem>>
      %dma_start3A_611 = tpu.memref_squeeze %dma_start3A_610 : memref<1x104xi32, #tpu.memory_space<vmem>> -> memref<104xi32, #tpu.memory_space<vmem>>
      %dma_start3A_612 = arith.constant 0 : i32
      %dma_start3A_613 = arith.constant 0 : i32
      %dma_start3A_614 = tpu.memref_slice %arg4[%dma_start3A_612, %dma_start3A_613] : memref<10240x128xf32, #tpu.memory_space<hbm>> -> memref<10240x128xf32, #tpu.memory_space<hbm>>
      tpu.enqueue_indirect_dma source(%dma_start3A_614 : memref<10240x128xf32, #tpu.memory_space<hbm>>) target(%arg15 : memref<104x128xf32, #tpu.memory_space<vmem>>) offsets(%dma_start3A_611 : memref<104xi32, #tpu.memory_space<vmem>>) semaphore(%arg27 : memref<!tpu.dma_semaphore, #tpu.memory_space<semaphore_mem>>)
      %add3A_615 = arith.constant 1 : i32
      %add3A_616 = arith.addi %add3A_401, %add3A_615 : i32
      %dma_wait3A_617 = arith.constant 0 : i32
      %dma_wait3A_618 = arith.constant 0 : i32
      %dma_wait3A_619 = tpu.memref_slice %arg4[%dma_wait3A_617, %dma_wait3A_618] : memref<10240x128xf32, #tpu.memory_space<hbm>> -> memref<104x128xf32, #tpu.memory_space<hbm>>
      %dma_wait3A_620 = arith.constant 0 : i32
      %dma_wait3A_621 = arith.constant 0 : i32
      %dma_wait3A_622 = tpu.memref_slice %arg4[%dma_wait3A_620, %dma_wait3A_621] : memref<10240x128xf32, #tpu.memory_space<hbm>> -> memref<104x128xf32, #tpu.memory_space<hbm>>
      tpu.wait_dma2 semaphore(%arg25 : memref<!tpu.dma_semaphore, #tpu.memory_space<semaphore_mem>>) src(%dma_wait3A_622 : memref<104x128xf32, #tpu.memory_space<hbm>>) dst(%arg13 : memref<104x128xf32, #tpu.memory_space<vmem>>)
      %dma_start3A_623 = arith.constant 0 : i32
      %dma_start3A_624 = arith.constant 0 : i32
      %dma_start3A_625 = tpu.memref_slice %arg10[%dma_start3A_623, %dma_start3A_624] : memref<2x104xi32, #tpu.memory_space<vmem>> -> memref<1x104xi32, #tpu.memory_space<vmem>>
      %dma_start3A_626 = tpu.memref_squeeze %dma_start3A_625 : memref<1x104xi32, #tpu.memory_space<vmem>> -> memref<104xi32, #tpu.memory_space<vmem>>
      %dma_start3A_627 = arith.constant 0 : i32
      %dma_start3A_628 = arith.constant 0 : i32
      %dma_start3A_629 = tpu.memref_slice %arg18[%dma_start3A_627, %dma_start3A_628] : memref<10240x128xf32, #tpu.memory_space<vmem_shared>> -> memref<10240x128xf32, #tpu.memory_space<vmem_shared>>
      tpu.enqueue_indirect_dma source(%arg13 : memref<104x128xf32, #tpu.memory_space<vmem>>) target(%dma_start3A_629 : memref<10240x128xf32, #tpu.memory_space<vmem_shared>>) offsets(%dma_start3A_626 : memref<104xi32, #tpu.memory_space<vmem>>) semaphore(%arg28 : memref<!tpu.dma_semaphore, #tpu.memory_space<semaphore_mem>>) {add = true}
      %dma_wait3A_630 = arith.constant 0 : i32
      %dma_wait3A_631 = arith.constant 0 : i32
      %dma_wait3A_632 = tpu.memref_slice %arg4[%dma_wait3A_630, %dma_wait3A_631] : memref<10240x128xf32, #tpu.memory_space<hbm>> -> memref<104x128xf32, #tpu.memory_space<hbm>>
      %dma_wait3A_633 = arith.constant 0 : i32
      %dma_wait3A_634 = arith.constant 0 : i32
      %dma_wait3A_635 = tpu.memref_slice %arg4[%dma_wait3A_633, %dma_wait3A_634] : memref<10240x128xf32, #tpu.memory_space<hbm>> -> memref<104x128xf32, #tpu.memory_space<hbm>>
      tpu.wait_dma2 semaphore(%arg26 : memref<!tpu.dma_semaphore, #tpu.memory_space<semaphore_mem>>) src(%dma_wait3A_635 : memref<104x128xf32, #tpu.memory_space<hbm>>) dst(%arg14 : memref<104x128xf32, #tpu.memory_space<vmem>>)
      %dma_start3A_636 = arith.constant 0 : i32
      %dma_start3A_637 = arith.constant 0 : i32
      %dma_start3A_638 = tpu.memref_slice %arg11[%dma_start3A_636, %dma_start3A_637] : memref<2x104xi32, #tpu.memory_space<vmem>> -> memref<1x104xi32, #tpu.memory_space<vmem>>
      %dma_start3A_639 = tpu.memref_squeeze %dma_start3A_638 : memref<1x104xi32, #tpu.memory_space<vmem>> -> memref<104xi32, #tpu.memory_space<vmem>>
      %dma_start3A_640 = arith.constant 0 : i32
      %dma_start3A_641 = arith.constant 0 : i32
      %dma_start3A_642 = tpu.memref_slice %arg18[%dma_start3A_640, %dma_start3A_641] : memref<10240x128xf32, #tpu.memory_space<vmem_shared>> -> memref<10240x128xf32, #tpu.memory_space<vmem_shared>>
      tpu.enqueue_indirect_dma source(%arg14 : memref<104x128xf32, #tpu.memory_space<vmem>>) target(%dma_start3A_642 : memref<10240x128xf32, #tpu.memory_space<vmem_shared>>) offsets(%dma_start3A_639 : memref<104xi32, #tpu.memory_space<vmem>>) semaphore(%arg29 : memref<!tpu.dma_semaphore, #tpu.memory_space<semaphore_mem>>) {add = true}
      %dma_wait3A_643 = arith.constant 0 : i32
      %dma_wait3A_644 = arith.constant 0 : i32
      %dma_wait3A_645 = tpu.memref_slice %arg4[%dma_wait3A_643, %dma_wait3A_644] : memref<10240x128xf32, #tpu.memory_space<hbm>> -> memref<104x128xf32, #tpu.memory_space<hbm>>
      %dma_wait3A_646 = arith.constant 0 : i32
      %dma_wait3A_647 = arith.constant 0 : i32
      %dma_wait3A_648 = tpu.memref_slice %arg4[%dma_wait3A_646, %dma_wait3A_647] : memref<10240x128xf32, #tpu.memory_space<hbm>> -> memref<104x128xf32, #tpu.memory_space<hbm>>
      tpu.wait_dma2 semaphore(%arg27 : memref<!tpu.dma_semaphore, #tpu.memory_space<semaphore_mem>>) src(%dma_wait3A_648 : memref<104x128xf32, #tpu.memory_space<hbm>>) dst(%arg15 : memref<104x128xf32, #tpu.memory_space<vmem>>)
      %dma_start3A_649 = arith.constant 0 : i32
      %dma_start3A_650 = arith.constant 0 : i32
      %dma_start3A_651 = tpu.memref_slice %arg12[%dma_start3A_649, %dma_start3A_650] : memref<2x104xi32, #tpu.memory_space<vmem>> -> memref<1x104xi32, #tpu.memory_space<vmem>>
      %dma_start3A_652 = tpu.memref_squeeze %dma_start3A_651 : memref<1x104xi32, #tpu.memory_space<vmem>> -> memref<104xi32, #tpu.memory_space<vmem>>
      %dma_start3A_653 = arith.constant 0 : i32
      %dma_start3A_654 = arith.constant 0 : i32
      %dma_start3A_655 = tpu.memref_slice %arg18[%dma_start3A_653, %dma_start3A_654] : memref<10240x128xf32, #tpu.memory_space<vmem_shared>> -> memref<10240x128xf32, #tpu.memory_space<vmem_shared>>
      tpu.enqueue_indirect_dma source(%arg15 : memref<104x128xf32, #tpu.memory_space<vmem>>) target(%dma_start3A_655 : memref<10240x128xf32, #tpu.memory_space<vmem_shared>>) offsets(%dma_start3A_652 : memref<104xi32, #tpu.memory_space<vmem>>) semaphore(%arg30 : memref<!tpu.dma_semaphore, #tpu.memory_space<semaphore_mem>>) {add = true}
      %dma_wait3A_656 = arith.constant 0 : i32
      %dma_wait3A_657 = arith.constant 0 : i32
      %dma_wait3A_658 = tpu.memref_slice %arg18[%dma_wait3A_656, %dma_wait3A_657] : memref<10240x128xf32, #tpu.memory_space<vmem_shared>> -> memref<104x128xf32, #tpu.memory_space<vmem_shared>>
      %dma_wait3A_659 = arith.constant 0 : i32
      %dma_wait3A_660 = arith.constant 0 : i32
      %dma_wait3A_661 = tpu.memref_slice %arg18[%dma_wait3A_659, %dma_wait3A_660] : memref<10240x128xf32, #tpu.memory_space<vmem_shared>> -> memref<104x128xf32, #tpu.memory_space<vmem_shared>>
      tpu.wait_dma2 semaphore(%arg28 : memref<!tpu.dma_semaphore, #tpu.memory_space<semaphore_mem>>) src(%arg13 : memref<104x128xf32, #tpu.memory_space<vmem>>) dst(%dma_wait3A_661 : memref<104x128xf32, #tpu.memory_space<vmem_shared>>)
      %add3A_662 = arith.constant 2 : i32
      %add3A_663 = arith.addi %add3A_616, %add3A_662 : i32
      %mul3A_664 = arith.constant 3 : i32
      %mul3A_665 = arith.muli %add3A_663, %mul3A_664 : i32
      %add3A_666 = arith.constant 0 : i32
      %add3A_667 = arith.addi %mul3A_665, %add3A_666 : i32
      %mul3A_668 = arith.constant 104 : i32
      %mul3A_669 = arith.muli %add3A_667, %mul3A_668 : i32
      %add3A_670 = arith.addi %mul3A_4, %mul3A_669 : i32
      %dma_start3A_671 = arith.constant 0 : i32
      %dma_start3A_672 = arith.constant 0 : i32
      %dma_start3A_673 = tpu.memref_slice %arg10[%dma_start3A_671, %dma_start3A_672] : memref<2x104xi32, #tpu.memory_space<vmem>> -> memref<1x104xi32, #tpu.memory_space<vmem>>
      %dma_start3A_674 = tpu.memref_squeeze %dma_start3A_673 : memref<1x104xi32, #tpu.memory_space<vmem>> -> memref<104xi32, #tpu.memory_space<vmem>>
      %dma_start3A_675 = tpu.memref_slice %arg2[%add3A_670] : memref<320000xi32, #tpu.memory_space<hbm>> -> memref<104xi32, #tpu.memory_space<hbm>>
      %dma_start3A_676 = arith.constant 0 : i32
      %dma_start3A_677 = tpu.memref_slice %arg10[%dma_start3A_671, %dma_start3A_676] : memref<2x104xi32, #tpu.memory_space<vmem>> -> memref<1x104xi32, #tpu.memory_space<vmem>>
      %dma_start3A_678 = tpu.memref_squeeze %dma_start3A_677 : memref<1x104xi32, #tpu.memory_space<vmem>> -> memref<104xi32, #tpu.memory_space<vmem>>
      %dma_start3A_679 = tpu.memref_slice %arg2[%add3A_670] : memref<320000xi32, #tpu.memory_space<hbm>> -> memref<104xi32, #tpu.memory_space<hbm>>
      tpu.enqueue_dma source(%dma_start3A_679 : memref<104xi32, #tpu.memory_space<hbm>>) target(%dma_start3A_678 : memref<104xi32, #tpu.memory_space<vmem>>) target_semaphore(%arg22 : memref<!tpu.dma_semaphore, #tpu.memory_space<semaphore_mem>>)
      %dma_start3A_680 = arith.constant 1 : i32
      %dma_start3A_681 = arith.constant 0 : i32
      %dma_start3A_682 = tpu.memref_slice %arg10[%dma_start3A_680, %dma_start3A_681] : memref<2x104xi32, #tpu.memory_space<vmem>> -> memref<1x104xi32, #tpu.memory_space<vmem>>
      %dma_start3A_683 = tpu.memref_squeeze %dma_start3A_682 : memref<1x104xi32, #tpu.memory_space<vmem>> -> memref<104xi32, #tpu.memory_space<vmem>>
      %dma_start3A_684 = tpu.memref_slice %arg3[%add3A_670] : memref<320000xi32, #tpu.memory_space<hbm>> -> memref<104xi32, #tpu.memory_space<hbm>>
      %dma_start3A_685 = arith.constant 0 : i32
      %dma_start3A_686 = tpu.memref_slice %arg10[%dma_start3A_680, %dma_start3A_685] : memref<2x104xi32, #tpu.memory_space<vmem>> -> memref<1x104xi32, #tpu.memory_space<vmem>>
      %dma_start3A_687 = tpu.memref_squeeze %dma_start3A_686 : memref<1x104xi32, #tpu.memory_space<vmem>> -> memref<104xi32, #tpu.memory_space<vmem>>
      %dma_start3A_688 = tpu.memref_slice %arg3[%add3A_670] : memref<320000xi32, #tpu.memory_space<hbm>> -> memref<104xi32, #tpu.memory_space<hbm>>
      tpu.enqueue_dma source(%dma_start3A_688 : memref<104xi32, #tpu.memory_space<hbm>>) target(%dma_start3A_687 : memref<104xi32, #tpu.memory_space<vmem>>) target_semaphore(%arg22 : memref<!tpu.dma_semaphore, #tpu.memory_space<semaphore_mem>>)
      %dma_wait3A_689 = arith.constant 0 : i32
      %dma_wait3A_690 = arith.constant 0 : i32
      %dma_wait3A_691 = tpu.memref_slice %arg7[%dma_wait3A_689, %dma_wait3A_690] : memref<2x104xi32, #tpu.memory_space<vmem>> -> memref<1x104xi32, #tpu.memory_space<vmem>>
      %dma_wait3A_692 = tpu.memref_squeeze %dma_wait3A_691 : memref<1x104xi32, #tpu.memory_space<vmem>> -> memref<104xi32, #tpu.memory_space<vmem>>
      %dma_wait3A_693 = tpu.memref_slice %arg2[%mul3A_4] : memref<320000xi32, #tpu.memory_space<hbm>> -> memref<104xi32, #tpu.memory_space<hbm>>
      %dma_wait3A_694 = arith.constant 0 : i32
      %dma_wait3A_695 = tpu.memref_slice %arg7[%dma_wait3A_689, %dma_wait3A_694] : memref<2x104xi32, #tpu.memory_space<vmem>> -> memref<1x104xi32, #tpu.memory_space<vmem>>
      %dma_wait3A_696 = tpu.memref_squeeze %dma_wait3A_695 : memref<1x104xi32, #tpu.memory_space<vmem>> -> memref<104xi32, #tpu.memory_space<vmem>>
      %dma_wait3A_697 = tpu.memref_slice %arg2[%mul3A_4] : memref<320000xi32, #tpu.memory_space<hbm>> -> memref<104xi32, #tpu.memory_space<hbm>>
      tpu.wait_dma2 semaphore(%arg19 : memref<!tpu.dma_semaphore, #tpu.memory_space<semaphore_mem>>) src(%dma_wait3A_697 : memref<104xi32, #tpu.memory_space<hbm>>) dst(%dma_wait3A_696 : memref<104xi32, #tpu.memory_space<vmem>>)
      %dma_wait3A_698 = arith.constant 1 : i32
      %dma_wait3A_699 = arith.constant 0 : i32
      %dma_wait3A_700 = tpu.memref_slice %arg7[%dma_wait3A_698, %dma_wait3A_699] : memref<2x104xi32, #tpu.memory_space<vmem>> -> memref<1x104xi32, #tpu.memory_space<vmem>>
      %dma_wait3A_701 = tpu.memref_squeeze %dma_wait3A_700 : memref<1x104xi32, #tpu.memory_space<vmem>> -> memref<104xi32, #tpu.memory_space<vmem>>
      %dma_wait3A_702 = tpu.memref_slice %arg3[%mul3A_4] : memref<320000xi32, #tpu.memory_space<hbm>> -> memref<104xi32, #tpu.memory_space<hbm>>
      %dma_wait3A_703 = arith.constant 0 : i32
      %dma_wait3A_704 = tpu.memref_slice %arg7[%dma_wait3A_698, %dma_wait3A_703] : memref<2x104xi32, #tpu.memory_space<vmem>> -> memref<1x104xi32, #tpu.memory_space<vmem>>
      %dma_wait3A_705 = tpu.memref_squeeze %dma_wait3A_704 : memref<1x104xi32, #tpu.memory_space<vmem>> -> memref<104xi32, #tpu.memory_space<vmem>>
      %dma_wait3A_706 = tpu.memref_slice %arg3[%mul3A_4] : memref<320000xi32, #tpu.memory_space<hbm>> -> memref<104xi32, #tpu.memory_space<hbm>>
      tpu.wait_dma2 semaphore(%arg19 : memref<!tpu.dma_semaphore, #tpu.memory_space<semaphore_mem>>) src(%dma_wait3A_706 : memref<104xi32, #tpu.memory_space<hbm>>) dst(%dma_wait3A_705 : memref<104xi32, #tpu.memory_space<vmem>>)
      %dma_start3A_707 = arith.constant 1 : i32
      %dma_start3A_708 = arith.constant 0 : i32
      %dma_start3A_709 = tpu.memref_slice %arg7[%dma_start3A_707, %dma_start3A_708] : memref<2x104xi32, #tpu.memory_space<vmem>> -> memref<1x104xi32, #tpu.memory_space<vmem>>
      %dma_start3A_710 = tpu.memref_squeeze %dma_start3A_709 : memref<1x104xi32, #tpu.memory_space<vmem>> -> memref<104xi32, #tpu.memory_space<vmem>>
      %dma_start3A_711 = arith.constant 0 : i32
      %dma_start3A_712 = arith.constant 0 : i32
      %dma_start3A_713 = tpu.memref_slice %arg4[%dma_start3A_711, %dma_start3A_712] : memref<10240x128xf32, #tpu.memory_space<hbm>> -> memref<10240x128xf32, #tpu.memory_space<hbm>>
      tpu.enqueue_indirect_dma source(%dma_start3A_713 : memref<10240x128xf32, #tpu.memory_space<hbm>>) target(%arg13 : memref<104x128xf32, #tpu.memory_space<vmem>>) offsets(%dma_start3A_710 : memref<104xi32, #tpu.memory_space<vmem>>) semaphore(%arg25 : memref<!tpu.dma_semaphore, #tpu.memory_space<semaphore_mem>>)
      %dma_wait3A_714 = arith.constant 0 : i32
      %dma_wait3A_715 = arith.constant 0 : i32
      %dma_wait3A_716 = tpu.memref_slice %arg18[%dma_wait3A_714, %dma_wait3A_715] : memref<10240x128xf32, #tpu.memory_space<vmem_shared>> -> memref<104x128xf32, #tpu.memory_space<vmem_shared>>
      %dma_wait3A_717 = arith.constant 0 : i32
      %dma_wait3A_718 = arith.constant 0 : i32
      %dma_wait3A_719 = tpu.memref_slice %arg18[%dma_wait3A_717, %dma_wait3A_718] : memref<10240x128xf32, #tpu.memory_space<vmem_shared>> -> memref<104x128xf32, #tpu.memory_space<vmem_shared>>
      tpu.wait_dma2 semaphore(%arg29 : memref<!tpu.dma_semaphore, #tpu.memory_space<semaphore_mem>>) src(%arg14 : memref<104x128xf32, #tpu.memory_space<vmem>>) dst(%dma_wait3A_719 : memref<104x128xf32, #tpu.memory_space<vmem_shared>>)
      %add3A_720 = arith.constant 2 : i32
      %add3A_721 = arith.addi %add3A_616, %add3A_720 : i32
      %mul3A_722 = arith.constant 3 : i32
      %mul3A_723 = arith.muli %add3A_721, %mul3A_722 : i32
      %add3A_724 = arith.constant 1 : i32
      %add3A_725 = arith.addi %mul3A_723, %add3A_724 : i32
      %mul3A_726 = arith.constant 104 : i32
      %mul3A_727 = arith.muli %add3A_725, %mul3A_726 : i32
      %add3A_728 = arith.addi %mul3A_4, %mul3A_727 : i32
      %dma_start3A_729 = arith.constant 0 : i32
      %dma_start3A_730 = arith.constant 0 : i32
      %dma_start3A_731 = tpu.memref_slice %arg11[%dma_start3A_729, %dma_start3A_730] : memref<2x104xi32, #tpu.memory_space<vmem>> -> memref<1x104xi32, #tpu.memory_space<vmem>>
      %dma_start3A_732 = tpu.memref_squeeze %dma_start3A_731 : memref<1x104xi32, #tpu.memory_space<vmem>> -> memref<104xi32, #tpu.memory_space<vmem>>
      %dma_start3A_733 = tpu.memref_slice %arg2[%add3A_728] : memref<320000xi32, #tpu.memory_space<hbm>> -> memref<104xi32, #tpu.memory_space<hbm>>
      %dma_start3A_734 = arith.constant 0 : i32
      %dma_start3A_735 = tpu.memref_slice %arg11[%dma_start3A_729, %dma_start3A_734] : memref<2x104xi32, #tpu.memory_space<vmem>> -> memref<1x104xi32, #tpu.memory_space<vmem>>
      %dma_start3A_736 = tpu.memref_squeeze %dma_start3A_735 : memref<1x104xi32, #tpu.memory_space<vmem>> -> memref<104xi32, #tpu.memory_space<vmem>>
      %dma_start3A_737 = tpu.memref_slice %arg2[%add3A_728] : memref<320000xi32, #tpu.memory_space<hbm>> -> memref<104xi32, #tpu.memory_space<hbm>>
      tpu.enqueue_dma source(%dma_start3A_737 : memref<104xi32, #tpu.memory_space<hbm>>) target(%dma_start3A_736 : memref<104xi32, #tpu.memory_space<vmem>>) target_semaphore(%arg23 : memref<!tpu.dma_semaphore, #tpu.memory_space<semaphore_mem>>)
      %dma_start3A_738 = arith.constant 1 : i32
      %dma_start3A_739 = arith.constant 0 : i32
      %dma_start3A_740 = tpu.memref_slice %arg11[%dma_start3A_738, %dma_start3A_739] : memref<2x104xi32, #tpu.memory_space<vmem>> -> memref<1x104xi32, #tpu.memory_space<vmem>>
      %dma_start3A_741 = tpu.memref_squeeze %dma_start3A_740 : memref<1x104xi32, #tpu.memory_space<vmem>> -> memref<104xi32, #tpu.memory_space<vmem>>
      %dma_start3A_742 = tpu.memref_slice %arg3[%add3A_728] : memref<320000xi32, #tpu.memory_space<hbm>> -> memref<104xi32, #tpu.memory_space<hbm>>
      %dma_start3A_743 = arith.constant 0 : i32
      %dma_start3A_744 = tpu.memref_slice %arg11[%dma_start3A_738, %dma_start3A_743] : memref<2x104xi32, #tpu.memory_space<vmem>> -> memref<1x104xi32, #tpu.memory_space<vmem>>
      %dma_start3A_745 = tpu.memref_squeeze %dma_start3A_744 : memref<1x104xi32, #tpu.memory_space<vmem>> -> memref<104xi32, #tpu.memory_space<vmem>>
      %dma_start3A_746 = tpu.memref_slice %arg3[%add3A_728] : memref<320000xi32, #tpu.memory_space<hbm>> -> memref<104xi32, #tpu.memory_space<hbm>>
      tpu.enqueue_dma source(%dma_start3A_746 : memref<104xi32, #tpu.memory_space<hbm>>) target(%dma_start3A_745 : memref<104xi32, #tpu.memory_space<vmem>>) target_semaphore(%arg23 : memref<!tpu.dma_semaphore, #tpu.memory_space<semaphore_mem>>)
      %dma_wait3A_747 = arith.constant 0 : i32
      %dma_wait3A_748 = arith.constant 0 : i32
      %dma_wait3A_749 = tpu.memref_slice %arg8[%dma_wait3A_747, %dma_wait3A_748] : memref<2x104xi32, #tpu.memory_space<vmem>> -> memref<1x104xi32, #tpu.memory_space<vmem>>
      %dma_wait3A_750 = tpu.memref_squeeze %dma_wait3A_749 : memref<1x104xi32, #tpu.memory_space<vmem>> -> memref<104xi32, #tpu.memory_space<vmem>>
      %dma_wait3A_751 = tpu.memref_slice %arg2[%mul3A_4] : memref<320000xi32, #tpu.memory_space<hbm>> -> memref<104xi32, #tpu.memory_space<hbm>>
      %dma_wait3A_752 = arith.constant 0 : i32
      %dma_wait3A_753 = tpu.memref_slice %arg8[%dma_wait3A_747, %dma_wait3A_752] : memref<2x104xi32, #tpu.memory_space<vmem>> -> memref<1x104xi32, #tpu.memory_space<vmem>>
      %dma_wait3A_754 = tpu.memref_squeeze %dma_wait3A_753 : memref<1x104xi32, #tpu.memory_space<vmem>> -> memref<104xi32, #tpu.memory_space<vmem>>
      %dma_wait3A_755 = tpu.memref_slice %arg2[%mul3A_4] : memref<320000xi32, #tpu.memory_space<hbm>> -> memref<104xi32, #tpu.memory_space<hbm>>
      tpu.wait_dma2 semaphore(%arg20 : memref<!tpu.dma_semaphore, #tpu.memory_space<semaphore_mem>>) src(%dma_wait3A_755 : memref<104xi32, #tpu.memory_space<hbm>>) dst(%dma_wait3A_754 : memref<104xi32, #tpu.memory_space<vmem>>)
      %dma_wait3A_756 = arith.constant 1 : i32
      %dma_wait3A_757 = arith.constant 0 : i32
      %dma_wait3A_758 = tpu.memref_slice %arg8[%dma_wait3A_756, %dma_wait3A_757] : memref<2x104xi32, #tpu.memory_space<vmem>> -> memref<1x104xi32, #tpu.memory_space<vmem>>
      %dma_wait3A_759 = tpu.memref_squeeze %dma_wait3A_758 : memref<1x104xi32, #tpu.memory_space<vmem>> -> memref<104xi32, #tpu.memory_space<vmem>>
      %dma_wait3A_760 = tpu.memref_slice %arg3[%mul3A_4] : memref<320000xi32, #tpu.memory_space<hbm>> -> memref<104xi32, #tpu.memory_space<hbm>>
      %dma_wait3A_761 = arith.constant 0 : i32
      %dma_wait3A_762 = tpu.memref_slice %arg8[%dma_wait3A_756, %dma_wait3A_761] : memref<2x104xi32, #tpu.memory_space<vmem>> -> memref<1x104xi32, #tpu.memory_space<vmem>>
      %dma_wait3A_763 = tpu.memref_squeeze %dma_wait3A_762 : memref<1x104xi32, #tpu.memory_space<vmem>> -> memref<104xi32, #tpu.memory_space<vmem>>
      %dma_wait3A_764 = tpu.memref_slice %arg3[%mul3A_4] : memref<320000xi32, #tpu.memory_space<hbm>> -> memref<104xi32, #tpu.memory_space<hbm>>
      tpu.wait_dma2 semaphore(%arg20 : memref<!tpu.dma_semaphore, #tpu.memory_space<semaphore_mem>>) src(%dma_wait3A_764 : memref<104xi32, #tpu.memory_space<hbm>>) dst(%dma_wait3A_763 : memref<104xi32, #tpu.memory_space<vmem>>)
      %dma_start3A_765 = arith.constant 1 : i32
      %dma_start3A_766 = arith.constant 0 : i32
      %dma_start3A_767 = tpu.memref_slice %arg8[%dma_start3A_765, %dma_start3A_766] : memref<2x104xi32, #tpu.memory_space<vmem>> -> memref<1x104xi32, #tpu.memory_space<vmem>>
      %dma_start3A_768 = tpu.memref_squeeze %dma_start3A_767 : memref<1x104xi32, #tpu.memory_space<vmem>> -> memref<104xi32, #tpu.memory_space<vmem>>
      %dma_start3A_769 = arith.constant 0 : i32
      %dma_start3A_770 = arith.constant 0 : i32
      %dma_start3A_771 = tpu.memref_slice %arg4[%dma_start3A_769, %dma_start3A_770] : memref<10240x128xf32, #tpu.memory_space<hbm>> -> memref<10240x128xf32, #tpu.memory_space<hbm>>
      tpu.enqueue_indirect_dma source(%dma_start3A_771 : memref<10240x128xf32, #tpu.memory_space<hbm>>) target(%arg14 : memref<104x128xf32, #tpu.memory_space<vmem>>) offsets(%dma_start3A_768 : memref<104xi32, #tpu.memory_space<vmem>>) semaphore(%arg26 : memref<!tpu.dma_semaphore, #tpu.memory_space<semaphore_mem>>)
      %dma_wait3A_772 = arith.constant 0 : i32
      %dma_wait3A_773 = arith.constant 0 : i32
      %dma_wait3A_774 = tpu.memref_slice %arg18[%dma_wait3A_772, %dma_wait3A_773] : memref<10240x128xf32, #tpu.memory_space<vmem_shared>> -> memref<104x128xf32, #tpu.memory_space<vmem_shared>>
      %dma_wait3A_775 = arith.constant 0 : i32
      %dma_wait3A_776 = arith.constant 0 : i32
      %dma_wait3A_777 = tpu.memref_slice %arg18[%dma_wait3A_775, %dma_wait3A_776] : memref<10240x128xf32, #tpu.memory_space<vmem_shared>> -> memref<104x128xf32, #tpu.memory_space<vmem_shared>>
      tpu.wait_dma2 semaphore(%arg30 : memref<!tpu.dma_semaphore, #tpu.memory_space<semaphore_mem>>) src(%arg15 : memref<104x128xf32, #tpu.memory_space<vmem>>) dst(%dma_wait3A_777 : memref<104x128xf32, #tpu.memory_space<vmem_shared>>)
      %add3A_778 = arith.constant 2 : i32
      %add3A_779 = arith.addi %add3A_616, %add3A_778 : i32
      %mul3A_780 = arith.constant 3 : i32
      %mul3A_781 = arith.muli %add3A_779, %mul3A_780 : i32
      %add3A_782 = arith.constant 2 : i32
      %add3A_783 = arith.addi %mul3A_781, %add3A_782 : i32
      %mul3A_784 = arith.constant 104 : i32
      %mul3A_785 = arith.muli %add3A_783, %mul3A_784 : i32
      %add3A_786 = arith.addi %mul3A_4, %mul3A_785 : i32
      %dma_start3A_787 = arith.constant 0 : i32
      %dma_start3A_788 = arith.constant 0 : i32
      %dma_start3A_789 = tpu.memref_slice %arg12[%dma_start3A_787, %dma_start3A_788] : memref<2x104xi32, #tpu.memory_space<vmem>> -> memref<1x104xi32, #tpu.memory_space<vmem>>
      %dma_start3A_790 = tpu.memref_squeeze %dma_start3A_789 : memref<1x104xi32, #tpu.memory_space<vmem>> -> memref<104xi32, #tpu.memory_space<vmem>>
      %dma_start3A_791 = tpu.memref_slice %arg2[%add3A_786] : memref<320000xi32, #tpu.memory_space<hbm>> -> memref<104xi32, #tpu.memory_space<hbm>>
      %dma_start3A_792 = arith.constant 0 : i32
      %dma_start3A_793 = tpu.memref_slice %arg12[%dma_start3A_787, %dma_start3A_792] : memref<2x104xi32, #tpu.memory_space<vmem>> -> memref<1x104xi32, #tpu.memory_space<vmem>>
      %dma_start3A_794 = tpu.memref_squeeze %dma_start3A_793 : memref<1x104xi32, #tpu.memory_space<vmem>> -> memref<104xi32, #tpu.memory_space<vmem>>
      %dma_start3A_795 = tpu.memref_slice %arg2[%add3A_786] : memref<320000xi32, #tpu.memory_space<hbm>> -> memref<104xi32, #tpu.memory_space<hbm>>
      tpu.enqueue_dma source(%dma_start3A_795 : memref<104xi32, #tpu.memory_space<hbm>>) target(%dma_start3A_794 : memref<104xi32, #tpu.memory_space<vmem>>) target_semaphore(%arg24 : memref<!tpu.dma_semaphore, #tpu.memory_space<semaphore_mem>>)
      %dma_start3A_796 = arith.constant 1 : i32
      %dma_start3A_797 = arith.constant 0 : i32
      %dma_start3A_798 = tpu.memref_slice %arg12[%dma_start3A_796, %dma_start3A_797] : memref<2x104xi32, #tpu.memory_space<vmem>> -> memref<1x104xi32, #tpu.memory_space<vmem>>
      %dma_start3A_799 = tpu.memref_squeeze %dma_start3A_798 : memref<1x104xi32, #tpu.memory_space<vmem>> -> memref<104xi32, #tpu.memory_space<vmem>>
      %dma_start3A_800 = tpu.memref_slice %arg3[%add3A_786] : memref<320000xi32, #tpu.memory_space<hbm>> -> memref<104xi32, #tpu.memory_space<hbm>>
      %dma_start3A_801 = arith.constant 0 : i32
      %dma_start3A_802 = tpu.memref_slice %arg12[%dma_start3A_796, %dma_start3A_801] : memref<2x104xi32, #tpu.memory_space<vmem>> -> memref<1x104xi32, #tpu.memory_space<vmem>>
      %dma_start3A_803 = tpu.memref_squeeze %dma_start3A_802 : memref<1x104xi32, #tpu.memory_space<vmem>> -> memref<104xi32, #tpu.memory_space<vmem>>
      %dma_start3A_804 = tpu.memref_slice %arg3[%add3A_786] : memref<320000xi32, #tpu.memory_space<hbm>> -> memref<104xi32, #tpu.memory_space<hbm>>
      tpu.enqueue_dma source(%dma_start3A_804 : memref<104xi32, #tpu.memory_space<hbm>>) target(%dma_start3A_803 : memref<104xi32, #tpu.memory_space<vmem>>) target_semaphore(%arg24 : memref<!tpu.dma_semaphore, #tpu.memory_space<semaphore_mem>>)
      %dma_wait3A_805 = arith.constant 0 : i32
      %dma_wait3A_806 = arith.constant 0 : i32
      %dma_wait3A_807 = tpu.memref_slice %arg9[%dma_wait3A_805, %dma_wait3A_806] : memref<2x104xi32, #tpu.memory_space<vmem>> -> memref<1x104xi32, #tpu.memory_space<vmem>>
      %dma_wait3A_808 = tpu.memref_squeeze %dma_wait3A_807 : memref<1x104xi32, #tpu.memory_space<vmem>> -> memref<104xi32, #tpu.memory_space<vmem>>
      %dma_wait3A_809 = tpu.memref_slice %arg2[%mul3A_4] : memref<320000xi32, #tpu.memory_space<hbm>> -> memref<104xi32, #tpu.memory_space<hbm>>
      %dma_wait3A_810 = arith.constant 0 : i32
      %dma_wait3A_811 = tpu.memref_slice %arg9[%dma_wait3A_805, %dma_wait3A_810] : memref<2x104xi32, #tpu.memory_space<vmem>> -> memref<1x104xi32, #tpu.memory_space<vmem>>
      %dma_wait3A_812 = tpu.memref_squeeze %dma_wait3A_811 : memref<1x104xi32, #tpu.memory_space<vmem>> -> memref<104xi32, #tpu.memory_space<vmem>>
      %dma_wait3A_813 = tpu.memref_slice %arg2[%mul3A_4] : memref<320000xi32, #tpu.memory_space<hbm>> -> memref<104xi32, #tpu.memory_space<hbm>>
      tpu.wait_dma2 semaphore(%arg21 : memref<!tpu.dma_semaphore, #tpu.memory_space<semaphore_mem>>) src(%dma_wait3A_813 : memref<104xi32, #tpu.memory_space<hbm>>) dst(%dma_wait3A_812 : memref<104xi32, #tpu.memory_space<vmem>>)
      %dma_wait3A_814 = arith.constant 1 : i32
      %dma_wait3A_815 = arith.constant 0 : i32
      %dma_wait3A_816 = tpu.memref_slice %arg9[%dma_wait3A_814, %dma_wait3A_815] : memref<2x104xi32, #tpu.memory_space<vmem>> -> memref<1x104xi32, #tpu.memory_space<vmem>>
      %dma_wait3A_817 = tpu.memref_squeeze %dma_wait3A_816 : memref<1x104xi32, #tpu.memory_space<vmem>> -> memref<104xi32, #tpu.memory_space<vmem>>
      %dma_wait3A_818 = tpu.memref_slice %arg3[%mul3A_4] : memref<320000xi32, #tpu.memory_space<hbm>> -> memref<104xi32, #tpu.memory_space<hbm>>
      %dma_wait3A_819 = arith.constant 0 : i32
      %dma_wait3A_820 = tpu.memref_slice %arg9[%dma_wait3A_814, %dma_wait3A_819] : memref<2x104xi32, #tpu.memory_space<vmem>> -> memref<1x104xi32, #tpu.memory_space<vmem>>
      %dma_wait3A_821 = tpu.memref_squeeze %dma_wait3A_820 : memref<1x104xi32, #tpu.memory_space<vmem>> -> memref<104xi32, #tpu.memory_space<vmem>>
      %dma_wait3A_822 = tpu.memref_slice %arg3[%mul3A_4] : memref<320000xi32, #tpu.memory_space<hbm>> -> memref<104xi32, #tpu.memory_space<hbm>>
      tpu.wait_dma2 semaphore(%arg21 : memref<!tpu.dma_semaphore, #tpu.memory_space<semaphore_mem>>) src(%dma_wait3A_822 : memref<104xi32, #tpu.memory_space<hbm>>) dst(%dma_wait3A_821 : memref<104xi32, #tpu.memory_space<vmem>>)
      %dma_start3A_823 = arith.constant 1 : i32
      %dma_start3A_824 = arith.constant 0 : i32
      %dma_start3A_825 = tpu.memref_slice %arg9[%dma_start3A_823, %dma_start3A_824] : memref<2x104xi32, #tpu.memory_space<vmem>> -> memref<1x104xi32, #tpu.memory_space<vmem>>
      %dma_start3A_826 = tpu.memref_squeeze %dma_start3A_825 : memref<1x104xi32, #tpu.memory_space<vmem>> -> memref<104xi32, #tpu.memory_space<vmem>>
      %dma_start3A_827 = arith.constant 0 : i32
      %dma_start3A_828 = arith.constant 0 : i32
      %dma_start3A_829 = tpu.memref_slice %arg4[%dma_start3A_827, %dma_start3A_828] : memref<10240x128xf32, #tpu.memory_space<hbm>> -> memref<10240x128xf32, #tpu.memory_space<hbm>>
      tpu.enqueue_indirect_dma source(%dma_start3A_829 : memref<10240x128xf32, #tpu.memory_space<hbm>>) target(%arg15 : memref<104x128xf32, #tpu.memory_space<vmem>>) offsets(%dma_start3A_826 : memref<104xi32, #tpu.memory_space<vmem>>) semaphore(%arg27 : memref<!tpu.dma_semaphore, #tpu.memory_space<semaphore_mem>>)
    }
    %scan3A_201 = arith.constant 15 : i32
    %dma_wait3A_202 = arith.constant 0 : i32
    %dma_wait3A_203 = arith.constant 0 : i32
    %dma_wait3A_204 = tpu.memref_slice %arg4[%dma_wait3A_202, %dma_wait3A_203] : memref<10240x128xf32, #tpu.memory_space<hbm>> -> memref<104x128xf32, #tpu.memory_space<hbm>>
    %dma_wait3A_205 = arith.constant 0 : i32
    %dma_wait3A_206 = arith.constant 0 : i32
    %dma_wait3A_207 = tpu.memref_slice %arg4[%dma_wait3A_205, %dma_wait3A_206] : memref<10240x128xf32, #tpu.memory_space<hbm>> -> memref<104x128xf32, #tpu.memory_space<hbm>>
    tpu.wait_dma2 semaphore(%arg25 : memref<!tpu.dma_semaphore, #tpu.memory_space<semaphore_mem>>) src(%dma_wait3A_207 : memref<104x128xf32, #tpu.memory_space<hbm>>) dst(%arg13 : memref<104x128xf32, #tpu.memory_space<vmem>>)
    %dma_start3A_208 = arith.constant 0 : i32
    %dma_start3A_209 = arith.constant 0 : i32
    %dma_start3A_210 = tpu.memref_slice %arg7[%dma_start3A_208, %dma_start3A_209] : memref<2x104xi32, #tpu.memory_space<vmem>> -> memref<1x104xi32, #tpu.memory_space<vmem>>
    %dma_start3A_211 = tpu.memref_squeeze %dma_start3A_210 : memref<1x104xi32, #tpu.memory_space<vmem>> -> memref<104xi32, #tpu.memory_space<vmem>>
    %dma_start3A_212 = arith.constant 0 : i32
    %dma_start3A_213 = arith.constant 0 : i32
    %dma_start3A_214 = tpu.memref_slice %arg18[%dma_start3A_212, %dma_start3A_213] : memref<10240x128xf32, #tpu.memory_space<vmem_shared>> -> memref<10240x128xf32, #tpu.memory_space<vmem_shared>>
    tpu.enqueue_indirect_dma source(%arg13 : memref<104x128xf32, #tpu.memory_space<vmem>>) target(%dma_start3A_214 : memref<10240x128xf32, #tpu.memory_space<vmem_shared>>) offsets(%dma_start3A_211 : memref<104xi32, #tpu.memory_space<vmem>>) semaphore(%arg28 : memref<!tpu.dma_semaphore, #tpu.memory_space<semaphore_mem>>) {add = true}
    %dma_wait3A_215 = arith.constant 0 : i32
    %dma_wait3A_216 = arith.constant 0 : i32
    %dma_wait3A_217 = tpu.memref_slice %arg4[%dma_wait3A_215, %dma_wait3A_216] : memref<10240x128xf32, #tpu.memory_space<hbm>> -> memref<104x128xf32, #tpu.memory_space<hbm>>
    %dma_wait3A_218 = arith.constant 0 : i32
    %dma_wait3A_219 = arith.constant 0 : i32
    %dma_wait3A_220 = tpu.memref_slice %arg4[%dma_wait3A_218, %dma_wait3A_219] : memref<10240x128xf32, #tpu.memory_space<hbm>> -> memref<104x128xf32, #tpu.memory_space<hbm>>
    tpu.wait_dma2 semaphore(%arg26 : memref<!tpu.dma_semaphore, #tpu.memory_space<semaphore_mem>>) src(%dma_wait3A_220 : memref<104x128xf32, #tpu.memory_space<hbm>>) dst(%arg14 : memref<104x128xf32, #tpu.memory_space<vmem>>)
    %dma_start3A_221 = arith.constant 0 : i32
    %dma_start3A_222 = arith.constant 0 : i32
    %dma_start3A_223 = tpu.memref_slice %arg8[%dma_start3A_221, %dma_start3A_222] : memref<2x104xi32, #tpu.memory_space<vmem>> -> memref<1x104xi32, #tpu.memory_space<vmem>>
    %dma_start3A_224 = tpu.memref_squeeze %dma_start3A_223 : memref<1x104xi32, #tpu.memory_space<vmem>> -> memref<104xi32, #tpu.memory_space<vmem>>
    %dma_start3A_225 = arith.constant 0 : i32
    %dma_start3A_226 = arith.constant 0 : i32
    %dma_start3A_227 = tpu.memref_slice %arg18[%dma_start3A_225, %dma_start3A_226] : memref<10240x128xf32, #tpu.memory_space<vmem_shared>> -> memref<10240x128xf32, #tpu.memory_space<vmem_shared>>
    tpu.enqueue_indirect_dma source(%arg14 : memref<104x128xf32, #tpu.memory_space<vmem>>) target(%dma_start3A_227 : memref<10240x128xf32, #tpu.memory_space<vmem_shared>>) offsets(%dma_start3A_224 : memref<104xi32, #tpu.memory_space<vmem>>) semaphore(%arg29 : memref<!tpu.dma_semaphore, #tpu.memory_space<semaphore_mem>>) {add = true}
    %dma_wait3A_228 = arith.constant 0 : i32
    %dma_wait3A_229 = arith.constant 0 : i32
    %dma_wait3A_230 = tpu.memref_slice %arg4[%dma_wait3A_228, %dma_wait3A_229] : memref<10240x128xf32, #tpu.memory_space<hbm>> -> memref<104x128xf32, #tpu.memory_space<hbm>>
    %dma_wait3A_231 = arith.constant 0 : i32
    %dma_wait3A_232 = arith.constant 0 : i32
    %dma_wait3A_233 = tpu.memref_slice %arg4[%dma_wait3A_231, %dma_wait3A_232] : memref<10240x128xf32, #tpu.memory_space<hbm>> -> memref<104x128xf32, #tpu.memory_space<hbm>>
    tpu.wait_dma2 semaphore(%arg27 : memref<!tpu.dma_semaphore, #tpu.memory_space<semaphore_mem>>) src(%dma_wait3A_233 : memref<104x128xf32, #tpu.memory_space<hbm>>) dst(%arg15 : memref<104x128xf32, #tpu.memory_space<vmem>>)
    %dma_start3A_234 = arith.constant 0 : i32
    %dma_start3A_235 = arith.constant 0 : i32
    %dma_start3A_236 = tpu.memref_slice %arg9[%dma_start3A_234, %dma_start3A_235] : memref<2x104xi32, #tpu.memory_space<vmem>> -> memref<1x104xi32, #tpu.memory_space<vmem>>
    %dma_start3A_237 = tpu.memref_squeeze %dma_start3A_236 : memref<1x104xi32, #tpu.memory_space<vmem>> -> memref<104xi32, #tpu.memory_space<vmem>>
    %dma_start3A_238 = arith.constant 0 : i32
    %dma_start3A_239 = arith.constant 0 : i32
    %dma_start3A_240 = tpu.memref_slice %arg18[%dma_start3A_238, %dma_start3A_239] : memref<10240x128xf32, #tpu.memory_space<vmem_shared>> -> memref<10240x128xf32, #tpu.memory_space<vmem_shared>>
    tpu.enqueue_indirect_dma source(%arg15 : memref<104x128xf32, #tpu.memory_space<vmem>>) target(%dma_start3A_240 : memref<10240x128xf32, #tpu.memory_space<vmem_shared>>) offsets(%dma_start3A_237 : memref<104xi32, #tpu.memory_space<vmem>>) semaphore(%arg30 : memref<!tpu.dma_semaphore, #tpu.memory_space<semaphore_mem>>) {add = true}
    %dma_wait3A_241 = arith.constant 0 : i32
    %dma_wait3A_242 = arith.constant 0 : i32
    %dma_wait3A_243 = tpu.memref_slice %arg18[%dma_wait3A_241, %dma_wait3A_242] : memref<10240x128xf32, #tpu.memory_space<vmem_shared>> -> memref<104x128xf32, #tpu.memory_space<vmem_shared>>
    %dma_wait3A_244 = arith.constant 0 : i32
    %dma_wait3A_245 = arith.constant 0 : i32
    %dma_wait3A_246 = tpu.memref_slice %arg18[%dma_wait3A_244, %dma_wait3A_245] : memref<10240x128xf32, #tpu.memory_space<vmem_shared>> -> memref<104x128xf32, #tpu.memory_space<vmem_shared>>
    tpu.wait_dma2 semaphore(%arg28 : memref<!tpu.dma_semaphore, #tpu.memory_space<semaphore_mem>>) src(%arg13 : memref<104x128xf32, #tpu.memory_space<vmem>>) dst(%dma_wait3A_246 : memref<104x128xf32, #tpu.memory_space<vmem_shared>>)
    %dma_wait3A_247 = arith.constant 0 : i32
    %dma_wait3A_248 = arith.constant 0 : i32
    %dma_wait3A_249 = tpu.memref_slice %arg10[%dma_wait3A_247, %dma_wait3A_248] : memref<2x104xi32, #tpu.memory_space<vmem>> -> memref<1x104xi32, #tpu.memory_space<vmem>>
    %dma_wait3A_250 = tpu.memref_squeeze %dma_wait3A_249 : memref<1x104xi32, #tpu.memory_space<vmem>> -> memref<104xi32, #tpu.memory_space<vmem>>
    %dma_wait3A_251 = tpu.memref_slice %arg2[%mul3A_4] : memref<320000xi32, #tpu.memory_space<hbm>> -> memref<104xi32, #tpu.memory_space<hbm>>
    %dma_wait3A_252 = arith.constant 0 : i32
    %dma_wait3A_253 = tpu.memref_slice %arg10[%dma_wait3A_247, %dma_wait3A_252] : memref<2x104xi32, #tpu.memory_space<vmem>> -> memref<1x104xi32, #tpu.memory_space<vmem>>
    %dma_wait3A_254 = tpu.memref_squeeze %dma_wait3A_253 : memref<1x104xi32, #tpu.memory_space<vmem>> -> memref<104xi32, #tpu.memory_space<vmem>>
    %dma_wait3A_255 = tpu.memref_slice %arg2[%mul3A_4] : memref<320000xi32, #tpu.memory_space<hbm>> -> memref<104xi32, #tpu.memory_space<hbm>>
    tpu.wait_dma2 semaphore(%arg22 : memref<!tpu.dma_semaphore, #tpu.memory_space<semaphore_mem>>) src(%dma_wait3A_255 : memref<104xi32, #tpu.memory_space<hbm>>) dst(%dma_wait3A_254 : memref<104xi32, #tpu.memory_space<vmem>>)
    %dma_wait3A_256 = arith.constant 1 : i32
    %dma_wait3A_257 = arith.constant 0 : i32
    %dma_wait3A_258 = tpu.memref_slice %arg10[%dma_wait3A_256, %dma_wait3A_257] : memref<2x104xi32, #tpu.memory_space<vmem>> -> memref<1x104xi32, #tpu.memory_space<vmem>>
    %dma_wait3A_259 = tpu.memref_squeeze %dma_wait3A_258 : memref<1x104xi32, #tpu.memory_space<vmem>> -> memref<104xi32, #tpu.memory_space<vmem>>
    %dma_wait3A_260 = tpu.memref_slice %arg3[%mul3A_4] : memref<320000xi32, #tpu.memory_space<hbm>> -> memref<104xi32, #tpu.memory_space<hbm>>
    %dma_wait3A_261 = arith.constant 0 : i32
    %dma_wait3A_262 = tpu.memref_slice %arg10[%dma_wait3A_256, %dma_wait3A_261] : memref<2x104xi32, #tpu.memory_space<vmem>> -> memref<1x104xi32, #tpu.memory_space<vmem>>
    %dma_wait3A_263 = tpu.memref_squeeze %dma_wait3A_262 : memref<1x104xi32, #tpu.memory_space<vmem>> -> memref<104xi32, #tpu.memory_space<vmem>>
    %dma_wait3A_264 = tpu.memref_slice %arg3[%mul3A_4] : memref<320000xi32, #tpu.memory_space<hbm>> -> memref<104xi32, #tpu.memory_space<hbm>>
    tpu.wait_dma2 semaphore(%arg22 : memref<!tpu.dma_semaphore, #tpu.memory_space<semaphore_mem>>) src(%dma_wait3A_264 : memref<104xi32, #tpu.memory_space<hbm>>) dst(%dma_wait3A_263 : memref<104xi32, #tpu.memory_space<vmem>>)
    %dma_start3A_265 = arith.constant 1 : i32
    %dma_start3A_266 = arith.constant 0 : i32
    %dma_start3A_267 = tpu.memref_slice %arg10[%dma_start3A_265, %dma_start3A_266] : memref<2x104xi32, #tpu.memory_space<vmem>> -> memref<1x104xi32, #tpu.memory_space<vmem>>
    %dma_start3A_268 = tpu.memref_squeeze %dma_start3A_267 : memref<1x104xi32, #tpu.memory_space<vmem>> -> memref<104xi32, #tpu.memory_space<vmem>>
    %dma_start3A_269 = arith.constant 0 : i32
    %dma_start3A_270 = arith.constant 0 : i32
    %dma_start3A_271 = tpu.memref_slice %arg4[%dma_start3A_269, %dma_start3A_270] : memref<10240x128xf32, #tpu.memory_space<hbm>> -> memref<10240x128xf32, #tpu.memory_space<hbm>>
    tpu.enqueue_indirect_dma source(%dma_start3A_271 : memref<10240x128xf32, #tpu.memory_space<hbm>>) target(%arg13 : memref<104x128xf32, #tpu.memory_space<vmem>>) offsets(%dma_start3A_268 : memref<104xi32, #tpu.memory_space<vmem>>) semaphore(%arg25 : memref<!tpu.dma_semaphore, #tpu.memory_space<semaphore_mem>>)
    %dma_wait3A_272 = arith.constant 0 : i32
    %dma_wait3A_273 = arith.constant 0 : i32
    %dma_wait3A_274 = tpu.memref_slice %arg18[%dma_wait3A_272, %dma_wait3A_273] : memref<10240x128xf32, #tpu.memory_space<vmem_shared>> -> memref<104x128xf32, #tpu.memory_space<vmem_shared>>
    %dma_wait3A_275 = arith.constant 0 : i32
    %dma_wait3A_276 = arith.constant 0 : i32
    %dma_wait3A_277 = tpu.memref_slice %arg18[%dma_wait3A_275, %dma_wait3A_276] : memref<10240x128xf32, #tpu.memory_space<vmem_shared>> -> memref<104x128xf32, #tpu.memory_space<vmem_shared>>
    tpu.wait_dma2 semaphore(%arg29 : memref<!tpu.dma_semaphore, #tpu.memory_space<semaphore_mem>>) src(%arg14 : memref<104x128xf32, #tpu.memory_space<vmem>>) dst(%dma_wait3A_277 : memref<104x128xf32, #tpu.memory_space<vmem_shared>>)
    %dma_wait3A_278 = arith.constant 0 : i32
    %dma_wait3A_279 = arith.constant 0 : i32
    %dma_wait3A_280 = tpu.memref_slice %arg11[%dma_wait3A_278, %dma_wait3A_279] : memref<2x104xi32, #tpu.memory_space<vmem>> -> memref<1x104xi32, #tpu.memory_space<vmem>>
    %dma_wait3A_281 = tpu.memref_squeeze %dma_wait3A_280 : memref<1x104xi32, #tpu.memory_space<vmem>> -> memref<104xi32, #tpu.memory_space<vmem>>
    %dma_wait3A_282 = tpu.memref_slice %arg2[%mul3A_4] : memref<320000xi32, #tpu.memory_space<hbm>> -> memref<104xi32, #tpu.memory_space<hbm>>
    %dma_wait3A_283 = arith.constant 0 : i32
    %dma_wait3A_284 = tpu.memref_slice %arg11[%dma_wait3A_278, %dma_wait3A_283] : memref<2x104xi32, #tpu.memory_space<vmem>> -> memref<1x104xi32, #tpu.memory_space<vmem>>
    %dma_wait3A_285 = tpu.memref_squeeze %dma_wait3A_284 : memref<1x104xi32, #tpu.memory_space<vmem>> -> memref<104xi32, #tpu.memory_space<vmem>>
    %dma_wait3A_286 = tpu.memref_slice %arg2[%mul3A_4] : memref<320000xi32, #tpu.memory_space<hbm>> -> memref<104xi32, #tpu.memory_space<hbm>>
    tpu.wait_dma2 semaphore(%arg23 : memref<!tpu.dma_semaphore, #tpu.memory_space<semaphore_mem>>) src(%dma_wait3A_286 : memref<104xi32, #tpu.memory_space<hbm>>) dst(%dma_wait3A_285 : memref<104xi32, #tpu.memory_space<vmem>>)
    %dma_wait3A_287 = arith.constant 1 : i32
    %dma_wait3A_288 = arith.constant 0 : i32
    %dma_wait3A_289 = tpu.memref_slice %arg11[%dma_wait3A_287, %dma_wait3A_288] : memref<2x104xi32, #tpu.memory_space<vmem>> -> memref<1x104xi32, #tpu.memory_space<vmem>>
    %dma_wait3A_290 = tpu.memref_squeeze %dma_wait3A_289 : memref<1x104xi32, #tpu.memory_space<vmem>> -> memref<104xi32, #tpu.memory_space<vmem>>
    %dma_wait3A_291 = tpu.memref_slice %arg3[%mul3A_4] : memref<320000xi32, #tpu.memory_space<hbm>> -> memref<104xi32, #tpu.memory_space<hbm>>
    %dma_wait3A_292 = arith.constant 0 : i32
    %dma_wait3A_293 = tpu.memref_slice %arg11[%dma_wait3A_287, %dma_wait3A_292] : memref<2x104xi32, #tpu.memory_space<vmem>> -> memref<1x104xi32, #tpu.memory_space<vmem>>
    %dma_wait3A_294 = tpu.memref_squeeze %dma_wait3A_293 : memref<1x104xi32, #tpu.memory_space<vmem>> -> memref<104xi32, #tpu.memory_space<vmem>>
    %dma_wait3A_295 = tpu.memref_slice %arg3[%mul3A_4] : memref<320000xi32, #tpu.memory_space<hbm>> -> memref<104xi32, #tpu.memory_space<hbm>>
    tpu.wait_dma2 semaphore(%arg23 : memref<!tpu.dma_semaphore, #tpu.memory_space<semaphore_mem>>) src(%dma_wait3A_295 : memref<104xi32, #tpu.memory_space<hbm>>) dst(%dma_wait3A_294 : memref<104xi32, #tpu.memory_space<vmem>>)
    %dma_start3A_296 = arith.constant 1 : i32
    %dma_start3A_297 = arith.constant 0 : i32
    %dma_start3A_298 = tpu.memref_slice %arg11[%dma_start3A_296, %dma_start3A_297] : memref<2x104xi32, #tpu.memory_space<vmem>> -> memref<1x104xi32, #tpu.memory_space<vmem>>
    %dma_start3A_299 = tpu.memref_squeeze %dma_start3A_298 : memref<1x104xi32, #tpu.memory_space<vmem>> -> memref<104xi32, #tpu.memory_space<vmem>>
    %dma_start3A_300 = arith.constant 0 : i32
    %dma_start3A_301 = arith.constant 0 : i32
    %dma_start3A_302 = tpu.memref_slice %arg4[%dma_start3A_300, %dma_start3A_301] : memref<10240x128xf32, #tpu.memory_space<hbm>> -> memref<10240x128xf32, #tpu.memory_space<hbm>>
    tpu.enqueue_indirect_dma source(%dma_start3A_302 : memref<10240x128xf32, #tpu.memory_space<hbm>>) target(%arg14 : memref<104x128xf32, #tpu.memory_space<vmem>>) offsets(%dma_start3A_299 : memref<104xi32, #tpu.memory_space<vmem>>) semaphore(%arg26 : memref<!tpu.dma_semaphore, #tpu.memory_space<semaphore_mem>>)
    %dma_wait3A_303 = arith.constant 0 : i32
    %dma_wait3A_304 = arith.constant 0 : i32
    %dma_wait3A_305 = tpu.memref_slice %arg18[%dma_wait3A_303, %dma_wait3A_304] : memref<10240x128xf32, #tpu.memory_space<vmem_shared>> -> memref<104x128xf32, #tpu.memory_space<vmem_shared>>
    %dma_wait3A_306 = arith.constant 0 : i32
    %dma_wait3A_307 = arith.constant 0 : i32
    %dma_wait3A_308 = tpu.memref_slice %arg18[%dma_wait3A_306, %dma_wait3A_307] : memref<10240x128xf32, #tpu.memory_space<vmem_shared>> -> memref<104x128xf32, #tpu.memory_space<vmem_shared>>
    tpu.wait_dma2 semaphore(%arg30 : memref<!tpu.dma_semaphore, #tpu.memory_space<semaphore_mem>>) src(%arg15 : memref<104x128xf32, #tpu.memory_space<vmem>>) dst(%dma_wait3A_308 : memref<104x128xf32, #tpu.memory_space<vmem_shared>>)
    %dma_wait3A_309 = arith.constant 0 : i32
    %dma_wait3A_310 = arith.constant 0 : i32
    %dma_wait3A_311 = tpu.memref_slice %arg12[%dma_wait3A_309, %dma_wait3A_310] : memref<2x104xi32, #tpu.memory_space<vmem>> -> memref<1x104xi32, #tpu.memory_space<vmem>>
    %dma_wait3A_312 = tpu.memref_squeeze %dma_wait3A_311 : memref<1x104xi32, #tpu.memory_space<vmem>> -> memref<104xi32, #tpu.memory_space<vmem>>
    %dma_wait3A_313 = tpu.memref_slice %arg2[%mul3A_4] : memref<320000xi32, #tpu.memory_space<hbm>> -> memref<104xi32, #tpu.memory_space<hbm>>
    %dma_wait3A_314 = arith.constant 0 : i32
    %dma_wait3A_315 = tpu.memref_slice %arg12[%dma_wait3A_309, %dma_wait3A_314] : memref<2x104xi32, #tpu.memory_space<vmem>> -> memref<1x104xi32, #tpu.memory_space<vmem>>
    %dma_wait3A_316 = tpu.memref_squeeze %dma_wait3A_315 : memref<1x104xi32, #tpu.memory_space<vmem>> -> memref<104xi32, #tpu.memory_space<vmem>>
    %dma_wait3A_317 = tpu.memref_slice %arg2[%mul3A_4] : memref<320000xi32, #tpu.memory_space<hbm>> -> memref<104xi32, #tpu.memory_space<hbm>>
    tpu.wait_dma2 semaphore(%arg24 : memref<!tpu.dma_semaphore, #tpu.memory_space<semaphore_mem>>) src(%dma_wait3A_317 : memref<104xi32, #tpu.memory_space<hbm>>) dst(%dma_wait3A_316 : memref<104xi32, #tpu.memory_space<vmem>>)
    %dma_wait3A_318 = arith.constant 1 : i32
    %dma_wait3A_319 = arith.constant 0 : i32
    %dma_wait3A_320 = tpu.memref_slice %arg12[%dma_wait3A_318, %dma_wait3A_319] : memref<2x104xi32, #tpu.memory_space<vmem>> -> memref<1x104xi32, #tpu.memory_space<vmem>>
    %dma_wait3A_321 = tpu.memref_squeeze %dma_wait3A_320 : memref<1x104xi32, #tpu.memory_space<vmem>> -> memref<104xi32, #tpu.memory_space<vmem>>
    %dma_wait3A_322 = tpu.memref_slice %arg3[%mul3A_4] : memref<320000xi32, #tpu.memory_space<hbm>> -> memref<104xi32, #tpu.memory_space<hbm>>
    %dma_wait3A_323 = arith.constant 0 : i32
    %dma_wait3A_324 = tpu.memref_slice %arg12[%dma_wait3A_318, %dma_wait3A_323] : memref<2x104xi32, #tpu.memory_space<vmem>> -> memref<1x104xi32, #tpu.memory_space<vmem>>
    %dma_wait3A_325 = tpu.memref_squeeze %dma_wait3A_324 : memref<1x104xi32, #tpu.memory_space<vmem>> -> memref<104xi32, #tpu.memory_space<vmem>>
    %dma_wait3A_326 = tpu.memref_slice %arg3[%mul3A_4] : memref<320000xi32, #tpu.memory_space<hbm>> -> memref<104xi32, #tpu.memory_space<hbm>>
    tpu.wait_dma2 semaphore(%arg24 : memref<!tpu.dma_semaphore, #tpu.memory_space<semaphore_mem>>) src(%dma_wait3A_326 : memref<104xi32, #tpu.memory_space<hbm>>) dst(%dma_wait3A_325 : memref<104xi32, #tpu.memory_space<vmem>>)
    %dma_start3A_327 = arith.constant 1 : i32
    %dma_start3A_328 = arith.constant 0 : i32
    %dma_start3A_329 = tpu.memref_slice %arg12[%dma_start3A_327, %dma_start3A_328] : memref<2x104xi32, #tpu.memory_space<vmem>> -> memref<1x104xi32, #tpu.memory_space<vmem>>
    %dma_start3A_330 = tpu.memref_squeeze %dma_start3A_329 : memref<1x104xi32, #tpu.memory_space<vmem>> -> memref<104xi32, #tpu.memory_space<vmem>>
    %dma_start3A_331 = arith.constant 0 : i32
    %dma_start3A_332 = arith.constant 0 : i32
    %dma_start3A_333 = tpu.memref_slice %arg4[%dma_start3A_331, %dma_start3A_332] : memref<10240x128xf32, #tpu.memory_space<hbm>> -> memref<10240x128xf32, #tpu.memory_space<hbm>>
    tpu.enqueue_indirect_dma source(%dma_start3A_333 : memref<10240x128xf32, #tpu.memory_space<hbm>>) target(%arg15 : memref<104x128xf32, #tpu.memory_space<vmem>>) offsets(%dma_start3A_330 : memref<104xi32, #tpu.memory_space<vmem>>) semaphore(%arg27 : memref<!tpu.dma_semaphore, #tpu.memory_space<semaphore_mem>>)
    %dma_wait3A_334 = arith.constant 0 : i32
    %dma_wait3A_335 = arith.constant 0 : i32
    %dma_wait3A_336 = tpu.memref_slice %arg4[%dma_wait3A_334, %dma_wait3A_335] : memref<10240x128xf32, #tpu.memory_space<hbm>> -> memref<104x128xf32, #tpu.memory_space<hbm>>
    %dma_wait3A_337 = arith.constant 0 : i32
    %dma_wait3A_338 = arith.constant 0 : i32
    %dma_wait3A_339 = tpu.memref_slice %arg4[%dma_wait3A_337, %dma_wait3A_338] : memref<10240x128xf32, #tpu.memory_space<hbm>> -> memref<104x128xf32, #tpu.memory_space<hbm>>
    tpu.wait_dma2 semaphore(%arg25 : memref<!tpu.dma_semaphore, #tpu.memory_space<semaphore_mem>>) src(%dma_wait3A_339 : memref<104x128xf32, #tpu.memory_space<hbm>>) dst(%arg13 : memref<104x128xf32, #tpu.memory_space<vmem>>)
    %dma_start3A_340 = arith.constant 0 : i32
    %dma_start3A_341 = arith.constant 0 : i32
    %dma_start3A_342 = tpu.memref_slice %arg10[%dma_start3A_340, %dma_start3A_341] : memref<2x104xi32, #tpu.memory_space<vmem>> -> memref<1x104xi32, #tpu.memory_space<vmem>>
    %dma_start3A_343 = tpu.memref_squeeze %dma_start3A_342 : memref<1x104xi32, #tpu.memory_space<vmem>> -> memref<104xi32, #tpu.memory_space<vmem>>
    %dma_start3A_344 = arith.constant 0 : i32
    %dma_start3A_345 = arith.constant 0 : i32
    %dma_start3A_346 = tpu.memref_slice %arg18[%dma_start3A_344, %dma_start3A_345] : memref<10240x128xf32, #tpu.memory_space<vmem_shared>> -> memref<10240x128xf32, #tpu.memory_space<vmem_shared>>
    tpu.enqueue_indirect_dma source(%arg13 : memref<104x128xf32, #tpu.memory_space<vmem>>) target(%dma_start3A_346 : memref<10240x128xf32, #tpu.memory_space<vmem_shared>>) offsets(%dma_start3A_343 : memref<104xi32, #tpu.memory_space<vmem>>) semaphore(%arg28 : memref<!tpu.dma_semaphore, #tpu.memory_space<semaphore_mem>>) {add = true}
    %dma_wait3A_347 = arith.constant 0 : i32
    %dma_wait3A_348 = arith.constant 0 : i32
    %dma_wait3A_349 = tpu.memref_slice %arg4[%dma_wait3A_347, %dma_wait3A_348] : memref<10240x128xf32, #tpu.memory_space<hbm>> -> memref<104x128xf32, #tpu.memory_space<hbm>>
    %dma_wait3A_350 = arith.constant 0 : i32
    %dma_wait3A_351 = arith.constant 0 : i32
    %dma_wait3A_352 = tpu.memref_slice %arg4[%dma_wait3A_350, %dma_wait3A_351] : memref<10240x128xf32, #tpu.memory_space<hbm>> -> memref<104x128xf32, #tpu.memory_space<hbm>>
    tpu.wait_dma2 semaphore(%arg26 : memref<!tpu.dma_semaphore, #tpu.memory_space<semaphore_mem>>) src(%dma_wait3A_352 : memref<104x128xf32, #tpu.memory_space<hbm>>) dst(%arg14 : memref<104x128xf32, #tpu.memory_space<vmem>>)
    %dma_start3A_353 = arith.constant 0 : i32
    %dma_start3A_354 = arith.constant 0 : i32
    %dma_start3A_355 = tpu.memref_slice %arg11[%dma_start3A_353, %dma_start3A_354] : memref<2x104xi32, #tpu.memory_space<vmem>> -> memref<1x104xi32, #tpu.memory_space<vmem>>
    %dma_start3A_356 = tpu.memref_squeeze %dma_start3A_355 : memref<1x104xi32, #tpu.memory_space<vmem>> -> memref<104xi32, #tpu.memory_space<vmem>>
    %dma_start3A_357 = arith.constant 0 : i32
    %dma_start3A_358 = arith.constant 0 : i32
    %dma_start3A_359 = tpu.memref_slice %arg18[%dma_start3A_357, %dma_start3A_358] : memref<10240x128xf32, #tpu.memory_space<vmem_shared>> -> memref<10240x128xf32, #tpu.memory_space<vmem_shared>>
    tpu.enqueue_indirect_dma source(%arg14 : memref<104x128xf32, #tpu.memory_space<vmem>>) target(%dma_start3A_359 : memref<10240x128xf32, #tpu.memory_space<vmem_shared>>) offsets(%dma_start3A_356 : memref<104xi32, #tpu.memory_space<vmem>>) semaphore(%arg29 : memref<!tpu.dma_semaphore, #tpu.memory_space<semaphore_mem>>) {add = true}
    %dma_wait3A_360 = arith.constant 0 : i32
    %dma_wait3A_361 = arith.constant 0 : i32
    %dma_wait3A_362 = tpu.memref_slice %arg4[%dma_wait3A_360, %dma_wait3A_361] : memref<10240x128xf32, #tpu.memory_space<hbm>> -> memref<104x128xf32, #tpu.memory_space<hbm>>
    %dma_wait3A_363 = arith.constant 0 : i32
    %dma_wait3A_364 = arith.constant 0 : i32
    %dma_wait3A_365 = tpu.memref_slice %arg4[%dma_wait3A_363, %dma_wait3A_364] : memref<10240x128xf32, #tpu.memory_space<hbm>> -> memref<104x128xf32, #tpu.memory_space<hbm>>
    tpu.wait_dma2 semaphore(%arg27 : memref<!tpu.dma_semaphore, #tpu.memory_space<semaphore_mem>>) src(%dma_wait3A_365 : memref<104x128xf32, #tpu.memory_space<hbm>>) dst(%arg15 : memref<104x128xf32, #tpu.memory_space<vmem>>)
    %dma_start3A_366 = arith.constant 0 : i32
    %dma_start3A_367 = arith.constant 0 : i32
    %dma_start3A_368 = tpu.memref_slice %arg12[%dma_start3A_366, %dma_start3A_367] : memref<2x104xi32, #tpu.memory_space<vmem>> -> memref<1x104xi32, #tpu.memory_space<vmem>>
    %dma_start3A_369 = tpu.memref_squeeze %dma_start3A_368 : memref<1x104xi32, #tpu.memory_space<vmem>> -> memref<104xi32, #tpu.memory_space<vmem>>
    %dma_start3A_370 = arith.constant 0 : i32
    %dma_start3A_371 = arith.constant 0 : i32
    %dma_start3A_372 = tpu.memref_slice %arg18[%dma_start3A_370, %dma_start3A_371] : memref<10240x128xf32, #tpu.memory_space<vmem_shared>> -> memref<10240x128xf32, #tpu.memory_space<vmem_shared>>
    tpu.enqueue_indirect_dma source(%arg15 : memref<104x128xf32, #tpu.memory_space<vmem>>) target(%dma_start3A_372 : memref<10240x128xf32, #tpu.memory_space<vmem_shared>>) offsets(%dma_start3A_369 : memref<104xi32, #tpu.memory_space<vmem>>) semaphore(%arg30 : memref<!tpu.dma_semaphore, #tpu.memory_space<semaphore_mem>>) {add = true}
    %dma_wait3A_373 = arith.constant 0 : i32
    %dma_wait3A_374 = arith.constant 0 : i32
    %dma_wait3A_375 = tpu.memref_slice %arg18[%dma_wait3A_373, %dma_wait3A_374] : memref<10240x128xf32, #tpu.memory_space<vmem_shared>> -> memref<104x128xf32, #tpu.memory_space<vmem_shared>>
    %dma_wait3A_376 = arith.constant 0 : i32
    %dma_wait3A_377 = arith.constant 0 : i32
    %dma_wait3A_378 = tpu.memref_slice %arg18[%dma_wait3A_376, %dma_wait3A_377] : memref<10240x128xf32, #tpu.memory_space<vmem_shared>> -> memref<104x128xf32, #tpu.memory_space<vmem_shared>>
    tpu.wait_dma2 semaphore(%arg28 : memref<!tpu.dma_semaphore, #tpu.memory_space<semaphore_mem>>) src(%arg13 : memref<104x128xf32, #tpu.memory_space<vmem>>) dst(%dma_wait3A_378 : memref<104x128xf32, #tpu.memory_space<vmem_shared>>)
    %dma_wait3A_379 = arith.constant 0 : i32
    %dma_wait3A_380 = arith.constant 0 : i32
    %dma_wait3A_381 = tpu.memref_slice %arg18[%dma_wait3A_379, %dma_wait3A_380] : memref<10240x128xf32, #tpu.memory_space<vmem_shared>> -> memref<104x128xf32, #tpu.memory_space<vmem_shared>>
    %dma_wait3A_382 = arith.constant 0 : i32
    %dma_wait3A_383 = arith.constant 0 : i32
    %dma_wait3A_384 = tpu.memref_slice %arg18[%dma_wait3A_382, %dma_wait3A_383] : memref<10240x128xf32, #tpu.memory_space<vmem_shared>> -> memref<104x128xf32, #tpu.memory_space<vmem_shared>>
    tpu.wait_dma2 semaphore(%arg29 : memref<!tpu.dma_semaphore, #tpu.memory_space<semaphore_mem>>) src(%arg14 : memref<104x128xf32, #tpu.memory_space<vmem>>) dst(%dma_wait3A_384 : memref<104x128xf32, #tpu.memory_space<vmem_shared>>)
    %dma_wait3A_385 = arith.constant 0 : i32
    %dma_wait3A_386 = arith.constant 0 : i32
    %dma_wait3A_387 = tpu.memref_slice %arg18[%dma_wait3A_385, %dma_wait3A_386] : memref<10240x128xf32, #tpu.memory_space<vmem_shared>> -> memref<104x128xf32, #tpu.memory_space<vmem_shared>>
    %dma_wait3A_388 = arith.constant 0 : i32
    %dma_wait3A_389 = arith.constant 0 : i32
    %dma_wait3A_390 = tpu.memref_slice %arg18[%dma_wait3A_388, %dma_wait3A_389] : memref<10240x128xf32, #tpu.memory_space<vmem_shared>> -> memref<104x128xf32, #tpu.memory_space<vmem_shared>>
    tpu.wait_dma2 semaphore(%arg30 : memref<!tpu.dma_semaphore, #tpu.memory_space<semaphore_mem>>) src(%arg15 : memref<104x128xf32, #tpu.memory_space<vmem>>) dst(%dma_wait3A_390 : memref<104x128xf32, #tpu.memory_space<vmem_shared>>)
    %add3A_391 = arith.constant 9984 : i32
    %add3A_392 = arith.addi %mul3A_4, %add3A_391 : i32
    %run_scoped3A = arith.constant 0 : i32
    "tpu.region"() ({
      %run_scoped3A_397 = tpu.sem_alloc : memref<!tpu.dma_semaphore, #tpu.memory_space<semaphore_mem>>
      %dma_start3A_398 = arith.constant 0 : i32
      %dma_start3A_399 = tpu.memref_slice %arg16[%run_scoped3A, %dma_start3A_398] : memref<2x16xi32, #tpu.memory_space<vmem>> -> memref<1x16xi32, #tpu.memory_space<vmem>>
      %dma_start3A_400 = tpu.memref_squeeze %dma_start3A_399 : memref<1x16xi32, #tpu.memory_space<vmem>> -> memref<16xi32, #tpu.memory_space<vmem>>
      %dma_start3A_401 = tpu.memref_slice %arg2[%add3A_392] : memref<320000xi32, #tpu.memory_space<hbm>> -> memref<16xi32, #tpu.memory_space<hbm>>
      %dma_start3A_402 = arith.constant 0 : i32
      %dma_start3A_403 = tpu.memref_slice %arg16[%run_scoped3A, %dma_start3A_402] : memref<2x16xi32, #tpu.memory_space<vmem>> -> memref<1x16xi32, #tpu.memory_space<vmem>>
      %dma_start3A_404 = tpu.memref_squeeze %dma_start3A_403 : memref<1x16xi32, #tpu.memory_space<vmem>> -> memref<16xi32, #tpu.memory_space<vmem>>
      %dma_start3A_405 = tpu.memref_slice %arg2[%add3A_392] : memref<320000xi32, #tpu.memory_space<hbm>> -> memref<16xi32, #tpu.memory_space<hbm>>
      tpu.enqueue_dma source(%dma_start3A_405 : memref<16xi32, #tpu.memory_space<hbm>>) target(%dma_start3A_404 : memref<16xi32, #tpu.memory_space<vmem>>) target_semaphore(%run_scoped3A_397 : memref<!tpu.dma_semaphore, #tpu.memory_space<semaphore_mem>>)
      %dma_wait3A_406 = arith.constant 0 : i32
      %dma_wait3A_407 = tpu.memref_slice %arg16[%run_scoped3A, %dma_wait3A_406] : memref<2x16xi32, #tpu.memory_space<vmem>> -> memref<1x16xi32, #tpu.memory_space<vmem>>
      %dma_wait3A_408 = tpu.memref_squeeze %dma_wait3A_407 : memref<1x16xi32, #tpu.memory_space<vmem>> -> memref<16xi32, #tpu.memory_space<vmem>>
      %dma_wait3A_409 = tpu.memref_slice %arg2[%add3A_392] : memref<320000xi32, #tpu.memory_space<hbm>> -> memref<16xi32, #tpu.memory_space<hbm>>
      %dma_wait3A_410 = arith.constant 0 : i32
      %dma_wait3A_411 = tpu.memref_slice %arg16[%run_scoped3A, %dma_wait3A_410] : memref<2x16xi32, #tpu.memory_space<vmem>> -> memref<1x16xi32, #tpu.memory_space<vmem>>
      %dma_wait3A_412 = tpu.memref_squeeze %dma_wait3A_411 : memref<1x16xi32, #tpu.memory_space<vmem>> -> memref<16xi32, #tpu.memory_space<vmem>>
      %dma_wait3A_413 = tpu.memref_slice %arg2[%add3A_392] : memref<320000xi32, #tpu.memory_space<hbm>> -> memref<16xi32, #tpu.memory_space<hbm>>
      tpu.wait_dma2 semaphore(%run_scoped3A_397 : memref<!tpu.dma_semaphore, #tpu.memory_space<semaphore_mem>>) src(%dma_wait3A_413 : memref<16xi32, #tpu.memory_space<hbm>>) dst(%dma_wait3A_412 : memref<16xi32, #tpu.memory_space<vmem>>)
      tpu.yield
    }) : () -> ()
    %run_scoped3A_393 = arith.constant 1 : i32
    "tpu.region"() ({
      %run_scoped3A_397 = tpu.sem_alloc : memref<!tpu.dma_semaphore, #tpu.memory_space<semaphore_mem>>
      %dma_start3A_398 = arith.constant 0 : i32
      %dma_start3A_399 = tpu.memref_slice %arg16[%run_scoped3A_393, %dma_start3A_398] : memref<2x16xi32, #tpu.memory_space<vmem>> -> memref<1x16xi32, #tpu.memory_space<vmem>>
      %dma_start3A_400 = tpu.memref_squeeze %dma_start3A_399 : memref<1x16xi32, #tpu.memory_space<vmem>> -> memref<16xi32, #tpu.memory_space<vmem>>
      %dma_start3A_401 = tpu.memref_slice %arg3[%add3A_392] : memref<320000xi32, #tpu.memory_space<hbm>> -> memref<16xi32, #tpu.memory_space<hbm>>
      %dma_start3A_402 = arith.constant 0 : i32
      %dma_start3A_403 = tpu.memref_slice %arg16[%run_scoped3A_393, %dma_start3A_402] : memref<2x16xi32, #tpu.memory_space<vmem>> -> memref<1x16xi32, #tpu.memory_space<vmem>>
      %dma_start3A_404 = tpu.memref_squeeze %dma_start3A_403 : memref<1x16xi32, #tpu.memory_space<vmem>> -> memref<16xi32, #tpu.memory_space<vmem>>
      %dma_start3A_405 = tpu.memref_slice %arg3[%add3A_392] : memref<320000xi32, #tpu.memory_space<hbm>> -> memref<16xi32, #tpu.memory_space<hbm>>
      tpu.enqueue_dma source(%dma_start3A_405 : memref<16xi32, #tpu.memory_space<hbm>>) target(%dma_start3A_404 : memref<16xi32, #tpu.memory_space<vmem>>) target_semaphore(%run_scoped3A_397 : memref<!tpu.dma_semaphore, #tpu.memory_space<semaphore_mem>>)
      %dma_wait3A_406 = arith.constant 0 : i32
      %dma_wait3A_407 = tpu.memref_slice %arg16[%run_scoped3A_393, %dma_wait3A_406] : memref<2x16xi32, #tpu.memory_space<vmem>> -> memref<1x16xi32, #tpu.memory_space<vmem>>
      %dma_wait3A_408 = tpu.memref_squeeze %dma_wait3A_407 : memref<1x16xi32, #tpu.memory_space<vmem>> -> memref<16xi32, #tpu.memory_space<vmem>>
      %dma_wait3A_409 = tpu.memref_slice %arg3[%add3A_392] : memref<320000xi32, #tpu.memory_space<hbm>> -> memref<16xi32, #tpu.memory_space<hbm>>
      %dma_wait3A_410 = arith.constant 0 : i32
      %dma_wait3A_411 = tpu.memref_slice %arg16[%run_scoped3A_393, %dma_wait3A_410] : memref<2x16xi32, #tpu.memory_space<vmem>> -> memref<1x16xi32, #tpu.memory_space<vmem>>
      %dma_wait3A_412 = tpu.memref_squeeze %dma_wait3A_411 : memref<1x16xi32, #tpu.memory_space<vmem>> -> memref<16xi32, #tpu.memory_space<vmem>>
      %dma_wait3A_413 = tpu.memref_slice %arg3[%add3A_392] : memref<320000xi32, #tpu.memory_space<hbm>> -> memref<16xi32, #tpu.memory_space<hbm>>
      tpu.wait_dma2 semaphore(%run_scoped3A_397 : memref<!tpu.dma_semaphore, #tpu.memory_space<semaphore_mem>>) src(%dma_wait3A_413 : memref<16xi32, #tpu.memory_space<hbm>>) dst(%dma_wait3A_412 : memref<16xi32, #tpu.memory_space<vmem>>)
      tpu.yield
    }) : () -> ()
    %run_scoped3A_394 = arith.constant 1 : i32
    "tpu.region"() ({
      %run_scoped3A_397 = tpu.sem_alloc : memref<!tpu.dma_semaphore, #tpu.memory_space<semaphore_mem>>
      %dma_start3A_398 = arith.constant 0 : i32
      %dma_start3A_399 = tpu.memref_slice %arg16[%run_scoped3A_394, %dma_start3A_398] : memref<2x16xi32, #tpu.memory_space<vmem>> -> memref<1x16xi32, #tpu.memory_space<vmem>>
      %dma_start3A_400 = tpu.memref_squeeze %dma_start3A_399 : memref<1x16xi32, #tpu.memory_space<vmem>> -> memref<16xi32, #tpu.memory_space<vmem>>
      %dma_start3A_401 = arith.constant 0 : i32
      %dma_start3A_402 = arith.constant 0 : i32
      %dma_start3A_403 = tpu.memref_slice %arg4[%dma_start3A_401, %dma_start3A_402] : memref<10240x128xf32, #tpu.memory_space<hbm>> -> memref<10240x128xf32, #tpu.memory_space<hbm>>
      tpu.enqueue_indirect_dma source(%dma_start3A_403 : memref<10240x128xf32, #tpu.memory_space<hbm>>) target(%arg17 : memref<16x128xf32, #tpu.memory_space<vmem>>) offsets(%dma_start3A_400 : memref<16xi32, #tpu.memory_space<vmem>>) semaphore(%run_scoped3A_397 : memref<!tpu.dma_semaphore, #tpu.memory_space<semaphore_mem>>)
      %dma_wait3A_404 = arith.constant 0 : i32
      %dma_wait3A_405 = tpu.memref_slice %arg16[%run_scoped3A_394, %dma_wait3A_404] : memref<2x16xi32, #tpu.memory_space<vmem>> -> memref<1x16xi32, #tpu.memory_space<vmem>>
      %dma_wait3A_406 = tpu.memref_squeeze %dma_wait3A_405 : memref<1x16xi32, #tpu.memory_space<vmem>> -> memref<16xi32, #tpu.memory_space<vmem>>
      %dma_wait3A_407 = arith.constant 0 : i32
      %dma_wait3A_408 = arith.constant 0 : i32
      %dma_wait3A_409 = tpu.memref_slice %arg4[%dma_wait3A_407, %dma_wait3A_408] : memref<10240x128xf32, #tpu.memory_space<hbm>> -> memref<10240x128xf32, #tpu.memory_space<hbm>>
      tpu.wait_indirect_dma semaphore(%run_scoped3A_397 : memref<!tpu.dma_semaphore, #tpu.memory_space<semaphore_mem>>) src(%dma_wait3A_409 : memref<10240x128xf32, #tpu.memory_space<hbm>>) dst(%arg17 : memref<16x128xf32, #tpu.memory_space<vmem>>)
      tpu.yield
    }) : () -> ()
    %run_scoped3A_395 = arith.constant 0 : i32
    "tpu.region"() ({
      %run_scoped3A_397 = tpu.sem_alloc : memref<!tpu.dma_semaphore, #tpu.memory_space<semaphore_mem>>
      %dma_start3A_398 = arith.constant 0 : i32
      %dma_start3A_399 = tpu.memref_slice %arg16[%run_scoped3A_395, %dma_start3A_398] : memref<2x16xi32, #tpu.memory_space<vmem>> -> memref<1x16xi32, #tpu.memory_space<vmem>>
      %dma_start3A_400 = tpu.memref_squeeze %dma_start3A_399 : memref<1x16xi32, #tpu.memory_space<vmem>> -> memref<16xi32, #tpu.memory_space<vmem>>
      %dma_start3A_401 = arith.constant 0 : i32
      %dma_start3A_402 = arith.constant 0 : i32
      %dma_start3A_403 = tpu.memref_slice %arg18[%dma_start3A_401, %dma_start3A_402] : memref<10240x128xf32, #tpu.memory_space<vmem_shared>> -> memref<10240x128xf32, #tpu.memory_space<vmem_shared>>
      tpu.enqueue_indirect_dma source(%arg17 : memref<16x128xf32, #tpu.memory_space<vmem>>) target(%dma_start3A_403 : memref<10240x128xf32, #tpu.memory_space<vmem_shared>>) offsets(%dma_start3A_400 : memref<16xi32, #tpu.memory_space<vmem>>) semaphore(%run_scoped3A_397 : memref<!tpu.dma_semaphore, #tpu.memory_space<semaphore_mem>>) {add = true}
      %dma_wait3A_404 = arith.constant 0 : i32
      %dma_wait3A_405 = tpu.memref_slice %arg16[%run_scoped3A_395, %dma_wait3A_404] : memref<2x16xi32, #tpu.memory_space<vmem>> -> memref<1x16xi32, #tpu.memory_space<vmem>>
      %dma_wait3A_406 = tpu.memref_squeeze %dma_wait3A_405 : memref<1x16xi32, #tpu.memory_space<vmem>> -> memref<16xi32, #tpu.memory_space<vmem>>
      %dma_wait3A_407 = arith.constant 0 : i32
      %dma_wait3A_408 = arith.constant 0 : i32
      %dma_wait3A_409 = tpu.memref_slice %arg18[%dma_wait3A_407, %dma_wait3A_408] : memref<10240x128xf32, #tpu.memory_space<vmem_shared>> -> memref<10240x128xf32, #tpu.memory_space<vmem_shared>>
      tpu.wait_indirect_dma semaphore(%run_scoped3A_397 : memref<!tpu.dma_semaphore, #tpu.memory_space<semaphore_mem>>) src(%arg17 : memref<16x128xf32, #tpu.memory_space<vmem>>) dst(%dma_wait3A_409 : memref<10240x128xf32, #tpu.memory_space<vmem_shared>>)
      tpu.yield
    }) : () -> ()
    %barrier3A_396 = arith.constant 0 : index
    tpu.barrier barrier_id(%barrier3A_396)
    "tpu.region"() ({
      %run_scoped3A_397 = tpu.sem_alloc : memref<!tpu.dma_semaphore, #tpu.memory_space<semaphore_mem>>
      %dma_start3A_398 = arith.constant 0 : i32
      %dma_start3A_399 = tpu.memref_slice %arg6[%arg0, %mul3A_0, %dma_start3A_398] : memref<2x10240x128xf32, #tpu.memory_space<hbm>> -> memref<1x640x128xf32, #tpu.memory_space<hbm>>
      %dma_start3A_400 = tpu.memref_squeeze %dma_start3A_399 : memref<1x640x128xf32, #tpu.memory_space<hbm>> -> memref<640x128xf32, #tpu.memory_space<hbm>>
      %dma_start3A_401 = arith.constant 0 : i32
      %dma_start3A_402 = tpu.memref_slice %arg18[%mul3A_0, %dma_start3A_401] : memref<10240x128xf32, #tpu.memory_space<vmem_shared>> -> memref<640x128xf32, #tpu.memory_space<vmem_shared>>
      tpu.enqueue_dma source(%dma_start3A_402 : memref<640x128xf32, #tpu.memory_space<vmem_shared>>) target(%dma_start3A_400 : memref<640x128xf32, #tpu.memory_space<hbm>>) target_semaphore(%run_scoped3A_397 : memref<!tpu.dma_semaphore, #tpu.memory_space<semaphore_mem>>)
      %dma_wait3A_403 = arith.constant 0 : i32
      %dma_wait3A_404 = tpu.memref_slice %arg6[%arg0, %mul3A_0, %dma_wait3A_403] : memref<2x10240x128xf32, #tpu.memory_space<hbm>> -> memref<1x640x128xf32, #tpu.memory_space<hbm>>
      %dma_wait3A_405 = tpu.memref_squeeze %dma_wait3A_404 : memref<1x640x128xf32, #tpu.memory_space<hbm>> -> memref<640x128xf32, #tpu.memory_space<hbm>>
      %dma_wait3A_406 = arith.constant 0 : i32
      %dma_wait3A_407 = tpu.memref_slice %arg18[%mul3A_0, %dma_wait3A_406] : memref<10240x128xf32, #tpu.memory_space<vmem_shared>> -> memref<640x128xf32, #tpu.memory_space<vmem_shared>>
      tpu.wait_dma2 semaphore(%run_scoped3A_397 : memref<!tpu.dma_semaphore, #tpu.memory_space<semaphore_mem>>) src(%dma_wait3A_407 : memref<640x128xf32, #tpu.memory_space<vmem_shared>>) dst(%dma_wait3A_405 : memref<640x128xf32, #tpu.memory_space<hbm>>)
      tpu.yield
    }) : () -> ()
    return
  }
}

#map = affine_map<(d0, d1) -> (0)>
#map1 = affine_map<(d0, d1) -> (0, 0)>
module attributes {stable_mosaic.version = 14 : i64} {
  func.func @_sc_degree(%arg0: i32, %arg1: i32, %arg2: memref<320000xi32, #tpu.memory_space<hbm>>, %arg3: memref<2x10240xf32, #tpu.memory_space<hbm>>, %arg4: memref<1x10000xi32, #tpu.memory_space<vmem>>, %arg5: memref<10240xf32, #tpu.memory_space<vmem>>, %arg6: memref<16x640xf32, #tpu.memory_space<vmem>>, %arg7: memref<640xf32, #tpu.memory_space<vmem>>, %arg8: memref<163840xf32, #tpu.memory_space<vmem_shared>>) attributes {dimension_semantics = [#tpu.dimension_semantics<core_parallel>, #tpu.dimension_semantics<subcore_parallel>], iteration_bounds = array<i64: 2, 16>, scalar_prefetch = 0 : i64, scratch_operands = 5 : i64, tpu.core_type = #tpu.core_type<sc_vector_subcore>, window_params = [{transform_indices = #map}, {transform_indices = #map1}]} {
    %mul3A = arith.constant 640 : i32
    %mul3A_0 = arith.muli %arg1, %mul3A : i32
    %scan3A = arith.constant 0 : i32
    %scan3A_1 = arith.constant 640 : i32
    %scan3A_2 = arith.addi %scan3A, %scan3A_1 : i32
    %scan3A_3 = arith.constant 1 : i32
    scf.for %scan3A_102 = %scan3A to %scan3A_2 step %scan3A_3  : i32 {
      %mul3A_103 = arith.constant 16 : i32
      %mul3A_104 = arith.muli %scan3A_102, %mul3A_103 : i32
      %add3A_105 = arith.constant 0 : i32
      %add3A_106 = arith.addi %add3A_105, %mul3A_104 : i32
      %broadcast_in_dim3A_107 = arith.constant 0.000000e+00 : f32
      %broadcast_in_dim3A_108 = vector.broadcast %broadcast_in_dim3A_107 : f32 to vector<16xf32>
      %swap3A = arith.index_cast %add3A_106 : i32 to index
      %swap3A_109 = tpu.vector_load %arg5[%swap3A] {strides = array<i32>} : memref<10240xf32, #tpu.memory_space<vmem>>, vector<16xf32>,
      tpu.vector_store %arg5[%swap3A], %broadcast_in_dim3A_108 {strides = array<i32>} : memref<10240xf32, #tpu.memory_space<vmem>>, vector<16xf32>,
    }
    %scan3A_4 = arith.constant 640 : i32
    %mul3A_5 = arith.constant 16 : i32
    %mul3A_6 = arith.muli %arg0, %mul3A_5 : i32
    %add3A = arith.addi %mul3A_6, %arg1 : i32
    %mul3A_7 = arith.constant 10000 : i32
    %mul3A_8 = arith.muli %add3A, %mul3A_7 : i32
    %run_scoped3A = arith.constant 0 : i32
    "tpu.region"() ({
      %run_scoped3A_102 = tpu.sem_alloc : memref<!tpu.dma_semaphore, #tpu.memory_space<semaphore_mem>>
      %dma_start3A = arith.constant 0 : i32
      %dma_start3A_103 = tpu.memref_slice %arg4[%run_scoped3A, %dma_start3A] : memref<1x10000xi32, #tpu.memory_space<vmem>> -> memref<1x10000xi32, #tpu.memory_space<vmem>>
      %dma_start3A_104 = tpu.memref_squeeze %dma_start3A_103 : memref<1x10000xi32, #tpu.memory_space<vmem>> -> memref<10000xi32, #tpu.memory_space<vmem>>
      %dma_start3A_105 = tpu.memref_slice %arg2[%mul3A_8] : memref<320000xi32, #tpu.memory_space<hbm>> -> memref<10000xi32, #tpu.memory_space<hbm>>
      %dma_start3A_106 = arith.constant 0 : i32
      %dma_start3A_107 = tpu.memref_slice %arg4[%run_scoped3A, %dma_start3A_106] : memref<1x10000xi32, #tpu.memory_space<vmem>> -> memref<1x10000xi32, #tpu.memory_space<vmem>>
      %dma_start3A_108 = tpu.memref_squeeze %dma_start3A_107 : memref<1x10000xi32, #tpu.memory_space<vmem>> -> memref<10000xi32, #tpu.memory_space<vmem>>
      %dma_start3A_109 = tpu.memref_slice %arg2[%mul3A_8] : memref<320000xi32, #tpu.memory_space<hbm>> -> memref<10000xi32, #tpu.memory_space<hbm>>
      tpu.enqueue_dma source(%dma_start3A_109 : memref<10000xi32, #tpu.memory_space<hbm>>) target(%dma_start3A_108 : memref<10000xi32, #tpu.memory_space<vmem>>) target_semaphore(%run_scoped3A_102 : memref<!tpu.dma_semaphore, #tpu.memory_space<semaphore_mem>>)
      %dma_wait3A = arith.constant 0 : i32
      %dma_wait3A_110 = tpu.memref_slice %arg4[%run_scoped3A, %dma_wait3A] : memref<1x10000xi32, #tpu.memory_space<vmem>> -> memref<1x10000xi32, #tpu.memory_space<vmem>>
      %dma_wait3A_111 = tpu.memref_squeeze %dma_wait3A_110 : memref<1x10000xi32, #tpu.memory_space<vmem>> -> memref<10000xi32, #tpu.memory_space<vmem>>
      %dma_wait3A_112 = tpu.memref_slice %arg2[%mul3A_8] : memref<320000xi32, #tpu.memory_space<hbm>> -> memref<10000xi32, #tpu.memory_space<hbm>>
      %dma_wait3A_113 = arith.constant 0 : i32
      %dma_wait3A_114 = tpu.memref_slice %arg4[%run_scoped3A, %dma_wait3A_113] : memref<1x10000xi32, #tpu.memory_space<vmem>> -> memref<1x10000xi32, #tpu.memory_space<vmem>>
      %dma_wait3A_115 = tpu.memref_squeeze %dma_wait3A_114 : memref<1x10000xi32, #tpu.memory_space<vmem>> -> memref<10000xi32, #tpu.memory_space<vmem>>
      %dma_wait3A_116 = tpu.memref_slice %arg2[%mul3A_8] : memref<320000xi32, #tpu.memory_space<hbm>> -> memref<10000xi32, #tpu.memory_space<hbm>>
      tpu.wait_dma2 semaphore(%run_scoped3A_102 : memref<!tpu.dma_semaphore, #tpu.memory_space<semaphore_mem>>) src(%dma_wait3A_116 : memref<10000xi32, #tpu.memory_space<hbm>>) dst(%dma_wait3A_115 : memref<10000xi32, #tpu.memory_space<vmem>>)
      tpu.yield
    }) : () -> ()
    %broadcast_in_dim3A = arith.constant 1.000000e+00 : f32
    %broadcast_in_dim3A_9 = vector.broadcast %broadcast_in_dim3A : f32 to vector<16xf32>
    %scan3A_10 = arith.constant 0 : i32
    %scan3A_11 = arith.constant 125 : i32
    %scan3A_12 = arith.addi %scan3A_10, %scan3A_11 : i32
    %scan3A_13 = arith.constant 1 : i32
    scf.for %scan3A_102 = %scan3A_10 to %scan3A_12 step %scan3A_13  : i32 {
      %mul3A_103 = arith.constant 80 : i32
      %mul3A_104 = arith.muli %scan3A_102, %mul3A_103 : i32
      %add3A_105 = arith.constant 0 : i32
      %add3A_106 = arith.addi %add3A_105, %mul3A_104 : i32
      %add3A_107 = arith.constant 0 : i32
      %add3A_108 = arith.addi %add3A_106, %add3A_107 : i32
      %get3A = arith.constant 0 : i32
      %get3A_109 = arith.index_cast %get3A : i32 to index
      %get3A_110 = arith.index_cast %add3A_108 : i32 to index
      %get3A_111 = tpu.vector_load %arg4[%get3A_109, %get3A_110] {strides = array<i32>} : memref<1x10000xi32, #tpu.memory_space<vmem>>, vector<16xi32>,
      tpu.vector_store_idx %arg5[%get3A_111], %broadcast_in_dim3A_9 {add = true} : memref<10240xf32, #tpu.memory_space<vmem>>[vector<16xi32>], vector<16xf32>,
      %add3A_112 = arith.constant 16 : i32
      %add3A_113 = arith.addi %add3A_106, %add3A_112 : i32
      %get3A_114 = arith.constant 0 : i32
      %get3A_115 = arith.index_cast %get3A_114 : i32 to index
      %get3A_116 = arith.index_cast %add3A_113 : i32 to index
      %get3A_117 = tpu.vector_load %arg4[%get3A_115, %get3A_116] {strides = array<i32>} : memref<1x10000xi32, #tpu.memory_space<vmem>>, vector<16xi32>,
      tpu.vector_store_idx %arg5[%get3A_117], %broadcast_in_dim3A_9 {add = true} : memref<10240xf32, #tpu.memory_space<vmem>>[vector<16xi32>], vector<16xf32>,
      %add3A_118 = arith.constant 32 : i32
      %add3A_119 = arith.addi %add3A_106, %add3A_118 : i32
      %get3A_120 = arith.constant 0 : i32
      %get3A_121 = arith.index_cast %get3A_120 : i32 to index
      %get3A_122 = arith.index_cast %add3A_119 : i32 to index
      %get3A_123 = tpu.vector_load %arg4[%get3A_121, %get3A_122] {strides = array<i32>} : memref<1x10000xi32, #tpu.memory_space<vmem>>, vector<16xi32>,
      tpu.vector_store_idx %arg5[%get3A_123], %broadcast_in_dim3A_9 {add = true} : memref<10240xf32, #tpu.memory_space<vmem>>[vector<16xi32>], vector<16xf32>,
      %add3A_124 = arith.constant 48 : i32
      %add3A_125 = arith.addi %add3A_106, %add3A_124 : i32
      %get3A_126 = arith.constant 0 : i32
      %get3A_127 = arith.index_cast %get3A_126 : i32 to index
      %get3A_128 = arith.index_cast %add3A_125 : i32 to index
      %get3A_129 = tpu.vector_load %arg4[%get3A_127, %get3A_128] {strides = array<i32>} : memref<1x10000xi32, #tpu.memory_space<vmem>>, vector<16xi32>,
      tpu.vector_store_idx %arg5[%get3A_129], %broadcast_in_dim3A_9 {add = true} : memref<10240xf32, #tpu.memory_space<vmem>>[vector<16xi32>], vector<16xf32>,
      %add3A_130 = arith.constant 64 : i32
      %add3A_131 = arith.addi %add3A_106, %add3A_130 : i32
      %get3A_132 = arith.constant 0 : i32
      %get3A_133 = arith.index_cast %get3A_132 : i32 to index
      %get3A_134 = arith.index_cast %add3A_131 : i32 to index
      %get3A_135 = tpu.vector_load %arg4[%get3A_133, %get3A_134] {strides = array<i32>} : memref<1x10000xi32, #tpu.memory_space<vmem>>, vector<16xi32>,
      tpu.vector_store_idx %arg5[%get3A_135], %broadcast_in_dim3A_9 {add = true} : memref<10240xf32, #tpu.memory_space<vmem>>[vector<16xi32>], vector<16xf32>,
    }
    %scan3A_14 = arith.constant 125 : i32
    %mul3A_15 = arith.constant 10240 : i32
    %mul3A_16 = arith.muli %arg1, %mul3A_15 : i32
    "tpu.region"() ({
      %run_scoped3A_102 = tpu.sem_alloc : memref<!tpu.dma_semaphore, #tpu.memory_space<semaphore_mem>>
      %dma_start3A = tpu.memref_slice %arg8[%mul3A_16] : memref<163840xf32, #tpu.memory_space<vmem_shared>> -> memref<10240xf32, #tpu.memory_space<vmem_shared>>
      %dma_start3A_103 = tpu.memref_slice %arg8[%mul3A_16] : memref<163840xf32, #tpu.memory_space<vmem_shared>> -> memref<10240xf32, #tpu.memory_space<vmem_shared>>
      tpu.enqueue_dma source(%arg5 : memref<10240xf32, #tpu.memory_space<vmem>>) target(%dma_start3A_103 : memref<10240xf32, #tpu.memory_space<vmem_shared>>) target_semaphore(%run_scoped3A_102 : memref<!tpu.dma_semaphore, #tpu.memory_space<semaphore_mem>>)
      %dma_wait3A = tpu.memref_slice %arg8[%mul3A_16] : memref<163840xf32, #tpu.memory_space<vmem_shared>> -> memref<10240xf32, #tpu.memory_space<vmem_shared>>
      %dma_wait3A_104 = tpu.memref_slice %arg8[%mul3A_16] : memref<163840xf32, #tpu.memory_space<vmem_shared>> -> memref<10240xf32, #tpu.memory_space<vmem_shared>>
      tpu.wait_dma2 semaphore(%run_scoped3A_102 : memref<!tpu.dma_semaphore, #tpu.memory_space<semaphore_mem>>) src(%arg5 : memref<10240xf32, #tpu.memory_space<vmem>>) dst(%dma_wait3A_104 : memref<10240xf32, #tpu.memory_space<vmem_shared>>)
      tpu.yield
    }) : () -> ()
    %barrier3A = arith.constant 0 : index
    tpu.barrier barrier_id(%barrier3A)
    %mul3A_17 = arith.constant 640 : i32
    %mul3A_18 = arith.muli %arg1, %mul3A_17 : i32
    %add3A_19 = arith.constant 0 : i32
    %add3A_20 = arith.addi %add3A_19, %mul3A_18 : i32
    %run_scoped3A_21 = arith.constant 0 : i32
    "tpu.region"() ({
      %run_scoped3A_102 = tpu.sem_alloc : memref<!tpu.dma_semaphore, #tpu.memory_space<semaphore_mem>>
      %dma_start3A = arith.constant 0 : i32
      %dma_start3A_103 = tpu.memref_slice %arg6[%run_scoped3A_21, %dma_start3A] : memref<16x640xf32, #tpu.memory_space<vmem>> -> memref<1x640xf32, #tpu.memory_space<vmem>>
      %dma_start3A_104 = tpu.memref_squeeze %dma_start3A_103 : memref<1x640xf32, #tpu.memory_space<vmem>> -> memref<640xf32, #tpu.memory_space<vmem>>
      %dma_start3A_105 = tpu.memref_slice %arg8[%add3A_20] : memref<163840xf32, #tpu.memory_space<vmem_shared>> -> memref<640xf32, #tpu.memory_space<vmem_shared>>
      %dma_start3A_106 = arith.constant 0 : i32
      %dma_start3A_107 = tpu.memref_slice %arg6[%run_scoped3A_21, %dma_start3A_106] : memref<16x640xf32, #tpu.memory_space<vmem>> -> memref<1x640xf32, #tpu.memory_space<vmem>>
      %dma_start3A_108 = tpu.memref_squeeze %dma_start3A_107 : memref<1x640xf32, #tpu.memory_space<vmem>> -> memref<640xf32, #tpu.memory_space<vmem>>
      %dma_start3A_109 = tpu.memref_slice %arg8[%add3A_20] : memref<163840xf32, #tpu.memory_space<vmem_shared>> -> memref<640xf32, #tpu.memory_space<vmem_shared>>
      tpu.enqueue_dma source(%dma_start3A_109 : memref<640xf32, #tpu.memory_space<vmem_shared>>) target(%dma_start3A_108 : memref<640xf32, #tpu.memory_space<vmem>>) target_semaphore(%run_scoped3A_102 : memref<!tpu.dma_semaphore, #tpu.memory_space<semaphore_mem>>)
      %dma_wait3A = arith.constant 0 : i32
      %dma_wait3A_110 = tpu.memref_slice %arg6[%run_scoped3A_21, %dma_wait3A] : memref<16x640xf32, #tpu.memory_space<vmem>> -> memref<1x640xf32, #tpu.memory_space<vmem>>
      %dma_wait3A_111 = tpu.memref_squeeze %dma_wait3A_110 : memref<1x640xf32, #tpu.memory_space<vmem>> -> memref<640xf32, #tpu.memory_space<vmem>>
      %dma_wait3A_112 = tpu.memref_slice %arg8[%add3A_20] : memref<163840xf32, #tpu.memory_space<vmem_shared>> -> memref<640xf32, #tpu.memory_space<vmem_shared>>
      %dma_wait3A_113 = arith.constant 0 : i32
      %dma_wait3A_114 = tpu.memref_slice %arg6[%run_scoped3A_21, %dma_wait3A_113] : memref<16x640xf32, #tpu.memory_space<vmem>> -> memref<1x640xf32, #tpu.memory_space<vmem>>
      %dma_wait3A_115 = tpu.memref_squeeze %dma_wait3A_114 : memref<1x640xf32, #tpu.memory_space<vmem>> -> memref<640xf32, #tpu.memory_space<vmem>>
      %dma_wait3A_116 = tpu.memref_slice %arg8[%add3A_20] : memref<163840xf32, #tpu.memory_space<vmem_shared>> -> memref<640xf32, #tpu.memory_space<vmem_shared>>
      tpu.wait_dma2 semaphore(%run_scoped3A_102 : memref<!tpu.dma_semaphore, #tpu.memory_space<semaphore_mem>>) src(%dma_wait3A_116 : memref<640xf32, #tpu.memory_space<vmem_shared>>) dst(%dma_wait3A_115 : memref<640xf32, #tpu.memory_space<vmem>>)
      tpu.yield
    }) : () -> ()
    %mul3A_22 = arith.constant 640 : i32
    %mul3A_23 = arith.muli %arg1, %mul3A_22 : i32
    %add3A_24 = arith.constant 10240 : i32
    %add3A_25 = arith.addi %add3A_24, %mul3A_23 : i32
    %run_scoped3A_26 = arith.constant 1 : i32
    "tpu.region"() ({
      %run_scoped3A_102 = tpu.sem_alloc : memref<!tpu.dma_semaphore, #tpu.memory_space<semaphore_mem>>
      %dma_start3A = arith.constant 0 : i32
      %dma_start3A_103 = tpu.memref_slice %arg6[%run_scoped3A_26, %dma_start3A] : memref<16x640xf32, #tpu.memory_space<vmem>> -> memref<1x640xf32, #tpu.memory_space<vmem>>
      %dma_start3A_104 = tpu.memref_squeeze %dma_start3A_103 : memref<1x640xf32, #tpu.memory_space<vmem>> -> memref<640xf32, #tpu.memory_space<vmem>>
      %dma_start3A_105 = tpu.memref_slice %arg8[%add3A_25] : memref<163840xf32, #tpu.memory_space<vmem_shared>> -> memref<640xf32, #tpu.memory_space<vmem_shared>>
      %dma_start3A_106 = arith.constant 0 : i32
      %dma_start3A_107 = tpu.memref_slice %arg6[%run_scoped3A_26, %dma_start3A_106] : memref<16x640xf32, #tpu.memory_space<vmem>> -> memref<1x640xf32, #tpu.memory_space<vmem>>
      %dma_start3A_108 = tpu.memref_squeeze %dma_start3A_107 : memref<1x640xf32, #tpu.memory_space<vmem>> -> memref<640xf32, #tpu.memory_space<vmem>>
      %dma_start3A_109 = tpu.memref_slice %arg8[%add3A_25] : memref<163840xf32, #tpu.memory_space<vmem_shared>> -> memref<640xf32, #tpu.memory_space<vmem_shared>>
      tpu.enqueue_dma source(%dma_start3A_109 : memref<640xf32, #tpu.memory_space<vmem_shared>>) target(%dma_start3A_108 : memref<640xf32, #tpu.memory_space<vmem>>) target_semaphore(%run_scoped3A_102 : memref<!tpu.dma_semaphore, #tpu.memory_space<semaphore_mem>>)
      %dma_wait3A = arith.constant 0 : i32
      %dma_wait3A_110 = tpu.memref_slice %arg6[%run_scoped3A_26, %dma_wait3A] : memref<16x640xf32, #tpu.memory_space<vmem>> -> memref<1x640xf32, #tpu.memory_space<vmem>>
      %dma_wait3A_111 = tpu.memref_squeeze %dma_wait3A_110 : memref<1x640xf32, #tpu.memory_space<vmem>> -> memref<640xf32, #tpu.memory_space<vmem>>
      %dma_wait3A_112 = tpu.memref_slice %arg8[%add3A_25] : memref<163840xf32, #tpu.memory_space<vmem_shared>> -> memref<640xf32, #tpu.memory_space<vmem_shared>>
      %dma_wait3A_113 = arith.constant 0 : i32
      %dma_wait3A_114 = tpu.memref_slice %arg6[%run_scoped3A_26, %dma_wait3A_113] : memref<16x640xf32, #tpu.memory_space<vmem>> -> memref<1x640xf32, #tpu.memory_space<vmem>>
      %dma_wait3A_115 = tpu.memref_squeeze %dma_wait3A_114 : memref<1x640xf32, #tpu.memory_space<vmem>> -> memref<640xf32, #tpu.memory_space<vmem>>
      %dma_wait3A_116 = tpu.memref_slice %arg8[%add3A_25] : memref<163840xf32, #tpu.memory_space<vmem_shared>> -> memref<640xf32, #tpu.memory_space<vmem_shared>>
      tpu.wait_dma2 semaphore(%run_scoped3A_102 : memref<!tpu.dma_semaphore, #tpu.memory_space<semaphore_mem>>) src(%dma_wait3A_116 : memref<640xf32, #tpu.memory_space<vmem_shared>>) dst(%dma_wait3A_115 : memref<640xf32, #tpu.memory_space<vmem>>)
      tpu.yield
    }) : () -> ()
    %mul3A_27 = arith.constant 640 : i32
    %mul3A_28 = arith.muli %arg1, %mul3A_27 : i32
    %add3A_29 = arith.constant 20480 : i32
    %add3A_30 = arith.addi %add3A_29, %mul3A_28 : i32
    %run_scoped3A_31 = arith.constant 2 : i32
    "tpu.region"() ({
      %run_scoped3A_102 = tpu.sem_alloc : memref<!tpu.dma_semaphore, #tpu.memory_space<semaphore_mem>>
      %dma_start3A = arith.constant 0 : i32
      %dma_start3A_103 = tpu.memref_slice %arg6[%run_scoped3A_31, %dma_start3A] : memref<16x640xf32, #tpu.memory_space<vmem>> -> memref<1x640xf32, #tpu.memory_space<vmem>>
      %dma_start3A_104 = tpu.memref_squeeze %dma_start3A_103 : memref<1x640xf32, #tpu.memory_space<vmem>> -> memref<640xf32, #tpu.memory_space<vmem>>
      %dma_start3A_105 = tpu.memref_slice %arg8[%add3A_30] : memref<163840xf32, #tpu.memory_space<vmem_shared>> -> memref<640xf32, #tpu.memory_space<vmem_shared>>
      %dma_start3A_106 = arith.constant 0 : i32
      %dma_start3A_107 = tpu.memref_slice %arg6[%run_scoped3A_31, %dma_start3A_106] : memref<16x640xf32, #tpu.memory_space<vmem>> -> memref<1x640xf32, #tpu.memory_space<vmem>>
      %dma_start3A_108 = tpu.memref_squeeze %dma_start3A_107 : memref<1x640xf32, #tpu.memory_space<vmem>> -> memref<640xf32, #tpu.memory_space<vmem>>
      %dma_start3A_109 = tpu.memref_slice %arg8[%add3A_30] : memref<163840xf32, #tpu.memory_space<vmem_shared>> -> memref<640xf32, #tpu.memory_space<vmem_shared>>
      tpu.enqueue_dma source(%dma_start3A_109 : memref<640xf32, #tpu.memory_space<vmem_shared>>) target(%dma_start3A_108 : memref<640xf32, #tpu.memory_space<vmem>>) target_semaphore(%run_scoped3A_102 : memref<!tpu.dma_semaphore, #tpu.memory_space<semaphore_mem>>)
      %dma_wait3A = arith.constant 0 : i32
      %dma_wait3A_110 = tpu.memref_slice %arg6[%run_scoped3A_31, %dma_wait3A] : memref<16x640xf32, #tpu.memory_space<vmem>> -> memref<1x640xf32, #tpu.memory_space<vmem>>
      %dma_wait3A_111 = tpu.memref_squeeze %dma_wait3A_110 : memref<1x640xf32, #tpu.memory_space<vmem>> -> memref<640xf32, #tpu.memory_space<vmem>>
      %dma_wait3A_112 = tpu.memref_slice %arg8[%add3A_30] : memref<163840xf32, #tpu.memory_space<vmem_shared>> -> memref<640xf32, #tpu.memory_space<vmem_shared>>
      %dma_wait3A_113 = arith.constant 0 : i32
      %dma_wait3A_114 = tpu.memref_slice %arg6[%run_scoped3A_31, %dma_wait3A_113] : memref<16x640xf32, #tpu.memory_space<vmem>> -> memref<1x640xf32, #tpu.memory_space<vmem>>
      %dma_wait3A_115 = tpu.memref_squeeze %dma_wait3A_114 : memref<1x640xf32, #tpu.memory_space<vmem>> -> memref<640xf32, #tpu.memory_space<vmem>>
      %dma_wait3A_116 = tpu.memref_slice %arg8[%add3A_30] : memref<163840xf32, #tpu.memory_space<vmem_shared>> -> memref<640xf32, #tpu.memory_space<vmem_shared>>
      tpu.wait_dma2 semaphore(%run_scoped3A_102 : memref<!tpu.dma_semaphore, #tpu.memory_space<semaphore_mem>>) src(%dma_wait3A_116 : memref<640xf32, #tpu.memory_space<vmem_shared>>) dst(%dma_wait3A_115 : memref<640xf32, #tpu.memory_space<vmem>>)
      tpu.yield
    }) : () -> ()
    %mul3A_32 = arith.constant 640 : i32
    %mul3A_33 = arith.muli %arg1, %mul3A_32 : i32
    %add3A_34 = arith.constant 30720 : i32
    %add3A_35 = arith.addi %add3A_34, %mul3A_33 : i32
    %run_scoped3A_36 = arith.constant 3 : i32
    "tpu.region"() ({
      %run_scoped3A_102 = tpu.sem_alloc : memref<!tpu.dma_semaphore, #tpu.memory_space<semaphore_mem>>
      %dma_start3A = arith.constant 0 : i32
      %dma_start3A_103 = tpu.memref_slice %arg6[%run_scoped3A_36, %dma_start3A] : memref<16x640xf32, #tpu.memory_space<vmem>> -> memref<1x640xf32, #tpu.memory_space<vmem>>
      %dma_start3A_104 = tpu.memref_squeeze %dma_start3A_103 : memref<1x640xf32, #tpu.memory_space<vmem>> -> memref<640xf32, #tpu.memory_space<vmem>>
      %dma_start3A_105 = tpu.memref_slice %arg8[%add3A_35] : memref<163840xf32, #tpu.memory_space<vmem_shared>> -> memref<640xf32, #tpu.memory_space<vmem_shared>>
      %dma_start3A_106 = arith.constant 0 : i32
      %dma_start3A_107 = tpu.memref_slice %arg6[%run_scoped3A_36, %dma_start3A_106] : memref<16x640xf32, #tpu.memory_space<vmem>> -> memref<1x640xf32, #tpu.memory_space<vmem>>
      %dma_start3A_108 = tpu.memref_squeeze %dma_start3A_107 : memref<1x640xf32, #tpu.memory_space<vmem>> -> memref<640xf32, #tpu.memory_space<vmem>>
      %dma_start3A_109 = tpu.memref_slice %arg8[%add3A_35] : memref<163840xf32, #tpu.memory_space<vmem_shared>> -> memref<640xf32, #tpu.memory_space<vmem_shared>>
      tpu.enqueue_dma source(%dma_start3A_109 : memref<640xf32, #tpu.memory_space<vmem_shared>>) target(%dma_start3A_108 : memref<640xf32, #tpu.memory_space<vmem>>) target_semaphore(%run_scoped3A_102 : memref<!tpu.dma_semaphore, #tpu.memory_space<semaphore_mem>>)
      %dma_wait3A = arith.constant 0 : i32
      %dma_wait3A_110 = tpu.memref_slice %arg6[%run_scoped3A_36, %dma_wait3A] : memref<16x640xf32, #tpu.memory_space<vmem>> -> memref<1x640xf32, #tpu.memory_space<vmem>>
      %dma_wait3A_111 = tpu.memref_squeeze %dma_wait3A_110 : memref<1x640xf32, #tpu.memory_space<vmem>> -> memref<640xf32, #tpu.memory_space<vmem>>
      %dma_wait3A_112 = tpu.memref_slice %arg8[%add3A_35] : memref<163840xf32, #tpu.memory_space<vmem_shared>> -> memref<640xf32, #tpu.memory_space<vmem_shared>>
      %dma_wait3A_113 = arith.constant 0 : i32
      %dma_wait3A_114 = tpu.memref_slice %arg6[%run_scoped3A_36, %dma_wait3A_113] : memref<16x640xf32, #tpu.memory_space<vmem>> -> memref<1x640xf32, #tpu.memory_space<vmem>>
      %dma_wait3A_115 = tpu.memref_squeeze %dma_wait3A_114 : memref<1x640xf32, #tpu.memory_space<vmem>> -> memref<640xf32, #tpu.memory_space<vmem>>
      %dma_wait3A_116 = tpu.memref_slice %arg8[%add3A_35] : memref<163840xf32, #tpu.memory_space<vmem_shared>> -> memref<640xf32, #tpu.memory_space<vmem_shared>>
      tpu.wait_dma2 semaphore(%run_scoped3A_102 : memref<!tpu.dma_semaphore, #tpu.memory_space<semaphore_mem>>) src(%dma_wait3A_116 : memref<640xf32, #tpu.memory_space<vmem_shared>>) dst(%dma_wait3A_115 : memref<640xf32, #tpu.memory_space<vmem>>)
      tpu.yield
    }) : () -> ()
    %mul3A_37 = arith.constant 640 : i32
    %mul3A_38 = arith.muli %arg1, %mul3A_37 : i32
    %add3A_39 = arith.constant 40960 : i32
    %add3A_40 = arith.addi %add3A_39, %mul3A_38 : i32
    %run_scoped3A_41 = arith.constant 4 : i32
    "tpu.region"() ({
      %run_scoped3A_102 = tpu.sem_alloc : memref<!tpu.dma_semaphore, #tpu.memory_space<semaphore_mem>>
      %dma_start3A = arith.constant 0 : i32
      %dma_start3A_103 = tpu.memref_slice %arg6[%run_scoped3A_41, %dma_start3A] : memref<16x640xf32, #tpu.memory_space<vmem>> -> memref<1x640xf32, #tpu.memory_space<vmem>>
      %dma_start3A_104 = tpu.memref_squeeze %dma_start3A_103 : memref<1x640xf32, #tpu.memory_space<vmem>> -> memref<640xf32, #tpu.memory_space<vmem>>
      %dma_start3A_105 = tpu.memref_slice %arg8[%add3A_40] : memref<163840xf32, #tpu.memory_space<vmem_shared>> -> memref<640xf32, #tpu.memory_space<vmem_shared>>
      %dma_start3A_106 = arith.constant 0 : i32
      %dma_start3A_107 = tpu.memref_slice %arg6[%run_scoped3A_41, %dma_start3A_106] : memref<16x640xf32, #tpu.memory_space<vmem>> -> memref<1x640xf32, #tpu.memory_space<vmem>>
      %dma_start3A_108 = tpu.memref_squeeze %dma_start3A_107 : memref<1x640xf32, #tpu.memory_space<vmem>> -> memref<640xf32, #tpu.memory_space<vmem>>
      %dma_start3A_109 = tpu.memref_slice %arg8[%add3A_40] : memref<163840xf32, #tpu.memory_space<vmem_shared>> -> memref<640xf32, #tpu.memory_space<vmem_shared>>
      tpu.enqueue_dma source(%dma_start3A_109 : memref<640xf32, #tpu.memory_space<vmem_shared>>) target(%dma_start3A_108 : memref<640xf32, #tpu.memory_space<vmem>>) target_semaphore(%run_scoped3A_102 : memref<!tpu.dma_semaphore, #tpu.memory_space<semaphore_mem>>)
      %dma_wait3A = arith.constant 0 : i32
      %dma_wait3A_110 = tpu.memref_slice %arg6[%run_scoped3A_41, %dma_wait3A] : memref<16x640xf32, #tpu.memory_space<vmem>> -> memref<1x640xf32, #tpu.memory_space<vmem>>
      %dma_wait3A_111 = tpu.memref_squeeze %dma_wait3A_110 : memref<1x640xf32, #tpu.memory_space<vmem>> -> memref<640xf32, #tpu.memory_space<vmem>>
      %dma_wait3A_112 = tpu.memref_slice %arg8[%add3A_40] : memref<163840xf32, #tpu.memory_space<vmem_shared>> -> memref<640xf32, #tpu.memory_space<vmem_shared>>
      %dma_wait3A_113 = arith.constant 0 : i32
      %dma_wait3A_114 = tpu.memref_slice %arg6[%run_scoped3A_41, %dma_wait3A_113] : memref<16x640xf32, #tpu.memory_space<vmem>> -> memref<1x640xf32, #tpu.memory_space<vmem>>
      %dma_wait3A_115 = tpu.memref_squeeze %dma_wait3A_114 : memref<1x640xf32, #tpu.memory_space<vmem>> -> memref<640xf32, #tpu.memory_space<vmem>>
      %dma_wait3A_116 = tpu.memref_slice %arg8[%add3A_40] : memref<163840xf32, #tpu.memory_space<vmem_shared>> -> memref<640xf32, #tpu.memory_space<vmem_shared>>
      tpu.wait_dma2 semaphore(%run_scoped3A_102 : memref<!tpu.dma_semaphore, #tpu.memory_space<semaphore_mem>>) src(%dma_wait3A_116 : memref<640xf32, #tpu.memory_space<vmem_shared>>) dst(%dma_wait3A_115 : memref<640xf32, #tpu.memory_space<vmem>>)
      tpu.yield
    }) : () -> ()
    %mul3A_42 = arith.constant 640 : i32
    %mul3A_43 = arith.muli %arg1, %mul3A_42 : i32
    %add3A_44 = arith.constant 51200 : i32
    %add3A_45 = arith.addi %add3A_44, %mul3A_43 : i32
    %run_scoped3A_46 = arith.constant 5 : i32
    "tpu.region"() ({
      %run_scoped3A_102 = tpu.sem_alloc : memref<!tpu.dma_semaphore, #tpu.memory_space<semaphore_mem>>
      %dma_start3A = arith.constant 0 : i32
      %dma_start3A_103 = tpu.memref_slice %arg6[%run_scoped3A_46, %dma_start3A] : memref<16x640xf32, #tpu.memory_space<vmem>> -> memref<1x640xf32, #tpu.memory_space<vmem>>
      %dma_start3A_104 = tpu.memref_squeeze %dma_start3A_103 : memref<1x640xf32, #tpu.memory_space<vmem>> -> memref<640xf32, #tpu.memory_space<vmem>>
      %dma_start3A_105 = tpu.memref_slice %arg8[%add3A_45] : memref<163840xf32, #tpu.memory_space<vmem_shared>> -> memref<640xf32, #tpu.memory_space<vmem_shared>>
      %dma_start3A_106 = arith.constant 0 : i32
      %dma_start3A_107 = tpu.memref_slice %arg6[%run_scoped3A_46, %dma_start3A_106] : memref<16x640xf32, #tpu.memory_space<vmem>> -> memref<1x640xf32, #tpu.memory_space<vmem>>
      %dma_start3A_108 = tpu.memref_squeeze %dma_start3A_107 : memref<1x640xf32, #tpu.memory_space<vmem>> -> memref<640xf32, #tpu.memory_space<vmem>>
      %dma_start3A_109 = tpu.memref_slice %arg8[%add3A_45] : memref<163840xf32, #tpu.memory_space<vmem_shared>> -> memref<640xf32, #tpu.memory_space<vmem_shared>>
      tpu.enqueue_dma source(%dma_start3A_109 : memref<640xf32, #tpu.memory_space<vmem_shared>>) target(%dma_start3A_108 : memref<640xf32, #tpu.memory_space<vmem>>) target_semaphore(%run_scoped3A_102 : memref<!tpu.dma_semaphore, #tpu.memory_space<semaphore_mem>>)
      %dma_wait3A = arith.constant 0 : i32
      %dma_wait3A_110 = tpu.memref_slice %arg6[%run_scoped3A_46, %dma_wait3A] : memref<16x640xf32, #tpu.memory_space<vmem>> -> memref<1x640xf32, #tpu.memory_space<vmem>>
      %dma_wait3A_111 = tpu.memref_squeeze %dma_wait3A_110 : memref<1x640xf32, #tpu.memory_space<vmem>> -> memref<640xf32, #tpu.memory_space<vmem>>
      %dma_wait3A_112 = tpu.memref_slice %arg8[%add3A_45] : memref<163840xf32, #tpu.memory_space<vmem_shared>> -> memref<640xf32, #tpu.memory_space<vmem_shared>>
      %dma_wait3A_113 = arith.constant 0 : i32
      %dma_wait3A_114 = tpu.memref_slice %arg6[%run_scoped3A_46, %dma_wait3A_113] : memref<16x640xf32, #tpu.memory_space<vmem>> -> memref<1x640xf32, #tpu.memory_space<vmem>>
      %dma_wait3A_115 = tpu.memref_squeeze %dma_wait3A_114 : memref<1x640xf32, #tpu.memory_space<vmem>> -> memref<640xf32, #tpu.memory_space<vmem>>
      %dma_wait3A_116 = tpu.memref_slice %arg8[%add3A_45] : memref<163840xf32, #tpu.memory_space<vmem_shared>> -> memref<640xf32, #tpu.memory_space<vmem_shared>>
      tpu.wait_dma2 semaphore(%run_scoped3A_102 : memref<!tpu.dma_semaphore, #tpu.memory_space<semaphore_mem>>) src(%dma_wait3A_116 : memref<640xf32, #tpu.memory_space<vmem_shared>>) dst(%dma_wait3A_115 : memref<640xf32, #tpu.memory_space<vmem>>)
      tpu.yield
    }) : () -> ()
    %mul3A_47 = arith.constant 640 : i32
    %mul3A_48 = arith.muli %arg1, %mul3A_47 : i32
    %add3A_49 = arith.constant 61440 : i32
    %add3A_50 = arith.addi %add3A_49, %mul3A_48 : i32
    %run_scoped3A_51 = arith.constant 6 : i32
    "tpu.region"() ({
      %run_scoped3A_102 = tpu.sem_alloc : memref<!tpu.dma_semaphore, #tpu.memory_space<semaphore_mem>>
      %dma_start3A = arith.constant 0 : i32
      %dma_start3A_103 = tpu.memref_slice %arg6[%run_scoped3A_51, %dma_start3A] : memref<16x640xf32, #tpu.memory_space<vmem>> -> memref<1x640xf32, #tpu.memory_space<vmem>>
      %dma_start3A_104 = tpu.memref_squeeze %dma_start3A_103 : memref<1x640xf32, #tpu.memory_space<vmem>> -> memref<640xf32, #tpu.memory_space<vmem>>
      %dma_start3A_105 = tpu.memref_slice %arg8[%add3A_50] : memref<163840xf32, #tpu.memory_space<vmem_shared>> -> memref<640xf32, #tpu.memory_space<vmem_shared>>
      %dma_start3A_106 = arith.constant 0 : i32
      %dma_start3A_107 = tpu.memref_slice %arg6[%run_scoped3A_51, %dma_start3A_106] : memref<16x640xf32, #tpu.memory_space<vmem>> -> memref<1x640xf32, #tpu.memory_space<vmem>>
      %dma_start3A_108 = tpu.memref_squeeze %dma_start3A_107 : memref<1x640xf32, #tpu.memory_space<vmem>> -> memref<640xf32, #tpu.memory_space<vmem>>
      %dma_start3A_109 = tpu.memref_slice %arg8[%add3A_50] : memref<163840xf32, #tpu.memory_space<vmem_shared>> -> memref<640xf32, #tpu.memory_space<vmem_shared>>
      tpu.enqueue_dma source(%dma_start3A_109 : memref<640xf32, #tpu.memory_space<vmem_shared>>) target(%dma_start3A_108 : memref<640xf32, #tpu.memory_space<vmem>>) target_semaphore(%run_scoped3A_102 : memref<!tpu.dma_semaphore, #tpu.memory_space<semaphore_mem>>)
      %dma_wait3A = arith.constant 0 : i32
      %dma_wait3A_110 = tpu.memref_slice %arg6[%run_scoped3A_51, %dma_wait3A] : memref<16x640xf32, #tpu.memory_space<vmem>> -> memref<1x640xf32, #tpu.memory_space<vmem>>
      %dma_wait3A_111 = tpu.memref_squeeze %dma_wait3A_110 : memref<1x640xf32, #tpu.memory_space<vmem>> -> memref<640xf32, #tpu.memory_space<vmem>>
      %dma_wait3A_112 = tpu.memref_slice %arg8[%add3A_50] : memref<163840xf32, #tpu.memory_space<vmem_shared>> -> memref<640xf32, #tpu.memory_space<vmem_shared>>
      %dma_wait3A_113 = arith.constant 0 : i32
      %dma_wait3A_114 = tpu.memref_slice %arg6[%run_scoped3A_51, %dma_wait3A_113] : memref<16x640xf32, #tpu.memory_space<vmem>> -> memref<1x640xf32, #tpu.memory_space<vmem>>
      %dma_wait3A_115 = tpu.memref_squeeze %dma_wait3A_114 : memref<1x640xf32, #tpu.memory_space<vmem>> -> memref<640xf32, #tpu.memory_space<vmem>>
      %dma_wait3A_116 = tpu.memref_slice %arg8[%add3A_50] : memref<163840xf32, #tpu.memory_space<vmem_shared>> -> memref<640xf32, #tpu.memory_space<vmem_shared>>
      tpu.wait_dma2 semaphore(%run_scoped3A_102 : memref<!tpu.dma_semaphore, #tpu.memory_space<semaphore_mem>>) src(%dma_wait3A_116 : memref<640xf32, #tpu.memory_space<vmem_shared>>) dst(%dma_wait3A_115 : memref<640xf32, #tpu.memory_space<vmem>>)
      tpu.yield
    }) : () -> ()
    %mul3A_52 = arith.constant 640 : i32
    %mul3A_53 = arith.muli %arg1, %mul3A_52 : i32
    %add3A_54 = arith.constant 71680 : i32
    %add3A_55 = arith.addi %add3A_54, %mul3A_53 : i32
    %run_scoped3A_56 = arith.constant 7 : i32
    "tpu.region"() ({
      %run_scoped3A_102 = tpu.sem_alloc : memref<!tpu.dma_semaphore, #tpu.memory_space<semaphore_mem>>
      %dma_start3A = arith.constant 0 : i32
      %dma_start3A_103 = tpu.memref_slice %arg6[%run_scoped3A_56, %dma_start3A] : memref<16x640xf32, #tpu.memory_space<vmem>> -> memref<1x640xf32, #tpu.memory_space<vmem>>
      %dma_start3A_104 = tpu.memref_squeeze %dma_start3A_103 : memref<1x640xf32, #tpu.memory_space<vmem>> -> memref<640xf32, #tpu.memory_space<vmem>>
      %dma_start3A_105 = tpu.memref_slice %arg8[%add3A_55] : memref<163840xf32, #tpu.memory_space<vmem_shared>> -> memref<640xf32, #tpu.memory_space<vmem_shared>>
      %dma_start3A_106 = arith.constant 0 : i32
      %dma_start3A_107 = tpu.memref_slice %arg6[%run_scoped3A_56, %dma_start3A_106] : memref<16x640xf32, #tpu.memory_space<vmem>> -> memref<1x640xf32, #tpu.memory_space<vmem>>
      %dma_start3A_108 = tpu.memref_squeeze %dma_start3A_107 : memref<1x640xf32, #tpu.memory_space<vmem>> -> memref<640xf32, #tpu.memory_space<vmem>>
      %dma_start3A_109 = tpu.memref_slice %arg8[%add3A_55] : memref<163840xf32, #tpu.memory_space<vmem_shared>> -> memref<640xf32, #tpu.memory_space<vmem_shared>>
      tpu.enqueue_dma source(%dma_start3A_109 : memref<640xf32, #tpu.memory_space<vmem_shared>>) target(%dma_start3A_108 : memref<640xf32, #tpu.memory_space<vmem>>) target_semaphore(%run_scoped3A_102 : memref<!tpu.dma_semaphore, #tpu.memory_space<semaphore_mem>>)
      %dma_wait3A = arith.constant 0 : i32
      %dma_wait3A_110 = tpu.memref_slice %arg6[%run_scoped3A_56, %dma_wait3A] : memref<16x640xf32, #tpu.memory_space<vmem>> -> memref<1x640xf32, #tpu.memory_space<vmem>>
      %dma_wait3A_111 = tpu.memref_squeeze %dma_wait3A_110 : memref<1x640xf32, #tpu.memory_space<vmem>> -> memref<640xf32, #tpu.memory_space<vmem>>
      %dma_wait3A_112 = tpu.memref_slice %arg8[%add3A_55] : memref<163840xf32, #tpu.memory_space<vmem_shared>> -> memref<640xf32, #tpu.memory_space<vmem_shared>>
      %dma_wait3A_113 = arith.constant 0 : i32
      %dma_wait3A_114 = tpu.memref_slice %arg6[%run_scoped3A_56, %dma_wait3A_113] : memref<16x640xf32, #tpu.memory_space<vmem>> -> memref<1x640xf32, #tpu.memory_space<vmem>>
      %dma_wait3A_115 = tpu.memref_squeeze %dma_wait3A_114 : memref<1x640xf32, #tpu.memory_space<vmem>> -> memref<640xf32, #tpu.memory_space<vmem>>
      %dma_wait3A_116 = tpu.memref_slice %arg8[%add3A_55] : memref<163840xf32, #tpu.memory_space<vmem_shared>> -> memref<640xf32, #tpu.memory_space<vmem_shared>>
      tpu.wait_dma2 semaphore(%run_scoped3A_102 : memref<!tpu.dma_semaphore, #tpu.memory_space<semaphore_mem>>) src(%dma_wait3A_116 : memref<640xf32, #tpu.memory_space<vmem_shared>>) dst(%dma_wait3A_115 : memref<640xf32, #tpu.memory_space<vmem>>)
      tpu.yield
    }) : () -> ()
    %mul3A_57 = arith.constant 640 : i32
    %mul3A_58 = arith.muli %arg1, %mul3A_57 : i32
    %add3A_59 = arith.constant 81920 : i32
    %add3A_60 = arith.addi %add3A_59, %mul3A_58 : i32
    %run_scoped3A_61 = arith.constant 8 : i32
    "tpu.region"() ({
      %run_scoped3A_102 = tpu.sem_alloc : memref<!tpu.dma_semaphore, #tpu.memory_space<semaphore_mem>>
      %dma_start3A = arith.constant 0 : i32
      %dma_start3A_103 = tpu.memref_slice %arg6[%run_scoped3A_61, %dma_start3A] : memref<16x640xf32, #tpu.memory_space<vmem>> -> memref<1x640xf32, #tpu.memory_space<vmem>>
      %dma_start3A_104 = tpu.memref_squeeze %dma_start3A_103 : memref<1x640xf32, #tpu.memory_space<vmem>> -> memref<640xf32, #tpu.memory_space<vmem>>
      %dma_start3A_105 = tpu.memref_slice %arg8[%add3A_60] : memref<163840xf32, #tpu.memory_space<vmem_shared>> -> memref<640xf32, #tpu.memory_space<vmem_shared>>
      %dma_start3A_106 = arith.constant 0 : i32
      %dma_start3A_107 = tpu.memref_slice %arg6[%run_scoped3A_61, %dma_start3A_106] : memref<16x640xf32, #tpu.memory_space<vmem>> -> memref<1x640xf32, #tpu.memory_space<vmem>>
      %dma_start3A_108 = tpu.memref_squeeze %dma_start3A_107 : memref<1x640xf32, #tpu.memory_space<vmem>> -> memref<640xf32, #tpu.memory_space<vmem>>
      %dma_start3A_109 = tpu.memref_slice %arg8[%add3A_60] : memref<163840xf32, #tpu.memory_space<vmem_shared>> -> memref<640xf32, #tpu.memory_space<vmem_shared>>
      tpu.enqueue_dma source(%dma_start3A_109 : memref<640xf32, #tpu.memory_space<vmem_shared>>) target(%dma_start3A_108 : memref<640xf32, #tpu.memory_space<vmem>>) target_semaphore(%run_scoped3A_102 : memref<!tpu.dma_semaphore, #tpu.memory_space<semaphore_mem>>)
      %dma_wait3A = arith.constant 0 : i32
      %dma_wait3A_110 = tpu.memref_slice %arg6[%run_scoped3A_61, %dma_wait3A] : memref<16x640xf32, #tpu.memory_space<vmem>> -> memref<1x640xf32, #tpu.memory_space<vmem>>
      %dma_wait3A_111 = tpu.memref_squeeze %dma_wait3A_110 : memref<1x640xf32, #tpu.memory_space<vmem>> -> memref<640xf32, #tpu.memory_space<vmem>>
      %dma_wait3A_112 = tpu.memref_slice %arg8[%add3A_60] : memref<163840xf32, #tpu.memory_space<vmem_shared>> -> memref<640xf32, #tpu.memory_space<vmem_shared>>
      %dma_wait3A_113 = arith.constant 0 : i32
      %dma_wait3A_114 = tpu.memref_slice %arg6[%run_scoped3A_61, %dma_wait3A_113] : memref<16x640xf32, #tpu.memory_space<vmem>> -> memref<1x640xf32, #tpu.memory_space<vmem>>
      %dma_wait3A_115 = tpu.memref_squeeze %dma_wait3A_114 : memref<1x640xf32, #tpu.memory_space<vmem>> -> memref<640xf32, #tpu.memory_space<vmem>>
      %dma_wait3A_116 = tpu.memref_slice %arg8[%add3A_60] : memref<163840xf32, #tpu.memory_space<vmem_shared>> -> memref<640xf32, #tpu.memory_space<vmem_shared>>
      tpu.wait_dma2 semaphore(%run_scoped3A_102 : memref<!tpu.dma_semaphore, #tpu.memory_space<semaphore_mem>>) src(%dma_wait3A_116 : memref<640xf32, #tpu.memory_space<vmem_shared>>) dst(%dma_wait3A_115 : memref<640xf32, #tpu.memory_space<vmem>>)
      tpu.yield
    }) : () -> ()
    %mul3A_62 = arith.constant 640 : i32
    %mul3A_63 = arith.muli %arg1, %mul3A_62 : i32
    %add3A_64 = arith.constant 92160 : i32
    %add3A_65 = arith.addi %add3A_64, %mul3A_63 : i32
    %run_scoped3A_66 = arith.constant 9 : i32
    "tpu.region"() ({
      %run_scoped3A_102 = tpu.sem_alloc : memref<!tpu.dma_semaphore, #tpu.memory_space<semaphore_mem>>
      %dma_start3A = arith.constant 0 : i32
      %dma_start3A_103 = tpu.memref_slice %arg6[%run_scoped3A_66, %dma_start3A] : memref<16x640xf32, #tpu.memory_space<vmem>> -> memref<1x640xf32, #tpu.memory_space<vmem>>
      %dma_start3A_104 = tpu.memref_squeeze %dma_start3A_103 : memref<1x640xf32, #tpu.memory_space<vmem>> -> memref<640xf32, #tpu.memory_space<vmem>>
      %dma_start3A_105 = tpu.memref_slice %arg8[%add3A_65] : memref<163840xf32, #tpu.memory_space<vmem_shared>> -> memref<640xf32, #tpu.memory_space<vmem_shared>>
      %dma_start3A_106 = arith.constant 0 : i32
      %dma_start3A_107 = tpu.memref_slice %arg6[%run_scoped3A_66, %dma_start3A_106] : memref<16x640xf32, #tpu.memory_space<vmem>> -> memref<1x640xf32, #tpu.memory_space<vmem>>
      %dma_start3A_108 = tpu.memref_squeeze %dma_start3A_107 : memref<1x640xf32, #tpu.memory_space<vmem>> -> memref<640xf32, #tpu.memory_space<vmem>>
      %dma_start3A_109 = tpu.memref_slice %arg8[%add3A_65] : memref<163840xf32, #tpu.memory_space<vmem_shared>> -> memref<640xf32, #tpu.memory_space<vmem_shared>>
      tpu.enqueue_dma source(%dma_start3A_109 : memref<640xf32, #tpu.memory_space<vmem_shared>>) target(%dma_start3A_108 : memref<640xf32, #tpu.memory_space<vmem>>) target_semaphore(%run_scoped3A_102 : memref<!tpu.dma_semaphore, #tpu.memory_space<semaphore_mem>>)
      %dma_wait3A = arith.constant 0 : i32
      %dma_wait3A_110 = tpu.memref_slice %arg6[%run_scoped3A_66, %dma_wait3A] : memref<16x640xf32, #tpu.memory_space<vmem>> -> memref<1x640xf32, #tpu.memory_space<vmem>>
      %dma_wait3A_111 = tpu.memref_squeeze %dma_wait3A_110 : memref<1x640xf32, #tpu.memory_space<vmem>> -> memref<640xf32, #tpu.memory_space<vmem>>
      %dma_wait3A_112 = tpu.memref_slice %arg8[%add3A_65] : memref<163840xf32, #tpu.memory_space<vmem_shared>> -> memref<640xf32, #tpu.memory_space<vmem_shared>>
      %dma_wait3A_113 = arith.constant 0 : i32
      %dma_wait3A_114 = tpu.memref_slice %arg6[%run_scoped3A_66, %dma_wait3A_113] : memref<16x640xf32, #tpu.memory_space<vmem>> -> memref<1x640xf32, #tpu.memory_space<vmem>>
      %dma_wait3A_115 = tpu.memref_squeeze %dma_wait3A_114 : memref<1x640xf32, #tpu.memory_space<vmem>> -> memref<640xf32, #tpu.memory_space<vmem>>
      %dma_wait3A_116 = tpu.memref_slice %arg8[%add3A_65] : memref<163840xf32, #tpu.memory_space<vmem_shared>> -> memref<640xf32, #tpu.memory_space<vmem_shared>>
      tpu.wait_dma2 semaphore(%run_scoped3A_102 : memref<!tpu.dma_semaphore, #tpu.memory_space<semaphore_mem>>) src(%dma_wait3A_116 : memref<640xf32, #tpu.memory_space<vmem_shared>>) dst(%dma_wait3A_115 : memref<640xf32, #tpu.memory_space<vmem>>)
      tpu.yield
    }) : () -> ()
    %mul3A_67 = arith.constant 640 : i32
    %mul3A_68 = arith.muli %arg1, %mul3A_67 : i32
    %add3A_69 = arith.constant 102400 : i32
    %add3A_70 = arith.addi %add3A_69, %mul3A_68 : i32
    %run_scoped3A_71 = arith.constant 10 : i32
    "tpu.region"() ({
      %run_scoped3A_102 = tpu.sem_alloc : memref<!tpu.dma_semaphore, #tpu.memory_space<semaphore_mem>>
      %dma_start3A = arith.constant 0 : i32
      %dma_start3A_103 = tpu.memref_slice %arg6[%run_scoped3A_71, %dma_start3A] : memref<16x640xf32, #tpu.memory_space<vmem>> -> memref<1x640xf32, #tpu.memory_space<vmem>>
      %dma_start3A_104 = tpu.memref_squeeze %dma_start3A_103 : memref<1x640xf32, #tpu.memory_space<vmem>> -> memref<640xf32, #tpu.memory_space<vmem>>
      %dma_start3A_105 = tpu.memref_slice %arg8[%add3A_70] : memref<163840xf32, #tpu.memory_space<vmem_shared>> -> memref<640xf32, #tpu.memory_space<vmem_shared>>
      %dma_start3A_106 = arith.constant 0 : i32
      %dma_start3A_107 = tpu.memref_slice %arg6[%run_scoped3A_71, %dma_start3A_106] : memref<16x640xf32, #tpu.memory_space<vmem>> -> memref<1x640xf32, #tpu.memory_space<vmem>>
      %dma_start3A_108 = tpu.memref_squeeze %dma_start3A_107 : memref<1x640xf32, #tpu.memory_space<vmem>> -> memref<640xf32, #tpu.memory_space<vmem>>
      %dma_start3A_109 = tpu.memref_slice %arg8[%add3A_70] : memref<163840xf32, #tpu.memory_space<vmem_shared>> -> memref<640xf32, #tpu.memory_space<vmem_shared>>
      tpu.enqueue_dma source(%dma_start3A_109 : memref<640xf32, #tpu.memory_space<vmem_shared>>) target(%dma_start3A_108 : memref<640xf32, #tpu.memory_space<vmem>>) target_semaphore(%run_scoped3A_102 : memref<!tpu.dma_semaphore, #tpu.memory_space<semaphore_mem>>)
      %dma_wait3A = arith.constant 0 : i32
      %dma_wait3A_110 = tpu.memref_slice %arg6[%run_scoped3A_71, %dma_wait3A] : memref<16x640xf32, #tpu.memory_space<vmem>> -> memref<1x640xf32, #tpu.memory_space<vmem>>
      %dma_wait3A_111 = tpu.memref_squeeze %dma_wait3A_110 : memref<1x640xf32, #tpu.memory_space<vmem>> -> memref<640xf32, #tpu.memory_space<vmem>>
      %dma_wait3A_112 = tpu.memref_slice %arg8[%add3A_70] : memref<163840xf32, #tpu.memory_space<vmem_shared>> -> memref<640xf32, #tpu.memory_space<vmem_shared>>
      %dma_wait3A_113 = arith.constant 0 : i32
      %dma_wait3A_114 = tpu.memref_slice %arg6[%run_scoped3A_71, %dma_wait3A_113] : memref<16x640xf32, #tpu.memory_space<vmem>> -> memref<1x640xf32, #tpu.memory_space<vmem>>
      %dma_wait3A_115 = tpu.memref_squeeze %dma_wait3A_114 : memref<1x640xf32, #tpu.memory_space<vmem>> -> memref<640xf32, #tpu.memory_space<vmem>>
      %dma_wait3A_116 = tpu.memref_slice %arg8[%add3A_70] : memref<163840xf32, #tpu.memory_space<vmem_shared>> -> memref<640xf32, #tpu.memory_space<vmem_shared>>
      tpu.wait_dma2 semaphore(%run_scoped3A_102 : memref<!tpu.dma_semaphore, #tpu.memory_space<semaphore_mem>>) src(%dma_wait3A_116 : memref<640xf32, #tpu.memory_space<vmem_shared>>) dst(%dma_wait3A_115 : memref<640xf32, #tpu.memory_space<vmem>>)
      tpu.yield
    }) : () -> ()
    %mul3A_72 = arith.constant 640 : i32
    %mul3A_73 = arith.muli %arg1, %mul3A_72 : i32
    %add3A_74 = arith.constant 112640 : i32
    %add3A_75 = arith.addi %add3A_74, %mul3A_73 : i32
    %run_scoped3A_76 = arith.constant 11 : i32
    "tpu.region"() ({
      %run_scoped3A_102 = tpu.sem_alloc : memref<!tpu.dma_semaphore, #tpu.memory_space<semaphore_mem>>
      %dma_start3A = arith.constant 0 : i32
      %dma_start3A_103 = tpu.memref_slice %arg6[%run_scoped3A_76, %dma_start3A] : memref<16x640xf32, #tpu.memory_space<vmem>> -> memref<1x640xf32, #tpu.memory_space<vmem>>
      %dma_start3A_104 = tpu.memref_squeeze %dma_start3A_103 : memref<1x640xf32, #tpu.memory_space<vmem>> -> memref<640xf32, #tpu.memory_space<vmem>>
      %dma_start3A_105 = tpu.memref_slice %arg8[%add3A_75] : memref<163840xf32, #tpu.memory_space<vmem_shared>> -> memref<640xf32, #tpu.memory_space<vmem_shared>>
      %dma_start3A_106 = arith.constant 0 : i32
      %dma_start3A_107 = tpu.memref_slice %arg6[%run_scoped3A_76, %dma_start3A_106] : memref<16x640xf32, #tpu.memory_space<vmem>> -> memref<1x640xf32, #tpu.memory_space<vmem>>
      %dma_start3A_108 = tpu.memref_squeeze %dma_start3A_107 : memref<1x640xf32, #tpu.memory_space<vmem>> -> memref<640xf32, #tpu.memory_space<vmem>>
      %dma_start3A_109 = tpu.memref_slice %arg8[%add3A_75] : memref<163840xf32, #tpu.memory_space<vmem_shared>> -> memref<640xf32, #tpu.memory_space<vmem_shared>>
      tpu.enqueue_dma source(%dma_start3A_109 : memref<640xf32, #tpu.memory_space<vmem_shared>>) target(%dma_start3A_108 : memref<640xf32, #tpu.memory_space<vmem>>) target_semaphore(%run_scoped3A_102 : memref<!tpu.dma_semaphore, #tpu.memory_space<semaphore_mem>>)
      %dma_wait3A = arith.constant 0 : i32
      %dma_wait3A_110 = tpu.memref_slice %arg6[%run_scoped3A_76, %dma_wait3A] : memref<16x640xf32, #tpu.memory_space<vmem>> -> memref<1x640xf32, #tpu.memory_space<vmem>>
      %dma_wait3A_111 = tpu.memref_squeeze %dma_wait3A_110 : memref<1x640xf32, #tpu.memory_space<vmem>> -> memref<640xf32, #tpu.memory_space<vmem>>
      %dma_wait3A_112 = tpu.memref_slice %arg8[%add3A_75] : memref<163840xf32, #tpu.memory_space<vmem_shared>> -> memref<640xf32, #tpu.memory_space<vmem_shared>>
      %dma_wait3A_113 = arith.constant 0 : i32
      %dma_wait3A_114 = tpu.memref_slice %arg6[%run_scoped3A_76, %dma_wait3A_113] : memref<16x640xf32, #tpu.memory_space<vmem>> -> memref<1x640xf32, #tpu.memory_space<vmem>>
      %dma_wait3A_115 = tpu.memref_squeeze %dma_wait3A_114 : memref<1x640xf32, #tpu.memory_space<vmem>> -> memref<640xf32, #tpu.memory_space<vmem>>
      %dma_wait3A_116 = tpu.memref_slice %arg8[%add3A_75] : memref<163840xf32, #tpu.memory_space<vmem_shared>> -> memref<640xf32, #tpu.memory_space<vmem_shared>>
      tpu.wait_dma2 semaphore(%run_scoped3A_102 : memref<!tpu.dma_semaphore, #tpu.memory_space<semaphore_mem>>) src(%dma_wait3A_116 : memref<640xf32, #tpu.memory_space<vmem_shared>>) dst(%dma_wait3A_115 : memref<640xf32, #tpu.memory_space<vmem>>)
      tpu.yield
    }) : () -> ()
    %mul3A_77 = arith.constant 640 : i32
    %mul3A_78 = arith.muli %arg1, %mul3A_77 : i32
    %add3A_79 = arith.constant 122880 : i32
    %add3A_80 = arith.addi %add3A_79, %mul3A_78 : i32
    %run_scoped3A_81 = arith.constant 12 : i32
    "tpu.region"() ({
      %run_scoped3A_102 = tpu.sem_alloc : memref<!tpu.dma_semaphore, #tpu.memory_space<semaphore_mem>>
      %dma_start3A = arith.constant 0 : i32
      %dma_start3A_103 = tpu.memref_slice %arg6[%run_scoped3A_81, %dma_start3A] : memref<16x640xf32, #tpu.memory_space<vmem>> -> memref<1x640xf32, #tpu.memory_space<vmem>>
      %dma_start3A_104 = tpu.memref_squeeze %dma_start3A_103 : memref<1x640xf32, #tpu.memory_space<vmem>> -> memref<640xf32, #tpu.memory_space<vmem>>
      %dma_start3A_105 = tpu.memref_slice %arg8[%add3A_80] : memref<163840xf32, #tpu.memory_space<vmem_shared>> -> memref<640xf32, #tpu.memory_space<vmem_shared>>
      %dma_start3A_106 = arith.constant 0 : i32
      %dma_start3A_107 = tpu.memref_slice %arg6[%run_scoped3A_81, %dma_start3A_106] : memref<16x640xf32, #tpu.memory_space<vmem>> -> memref<1x640xf32, #tpu.memory_space<vmem>>
      %dma_start3A_108 = tpu.memref_squeeze %dma_start3A_107 : memref<1x640xf32, #tpu.memory_space<vmem>> -> memref<640xf32, #tpu.memory_space<vmem>>
      %dma_start3A_109 = tpu.memref_slice %arg8[%add3A_80] : memref<163840xf32, #tpu.memory_space<vmem_shared>> -> memref<640xf32, #tpu.memory_space<vmem_shared>>
      tpu.enqueue_dma source(%dma_start3A_109 : memref<640xf32, #tpu.memory_space<vmem_shared>>) target(%dma_start3A_108 : memref<640xf32, #tpu.memory_space<vmem>>) target_semaphore(%run_scoped3A_102 : memref<!tpu.dma_semaphore, #tpu.memory_space<semaphore_mem>>)
      %dma_wait3A = arith.constant 0 : i32
      %dma_wait3A_110 = tpu.memref_slice %arg6[%run_scoped3A_81, %dma_wait3A] : memref<16x640xf32, #tpu.memory_space<vmem>> -> memref<1x640xf32, #tpu.memory_space<vmem>>
      %dma_wait3A_111 = tpu.memref_squeeze %dma_wait3A_110 : memref<1x640xf32, #tpu.memory_space<vmem>> -> memref<640xf32, #tpu.memory_space<vmem>>
      %dma_wait3A_112 = tpu.memref_slice %arg8[%add3A_80] : memref<163840xf32, #tpu.memory_space<vmem_shared>> -> memref<640xf32, #tpu.memory_space<vmem_shared>>
      %dma_wait3A_113 = arith.constant 0 : i32
      %dma_wait3A_114 = tpu.memref_slice %arg6[%run_scoped3A_81, %dma_wait3A_113] : memref<16x640xf32, #tpu.memory_space<vmem>> -> memref<1x640xf32, #tpu.memory_space<vmem>>
      %dma_wait3A_115 = tpu.memref_squeeze %dma_wait3A_114 : memref<1x640xf32, #tpu.memory_space<vmem>> -> memref<640xf32, #tpu.memory_space<vmem>>
      %dma_wait3A_116 = tpu.memref_slice %arg8[%add3A_80] : memref<163840xf32, #tpu.memory_space<vmem_shared>> -> memref<640xf32, #tpu.memory_space<vmem_shared>>
      tpu.wait_dma2 semaphore(%run_scoped3A_102 : memref<!tpu.dma_semaphore, #tpu.memory_space<semaphore_mem>>) src(%dma_wait3A_116 : memref<640xf32, #tpu.memory_space<vmem_shared>>) dst(%dma_wait3A_115 : memref<640xf32, #tpu.memory_space<vmem>>)
      tpu.yield
    }) : () -> ()
    %mul3A_82 = arith.constant 640 : i32
    %mul3A_83 = arith.muli %arg1, %mul3A_82 : i32
    %add3A_84 = arith.constant 133120 : i32
    %add3A_85 = arith.addi %add3A_84, %mul3A_83 : i32
    %run_scoped3A_86 = arith.constant 13 : i32
    "tpu.region"() ({
      %run_scoped3A_102 = tpu.sem_alloc : memref<!tpu.dma_semaphore, #tpu.memory_space<semaphore_mem>>
      %dma_start3A = arith.constant 0 : i32
      %dma_start3A_103 = tpu.memref_slice %arg6[%run_scoped3A_86, %dma_start3A] : memref<16x640xf32, #tpu.memory_space<vmem>> -> memref<1x640xf32, #tpu.memory_space<vmem>>
      %dma_start3A_104 = tpu.memref_squeeze %dma_start3A_103 : memref<1x640xf32, #tpu.memory_space<vmem>> -> memref<640xf32, #tpu.memory_space<vmem>>
      %dma_start3A_105 = tpu.memref_slice %arg8[%add3A_85] : memref<163840xf32, #tpu.memory_space<vmem_shared>> -> memref<640xf32, #tpu.memory_space<vmem_shared>>
      %dma_start3A_106 = arith.constant 0 : i32
      %dma_start3A_107 = tpu.memref_slice %arg6[%run_scoped3A_86, %dma_start3A_106] : memref<16x640xf32, #tpu.memory_space<vmem>> -> memref<1x640xf32, #tpu.memory_space<vmem>>
      %dma_start3A_108 = tpu.memref_squeeze %dma_start3A_107 : memref<1x640xf32, #tpu.memory_space<vmem>> -> memref<640xf32, #tpu.memory_space<vmem>>
      %dma_start3A_109 = tpu.memref_slice %arg8[%add3A_85] : memref<163840xf32, #tpu.memory_space<vmem_shared>> -> memref<640xf32, #tpu.memory_space<vmem_shared>>
      tpu.enqueue_dma source(%dma_start3A_109 : memref<640xf32, #tpu.memory_space<vmem_shared>>) target(%dma_start3A_108 : memref<640xf32, #tpu.memory_space<vmem>>) target_semaphore(%run_scoped3A_102 : memref<!tpu.dma_semaphore, #tpu.memory_space<semaphore_mem>>)
      %dma_wait3A = arith.constant 0 : i32
      %dma_wait3A_110 = tpu.memref_slice %arg6[%run_scoped3A_86, %dma_wait3A] : memref<16x640xf32, #tpu.memory_space<vmem>> -> memref<1x640xf32, #tpu.memory_space<vmem>>
      %dma_wait3A_111 = tpu.memref_squeeze %dma_wait3A_110 : memref<1x640xf32, #tpu.memory_space<vmem>> -> memref<640xf32, #tpu.memory_space<vmem>>
      %dma_wait3A_112 = tpu.memref_slice %arg8[%add3A_85] : memref<163840xf32, #tpu.memory_space<vmem_shared>> -> memref<640xf32, #tpu.memory_space<vmem_shared>>
      %dma_wait3A_113 = arith.constant 0 : i32
      %dma_wait3A_114 = tpu.memref_slice %arg6[%run_scoped3A_86, %dma_wait3A_113] : memref<16x640xf32, #tpu.memory_space<vmem>> -> memref<1x640xf32, #tpu.memory_space<vmem>>
      %dma_wait3A_115 = tpu.memref_squeeze %dma_wait3A_114 : memref<1x640xf32, #tpu.memory_space<vmem>> -> memref<640xf32, #tpu.memory_space<vmem>>
      %dma_wait3A_116 = tpu.memref_slice %arg8[%add3A_85] : memref<163840xf32, #tpu.memory_space<vmem_shared>> -> memref<640xf32, #tpu.memory_space<vmem_shared>>
      tpu.wait_dma2 semaphore(%run_scoped3A_102 : memref<!tpu.dma_semaphore, #tpu.memory_space<semaphore_mem>>) src(%dma_wait3A_116 : memref<640xf32, #tpu.memory_space<vmem_shared>>) dst(%dma_wait3A_115 : memref<640xf32, #tpu.memory_space<vmem>>)
      tpu.yield
    }) : () -> ()
    %mul3A_87 = arith.constant 640 : i32
    %mul3A_88 = arith.muli %arg1, %mul3A_87 : i32
    %add3A_89 = arith.constant 143360 : i32
    %add3A_90 = arith.addi %add3A_89, %mul3A_88 : i32
    %run_scoped3A_91 = arith.constant 14 : i32
    "tpu.region"() ({
      %run_scoped3A_102 = tpu.sem_alloc : memref<!tpu.dma_semaphore, #tpu.memory_space<semaphore_mem>>
      %dma_start3A = arith.constant 0 : i32
      %dma_start3A_103 = tpu.memref_slice %arg6[%run_scoped3A_91, %dma_start3A] : memref<16x640xf32, #tpu.memory_space<vmem>> -> memref<1x640xf32, #tpu.memory_space<vmem>>
      %dma_start3A_104 = tpu.memref_squeeze %dma_start3A_103 : memref<1x640xf32, #tpu.memory_space<vmem>> -> memref<640xf32, #tpu.memory_space<vmem>>
      %dma_start3A_105 = tpu.memref_slice %arg8[%add3A_90] : memref<163840xf32, #tpu.memory_space<vmem_shared>> -> memref<640xf32, #tpu.memory_space<vmem_shared>>
      %dma_start3A_106 = arith.constant 0 : i32
      %dma_start3A_107 = tpu.memref_slice %arg6[%run_scoped3A_91, %dma_start3A_106] : memref<16x640xf32, #tpu.memory_space<vmem>> -> memref<1x640xf32, #tpu.memory_space<vmem>>
      %dma_start3A_108 = tpu.memref_squeeze %dma_start3A_107 : memref<1x640xf32, #tpu.memory_space<vmem>> -> memref<640xf32, #tpu.memory_space<vmem>>
      %dma_start3A_109 = tpu.memref_slice %arg8[%add3A_90] : memref<163840xf32, #tpu.memory_space<vmem_shared>> -> memref<640xf32, #tpu.memory_space<vmem_shared>>
      tpu.enqueue_dma source(%dma_start3A_109 : memref<640xf32, #tpu.memory_space<vmem_shared>>) target(%dma_start3A_108 : memref<640xf32, #tpu.memory_space<vmem>>) target_semaphore(%run_scoped3A_102 : memref<!tpu.dma_semaphore, #tpu.memory_space<semaphore_mem>>)
      %dma_wait3A = arith.constant 0 : i32
      %dma_wait3A_110 = tpu.memref_slice %arg6[%run_scoped3A_91, %dma_wait3A] : memref<16x640xf32, #tpu.memory_space<vmem>> -> memref<1x640xf32, #tpu.memory_space<vmem>>
      %dma_wait3A_111 = tpu.memref_squeeze %dma_wait3A_110 : memref<1x640xf32, #tpu.memory_space<vmem>> -> memref<640xf32, #tpu.memory_space<vmem>>
      %dma_wait3A_112 = tpu.memref_slice %arg8[%add3A_90] : memref<163840xf32, #tpu.memory_space<vmem_shared>> -> memref<640xf32, #tpu.memory_space<vmem_shared>>
      %dma_wait3A_113 = arith.constant 0 : i32
      %dma_wait3A_114 = tpu.memref_slice %arg6[%run_scoped3A_91, %dma_wait3A_113] : memref<16x640xf32, #tpu.memory_space<vmem>> -> memref<1x640xf32, #tpu.memory_space<vmem>>
      %dma_wait3A_115 = tpu.memref_squeeze %dma_wait3A_114 : memref<1x640xf32, #tpu.memory_space<vmem>> -> memref<640xf32, #tpu.memory_space<vmem>>
      %dma_wait3A_116 = tpu.memref_slice %arg8[%add3A_90] : memref<163840xf32, #tpu.memory_space<vmem_shared>> -> memref<640xf32, #tpu.memory_space<vmem_shared>>
      tpu.wait_dma2 semaphore(%run_scoped3A_102 : memref<!tpu.dma_semaphore, #tpu.memory_space<semaphore_mem>>) src(%dma_wait3A_116 : memref<640xf32, #tpu.memory_space<vmem_shared>>) dst(%dma_wait3A_115 : memref<640xf32, #tpu.memory_space<vmem>>)
      tpu.yield
    }) : () -> ()
    %mul3A_92 = arith.constant 640 : i32
    %mul3A_93 = arith.muli %arg1, %mul3A_92 : i32
    %add3A_94 = arith.constant 153600 : i32
    %add3A_95 = arith.addi %add3A_94, %mul3A_93 : i32
    %run_scoped3A_96 = arith.constant 15 : i32
    "tpu.region"() ({
      %run_scoped3A_102 = tpu.sem_alloc : memref<!tpu.dma_semaphore, #tpu.memory_space<semaphore_mem>>
      %dma_start3A = arith.constant 0 : i32
      %dma_start3A_103 = tpu.memref_slice %arg6[%run_scoped3A_96, %dma_start3A] : memref<16x640xf32, #tpu.memory_space<vmem>> -> memref<1x640xf32, #tpu.memory_space<vmem>>
      %dma_start3A_104 = tpu.memref_squeeze %dma_start3A_103 : memref<1x640xf32, #tpu.memory_space<vmem>> -> memref<640xf32, #tpu.memory_space<vmem>>
      %dma_start3A_105 = tpu.memref_slice %arg8[%add3A_95] : memref<163840xf32, #tpu.memory_space<vmem_shared>> -> memref<640xf32, #tpu.memory_space<vmem_shared>>
      %dma_start3A_106 = arith.constant 0 : i32
      %dma_start3A_107 = tpu.memref_slice %arg6[%run_scoped3A_96, %dma_start3A_106] : memref<16x640xf32, #tpu.memory_space<vmem>> -> memref<1x640xf32, #tpu.memory_space<vmem>>
      %dma_start3A_108 = tpu.memref_squeeze %dma_start3A_107 : memref<1x640xf32, #tpu.memory_space<vmem>> -> memref<640xf32, #tpu.memory_space<vmem>>
      %dma_start3A_109 = tpu.memref_slice %arg8[%add3A_95] : memref<163840xf32, #tpu.memory_space<vmem_shared>> -> memref<640xf32, #tpu.memory_space<vmem_shared>>
      tpu.enqueue_dma source(%dma_start3A_109 : memref<640xf32, #tpu.memory_space<vmem_shared>>) target(%dma_start3A_108 : memref<640xf32, #tpu.memory_space<vmem>>) target_semaphore(%run_scoped3A_102 : memref<!tpu.dma_semaphore, #tpu.memory_space<semaphore_mem>>)
      %dma_wait3A = arith.constant 0 : i32
      %dma_wait3A_110 = tpu.memref_slice %arg6[%run_scoped3A_96, %dma_wait3A] : memref<16x640xf32, #tpu.memory_space<vmem>> -> memref<1x640xf32, #tpu.memory_space<vmem>>
      %dma_wait3A_111 = tpu.memref_squeeze %dma_wait3A_110 : memref<1x640xf32, #tpu.memory_space<vmem>> -> memref<640xf32, #tpu.memory_space<vmem>>
      %dma_wait3A_112 = tpu.memref_slice %arg8[%add3A_95] : memref<163840xf32, #tpu.memory_space<vmem_shared>> -> memref<640xf32, #tpu.memory_space<vmem_shared>>
      %dma_wait3A_113 = arith.constant 0 : i32
      %dma_wait3A_114 = tpu.memref_slice %arg6[%run_scoped3A_96, %dma_wait3A_113] : memref<16x640xf32, #tpu.memory_space<vmem>> -> memref<1x640xf32, #tpu.memory_space<vmem>>
      %dma_wait3A_115 = tpu.memref_squeeze %dma_wait3A_114 : memref<1x640xf32, #tpu.memory_space<vmem>> -> memref<640xf32, #tpu.memory_space<vmem>>
      %dma_wait3A_116 = tpu.memref_slice %arg8[%add3A_95] : memref<163840xf32, #tpu.memory_space<vmem_shared>> -> memref<640xf32, #tpu.memory_space<vmem_shared>>
      tpu.wait_dma2 semaphore(%run_scoped3A_102 : memref<!tpu.dma_semaphore, #tpu.memory_space<semaphore_mem>>) src(%dma_wait3A_116 : memref<640xf32, #tpu.memory_space<vmem_shared>>) dst(%dma_wait3A_115 : memref<640xf32, #tpu.memory_space<vmem>>)
      tpu.yield
    }) : () -> ()
    %scan3A_97 = arith.constant 0 : i32
    %scan3A_98 = arith.constant 40 : i32
    %scan3A_99 = arith.addi %scan3A_97, %scan3A_98 : i32
    %scan3A_100 = arith.constant 1 : i32
    scf.for %scan3A_102 = %scan3A_97 to %scan3A_99 step %scan3A_100  : i32 {
      %mul3A_103 = arith.constant 16 : i32
      %mul3A_104 = arith.muli %scan3A_102, %mul3A_103 : i32
      %add3A_105 = arith.constant 0 : i32
      %add3A_106 = arith.addi %add3A_105, %mul3A_104 : i32
      %get3A = arith.constant 0 : i32
      %get3A_107 = arith.index_cast %get3A : i32 to index
      %get3A_108 = arith.index_cast %add3A_106 : i32 to index
      %get3A_109 = tpu.vector_load %arg6[%get3A_107, %get3A_108] {strides = array<i32>} : memref<16x640xf32, #tpu.memory_space<vmem>>, vector<16xf32>,
      %get3A_110 = arith.constant 1 : i32
      %get3A_111 = arith.index_cast %get3A_110 : i32 to index
      %get3A_112 = arith.index_cast %add3A_106 : i32 to index
      %get3A_113 = tpu.vector_load %arg6[%get3A_111, %get3A_112] {strides = array<i32>} : memref<16x640xf32, #tpu.memory_space<vmem>>, vector<16xf32>,
      %add3A_114 = arith.addf %get3A_109, %get3A_113 : vector<16xf32>
      %get3A_115 = arith.constant 2 : i32
      %get3A_116 = arith.index_cast %get3A_115 : i32 to index
      %get3A_117 = arith.index_cast %add3A_106 : i32 to index
      %get3A_118 = tpu.vector_load %arg6[%get3A_116, %get3A_117] {strides = array<i32>} : memref<16x640xf32, #tpu.memory_space<vmem>>, vector<16xf32>,
      %add3A_119 = arith.addf %add3A_114, %get3A_118 : vector<16xf32>
      %get3A_120 = arith.constant 3 : i32
      %get3A_121 = arith.index_cast %get3A_120 : i32 to index
      %get3A_122 = arith.index_cast %add3A_106 : i32 to index
      %get3A_123 = tpu.vector_load %arg6[%get3A_121, %get3A_122] {strides = array<i32>} : memref<16x640xf32, #tpu.memory_space<vmem>>, vector<16xf32>,
      %add3A_124 = arith.addf %add3A_119, %get3A_123 : vector<16xf32>
      %get3A_125 = arith.constant 4 : i32
      %get3A_126 = arith.index_cast %get3A_125 : i32 to index
      %get3A_127 = arith.index_cast %add3A_106 : i32 to index
      %get3A_128 = tpu.vector_load %arg6[%get3A_126, %get3A_127] {strides = array<i32>} : memref<16x640xf32, #tpu.memory_space<vmem>>, vector<16xf32>,
      %add3A_129 = arith.addf %add3A_124, %get3A_128 : vector<16xf32>
      %get3A_130 = arith.constant 5 : i32
      %get3A_131 = arith.index_cast %get3A_130 : i32 to index
      %get3A_132 = arith.index_cast %add3A_106 : i32 to index
      %get3A_133 = tpu.vector_load %arg6[%get3A_131, %get3A_132] {strides = array<i32>} : memref<16x640xf32, #tpu.memory_space<vmem>>, vector<16xf32>,
      %add3A_134 = arith.addf %add3A_129, %get3A_133 : vector<16xf32>
      %get3A_135 = arith.constant 6 : i32
      %get3A_136 = arith.index_cast %get3A_135 : i32 to index
      %get3A_137 = arith.index_cast %add3A_106 : i32 to index
      %get3A_138 = tpu.vector_load %arg6[%get3A_136, %get3A_137] {strides = array<i32>} : memref<16x640xf32, #tpu.memory_space<vmem>>, vector<16xf32>,
      %add3A_139 = arith.addf %add3A_134, %get3A_138 : vector<16xf32>
      %get3A_140 = arith.constant 7 : i32
      %get3A_141 = arith.index_cast %get3A_140 : i32 to index
      %get3A_142 = arith.index_cast %add3A_106 : i32 to index
      %get3A_143 = tpu.vector_load %arg6[%get3A_141, %get3A_142] {strides = array<i32>} : memref<16x640xf32, #tpu.memory_space<vmem>>, vector<16xf32>,
      %add3A_144 = arith.addf %add3A_139, %get3A_143 : vector<16xf32>
      %get3A_145 = arith.constant 8 : i32
      %get3A_146 = arith.index_cast %get3A_145 : i32 to index
      %get3A_147 = arith.index_cast %add3A_106 : i32 to index
      %get3A_148 = tpu.vector_load %arg6[%get3A_146, %get3A_147] {strides = array<i32>} : memref<16x640xf32, #tpu.memory_space<vmem>>, vector<16xf32>,
      %add3A_149 = arith.addf %add3A_144, %get3A_148 : vector<16xf32>
      %get3A_150 = arith.constant 9 : i32
      %get3A_151 = arith.index_cast %get3A_150 : i32 to index
      %get3A_152 = arith.index_cast %add3A_106 : i32 to index
      %get3A_153 = tpu.vector_load %arg6[%get3A_151, %get3A_152] {strides = array<i32>} : memref<16x640xf32, #tpu.memory_space<vmem>>, vector<16xf32>,
      %add3A_154 = arith.addf %add3A_149, %get3A_153 : vector<16xf32>
      %get3A_155 = arith.constant 10 : i32
      %get3A_156 = arith.index_cast %get3A_155 : i32 to index
      %get3A_157 = arith.index_cast %add3A_106 : i32 to index
      %get3A_158 = tpu.vector_load %arg6[%get3A_156, %get3A_157] {strides = array<i32>} : memref<16x640xf32, #tpu.memory_space<vmem>>, vector<16xf32>,
      %add3A_159 = arith.addf %add3A_154, %get3A_158 : vector<16xf32>
      %get3A_160 = arith.constant 11 : i32
      %get3A_161 = arith.index_cast %get3A_160 : i32 to index
      %get3A_162 = arith.index_cast %add3A_106 : i32 to index
      %get3A_163 = tpu.vector_load %arg6[%get3A_161, %get3A_162] {strides = array<i32>} : memref<16x640xf32, #tpu.memory_space<vmem>>, vector<16xf32>,
      %add3A_164 = arith.addf %add3A_159, %get3A_163 : vector<16xf32>
      %get3A_165 = arith.constant 12 : i32
      %get3A_166 = arith.index_cast %get3A_165 : i32 to index
      %get3A_167 = arith.index_cast %add3A_106 : i32 to index
      %get3A_168 = tpu.vector_load %arg6[%get3A_166, %get3A_167] {strides = array<i32>} : memref<16x640xf32, #tpu.memory_space<vmem>>, vector<16xf32>,
      %add3A_169 = arith.addf %add3A_164, %get3A_168 : vector<16xf32>
      %get3A_170 = arith.constant 13 : i32
      %get3A_171 = arith.index_cast %get3A_170 : i32 to index
      %get3A_172 = arith.index_cast %add3A_106 : i32 to index
      %get3A_173 = tpu.vector_load %arg6[%get3A_171, %get3A_172] {strides = array<i32>} : memref<16x640xf32, #tpu.memory_space<vmem>>, vector<16xf32>,
      %add3A_174 = arith.addf %add3A_169, %get3A_173 : vector<16xf32>
      %get3A_175 = arith.constant 14 : i32
      %get3A_176 = arith.index_cast %get3A_175 : i32 to index
      %get3A_177 = arith.index_cast %add3A_106 : i32 to index
      %get3A_178 = tpu.vector_load %arg6[%get3A_176, %get3A_177] {strides = array<i32>} : memref<16x640xf32, #tpu.memory_space<vmem>>, vector<16xf32>,
      %add3A_179 = arith.addf %add3A_174, %get3A_178 : vector<16xf32>
      %get3A_180 = arith.constant 15 : i32
      %get3A_181 = arith.index_cast %get3A_180 : i32 to index
      %get3A_182 = arith.index_cast %add3A_106 : i32 to index
      %get3A_183 = tpu.vector_load %arg6[%get3A_181, %get3A_182] {strides = array<i32>} : memref<16x640xf32, #tpu.memory_space<vmem>>, vector<16xf32>,
      %add3A_184 = arith.addf %add3A_179, %get3A_183 : vector<16xf32>
      %swap3A = arith.index_cast %add3A_106 : i32 to index
      %swap3A_185 = tpu.vector_load %arg7[%swap3A] {strides = array<i32>} : memref<640xf32, #tpu.memory_space<vmem>>, vector<16xf32>,
      tpu.vector_store %arg7[%swap3A], %add3A_184 {strides = array<i32>} : memref<640xf32, #tpu.memory_space<vmem>>, vector<16xf32>,
    }
    %scan3A_101 = arith.constant 40 : i32
    "tpu.region"() ({
      %run_scoped3A_102 = tpu.sem_alloc : memref<!tpu.dma_semaphore, #tpu.memory_space<semaphore_mem>>
      %dma_start3A = tpu.memref_slice %arg3[%arg0, %mul3A_0] : memref<2x10240xf32, #tpu.memory_space<hbm>> -> memref<1x640xf32, #tpu.memory_space<hbm>>
      %dma_start3A_103 = tpu.memref_squeeze %dma_start3A : memref<1x640xf32, #tpu.memory_space<hbm>> -> memref<640xf32, #tpu.memory_space<hbm>>
      %dma_start3A_104 = tpu.memref_slice %arg3[%arg0, %mul3A_0] : memref<2x10240xf32, #tpu.memory_space<hbm>> -> memref<1x640xf32, #tpu.memory_space<hbm>>
      %dma_start3A_105 = tpu.memref_squeeze %dma_start3A_104 : memref<1x640xf32, #tpu.memory_space<hbm>> -> memref<640xf32, #tpu.memory_space<hbm>>
      tpu.enqueue_dma source(%arg7 : memref<640xf32, #tpu.memory_space<vmem>>) target(%dma_start3A_105 : memref<640xf32, #tpu.memory_space<hbm>>) target_semaphore(%run_scoped3A_102 : memref<!tpu.dma_semaphore, #tpu.memory_space<semaphore_mem>>)
      %dma_wait3A = tpu.memref_slice %arg3[%arg0, %mul3A_0] : memref<2x10240xf32, #tpu.memory_space<hbm>> -> memref<1x640xf32, #tpu.memory_space<hbm>>
      %dma_wait3A_106 = tpu.memref_squeeze %dma_wait3A : memref<1x640xf32, #tpu.memory_space<hbm>> -> memref<640xf32, #tpu.memory_space<hbm>>
      %dma_wait3A_107 = tpu.memref_slice %arg3[%arg0, %mul3A_0] : memref<2x10240xf32, #tpu.memory_space<hbm>> -> memref<1x640xf32, #tpu.memory_space<hbm>>
      %dma_wait3A_108 = tpu.memref_squeeze %dma_wait3A_107 : memref<1x640xf32, #tpu.memory_space<hbm>> -> memref<640xf32, #tpu.memory_space<hbm>>
      tpu.wait_dma2 semaphore(%run_scoped3A_102 : memref<!tpu.dma_semaphore, #tpu.memory_space<semaphore_mem>>) src(%arg7 : memref<640xf32, #tpu.memory_space<vmem>>) dst(%dma_wait3A_108 : memref<640xf32, #tpu.memory_space<hbm>>)
      tpu.yield
    }) : () -> ()
    return
  }
}

module attributes {stable_mosaic.version = 14 : i64} {
  func.func @_tc_embed_body(%arg0: i32, %arg1: memref<2048x1xi32, #tpu.memory_space<vmem>>, %arg2: memref<512x128xf32, #tpu.memory_space<vmem>>, %arg3: memref<128x128xf32, #tpu.memory_space<vmem>>, %arg4: memref<128xf32, #tpu.memory_space<vmem>>, %arg5: memref<2048x128xf32, #tpu.memory_space<vmem>>) attributes {dimension_semantics = [#tpu.dimension_semantics<arbitrary>], iteration_bounds = array<i64: 5>, scalar_prefetch = 0 : i64, scratch_operands = 0 : i64, tpu.core_type = #tpu.core_type<tc>, window_params = [{transform_indices = @transform_0, window_bounds = array<i64: 2048, 1>}, {pipeline_mode = #tpu.pipeline_mode<synchronous>, transform_indices = @transform_1, window_bounds = array<i64: 512, 128>}, {pipeline_mode = #tpu.pipeline_mode<synchronous>, transform_indices = @transform_2, window_bounds = array<i64: 128, 128>}, {pipeline_mode = #tpu.pipeline_mode<synchronous>, transform_indices = @transform_3, window_bounds = array<i64: 128>}, {transform_indices = @transform_4, window_bounds = array<i64: 2048, 128>}]} {
    %get3A = arith.constant 0 : index
    %get3A_0 = arith.constant 0 : index
    %get3A_1 = vector.load %arg2[%get3A, %get3A_0] : memref<512x128xf32, #tpu.memory_space<vmem>>, vector<512x128xf32>
    %get3A_2 = arith.constant 0 : index
    %get3A_3 = arith.constant 0 : index
    %get3A_4 = vector.load %arg3[%get3A_2, %get3A_3] : memref<128x128xf32, #tpu.memory_space<vmem>>, vector<128x128xf32>
    %dot_general3A = arith.constant dense<0.000000e+00> : vector<512x128xf32>
    %dot_general3A_5 = tpu.matmul %get3A_1, %get3A_4, %dot_general3A {dimension_numbers = #tpu.dot_dimension_numbers<[1], [1], [0], [0], [0, 0, 1, 0], [], []>, transpose_lhs_hint = false} : vector<512x128xf32>, vector<128x128xf32>, vector<512x128xf32> -> vector<512x128xf32>
    %get3A_6 = arith.constant 0 : index
    %get3A_7 = vector.load %arg4[%get3A_6] : memref<128xf32, #tpu.memory_space<vmem>>, vector<128xf32>
    %broadcast_in_dim3A = vector.shape_cast %get3A_7 : vector<128xf32> to vector<1x128xf32>
    %add3A = vector.broadcast %broadcast_in_dim3A : vector<1x128xf32> to vector<512x128xf32>
    %add3A_8 = arith.addf %dot_general3A_5, %add3A : vector<512x128xf32>
    %get3A_9 = arith.constant 0 : index
    %get3A_10 = arith.constant 0 : index
    %get3A_11 = vector.load %arg1[%get3A_9, %get3A_10] : memref<2048x1xi32, #tpu.memory_space<vmem>>, vector<2048x1xi32>
    %iota3A = tpu.iota {dimensions = array<i32: 1>} : vector<2048x512xi32>
    %eq3A = vector.broadcast %get3A_11 : vector<2048x1xi32> to vector<2048x512xi32>
    %eq3A_12 = arith.cmpi eq, %eq3A, %iota3A : vector<2048x512xi32>
    %convert_element_type3A = arith.extui %eq3A_12 : vector<2048x512xi1> to vector<2048x512xi32>
    %convert_element_type3A_13 = arith.sitofp %convert_element_type3A : vector<2048x512xi32> to vector<2048x512xf32>
    %dot_general3A_14 = arith.constant dense<0.000000e+00> : vector<2048x128xf32>
    %dot_general3A_15 = tpu.matmul %convert_element_type3A_13, %add3A_8, %dot_general3A_14 {dimension_numbers = #tpu.dot_dimension_numbers<[1], [0], [0], [1], [0, 0, 1, 1], [], []>, transpose_lhs_hint = false} : vector<2048x512xf32>, vector<512x128xf32>, vector<2048x128xf32> -> vector<2048x128xf32>
    %swap3A = arith.constant 0 : index
    %swap3A_16 = arith.constant 0 : index
    %swap3A_17 = vector.load %arg5[%swap3A, %swap3A_16] : memref<2048x128xf32, #tpu.memory_space<vmem>>, vector<2048x128xf32>
    tpu.vector_store %arg5[%swap3A, %swap3A_16], %dot_general3A_15 {strides = array<i32>} : memref<2048x128xf32, #tpu.memory_space<vmem>>, vector<2048x128xf32>,
    return
  }
  func.func @transform_0(%arg0: i32) -> (i32, i32) {
    %c0_i32 = arith.constant 0 : i32
    %c0_i32_0 = arith.constant 0 : i32
    return %arg0, %c0_i32 : i32, i32
  }
  func.func @transform_1(%arg0: i32) -> (i32, i32) {
    %c0_i32 = arith.constant 0 : i32
    %c0_i32_0 = arith.constant 0 : i32
    %c0_i32_1 = arith.constant 0 : i32
    return %c0_i32, %c0_i32_0 : i32, i32
  }
  func.func @transform_2(%arg0: i32) -> (i32, i32) {
    %c0_i32 = arith.constant 0 : i32
    %c0_i32_0 = arith.constant 0 : i32
    %c0_i32_1 = arith.constant 0 : i32
    return %c0_i32, %c0_i32_0 : i32, i32
  }
  func.func @transform_3(%arg0: i32) -> i32 {
    %c0_i32 = arith.constant 0 : i32
    %c0_i32_0 = arith.constant 0 : i32
    return %c0_i32 : i32
  }
  func.func @transform_4(%arg0: i32) -> (i32, i32) {
    %c0_i32 = arith.constant 0 : i32
    %c0_i32_0 = arith.constant 0 : i32
    return %arg0, %c0_i32 : i32, i32
  }
}

module attributes {stable_mosaic.version = 14 : i64} {
  func.func @_tc_scale_body(%arg0: i32, %arg1: memref<2x2048x1xf32, #tpu.memory_space<vmem>>, %arg2: memref<2048x128xf32, #tpu.memory_space<vmem>>, %arg3: memref<2048x128xf32, #tpu.memory_space<vmem>>, %arg4: memref<2048x1xf32, #tpu.memory_space<vmem>>) attributes {dimension_semantics = [#tpu.dimension_semantics<arbitrary>], iteration_bounds = array<i64: 5>, scalar_prefetch = 0 : i64, scratch_operands = 0 : i64, tpu.core_type = #tpu.core_type<tc>, window_params = [{transform_indices = @transform_0, window_bounds = array<i64: 2, 2048, 1>}, {transform_indices = @transform_1, window_bounds = array<i64: 2048, 128>}, {transform_indices = @transform_2, window_bounds = array<i64: 2048, 128>}, {transform_indices = @transform_3, window_bounds = array<i64: 2048, 1>}]} {
    %get3A = arith.constant 0 : index
    %get3A_0 = arith.constant 0 : index
    %get3A_1 = arith.constant 0 : index
    %get3A_2 = vector.load %arg1[%get3A, %get3A_0, %get3A_1] : memref<2x2048x1xf32, #tpu.memory_space<vmem>>, vector<1x2048x1xf32>
    %get3A_3 = vector.shape_cast %get3A_2 : vector<1x2048x1xf32> to vector<2048x1xf32>
    %get3A_4 = arith.constant 1 : index
    %get3A_5 = arith.constant 0 : index
    %get3A_6 = arith.constant 0 : index
    %get3A_7 = vector.load %arg1[%get3A_4, %get3A_5, %get3A_6] : memref<2x2048x1xf32, #tpu.memory_space<vmem>>, vector<1x2048x1xf32>
    %get3A_8 = vector.shape_cast %get3A_7 : vector<1x2048x1xf32> to vector<2048x1xf32>
    %add3A = arith.addf %get3A_3, %get3A_8 : vector<2048x1xf32>
    %add3A_9 = arith.constant 1.000000e+00 : f32
    %add3A_10 = vector.broadcast %add3A_9 : f32 to vector<2048x1xf32>
    %add3A_11 = arith.addf %add3A, %add3A_10 : vector<2048x1xf32>
    %rsqrt3A = math.rsqrt %add3A_11 : vector<2048x1xf32>
    %get3A_12 = arith.constant 0 : index
    %get3A_13 = arith.constant 0 : index
    %get3A_14 = vector.load %arg2[%get3A_12, %get3A_13] : memref<2048x128xf32, #tpu.memory_space<vmem>>, vector<2048x128xf32>
    %mul3A = vector.broadcast %rsqrt3A : vector<2048x1xf32> to vector<2048x128xf32>
    %mul3A_15 = arith.mulf %get3A_14, %mul3A : vector<2048x128xf32>
    %swap3A = arith.constant 0 : index
    %swap3A_16 = arith.constant 0 : index
    %swap3A_17 = vector.load %arg3[%swap3A, %swap3A_16] : memref<2048x128xf32, #tpu.memory_space<vmem>>, vector<2048x128xf32>
    tpu.vector_store %arg3[%swap3A, %swap3A_16], %mul3A_15 {strides = array<i32>} : memref<2048x128xf32, #tpu.memory_space<vmem>>, vector<2048x128xf32>,
    %swap3A_18 = arith.constant 0 : index
    %swap3A_19 = arith.constant 0 : index
    %swap3A_20 = vector.load %arg4[%swap3A_18, %swap3A_19] : memref<2048x1xf32, #tpu.memory_space<vmem>>, vector<2048x1xf32>
    tpu.vector_store %arg4[%swap3A_18, %swap3A_19], %rsqrt3A {strides = array<i32>} : memref<2048x1xf32, #tpu.memory_space<vmem>>, vector<2048x1xf32>,
    return
  }
  func.func @transform_0(%arg0: i32) -> (i32, i32, i32) {
    %c0_i32 = arith.constant 0 : i32
    %c0_i32_0 = arith.constant 0 : i32
    %c0_i32_1 = arith.constant 0 : i32
    return %c0_i32, %arg0, %c0_i32_0 : i32, i32, i32
  }
  func.func @transform_1(%arg0: i32) -> (i32, i32) {
    %c0_i32 = arith.constant 0 : i32
    %c0_i32_0 = arith.constant 0 : i32
    return %arg0, %c0_i32 : i32, i32
  }
  func.func @transform_2(%arg0: i32) -> (i32, i32) {
    %c0_i32 = arith.constant 0 : i32
    %c0_i32_0 = arith.constant 0 : i32
    return %arg0, %c0_i32 : i32, i32
  }
  func.func @transform_3(%arg0: i32) -> (i32, i32) {
    %c0_i32 = arith.constant 0 : i32
    %c0_i32_0 = arith.constant 0 : i32
    return %arg0, %c0_i32 : i32, i32
  }
}

module attributes {stable_mosaic.version = 14 : i64} {
  func.func @_tc_mid_body(%arg0: i32, %arg1: memref<2x2048x128xf32, #tpu.memory_space<vmem>>, %arg2: memref<2048x128xf32, #tpu.memory_space<vmem>>, %arg3: memref<2048x1xf32, #tpu.memory_space<vmem>>, %arg4: memref<128x128xf32, #tpu.memory_space<vmem>>, %arg5: memref<128xf32, #tpu.memory_space<vmem>>, %arg6: memref<2048x128xf32, #tpu.memory_space<vmem>>) attributes {dimension_semantics = [#tpu.dimension_semantics<arbitrary>], iteration_bounds = array<i64: 5>, scalar_prefetch = 0 : i64, scratch_operands = 0 : i64, tpu.core_type = #tpu.core_type<tc>, window_params = [{transform_indices = @transform_0, window_bounds = array<i64: 2, 2048, 128>}, {transform_indices = @transform_1, window_bounds = array<i64: 2048, 128>}, {transform_indices = @transform_2, window_bounds = array<i64: 2048, 1>}, {pipeline_mode = #tpu.pipeline_mode<synchronous>, transform_indices = @transform_3, window_bounds = array<i64: 128, 128>}, {pipeline_mode = #tpu.pipeline_mode<synchronous>, transform_indices = @transform_4, window_bounds = array<i64: 128>}, {transform_indices = @transform_5, window_bounds = array<i64: 2048, 128>}]} {
    %get3A = arith.constant 0 : index
    %get3A_0 = arith.constant 0 : index
    %get3A_1 = arith.constant 0 : index
    %get3A_2 = vector.load %arg1[%get3A, %get3A_0, %get3A_1] : memref<2x2048x128xf32, #tpu.memory_space<vmem>>, vector<1x2048x128xf32>
    %get3A_3 = vector.shape_cast %get3A_2 : vector<1x2048x128xf32> to vector<2048x128xf32>
    %get3A_4 = arith.constant 1 : index
    %get3A_5 = arith.constant 0 : index
    %get3A_6 = arith.constant 0 : index
    %get3A_7 = vector.load %arg1[%get3A_4, %get3A_5, %get3A_6] : memref<2x2048x128xf32, #tpu.memory_space<vmem>>, vector<1x2048x128xf32>
    %get3A_8 = vector.shape_cast %get3A_7 : vector<1x2048x128xf32> to vector<2048x128xf32>
    %add3A = arith.addf %get3A_3, %get3A_8 : vector<2048x128xf32>
    %get3A_9 = arith.constant 0 : index
    %get3A_10 = arith.constant 0 : index
    %get3A_11 = vector.load %arg2[%get3A_9, %get3A_10] : memref<2048x128xf32, #tpu.memory_space<vmem>>, vector<2048x128xf32>
    %add3A_12 = arith.addf %add3A, %get3A_11 : vector<2048x128xf32>
    %get3A_13 = arith.constant 0 : index
    %get3A_14 = arith.constant 0 : index
    %get3A_15 = vector.load %arg3[%get3A_13, %get3A_14] : memref<2048x1xf32, #tpu.memory_space<vmem>>, vector<2048x1xf32>
    %mul3A = vector.broadcast %get3A_15 : vector<2048x1xf32> to vector<2048x128xf32>
    %mul3A_16 = arith.mulf %add3A_12, %mul3A : vector<2048x128xf32>
    %max3A = arith.constant 0.000000e+00 : f32
    %max3A_17 = vector.broadcast %max3A : f32 to vector<2048x128xf32>
    %max3A_18 = arith.maximumf %mul3A_16, %max3A_17 : vector<2048x128xf32>
    %get3A_19 = arith.constant 0 : index
    %get3A_20 = arith.constant 0 : index
    %get3A_21 = vector.load %arg4[%get3A_19, %get3A_20] : memref<128x128xf32, #tpu.memory_space<vmem>>, vector<128x128xf32>
    %dot_general3A = arith.constant dense<0.000000e+00> : vector<2048x128xf32>
    %dot_general3A_22 = tpu.matmul %max3A_18, %get3A_21, %dot_general3A {dimension_numbers = #tpu.dot_dimension_numbers<[1], [1], [0], [0], [0, 0, 1, 0], [], []>, transpose_lhs_hint = false} : vector<2048x128xf32>, vector<128x128xf32>, vector<2048x128xf32> -> vector<2048x128xf32>
    %get3A_23 = arith.constant 0 : index
    %get3A_24 = vector.load %arg5[%get3A_23] : memref<128xf32, #tpu.memory_space<vmem>>, vector<128xf32>
    %broadcast_in_dim3A = vector.shape_cast %get3A_24 : vector<128xf32> to vector<1x128xf32>
    %add3A_25 = vector.broadcast %broadcast_in_dim3A : vector<1x128xf32> to vector<2048x128xf32>
    %add3A_26 = arith.addf %dot_general3A_22, %add3A_25 : vector<2048x128xf32>
    %mul3A_27 = vector.broadcast %get3A_15 : vector<2048x1xf32> to vector<2048x128xf32>
    %mul3A_28 = arith.mulf %add3A_26, %mul3A_27 : vector<2048x128xf32>
    %swap3A = arith.constant 0 : index
    %swap3A_29 = arith.constant 0 : index
    %swap3A_30 = vector.load %arg6[%swap3A, %swap3A_29] : memref<2048x128xf32, #tpu.memory_space<vmem>>, vector<2048x128xf32>
    tpu.vector_store %arg6[%swap3A, %swap3A_29], %mul3A_28 {strides = array<i32>} : memref<2048x128xf32, #tpu.memory_space<vmem>>, vector<2048x128xf32>,
    return
  }
  func.func @transform_0(%arg0: i32) -> (i32, i32, i32) {
    %c0_i32 = arith.constant 0 : i32
    %c0_i32_0 = arith.constant 0 : i32
    %c0_i32_1 = arith.constant 0 : i32
    return %c0_i32, %arg0, %c0_i32_0 : i32, i32, i32
  }
  func.func @transform_1(%arg0: i32) -> (i32, i32) {
    %c0_i32 = arith.constant 0 : i32
    %c0_i32_0 = arith.constant 0 : i32
    return %arg0, %c0_i32 : i32, i32
  }
  func.func @transform_2(%arg0: i32) -> (i32, i32) {
    %c0_i32 = arith.constant 0 : i32
    %c0_i32_0 = arith.constant 0 : i32
    return %arg0, %c0_i32 : i32, i32
  }
  func.func @transform_3(%arg0: i32) -> (i32, i32) {
    %c0_i32 = arith.constant 0 : i32
    %c0_i32_0 = arith.constant 0 : i32
    %c0_i32_1 = arith.constant 0 : i32
    return %c0_i32, %c0_i32_0 : i32, i32
  }
  func.func @transform_4(%arg0: i32) -> i32 {
    %c0_i32 = arith.constant 0 : i32
    %c0_i32_0 = arith.constant 0 : i32
    return %c0_i32 : i32
  }
  func.func @transform_5(%arg0: i32) -> (i32, i32) {
    %c0_i32 = arith.constant 0 : i32
    %c0_i32_0 = arith.constant 0 : i32
    return %arg0, %c0_i32 : i32, i32
  }
}

module attributes {stable_mosaic.version = 14 : i64} {
  func.func @_tc_out_body(%arg0: i32, %arg1: memref<2x2048x128xf32, #tpu.memory_space<vmem>>, %arg2: memref<2048x128xf32, #tpu.memory_space<vmem>>, %arg3: memref<2048x1xf32, #tpu.memory_space<vmem>>, %arg4: memref<64x128xf32, #tpu.memory_space<vmem>>, %arg5: memref<64xf32, #tpu.memory_space<vmem>>, %arg6: memref<2048x64xf32, #tpu.memory_space<vmem>>) attributes {dimension_semantics = [#tpu.dimension_semantics<arbitrary>], iteration_bounds = array<i64: 5>, scalar_prefetch = 0 : i64, scratch_operands = 0 : i64, tpu.core_type = #tpu.core_type<tc>, window_params = [{transform_indices = @transform_0, window_bounds = array<i64: 2, 2048, 128>}, {transform_indices = @transform_1, window_bounds = array<i64: 2048, 128>}, {transform_indices = @transform_2, window_bounds = array<i64: 2048, 1>}, {pipeline_mode = #tpu.pipeline_mode<synchronous>, transform_indices = @transform_3, window_bounds = array<i64: 64, 128>}, {pipeline_mode = #tpu.pipeline_mode<synchronous>, transform_indices = @transform_4, window_bounds = array<i64: 64>}, {transform_indices = @transform_5, window_bounds = array<i64: 2048, 64>}]} {
    %get3A = arith.constant 0 : index
    %get3A_0 = arith.constant 0 : index
    %get3A_1 = arith.constant 0 : index
    %get3A_2 = vector.load %arg1[%get3A, %get3A_0, %get3A_1] : memref<2x2048x128xf32, #tpu.memory_space<vmem>>, vector<1x2048x128xf32>
    %get3A_3 = vector.shape_cast %get3A_2 : vector<1x2048x128xf32> to vector<2048x128xf32>
    %get3A_4 = arith.constant 1 : index
    %get3A_5 = arith.constant 0 : index
    %get3A_6 = arith.constant 0 : index
    %get3A_7 = vector.load %arg1[%get3A_4, %get3A_5, %get3A_6] : memref<2x2048x128xf32, #tpu.memory_space<vmem>>, vector<1x2048x128xf32>
    %get3A_8 = vector.shape_cast %get3A_7 : vector<1x2048x128xf32> to vector<2048x128xf32>
    %add3A = arith.addf %get3A_3, %get3A_8 : vector<2048x128xf32>
    %get3A_9 = arith.constant 0 : index
    %get3A_10 = arith.constant 0 : index
    %get3A_11 = vector.load %arg2[%get3A_9, %get3A_10] : memref<2048x128xf32, #tpu.memory_space<vmem>>, vector<2048x128xf32>
    %add3A_12 = arith.addf %add3A, %get3A_11 : vector<2048x128xf32>
    %get3A_13 = arith.constant 0 : index
    %get3A_14 = arith.constant 0 : index
    %get3A_15 = vector.load %arg3[%get3A_13, %get3A_14] : memref<2048x1xf32, #tpu.memory_space<vmem>>, vector<2048x1xf32>
    %mul3A = vector.broadcast %get3A_15 : vector<2048x1xf32> to vector<2048x128xf32>
    %mul3A_16 = arith.mulf %add3A_12, %mul3A : vector<2048x128xf32>
    %max3A = arith.constant 0.000000e+00 : f32
    %max3A_17 = vector.broadcast %max3A : f32 to vector<2048x128xf32>
    %max3A_18 = arith.maximumf %mul3A_16, %max3A_17 : vector<2048x128xf32>
    %get3A_19 = arith.constant 0 : index
    %get3A_20 = arith.constant 0 : index
    %get3A_21 = vector.load %arg4[%get3A_19, %get3A_20] : memref<64x128xf32, #tpu.memory_space<vmem>>, vector<64x128xf32>
    %dot_general3A = arith.constant dense<0.000000e+00> : vector<2048x64xf32>
    %dot_general3A_22 = tpu.matmul %max3A_18, %get3A_21, %dot_general3A {dimension_numbers = #tpu.dot_dimension_numbers<[1], [1], [0], [0], [0, 0, 1, 0], [], []>, transpose_lhs_hint = false} : vector<2048x128xf32>, vector<64x128xf32>, vector<2048x64xf32> -> vector<2048x64xf32>
    %get3A_23 = arith.constant 0 : index
    %get3A_24 = vector.load %arg5[%get3A_23] : memref<64xf32, #tpu.memory_space<vmem>>, vector<64xf32>
    %broadcast_in_dim3A = vector.shape_cast %get3A_24 : vector<64xf32> to vector<1x64xf32>
    %add3A_25 = vector.broadcast %broadcast_in_dim3A : vector<1x64xf32> to vector<2048x64xf32>
    %add3A_26 = arith.addf %dot_general3A_22, %add3A_25 : vector<2048x64xf32>
    %swap3A = arith.constant 0 : index
    %swap3A_27 = arith.constant 0 : index
    %swap3A_28 = vector.load %arg6[%swap3A, %swap3A_27] : memref<2048x64xf32, #tpu.memory_space<vmem>>, vector<2048x64xf32>
    tpu.vector_store %arg6[%swap3A, %swap3A_27], %add3A_26 {strides = array<i32>} : memref<2048x64xf32, #tpu.memory_space<vmem>>, vector<2048x64xf32>,
    return
  }
  func.func @transform_0(%arg0: i32) -> (i32, i32, i32) {
    %c0_i32 = arith.constant 0 : i32
    %c0_i32_0 = arith.constant 0 : i32
    %c0_i32_1 = arith.constant 0 : i32
    return %c0_i32, %arg0, %c0_i32_0 : i32, i32, i32
  }
  func.func @transform_1(%arg0: i32) -> (i32, i32) {
    %c0_i32 = arith.constant 0 : i32
    %c0_i32_0 = arith.constant 0 : i32
    return %arg0, %c0_i32 : i32, i32
  }
  func.func @transform_2(%arg0: i32) -> (i32, i32) {
    %c0_i32 = arith.constant 0 : i32
    %c0_i32_0 = arith.constant 0 : i32
    return %arg0, %c0_i32 : i32, i32
  }
  func.func @transform_3(%arg0: i32) -> (i32, i32) {
    %c0_i32 = arith.constant 0 : i32
    %c0_i32_0 = arith.constant 0 : i32
    %c0_i32_1 = arith.constant 0 : i32
    return %c0_i32, %c0_i32_0 : i32, i32
  }
  func.func @transform_4(%arg0: i32) -> i32 {
    %c0_i32 = arith.constant 0 : i32
    %c0_i32_0 = arith.constant 0 : i32
    return %c0_i32 : i32
  }
  func.func @transform_5(%arg0: i32) -> (i32, i32) {
    %c0_i32 = arith.constant 0 : i32
    %c0_i32_0 = arith.constant 0 : i32
    return %arg0, %c0_i32 : i32, i32
  }
}

</mosaic_0001>

<sc_bundles>
// kernel: kernel.12.cloned.1.call-start
scs
__scs_entry_jumppad:
0x0: {  	(pc) =	sbr.rel $0x88, $3  }
0x1: {  	(tag) =	ssettag $0x0;
	lr =	simm.s32 $0x1  }
0x2: {  	[smem:$0x3F98] =	sst lr;
	_ =	strace $0xD0000000  }
0x3: {  	_ = 	snop  }
0x4: {  	_ = 	snop  }
0x5: {  	_ = 	snop  }
0x6: {  	_ = 	snop  }
0x7: {  	_ = 	snop  }
__scs_overlays_trampoline_lowered:
0x8: {  	[smem:$0x3FA7] =	sst s0  }
0x9: {  	[smem:$0x3FA8] =	sst s1  }
0xa: {  	[smem:$0x3FA9] =	sst s2  }
0xb: {  	[smem:$0x3FAA] =	sst s3  }
0xc: {  	[smem:$0x3FAB] =	sst s4  }
0xd: {  	[smem:$0x3FAC] =	sst s5  }
0xe: {  	[smem:$0x3FAD] =	sst s6  }
0xf: {  	[smem:$0x3FAE] =	sst s7  }
0x10: {  	[smem:$0x3FAF] =	sst s8  }
0x11: {  	[smem:$0x3FB0] =	sst s9;
	s0 =	simm.s32 @!p0 $0x0  }
0x12: {  	s1 =	sld [smem:$0x3F96];
	s0 =	simm.s32 @p0 $0x1  }
0x13: {  	[smem:$0x3FB1] =	sst s0;
	s0 =	simm.s32 @!p1 $0x0  }
0x14: {  	s2 =	sld [smem:$0x3F95];
	s0 =	simm.s32 @p1 $0x1  }
0x15: {  	[smem:$0x3FB2] =	sst s0;
	s0 =	simm.s32 @!p2 $0x0  }
0x16: {  	s3 =	sld [smem:$0x3FDB];
	s0 =	simm.s32 @p2 $0x1  }
0x17: {  	s4 =	simm.s32 $0x1BF5;
	[smem:$0x3FB4] =	sst s0  }
0x18: {  	s0 =	sld [smem:$0x3F97];
	_ =	swait.ge [sflag:s4], $0x0  }
0x19: {  	s7 =	sld [smem:$0x3F98]  }
0x1a: {  	s8 =	sadd.s32 $0xFFFFE003, lr  }
0x1b: {  	s9 =	sadd.s32 $0xFFFFFEF7, lr;
	s5 =	simm.s32 $0xFFFFFFFF;
	p2 =	slt.u32 s8, $0xFFFFF086  }
0x1c: {  	p1 =	slt.u32 s9, $0xF7A;
	s5 =	simm.s32 @!p2 $0x0  }
0x1d: {  	s5 =	simm.s32 @p1 $0x1;
	p0 =	seq.s32 s7, s2  }
0x1e: {  	s7 =	smul.u32 @!p0 $0xF7A, s2;
	p2 =	seq.s32 @!p0 s5, $0x0  }
0x1f: {  	s9 =	smul.u32 $0xF7A, s1;
	s8 =	simm.s32 @!p0 $0x1BF5;
	p2 =	por !p2, p0  }
0x20: {  	[sflag:s8] =	ssyncset.s32 @!p0 $0xFFFFF086;
	s6 =	sadd.s32 @!p0 s3, s7;
	s7 =	simm.s32 @!p0 $0x108  }
0x21: {  	s3 =	sadd.s32 s3, s9;
	s6 =	sadd.s32 @!p0 $0x88, s6;
	s7 =	simm.s32 @p2 $0x1082  }
0x22: {  	[simem:s7], [sflag:s8] =	dma.local @!p0 [hbm:s6], $0xF7A  }
0x23: {  	s9 =	sor.u32 $0xD0000000, s2;
	s6 =	simm.s32 $0x108;
	_ =	swait.ge @!p0 [sflag:s8], $0x0  }
0x24: {  	s3 =	sadd.s32 $0x88, s3;
	s6 =	simm.s32 @!p1 $0x1082;
	[sflag:s4] =	ssyncset.s32 $0xFFFFF086  }
0x25: {  	[simem:s6], [sflag:s4] =	dma.local [hbm:s3], $0xF7A  }
0x26: {  	[smem:$0x3F98] =	sst s1;
	(tag) =	ssettag s2;
	_ =	strace s9  }
0x27: {  	s1 =	sld [smem:$0x3FA8]  }
0x28: {  	s2 =	sld [smem:$0x3FA9]  }
0x29: {  	s4 =	sld [smem:$0x3FAB]  }
0x2a: {  	p0 =	seq.s32 s5, $0x0;
	s5 =	sld [smem:$0x3FAC]  }
0x2b: {  	s6 =	sld [smem:$0x3FAD]  }
0x2c: {  	s7 =	sld [smem:$0x3FAE]  }
0x2d: {  	s3 =	simm.s32 $0x108;
	s8 =	sld [smem:$0x3FAF]  }
0x2e: {  	s3 =	simm.s32 @!p0 $0x1082;
	s9 =	sld [smem:$0x3FB0]  }
0x2f: {  	lr =	sadd.s32 s0, s3;
	s0 =	sld [smem:$0x3FA7]  }
0x30: {  	s3 =	sld [smem:$0x3FAA]  }
0x31: {  	[smem:$0x3FB3] =	sst s10  }
0x32: {  	s10 =	sld [smem:$0x3FB1];
	_ =	sdelay $0x3  }
0x33: {  	p0 =	seq.s32 s10, $0x1;
	s10 =	sld [smem:$0x3FB3];
	_ =	sdelay $0x3  }
0x34: {  	[smem:$0x3FB3] =	sst s10  }
0x35: {  	s10 =	sld [smem:$0x3FB2];
	_ =	sdelay $0x3  }
0x36: {  	p1 =	seq.s32 s10, $0x1;
	s10 =	sld [smem:$0x3FB3];
	_ =	sdelay $0x3  }
0x37: {  	[smem:$0x3FB3] =	sst s10  }
0x38: {  	s10 =	sld [smem:$0x3FB4]  }
0x39: {  	_ = 	snop;
	(pc) =	sbr.ind lr, $3  }
0x3a: {  	_ = 	snop  }
0x3b: {  	_ = 	snop  }
0x3c: {  	p2 =	seq.s32 s10, $0x1;
	s10 =	sld [smem:$0x3FB3]  }
0x3d: {  	_ =	shalt  }
0x3e: {  	_ =	shalt  }
0x3f: {  	_ =	shalt  }
0x40: {  	_ =	shalt  }
0x41: {  	_ =	shalt  }
0x42: {  	_ =	shalt  }
0x43: {  	_ =	shalt  }
0x44: {  	_ =	shalt  }
0x45: {  	_ =	shalt  }
0x46: {  	_ =	shalt  }
0x47: {  	_ =	shalt  }
0x48: {  	_ =	shalt  }
0x49: {  	_ =	shalt  }
0x4a: {  	_ =	shalt  }
0x4b: {  	_ =	shalt  }
0x4c: {  	_ =	shalt  }
0x4d: {  	_ =	shalt  }
0x4e: {  	_ =	shalt  }
0x4f: {  	_ =	shalt  }
0x50: {  	_ =	shalt  }
0x51: {  	_ =	shalt  }
0x52: {  	_ =	shalt  }
0x53: {  	_ =	shalt  }
0x54: {  	_ =	shalt  }
0x55: {  	_ =	shalt  }
0x56: {  	_ =	shalt  }
0x57: {  	_ =	shalt  }
0x58: {  	_ =	shalt  }
0x59: {  	_ =	shalt  }
0x5a: {  	_ =	shalt  }
0x5b: {  	_ =	shalt  }
0x5c: {  	_ =	shalt  }
0x5d: {  	_ =	shalt  }
0x5e: {  	_ =	shalt  }
0x5f: {  	_ =	shalt  }
0x60: {  	_ =	shalt  }
0x61: {  	_ =	shalt  }
0x62: {  	_ =	shalt  }
0x63: {  	_ =	shalt  }
0x64: {  	_ =	shalt  }
0x65: {  	_ =	shalt  }
0x66: {  	_ =	shalt  }
0x67: {  	_ =	shalt  }
0x68: {  	_ =	shalt  }
0x69: {  	_ =	shalt  }
0x6a: {  	_ =	shalt  }
0x6b: {  	_ =	shalt  }
0x6c: {  	_ =	shalt  }
0x6d: {  	_ =	shalt  }
0x6e: {  	_ =	shalt  }
0x6f: {  	_ =	shalt  }
0x70: {  	_ =	shalt  }
0x71: {  	_ =	shalt  }
0x72: {  	_ =	shalt  }
0x73: {  	_ =	shalt  }
0x74: {  	_ =	shalt  }
0x75: {  	_ =	shalt  }
0x76: {  	_ =	shalt  }
0x77: {  	_ =	shalt  }
0x78: {  	_ =	shalt  }
0x79: {  	_ =	shalt  }
0x7a: {  	_ =	shalt  }
0x7b: {  	_ =	shalt  }
0x7c: {  	_ =	shalt  }
0x7d: {  	_ =	shalt  }
0x7e: {  	_ =	shalt  }
0x7f: {  	_ =	shalt  }
0x80: {  	_ =	shalt  }
0x81: {  	_ =	shalt  }
0x82: {  	_ =	shalt  }
0x83: {  	_ =	shalt  }
0x84: {  	_ =	shalt  }
0x85: {  	_ =	shalt  }
0x86: {  	_ =	shalt  }
0x87: {  	_ =	shalt  }
.Lfunc_end0:
.L_simem_size_0:
called_computation.1_lowered:
.L_overlay_start_0:
0x88: {  	s2 =	sld [smem:$0x3FD9]  }
0x89: {  	s3 =	sld [smem:$0x3FFE];
	_ =	sdelay $0x1  }
0x8a: {  	s1 =	srdreg.scid  }
0x8b: {  	s0 =	sand.u32 $0x1, s1  }
0x8c: {  	s17 =	sshll.u32 s0, $0xA;
	s2 =	sadd.s32 s3, s2  }
0x8d: {  	s2 =	sadd.s32 s2, s17  }
0x8e: {  	[smem:$0x3FBF] =	sst s2  }
0x8f: {  	_ = 	snop  }
0x90: {  	s2 =	sld [smem:$0x3FD0];
	(tm) =	ssettm $0x1  }
0x91: {  	s18 =	sld [smem:$0x3FFB];
	_ =	sdelay $0x3  }
0x92: {  	_ =	strace s18  }
0x93: {  	s3 =	sld [smem:$0x3FFC];
	_ =	sdelay $0x3  }
0x94: {  	_ =	strace s3  }
0x95: {  	s3 =	sld [smem:$0x3FFD];
	_ =	sdelay $0x3  }
0x96: {  	_ =	strace s3  }
0x97: {  	_ =	strace $0x8FFFFFFF  }
0x98: {  	s19 =	sld [smem:$0x3FDB];
	_ =	sdelay $0x1  }
0x99: {  	s4 =	simm.s32 $_scs_section_size  }
0x9a: {  	s5 =	simm.s32 $_size__tile_overlayer_lowered;
	s6 =	simm.s32 $_tile_overlayer_lowered  }
0x9b: {  	s22 =	simm.s32 $0x1BFF;
	s21 =	sshll.u32 s6, $0x1;
	s3 =	sadd.s32 s4, s19  }
0x9c: {  	s7 =	simm.s32 $0x0;
	s20 =	sshll.u32 s5, $0x1;
	s5 =	sadd.s32 s21, s3  }
0x9d: {  	[timem:s7], [sflag:s22] =	dma.local [hbm:s5], s20  }
0x9e: {  	_ =	swait.ge [sflag:s22], s20  }
0x9f: {  	s4 =	ssub.s32 $0x0, s20;
	[sflag:s22] =	ssyncset.done $0x0  }
0xa0: {  	[sflag:s22] =	ssyncadd.s32 s4;
	_ =	sdelay $0x1  }
0xa1: {  	s23 =	simm.s32 $0x1B8B  }
0xa2: {  	_ =	swait.ge [sflag:s23], $0x1  }
0xa3: {  	[sflag:s23] =	ssyncset.done $0x0  }
0xa4: {  	s25 =	simm.s32 $0x1B8E;
	s24 =	sld [smem:$0x3FFE];
	[sflag:s23] =	ssyncadd.s32 $0xFFFFFFFF  }
0xa5: {  	s26 =	simm.s32 $execute0_lowered;
	[smem:$0x3FD2] =	sst s25  }
0xa6: {  	s5 =	sshll.u32 s26, $0x1;
	_ =	strace $0x80000049;
	[dreg:$0x1] =	wrdreg $0xFFFFFFFF  }
0xa7: {  	s28 =	simm.s32 $_size_execute0_lowered;
	s3 =	sadd.s32 s3, s5;
	[dreg:$0x0] =	wrdreg $0x0  }
0xa8: {  	s5 =	sshll.u32 s28, $0x1;
	[dreg:$0x2] =	wrdreg s3  }
0xa9: {  	[dreg:$0x3] =	wrdreg s5  }
0xaa: {  	[dreg:$0x4] =	wrdreg $0xC0  }
0xab: {  	_ =	task [dreg:s7], $0x5FFFF  }
0xac: {  	[dreg:$0x1] =	wrdreg $0xFFFFFFFF  }
0xad: {  	[dreg:$0x0] =	wrdreg $0x60  }
0xae: {  	[dreg:$0x2] =	wrdreg s24  }
0xaf: {  	[dreg:$0x3] =	wrdreg s2  }
0xb0: {  	[dreg:$0x4] =	wrdreg $0xAB000  }
0xb1: {  	[dreg:$0x5] =	wrdreg $0x9  }
0xb2: {  	_ =	task.clear_ibuf [dreg:s7], $0x6FFFF;
	_ =	strace $0x90000049  }
0xb3: {  	s29 =	simm.s32 $0x9;
	_ =	strace $0x8000004B  }
0xb4: {  	_ =	swait.ge [sflag:s29], $0x1  }
0xb5: {  	[sflag:s29] =	ssyncadd.s32 $0xFFFFFFFF  }
0xb6: {  	_ =	strace $0x9000004B  }
0xb7: {  	_ =	sfence  }
0xb8: {  	s30 =	sld [smem:$0x0];
	_ =	sdelay $0x2  }
0xb9: {  	s31 =	sshll.u32 s1, $0xD;
	s1 =	sshrl.u32 s1, $0x2  }
0xba: {  	s3 =	sand.u32 $0x4000, s31;
	s1 =	sadd.s32 s1, s30  }
0xbb: {  	s0 =	sor.u32 s3, s0;
	s1 =	sshll.u32 s1, $0x11  }
0xbc: {  	s0 =	sor.u32 s1, s0  }
0xbd: {  	s0 =	sadd.s32 $0x8F2B, s0  }
0xbe: {  	[sflag:s0] =	ssyncadd.remote.s32 $0x1  }
0xbf: {  	_ =	sfence.sel $0xFFFF  }
0xc0: {  	[dreg:$0x0] =	wrdreg $0xFFFFFFFF;
	(pc) =	sbr.abs _section_cstart, $3  }
0xc1: {  	[dreg:$0x1] =	wrdreg $0xFFFFFFFF  }
0xc2: {  	_ =	task.clear_ibuf [dreg:s7], $0x2FFFF;
	_ =	strace $0x9FFFFFFF  }
0xc3: {  	(tm) =	ssettm $0x7FFFFFFF  }
tec
execute0_lowered:
.L_overlay_start_1:
0x0: {  	(tag) =	ssettag $0x1  }
0x1: {  	s0 =	rddreg [dreg:$0x0]  }
0x2: {  	s26 =	rddreg [dreg:$0x1]  }
0x3: {  	s2 =	rddreg [dreg:$0x2];
	s1 =	srdreg.scid  }
0x4: {  	s4 =	simm.s32 $0x0;
	s12 =	stileid.u32;
	s3 =	sand.u32 $0x1, s1  }
0x5: {  	[smem:$0x7FF] =	sst s4;
	s5 =	smul.u32 $0x14000, s12;
	s31 =	sadd.s32 $0x1E00, s0  }
0x6: {  	s6 =	sadd.s32 $0xBC00, s0;
	s8 =	sadd.s32 $0x33C00, s0;
	s17 =	smul.u32 $0x2710, s12  }
0x7: {  	s1 =	smul.u32 $0x140000, s3;
	_ =	strace $0x8000004A;
	s7 =	sshll.u32 s3, $0x4  }
0x8: {  	s11 =	ssub.s32 $0x2, s3;
	[dreg:$0xe] =	wrdreg s8;
	s3 =	smul.u32 $0x27100, s3  }
0x9: {  	s10 =	sor.u32 s12, s7;
	s13 =	sshrl.u32 s11, $0x1;
	s1 =	sadd.s32 s5, s1  }
0xa: {  	s5 =	smul.u32 $0x2710, s10;
	s3 =	sadd.s32 s17, s3;
	s1 =	sshrl.u32 s1, $0x3  }
0xb: {  	s30 =	sadd.s32 $0x478, s3;
	s0 =	sadd.s32 s1, s0;
	s1 =	ssub.s32 s11, s13  }
0xc: {  	s7 =	sshrl.u32 s5, $0x3;
	s13 =	sshrl.u32 s30, $0x3;
	s30 =	sadd.s32 $0x270, s3  }
0xd: {  	s25 =	sadd.s32 $0x410, s3;
	s9 =	sadd.s32 s31, s7;
	[smem:$0x7FD] =	sst s30  }
0xe: {  	s28 =	sshrl.u32 s25, $0x3;
	s15 =	sadd.s32 s26, s7;
	[dreg:$0xf] =	wrdreg s9  }
0xf: {  	s14 =	sadd.s32 $0x68, s5;
	s29 =	sadd.s32 s28, s26;
	[dreg:$0x10] =	wrdreg s15  }
0x10: {  	s8 =	sshrl.u32 s14, $0x3;
	s14 =	sadd.s32 s13, s26;
	[dreg:$0x6] =	wrdreg s29  }
0x11: {  	s0 =	sadd.s32 $0x36400, s0;
	[dreg:$0x8] =	wrdreg s14  }
0x12: {  	s10 =	sadd.s32 $0x138, s5;
	s16 =	sadd.s32 s31, s8;
	[dreg:$0x1f] =	wrdreg s0  }
0x13: {  	s18 =	sadd.s32 $0x1A, s7;
	s8 =	sadd.s32 s26, s8;
	[dreg:$0x11] =	wrdreg s16  }
0x14: {  	s10 =	sshrl.u32 s10, $0x3;
	s11 =	sadd.s32 s31, s18;
	[dreg:$0x12] =	wrdreg s8  }
0x15: {  	s20 =	sadd.s32 $0x3A8, s3;
	s19 =	sadd.s32 s31, s10;
	[dreg:$0x13] =	wrdreg s11  }
0x16: {  	s22 =	sadd.s32 $0x34, s7;
	s21 =	sadd.s32 s26, s10;
	[dreg:$0x15] =	wrdreg s19  }
0x17: {  	s5 =	sadd.s32 $0x208, s5;
	s23 =	sadd.s32 s31, s22;
	[dreg:$0x16] =	wrdreg s21  }
0x18: {  	s25 =	sshll.u32 s12, $0x6;
	s10 =	sadd.s32 s28, s31;
	[dreg:$0x17] =	wrdreg s23  }
0x19: {  	s5 =	sshrl.u32 s5, $0x3;
	s9 =	sadd.s32 s26, s22;
	[dreg:$0x7] =	wrdreg s10  }
0x1a: {  	s7 =	sadd.s32 $0x4E0, s7;
	s22 =	sadd.s32 s31, s5;
	[dreg:$0x18] =	wrdreg s9  }
0x1b: {  	s15 =	sadd.s32 $0x340, s3;
	s5 =	sadd.s32 s26, s5;
	[dreg:$0x19] =	wrdreg s22  }
0x1c: {  	s28 =	sadd.s32 s31, s7;
	s7 =	sadd.s32 s26, s7;
	[dreg:$0x1a] =	wrdreg s5  }
0x1d: {  	s29 =	smax.u32 s1, $0x1;
	s14 =	simm.s32 $0x68;
	[dreg:$0x1d] =	wrdreg s28  }
0x1e: {  	s0 =	simm.s32 $0x0;
	s8 =	sadd.s32 s26, s18;
	[dreg:$0x1e] =	wrdreg s7  }
0x1f: {  	s16 =	sadd.s32 s13, s31;
	s17 =	sshrl.u32 s15, $0x3;
	[smem:$0x7FC] =	sst s29  }
0x20: {  	s19 =	sadd.s32 $0x2D8, s3;
	s5 =	sor.u32 $0x1C0D, s25;
	[dreg:$0x14] =	wrdreg s8  }
0x21: {  	s3 =	simm.s32 $0x80;
	s8 =	sshrl.u32 s20, $0x3;
	[dreg:$0x9] =	wrdreg s16  }
0x22: {  	s18 =	sadd.s32 s17, s26;
	s20 =	smul.u32 $0x50000, s12;
	[dreg:$0x1c] =	wrdreg s5  }
0x23: {  	s10 =	sadd.s32 s17, s31;
	s16 =	simm.s32 $0xD;
	[dreg:$0xa] =	wrdreg s18  }
0x24: {  	s24 =	sadd.s32 s8, s26;
	s8 =	sadd.s32 s8, s31;
	[dreg:$0xb] =	wrdreg s10  }
0x25: {  	s18 =	simm.s32 $0x3;
	[dreg:$0x5] =	wrdreg s8;
	s8 =	sshrl.u32 s19, $0x3  }
0x26: {  	[dreg:$0x4] =	wrdreg s24;
	s9 =	sshrl.u32 s20, $0x2;
	s21 =	sadd.s32 s8, s26  }
0x27: {  	s20 =	simm.s32 $0x2;
	s23 =	sadd.s32 s9, s2;
	[dreg:$0xc] =	wrdreg s21  }
0x28: {  	s24 =	sadd.s32 s8, s31;
	s9 =	simm.s32 $0x180;
	[dreg:$0x1b] =	wrdreg s23  }
0x29: {  	s2 =	simm.s32 $0x1;
	[dreg:$0xd] =	wrdreg s24;
	s23 =	simm.s32 $0x3  }
.LBB2_1:
0x2a: {  	[smem:$0x7FA] =	sst s0  }
0x2b: {  	s7 =	rddreg [dreg:$0xf]  }
0x2c: {  	s8 =	rddreg [dreg:$0x10]  }
0x2d: {  	s10 =	rddreg [dreg:$0x11]  }
0x2e: {  	s11 =	rddreg [dreg:$0x12]  }
0x2f: {  	[tilespmem:s4], [sflag:$0x1] =	stream.linear.gather [hbm4b:s7+s4], $0x68, $0x38;
	[tilespmem:$0x1EB00] =	vst v63  }
0x30: {  	s12 =	rddreg [dreg:$0x13]  }
0x31: {  	[tilespmem:s3], [sflag:$0x1] =	stream.linear.gather [hbm4b:s8+s4], $0x68, $0x38;
	[tilespmem:$0x1EB00] =	vst v63  }
0x32: {  	s13 =	rddreg [dreg:$0x14];
	s7 =	simm.s32 $0x100  }
0x33: {  	[tilespmem:s7], [sflag:$0x2] =	stream.linear.gather [hbm4b:s10+s4], $0x68, $0x38;
	[tilespmem:$0x1EB00] =	vst v63  }
0x34: {  	s15 =	rddreg [dreg:$0x15]  }
0x35: {  	[tilespmem:s9], [sflag:$0x2] =	stream.linear.gather [hbm4b:s11+s4], $0x68, $0x38;
	[tilespmem:$0x1EB00] =	vst v63  }
0x36: {  	s17 =	rddreg [dreg:$0x16];
	s8 =	simm.s32 $0x200  }
0x37: {  	[tilespmem:s8], [sflag:$0x3] =	stream.linear.gather [hbm4b:s12+s4], $0x68, $0x38;
	[tilespmem:$0x1EB00] =	vst v63  }
0x38: {  	s19 =	rddreg [dreg:$0x17];
	s10 =	simm.s32 $0x280  }
0x39: {  	[tilespmem:s10], [sflag:$0x3] =	stream.linear.gather [hbm4b:s13+s4], $0x68, $0x38;
	[tilespmem:$0x1EB00] =	vst v63  }
0x3a: {  	s21 =	rddreg [dreg:$0x18];
	s11 =	simm.s32 $0x300  }
0x3b: {  	[tilespmem:s11], [sflag:$0x4] =	stream.linear.gather [hbm4b:s15+s4], $0x68, $0x38;
	[tilespmem:$0x1EB00] =	vst v63  }
0x3c: {  	s22 =	rddreg [dreg:$0x19];
	s15 =	simm.s32 $0x380  }
0x3d: {  	[tilespmem:s15], [sflag:$0x4] =	stream.linear.gather [hbm4b:s17+s4], $0x68, $0x38;
	[tilespmem:$0x1EB00] =	vst v63  }
0x3e: {  	s24 =	rddreg [dreg:$0x1a];
	s17 =	simm.s32 $0x400  }
0x3f: {  	[tilespmem:s17], [sflag:$0x5] =	stream.linear.gather [hbm4b:s19+s4], $0x68, $0x38;
	[tilespmem:$0x1EB00] =	vst v63  }
0x40: {  	s25 =	rddreg [dreg:$0x1b];
	s19 =	simm.s32 $0x480  }
0x41: {  	[tilespmem:s19], [sflag:$0x5] =	stream.linear.gather [hbm4b:s21+s4], $0x68, $0x38;
	[tilespmem:$0x1EB00] =	vst v63  }
0x42: {  	s30 =	simm.s32 $0x500;
	s29 =	rddreg [dreg:$0xe];
	s13 =	sshrl.u32 s25, $0x3  }
0x43: {  	[tilespmem:s30], [sflag:$0x6] =	stream.linear.gather [hbm4b:s22+s4], $0x68, $0x38;
	[tilespmem:$0x1EB00] =	vst v63  }
0x44: {  	s12 =	simm.s32 $0x580;
	[smem:$0x7FB] =	sst s13  }
0x45: {  	[tilespmem:s12], [sflag:$0x6] =	stream.linear.gather [hbm4b:s24+s4], $0x68, $0x38;
	[tilespmem:$0x1EB00] =	vst v63  }
0x46: {  	[spmem:s13], [sflag:s5] =	dma.local [hbm:s29], $0x2800  }
0x47: {  	_ =	swait.ge [sflag:s16], $0x2800  }
0x48: {  	[sflag:s16] =	ssyncset.done $0x0  }
0x49: {  	[sflag:s16] =	ssyncadd.s32 $0xFFFFD800  }
0x4a: {  	_ =	swait.ge [sflag:s2], $0x68  }
0x4b: {  	[sflag:s2] =	ssyncset.done $0x0  }
0x4c: {  	[sflag:s2] =	ssyncadd.s32 $0xFFFFFF98  }
0x4d: {  	_ =	swait.ge [sflag:s2], $0x68  }
0x4e: {  	[sflag:s2] =	ssyncset.done $0x0  }
0x4f: {  	s16 =	simm.s32 $0x600;
	[sflag:s2] =	ssyncadd.s32 $0xFFFFFF98  }
0x50: {  	[tilespmem:s16], [sflag:$0x7] =	stream.indirect.gather [hbm4b:s6+s14], $0x80, s3, s14, $0xb8;
	[tilespmem:$0x1EB00] =	vst v63  }
0x51: {  	_ =	swait.ge [sflag:s20], $0x68  }
0x52: {  	[sflag:s20] =	ssyncset.done $0x0  }
0x53: {  	[sflag:s20] =	ssyncadd.s32 $0xFFFFFF98  }
0x54: {  	_ =	swait.ge [sflag:s20], $0x68  }
0x55: {  	[sflag:s20] =	ssyncset.done $0x0  }
0x56: {  	s22 =	simm.s32 $0x3A00;
	[sflag:s20] =	ssyncadd.s32 $0xFFFFFF98  }
0x57: {  	[tilespmem:s22], [sflag:$0x8] =	stream.indirect.gather [hbm4b:s6+s14], $0x80, s9, s14, $0xb8;
	[tilespmem:$0x1EB00] =	vst v63  }
0x58: {  	_ =	swait.ge [sflag:s18], $0x68  }
0x59: {  	[sflag:s18] =	ssyncset.done $0x0  }
0x5a: {  	[sflag:s18] =	ssyncadd.s32 $0xFFFFFF98  }
0x5b: {  	_ =	swait.ge [sflag:s18], $0x68  }
0x5c: {  	[sflag:s18] =	ssyncset.done $0x0  }
0x5d: {  	s24 =	simm.s32 $0x6E00;
	[sflag:s18] =	ssyncadd.s32 $0xFFFFFF98  }
0x5e: {  	[tilespmem:s24], [sflag:$0x9] =	stream.indirect.gather [hbm4b:s6+s14], $0x80, s10, s14, $0xb8;
	[tilespmem:$0x1EB00] =	vst v63  }
0x5f: {  	s29 =	simm.s32 $0x7;
	[bflag:$0x0] =	sbarrier.arrive $0xFFFF  }
0x60: {  	_ =	swait.ge [sflag:s29], $0x3400  }
0x61: {  	[sflag:s29] =	ssyncset.done $0x0  }
0x62: {  	[sflag:s29] =	ssyncadd.s32 $0xFFFFCC00  }
0x63: {  	s13 =	simm.s32 $0x8;
	s2 =	rddreg [dreg:$0x2]  }
0x64: {  	[spmem:s2] =	stream.indirect.scatter.add.f32 [tilespmem:s16], [sflag:$0xA], $0x80, s4, s14, $0xb8;
	[tilespmem:$0x1EB00] =	vst v63  }
0x65: {  	_ =	swait.ge [sflag:s13], $0x3400  }
0x66: {  	[sflag:s13] =	ssyncset.done $0x0  }
0x67: {  	s25 =	simm.s32 $0x9;
	[sflag:s13] =	ssyncadd.s32 $0xFFFFCC00  }
0x68: {  	[spmem:s2] =	stream.indirect.scatter.add.f32 [tilespmem:s22], [sflag:$0xB], $0x80, s7, s14, $0xb8;
	[tilespmem:$0x1EB00] =	vst v63  }
0x69: {  	_ =	swait.ge [sflag:s25], $0x3400  }
0x6a: {  	[sflag:s25] =	ssyncset.done $0x0  }
0x6b: {  	s21 =	simm.s32 $0xA;
	[sflag:s25] =	ssyncadd.s32 $0xFFFFCC00  }
0x6c: {  	[spmem:s2] =	stream.indirect.scatter.add.f32 [tilespmem:s24], [sflag:$0xC], $0x80, s8, s14, $0xb8;
	[tilespmem:$0x1EB00] =	vst v63  }
0x6d: {  	_ =	swait.ge [sflag:s21], $0x3400  }
0x6e: {  	s0 =	sld [smem:$0x7FD];
	_ =	sdelay $0x2  }
0x6f: {  	[sflag:s21] =	ssyncset.done $0x0;
	s1 =	sshrl.u32 s0, $0x3  }
0x70: {  	[sflag:s21] =	ssyncadd.s32 $0xFFFFCC00;
	s28 =	sadd.s32 s31, s1  }
0x71: {  	[tilespmem:s4], [sflag:$0x1] =	stream.linear.gather [hbm4b:s28+s4], $0x68, $0x38;
	[tilespmem:$0x1EB00] =	vst v63  }
0x72: {  	s5 =	sadd.s32 s26, s1;
	s26 =	simm.s32 $0x4  }
0x73: {  	[tilespmem:s3], [sflag:$0x1] =	stream.linear.gather [hbm4b:s5+s4], $0x68, $0x38;
	[tilespmem:$0x1EB00] =	vst v63  }
0x74: {  	_ =	swait.ge [sflag:s26], $0x68  }
0x75: {  	[sflag:s26] =	ssyncset.done $0x0  }
0x76: {  	[sflag:s26] =	ssyncadd.s32 $0xFFFFFF98  }
0x77: {  	_ =	swait.ge [sflag:s26], $0x68  }
0x78: {  	[sflag:s26] =	ssyncset.done $0x0  }
0x79: {  	[sflag:s26] =	ssyncadd.s32 $0xFFFFFF98;
	s26 =	simm.s32 $0xB  }
0x7a: {  	[tilespmem:s16], [sflag:$0x7] =	stream.indirect.gather [hbm4b:s6+s14], $0x80, s15, s14, $0xb8;
	[tilespmem:$0x1EB00] =	vst v63  }
0x7b: {  	_ =	swait.ge [sflag:s26], $0x3400  }
0x7c: {  	s1 =	rddreg [dreg:$0xd];
	[sflag:s26] =	ssyncset.done $0x0  }
0x7d: {  	s28 =	rddreg [dreg:$0xc];
	[sflag:s26] =	ssyncadd.s32 $0xFFFFCC00;
	s5 =	sadd.s32 $0x0, s1  }
0x7e: {  	[tilespmem:s7], [sflag:$0x2] =	stream.linear.gather [hbm4b:s5+s4], $0x68, $0x38;
	[tilespmem:$0x1EB00] =	vst v63  }
0x7f: {  	s1 =	simm.s32 $0x5;
	s7 =	sadd.s32 $0x0, s28  }
0x80: {  	[tilespmem:s9], [sflag:$0x2] =	stream.linear.gather [hbm4b:s7+s4], $0x68, $0x38;
	[tilespmem:$0x1EB00] =	vst v63  }
0x81: {  	_ =	swait.ge [sflag:s1], $0x68  }
0x82: {  	[sflag:s1] =	ssyncset.done $0x0  }
0x83: {  	[sflag:s1] =	ssyncadd.s32 $0xFFFFFF98  }
0x84: {  	_ =	swait.ge [sflag:s1], $0x68  }
0x85: {  	[sflag:s1] =	ssyncset.done $0x0  }
0x86: {  	[sflag:s1] =	ssyncadd.s32 $0xFFFFFF98;
	s1 =	simm.s32 $0xC  }
0x87: {  	[tilespmem:s22], [sflag:$0x8] =	stream.indirect.gather [hbm4b:s6+s14], $0x80, s19, s14, $0xb8;
	[tilespmem:$0x1EB00] =	vst v63  }
0x88: {  	_ =	swait.ge [sflag:s1], $0x3400  }
0x89: {  	s7 =	rddreg [dreg:$0xb];
	[sflag:s1] =	ssyncset.done $0x0  }
0x8a: {  	s28 =	rddreg [dreg:$0xa];
	[sflag:s1] =	ssyncadd.s32 $0xFFFFCC00;
	s5 =	sadd.s32 $0x0, s7  }
0x8b: {  	[tilespmem:s8], [sflag:$0x3] =	stream.linear.gather [hbm4b:s5+s4], $0x68, $0x38;
	[tilespmem:$0x1EB00] =	vst v63  }
0x8c: {  	s8 =	sadd.s32 $0x0, s28  }
0x8d: {  	[tilespmem:s10], [sflag:$0x3] =	stream.linear.gather [hbm4b:s8+s4], $0x68, $0x38;
	[tilespmem:$0x1EB00] =	vst v63  }
0x8e: {  	s10 =	simm.s32 $0x6  }
0x8f: {  	_ =	swait.ge [sflag:s10], $0x68  }
0x90: {  	[sflag:s10] =	ssyncset.done $0x0  }
0x91: {  	[sflag:s10] =	ssyncadd.s32 $0xFFFFFF98  }
0x92: {  	_ =	swait.ge [sflag:s10], $0x68  }
0x93: {  	[sflag:s10] =	ssyncset.done $0x0  }
0x94: {  	[sflag:s10] =	ssyncadd.s32 $0xFFFFFF98  }
0x95: {  	[tilespmem:s24], [sflag:$0x9] =	stream.indirect.gather [hbm4b:s6+s14], $0x80, s12, s14, $0xb8;
	[tilespmem:$0x1EB00] =	vst v63  }
0x96: {  	_ =	swait.ge [sflag:s29], $0x3400  }
0x97: {  	[sflag:s29] =	ssyncset.done $0x0  }
0x98: {  	[sflag:s29] =	ssyncadd.s32 $0xFFFFCC00  }
0x99: {  	[spmem:s2] =	stream.indirect.scatter.add.f32 [tilespmem:s16], [sflag:$0xA], $0x80, s11, s14, $0xb8;
	[tilespmem:$0x1EB00] =	vst v63  }
0x9a: {  	_ =	swait.ge [sflag:s13], $0x3400  }
0x9b: {  	[sflag:s13] =	ssyncset.done $0x0  }
0x9c: {  	[sflag:s13] =	ssyncadd.s32 $0xFFFFCC00  }
0x9d: {  	[spmem:s2] =	stream.indirect.scatter.add.f32 [tilespmem:s22], [sflag:$0xB], $0x80, s17, s14, $0xb8;
	[tilespmem:$0x1EB00] =	vst v63  }
0x9e: {  	_ =	swait.ge [sflag:s25], $0x3400  }
0x9f: {  	[sflag:s25] =	ssyncset.done $0x0  }
0xa0: {  	[sflag:s25] =	ssyncadd.s32 $0xFFFFCC00  }
0xa1: {  	[spmem:s2] =	stream.indirect.scatter.add.f32 [tilespmem:s24], [sflag:$0xC], $0x80, s30, s14, $0xb8;
	[tilespmem:$0x1EB00] =	vst v63  }
0xa2: {  	_ =	swait.ge [sflag:s21], $0x3400  }
0xa3: {  	s13 =	rddreg [dreg:$0x5];
	[sflag:s21] =	ssyncset.done $0x0  }
0xa4: {  	s28 =	rddreg [dreg:$0x4];
	[sflag:s21] =	ssyncadd.s32 $0xFFFFCC00;
	s5 =	sadd.s32 $0x0, s13  }
0xa5: {  	[tilespmem:s11], [sflag:$0x4] =	stream.linear.gather [hbm4b:s5+s4], $0x68, $0x38;
	[tilespmem:$0x1EB00] =	vst v63  }
0xa6: {  	s18 =	simm.s32 $0x1;
	s24 =	sadd.s32 $0x0, s28  }
0xa7: {  	[tilespmem:s15], [sflag:$0x4] =	stream.linear.gather [hbm4b:s24+s4], $0x68, $0x38;
	[tilespmem:$0x1EB00] =	vst v63  }
0xa8: {  	_ =	swait.ge [sflag:s18], $0x68  }
0xa9: {  	[sflag:s18] =	ssyncset.done $0x0  }
0xaa: {  	[sflag:s18] =	ssyncadd.s32 $0xFFFFFF98  }
0xab: {  	_ =	swait.ge [sflag:s18], $0x68  }
0xac: {  	[sflag:s18] =	ssyncset.done $0x0  }
0xad: {  	[sflag:s18] =	ssyncadd.s32 $0xFFFFFF98  }
0xae: {  	[tilespmem:s16], [sflag:$0x7] =	stream.indirect.gather [hbm4b:s6+s14], $0x80, s3, s14, $0xb8;
	[tilespmem:$0x1EB00] =	vst v63  }
0xaf: {  	_ =	swait.ge [sflag:s26], $0x3400  }
0xb0: {  	s25 =	rddreg [dreg:$0x7];
	[sflag:s26] =	ssyncset.done $0x0  }
0xb1: {  	s28 =	rddreg [dreg:$0x6];
	[sflag:s26] =	ssyncadd.s32 $0xFFFFCC00;
	s5 =	sadd.s32 $0x0, s25  }
0xb2: {  	[tilespmem:s17], [sflag:$0x5] =	stream.linear.gather [hbm4b:s5+s4], $0x68, $0x38;
	[tilespmem:$0x1EB00] =	vst v63  }
0xb3: {  	s26 =	sadd.s32 $0x0, s28  }
0xb4: {  	[tilespmem:s19], [sflag:$0x5] =	stream.linear.gather [hbm4b:s26+s4], $0x68, $0x38;
	[tilespmem:$0x1EB00] =	vst v63  }
0xb5: {  	_ =	swait.ge [sflag:s20], $0x68  }
0xb6: {  	[sflag:s20] =	ssyncset.done $0x0  }
0xb7: {  	[sflag:s20] =	ssyncadd.s32 $0xFFFFFF98  }
0xb8: {  	_ =	swait.ge [sflag:s20], $0x68  }
0xb9: {  	[sflag:s20] =	ssyncset.done $0x0  }
0xba: {  	[sflag:s20] =	ssyncadd.s32 $0xFFFFFF98  }
0xbb: {  	[tilespmem:s22], [sflag:$0x8] =	stream.indirect.gather [hbm4b:s6+s14], $0x80, s9, s14, $0xb8;
	[tilespmem:$0x1EB00] =	vst v63  }
0xbc: {  	_ =	swait.ge [sflag:s1], $0x3400  }
0xbd: {  	s29 =	rddreg [dreg:$0x9];
	[sflag:s1] =	ssyncset.done $0x0  }
0xbe: {  	s28 =	rddreg [dreg:$0x8];
	[sflag:s1] =	ssyncadd.s32 $0xFFFFCC00;
	s5 =	sadd.s32 $0x0, s29  }
0xbf: {  	[tilespmem:s30], [sflag:$0x6] =	stream.linear.gather [hbm4b:s5+s4], $0x68, $0x38;
	[tilespmem:$0x1EB00] =	vst v63  }
0xc0: {  	s30 =	sadd.s32 $0x0, s28  }
0xc1: {  	[tilespmem:s12], [sflag:$0x6] =	stream.linear.gather [hbm4b:s30+s4], $0x68, $0x38;
	[tilespmem:$0x1EB00] =	vst v63  }
0xc2: {  	_ =	swait.ge [sflag:s23], $0x68  }
0xc3: {  	[sflag:s23] =	ssyncset.done $0x0  }
0xc4: {  	[sflag:s23] =	ssyncadd.s32 $0xFFFFFF98  }
0xc5: {  	_ =	swait.ge [sflag:s23], $0x68  }
0xc6: {  	[sflag:s23] =	ssyncset.done $0x0  }
0xc7: {  	s5 =	simm.s32 $0x4E;
	s28 =	sadd.s32 $0x270, s0;
	[sflag:s23] =	ssyncadd.s32 $0xFFFFFF98  }
.LBB2_2:
0xc8: {  	s0 =	simm.s32 $0x280;
	s24 =	simm.s32 $0x6E00;
	s2 =	simm.s32 $0x7  }
0xc9: {  	[tilespmem:s24], [sflag:$0x9] =	stream.indirect.gather [hbm4b:s6+s14], $0x80, s0, s14, $0xb8;
	[tilespmem:$0x1EB00] =	vst v63  }
0xca: {  	_ =	swait.ge [sflag:s2], $0x3400  }
0xcb: {  	[sflag:s2] =	ssyncset.done $0x0  }
0xcc: {  	[sflag:s2] =	ssyncadd.s32 $0xFFFFCC00  }
0xcd: {  	s20 =	simm.s32 $0x600;
	s19 =	simm.s32 $0x8;
	s13 =	rddreg [dreg:$0x2]  }
0xce: {  	[spmem:s13] =	stream.indirect.scatter.add.f32 [tilespmem:s20], [sflag:$0xA], $0x80, s4, s14, $0xb8;
	[tilespmem:$0x1EB00] =	vst v63  }
0xcf: {  	_ =	swait.ge [sflag:s19], $0x3400  }
0xd0: {  	s9 =	simm.s32 $0x100;
	[sflag:s19] =	ssyncset.done $0x0  }
0xd1: {  	s22 =	simm.s32 $0x3A00;
	s25 =	simm.s32 $0x9;
	[sflag:s19] =	ssyncadd.s32 $0xFFFFCC00  }
0xd2: {  	[spmem:s13] =	stream.indirect.scatter.add.f32 [tilespmem:s22], [sflag:$0xB], $0x80, s9, s14, $0xb8;
	[tilespmem:$0x1EB00] =	vst v63  }
0xd3: {  	_ =	swait.ge [sflag:s25], $0x3400  }
0xd4: {  	[sflag:s25] =	ssyncset.done $0x0  }
0xd5: {  	s11 =	simm.s32 $0x200;
	s21 =	simm.s32 $0xA;
	[sflag:s25] =	ssyncadd.s32 $0xFFFFCC00  }
0xd6: {  	[spmem:s13] =	stream.indirect.scatter.add.f32 [tilespmem:s24], [sflag:$0xC], $0x80, s11, s14, $0xb8;
	[tilespmem:$0x1EB00] =	vst v63  }
0xd7: {  	_ =	swait.ge [sflag:s21], $0x3400  }
0xd8: {  	s30 =	sshrl.u32 s28, $0x3;
	[sflag:s21] =	ssyncset.done $0x0  }
0xd9: {  	s3 =	smov.u32 s31;
	s31 =	sadd.s32 s31, s30;
	[sflag:s21] =	ssyncadd.s32 $0xFFFFCC00  }
0xda: {  	[tilespmem:s4], [sflag:$0x1] =	stream.linear.gather [hbm4b:s31+s4], $0x68, $0x38;
	[tilespmem:$0x1EB00] =	vst v63  }
0xdb: {  	s7 =	rddreg [dreg:$0x1]  }
0xdc: {  	s12 =	simm.s32 $0x80;
	s30 =	sadd.s32 s7, s30  }
0xdd: {  	[tilespmem:s12], [sflag:$0x1] =	stream.linear.gather [hbm4b:s30+s4], $0x68, $0x38;
	[tilespmem:$0x1EB00] =	vst v63  }
0xde: {  	s30 =	simm.s32 $0x4  }
0xdf: {  	_ =	swait.ge [sflag:s30], $0x68  }
0xe0: {  	[sflag:s30] =	ssyncset.done $0x0  }
0xe1: {  	[sflag:s30] =	ssyncadd.s32 $0xFFFFFF98  }
0xe2: {  	_ =	swait.ge [sflag:s30], $0x68  }
0xe3: {  	[sflag:s30] =	ssyncset.done $0x0  }
0xe4: {  	s17 =	simm.s32 $0x380;
	s26 =	simm.s32 $0xB;
	[sflag:s30] =	ssyncadd.s32 $0xFFFFFF98  }
0xe5: {  	[tilespmem:s20], [sflag:$0x7] =	stream.indirect.gather [hbm4b:s6+s14], $0x80, s17, s14, $0xb8;
	[tilespmem:$0x1EB00] =	vst v63  }
0xe6: {  	_ =	swait.ge [sflag:s26], $0x3400  }
0xe7: {  	s29 =	smov.u32 s5;
	s1 =	rddreg [dreg:$0xd];
	[sflag:s26] =	ssyncset.done $0x0  }
0xe8: {  	s31 =	rddreg [dreg:$0xc];
	[sflag:s26] =	ssyncadd.s32 $0xFFFFCC00;
	s30 =	sadd.s32 s29, s1  }
0xe9: {  	[tilespmem:s9], [sflag:$0x2] =	stream.linear.gather [hbm4b:s30+s4], $0x68, $0x38;
	[tilespmem:$0x1EB00] =	vst v63  }
0xea: {  	s10 =	simm.s32 $0x5;
	s7 =	sadd.s32 s29, s31;
	s9 =	simm.s32 $0x180  }
0xeb: {  	[tilespmem:s9], [sflag:$0x2] =	stream.linear.gather [hbm4b:s7+s4], $0x68, $0x38;
	[tilespmem:$0x1EB00] =	vst v63  }
0xec: {  	_ =	swait.ge [sflag:s10], $0x68  }
0xed: {  	[sflag:s10] =	ssyncset.done $0x0  }
0xee: {  	[sflag:s10] =	ssyncadd.s32 $0xFFFFFF98  }
0xef: {  	_ =	swait.ge [sflag:s10], $0x68  }
0xf0: {  	[sflag:s10] =	ssyncset.done $0x0  }
0xf1: {  	s1 =	simm.s32 $0xC;
	s7 =	simm.s32 $0x480;
	[sflag:s10] =	ssyncadd.s32 $0xFFFFFF98  }
0xf2: {  	[tilespmem:s22], [sflag:$0x8] =	stream.indirect.gather [hbm4b:s6+s14], $0x80, s7, s14, $0xb8;
	[tilespmem:$0x1EB00] =	vst v63  }
0xf3: {  	_ =	swait.ge [sflag:s1], $0x3400  }
0xf4: {  	s15 =	rddreg [dreg:$0xb];
	[sflag:s1] =	ssyncset.done $0x0  }
0xf5: {  	s31 =	rddreg [dreg:$0xa];
	[sflag:s1] =	ssyncadd.s32 $0xFFFFCC00;
	s30 =	sadd.s32 s29, s15  }
0xf6: {  	[tilespmem:s11], [sflag:$0x3] =	stream.linear.gather [hbm4b:s30+s4], $0x68, $0x38;
	[tilespmem:$0x1EB00] =	vst v63  }
0xf7: {  	s16 =	sadd.s32 s29, s31;
	s30 =	simm.s32 $0x6  }
0xf8: {  	[tilespmem:s0], [sflag:$0x3] =	stream.linear.gather [hbm4b:s16+s4], $0x68, $0x38;
	[tilespmem:$0x1EB00] =	vst v63  }
0xf9: {  	_ =	swait.ge [sflag:s30], $0x68  }
0xfa: {  	[sflag:s30] =	ssyncset.done $0x0  }
0xfb: {  	[sflag:s30] =	ssyncadd.s32 $0xFFFFFF98  }
0xfc: {  	_ =	swait.ge [sflag:s30], $0x68  }
0xfd: {  	[sflag:s30] =	ssyncset.done $0x0  }
0xfe: {  	s16 =	simm.s32 $0x580;
	[sflag:s30] =	ssyncadd.s32 $0xFFFFFF98  }
0xff: {  	[tilespmem:s24], [sflag:$0x9] =	stream.indirect.gather [hbm4b:s6+s14], $0x80, s16, s14, $0xb8;
	[tilespmem:$0x1EB00] =	vst v63  }
0x100: {  	_ =	swait.ge [sflag:s2], $0x3400  }
0x101: {  	[sflag:s2] =	ssyncset.done $0x0  }
0x102: {  	s15 =	simm.s32 $0x300;
	[sflag:s2] =	ssyncadd.s32 $0xFFFFCC00  }
0x103: {  	[spmem:s13] =	stream.indirect.scatter.add.f32 [tilespmem:s20], [sflag:$0xA], $0x80, s15, s14, $0xb8;
	[tilespmem:$0x1EB00] =	vst v63  }
0x104: {  	_ =	swait.ge [sflag:s19], $0x3400  }
0x105: {  	[sflag:s19] =	ssyncset.done $0x0  }
0x106: {  	[sflag:s19] =	ssyncadd.s32 $0xFFFFCC00;
	s19 =	simm.s32 $0x400  }
0x107: {  	[spmem:s13] =	stream.indirect.scatter.add.f32 [tilespmem:s22], [sflag:$0xB], $0x80, s19, s14, $0xb8;
	[tilespmem:$0x1EB00] =	vst v63  }
0x108: {  	_ =	swait.ge [sflag:s25], $0x3400  }
0x109: {  	[sflag:s25] =	ssyncset.done $0x0  }
0x10a: {  	s2 =	simm.s32 $0x500;
	[sflag:s25] =	ssyncadd.s32 $0xFFFFCC00  }
0x10b: {  	[spmem:s13] =	stream.indirect.scatter.add.f32 [tilespmem:s24], [sflag:$0xC], $0x80, s2, s14, $0xb8;
	[tilespmem:$0x1EB00] =	vst v63  }
0x10c: {  	_ =	swait.ge [sflag:s21], $0x3400  }
0x10d: {  	s13 =	rddreg [dreg:$0x5];
	[sflag:s21] =	ssyncset.done $0x0  }
0x10e: {  	s31 =	rddreg [dreg:$0x4];
	[sflag:s21] =	ssyncadd.s32 $0xFFFFCC00;
	s30 =	sadd.s32 s29, s13  }
0x10f: {  	[tilespmem:s15], [sflag:$0x4] =	stream.linear.gather [hbm4b:s30+s4], $0x68, $0x38;
	[tilespmem:$0x1EB00] =	vst v63  }
0x110: {  	s21 =	sadd.s32 s29, s31  }
0x111: {  	[tilespmem:s17], [sflag:$0x4] =	stream.linear.gather [hbm4b:s21+s4], $0x68, $0x38;
	[tilespmem:$0x1EB00] =	vst v63  }
0x112: {  	_ =	swait.ge [sflag:s18], $0x68  }
0x113: {  	[sflag:s18] =	ssyncset.done $0x0  }
0x114: {  	[sflag:s18] =	ssyncadd.s32 $0xFFFFFF98  }
0x115: {  	_ =	swait.ge [sflag:s18], $0x68  }
0x116: {  	[sflag:s18] =	ssyncset.done $0x0  }
0x117: {  	[sflag:s18] =	ssyncadd.s32 $0xFFFFFF98  }
0x118: {  	[tilespmem:s20], [sflag:$0x7] =	stream.indirect.gather [hbm4b:s6+s14], $0x80, s12, s14, $0xb8;
	[tilespmem:$0x1EB00] =	vst v63  }
0x119: {  	_ =	swait.ge [sflag:s26], $0x3400  }
0x11a: {  	s24 =	rddreg [dreg:$0x7];
	[sflag:s26] =	ssyncset.done $0x0  }
0x11b: {  	s31 =	rddreg [dreg:$0x6];
	[sflag:s26] =	ssyncadd.s32 $0xFFFFCC00;
	s30 =	sadd.s32 s29, s24  }
0x11c: {  	[tilespmem:s19], [sflag:$0x5] =	stream.linear.gather [hbm4b:s30+s4], $0x68, $0x38;
	[tilespmem:$0x1EB00] =	vst v63  }
0x11d: {  	s20 =	simm.s32 $0x2;
	s25 =	sadd.s32 s29, s31  }
0x11e: {  	[tilespmem:s7], [sflag:$0x5] =	stream.linear.gather [hbm4b:s25+s4], $0x68, $0x38;
	[tilespmem:$0x1EB00] =	vst v63  }
0x11f: {  	_ =	swait.ge [sflag:s20], $0x68  }
0x120: {  	[sflag:s20] =	ssyncset.done $0x0  }
0x121: {  	[sflag:s20] =	ssyncadd.s32 $0xFFFFFF98  }
0x122: {  	_ =	swait.ge [sflag:s20], $0x68  }
0x123: {  	[sflag:s20] =	ssyncset.done $0x0  }
0x124: {  	[sflag:s20] =	ssyncadd.s32 $0xFFFFFF98  }
0x125: {  	[tilespmem:s22], [sflag:$0x8] =	stream.indirect.gather [hbm4b:s6+s14], $0x80, s9, s14, $0xb8;
	[tilespmem:$0x1EB00] =	vst v63  }
0x126: {  	_ =	swait.ge [sflag:s1], $0x3400  }
0x127: {  	s26 =	rddreg [dreg:$0x9];
	[sflag:s1] =	ssyncset.done $0x0  }
0x128: {  	s31 =	rddreg [dreg:$0x8];
	[sflag:s1] =	ssyncadd.s32 $0xFFFFCC00;
	s30 =	sadd.s32 s29, s26  }
0x129: {  	[tilespmem:s2], [sflag:$0x6] =	stream.linear.gather [hbm4b:s30+s4], $0x68, $0x38;
	[tilespmem:$0x1EB00] =	vst v63  }
0x12a: {  	p0 =	sne.s32 s5, $0x444;
	s5 =	sadd.s32 $0x4E, s5;
	s29 =	sadd.s32 s29, s31  }
0x12b: {  	[tilespmem:s16], [sflag:$0x6] =	stream.linear.gather [hbm4b:s29+s4], $0x68, $0x38;
	[tilespmem:$0x1EB00] =	vst v63  }
0x12c: {  	s8 =	simm.s32 $0x100;
	s28 =	sadd.s32 $0x270, s28;
	_ =	swait.ge [sflag:s23], $0x68  }
.Ltmp0:
0x12d: {  	s10 =	simm.s32 $0x200;
	[sflag:s23] =	ssyncset.done $0x0;
	(pc) =	sbr.rel @p0 .LBB2_2-.Ltmp0, $4  }
0x12e: {  	s11 =	simm.s32 $0x280;
	s0 =	simm.s32 $0x300;
	[sflag:s23] =	ssyncadd.s32 $0xFFFFFF98  }
0x12f: {  	s15 =	simm.s32 $0x380;
	s17 =	simm.s32 $0x400;
	_ =	swait.ge [sflag:s23], $0x68  }
0x130: {  	s19 =	simm.s32 $0x480;
	s7 =	simm.s32 $0x500;
	[sflag:s23] =	ssyncset.done $0x0  }
0x131: {  	s31 =	smov.u32 s3;
	s3 =	simm.s32 $0x580;
	[sflag:s23] =	ssyncadd.s32 $0xFFFFFF98  }
0x132: {  	s13 =	simm.s32 $0x6E00;
	s16 =	simm.s32 $0x7  }
0x133: {  	[tilespmem:s13], [sflag:$0x9] =	stream.indirect.gather [hbm4b:s6+s14], $0x80, s11, s14, $0xb8;
	[tilespmem:$0x1EB00] =	vst v63  }
0x134: {  	_ =	swait.ge [sflag:s16], $0x3400  }
0x135: {  	[sflag:s16] =	ssyncset.done $0x0  }
0x136: {  	[sflag:s16] =	ssyncadd.s32 $0xFFFFCC00  }
0x137: {  	s5 =	simm.s32 $0x600;
	s18 =	simm.s32 $0x8;
	s2 =	rddreg [dreg:$0x2]  }
0x138: {  	[spmem:s2] =	stream.indirect.scatter.add.f32 [tilespmem:s5], [sflag:$0xA], $0x80, s4, s14, $0xb8;
	[tilespmem:$0x1EB00] =	vst v63  }
0x139: {  	_ =	swait.ge [sflag:s18], $0x3400  }
0x13a: {  	[sflag:s18] =	ssyncset.done $0x0  }
0x13b: {  	s26 =	simm.s32 $0x3A00;
	s28 =	simm.s32 $0x9;
	[sflag:s18] =	ssyncadd.s32 $0xFFFFCC00  }
0x13c: {  	[spmem:s2] =	stream.indirect.scatter.add.f32 [tilespmem:s26], [sflag:$0xB], $0x80, s8, s14, $0xb8;
	[tilespmem:$0x1EB00] =	vst v63  }
0x13d: {  	_ =	swait.ge [sflag:s28], $0x3400  }
0x13e: {  	[sflag:s28] =	ssyncset.done $0x0  }
0x13f: {  	s29 =	simm.s32 $0xA;
	[sflag:s28] =	ssyncadd.s32 $0xFFFFCC00  }
0x140: {  	[spmem:s2] =	stream.indirect.scatter.add.f32 [tilespmem:s13], [sflag:$0xC], $0x80, s10, s14, $0xb8;
	[tilespmem:$0x1EB00] =	vst v63  }
0x141: {  	_ =	swait.ge [sflag:s29], $0x3400  }
0x142: {  	[sflag:s29] =	ssyncset.done $0x0  }
0x143: {  	s21 =	simm.s32 $0x4;
	[sflag:s29] =	ssyncadd.s32 $0xFFFFCC00  }
0x144: {  	_ =	swait.ge [sflag:s21], $0x68  }
0x145: {  	[sflag:s21] =	ssyncset.done $0x0  }
0x146: {  	[sflag:s21] =	ssyncadd.s32 $0xFFFFFF98  }
0x147: {  	_ =	swait.ge [sflag:s21], $0x68  }
0x148: {  	[sflag:s21] =	ssyncset.done $0x0  }
0x149: {  	s30 =	simm.s32 $0xB;
	[sflag:s21] =	ssyncadd.s32 $0xFFFFFF98  }
0x14a: {  	[tilespmem:s5], [sflag:$0x7] =	stream.indirect.gather [hbm4b:s6+s14], $0x80, s15, s14, $0xb8;
	[tilespmem:$0x1EB00] =	vst v63  }
0x14b: {  	_ =	swait.ge [sflag:s30], $0x3400  }
0x14c: {  	[sflag:s30] =	ssyncset.done $0x0  }
0x14d: {  	s12 =	simm.s32 $0x5;
	[sflag:s30] =	ssyncadd.s32 $0xFFFFCC00  }
0x14e: {  	_ =	swait.ge [sflag:s12], $0x68  }
0x14f: {  	[sflag:s12] =	ssyncset.done $0x0  }
0x150: {  	[sflag:s12] =	ssyncadd.s32 $0xFFFFFF98  }
0x151: {  	_ =	swait.ge [sflag:s12], $0x68  }
0x152: {  	[sflag:s12] =	ssyncset.done $0x0  }
0x153: {  	s1 =	simm.s32 $0xC;
	[sflag:s12] =	ssyncadd.s32 $0xFFFFFF98  }
0x154: {  	[tilespmem:s26], [sflag:$0x8] =	stream.indirect.gather [hbm4b:s6+s14], $0x80, s19, s14, $0xb8;
	[tilespmem:$0x1EB00] =	vst v63  }
0x155: {  	_ =	swait.ge [sflag:s1], $0x3400  }
0x156: {  	[sflag:s1] =	ssyncset.done $0x0  }
0x157: {  	s12 =	simm.s32 $0x6;
	[sflag:s1] =	ssyncadd.s32 $0xFFFFCC00  }
0x158: {  	_ =	swait.ge [sflag:s12], $0x68  }
0x159: {  	[sflag:s12] =	ssyncset.done $0x0  }
0x15a: {  	[sflag:s12] =	ssyncadd.s32 $0xFFFFFF98  }
0x15b: {  	_ =	swait.ge [sflag:s12], $0x68  }
0x15c: {  	[sflag:s12] =	ssyncset.done $0x0  }
0x15d: {  	[sflag:s12] =	ssyncadd.s32 $0xFFFFFF98  }
0x15e: {  	[tilespmem:s13], [sflag:$0x9] =	stream.indirect.gather [hbm4b:s6+s14], $0x80, s3, s14, $0xb8;
	[tilespmem:$0x1EB00] =	vst v63  }
0x15f: {  	_ =	swait.ge [sflag:s16], $0x3400  }
0x160: {  	[sflag:s16] =	ssyncset.done $0x0  }
0x161: {  	[sflag:s16] =	ssyncadd.s32 $0xFFFFCC00  }
0x162: {  	[spmem:s2] =	stream.indirect.scatter.add.f32 [tilespmem:s5], [sflag:$0xA], $0x80, s0, s14, $0xb8;
	[tilespmem:$0x1EB00] =	vst v63  }
0x163: {  	_ =	swait.ge [sflag:s18], $0x3400  }
0x164: {  	[sflag:s18] =	ssyncset.done $0x0  }
0x165: {  	[sflag:s18] =	ssyncadd.s32 $0xFFFFCC00  }
0x166: {  	[spmem:s2] =	stream.indirect.scatter.add.f32 [tilespmem:s26], [sflag:$0xB], $0x80, s17, s14, $0xb8;
	[tilespmem:$0x1EB00] =	vst v63  }
0x167: {  	_ =	swait.ge [sflag:s28], $0x3400  }
0x168: {  	[sflag:s28] =	ssyncset.done $0x0  }
0x169: {  	[sflag:s28] =	ssyncadd.s32 $0xFFFFCC00  }
0x16a: {  	[spmem:s2] =	stream.indirect.scatter.add.f32 [tilespmem:s13], [sflag:$0xC], $0x80, s7, s14, $0xb8;
	[tilespmem:$0x1EB00] =	vst v63  }
0x16b: {  	_ =	swait.ge [sflag:s29], $0x3400  }
0x16c: {  	[sflag:s29] =	ssyncset.done $0x0  }
0x16d: {  	[sflag:s29] =	ssyncadd.s32 $0xFFFFCC00  }
0x16e: {  	_ =	swait.ge [sflag:s30], $0x3400  }
0x16f: {  	[sflag:s30] =	ssyncset.done $0x0  }
0x170: {  	[sflag:s30] =	ssyncadd.s32 $0xFFFFCC00  }
0x171: {  	_ =	swait.ge [sflag:s1], $0x3400  }
0x172: {  	s19 =	simm.s32 $0xA200;
	[sflag:s1] =	ssyncset.done $0x0  }
0x173: {  	s16 =	simm.s32 $0xD;
	s18 =	rddreg [dreg:$0x1d];
	[sflag:s1] =	ssyncadd.s32 $0xFFFFCC00  }
0x174: {  	[tilespmem:s19], [sflag:$0xD] =	stream.linear.gather [hbm4b:s18+s4], $0x10, $0x38;
	[tilespmem:$0x1EB00] =	vst v63  }
0x175: {  	_ =	swait.ge [sflag:s16], $0x10  }
0x176: {  	[sflag:s16] =	ssyncset.done $0x0  }
0x177: {  	s22 =	simm.s32 $0xA280;
	s21 =	rddreg [dreg:$0x1e];
	[sflag:s16] =	ssyncadd.s32 $0xFFFFFFF0  }
0x178: {  	[tilespmem:s22], [sflag:$0xD] =	stream.linear.gather [hbm4b:s21+s4], $0x10, $0x38;
	[tilespmem:$0x1EB00] =	vst v63  }
0x179: {  	_ =	swait.ge [sflag:s16], $0x10  }
0x17a: {  	[sflag:s16] =	ssyncset.done $0x0  }
0x17b: {  	s24 =	simm.s32 $0x10;
	s25 =	simm.s32 $0xA300;
	[sflag:s16] =	ssyncadd.s32 $0xFFFFFFF0  }
0x17c: {  	[tilespmem:s25], [sflag:$0xD] =	stream.indirect.gather [hbm4b:s6+s24], $0x80, s22, s24, $0xb8;
	[tilespmem:$0x1EB00] =	vst v63  }
0x17d: {  	_ =	swait.ge [sflag:s16], $0x800  }
0x17e: {  	[sflag:s16] =	ssyncset.done $0x0  }
0x17f: {  	[sflag:s16] =	ssyncadd.s32 $0xFFFFF800  }
0x180: {  	[spmem:s2] =	stream.indirect.scatter.add.f32 [tilespmem:s25], [sflag:$0xD], $0x80, s19, s24, $0xb8;
	[tilespmem:$0x1EB00] =	vst v63  }
0x181: {  	_ =	swait.ge [sflag:s16], $0x800  }
0x182: {  	[sflag:s16] =	ssyncset.done $0x0  }
0x183: {  	[sflag:s16] =	ssyncadd.s32 $0xFFFFF800  }
0x184: {  	[bflag:$0x0] =	sbarrier.arrive $0xFFFF  }
0x185: {  	s28 =	sld [smem:$0x7FB]  }
0x186: {  	s5 =	rddreg [dreg:$0x1c]  }
0x187: {  	s26 =	rddreg [dreg:$0x1f]  }
0x188: {  	[hbm:s26], [sflag:s5] =	dma.local [spmem:s28], $0x2800  }
0x189: {  	_ =	swait.ge [sflag:s16], $0x2800  }
0x18a: {  	s29 =	sld [smem:$0x7FA]  }
0x18b: {  	s30 =	sld [smem:$0x7FC];
	_ =	sdelay $0x1  }
0x18c: {  	s0 =	sadd.s32 $0x1, s29  }
0x18d: {  	p0 =	sne.s32 s0, s30  }
.Ltmp1:
0x18e: {  	_ = 	snop;
	(pc) =	sbr.rel @p0 .LBB2_1-.Ltmp1, $4  }
0x18f: {  	_ = 	snop  }
0x190: {  	[sflag:s16] =	ssyncset.done $0x0  }
0x191: {  	s3 =	simm.s32 $0x80;
	[sflag:s16] =	ssyncadd.s32 $0xFFFFD800  }
0x192: {  	s18 =	simm.s32 $0x3;
	s2 =	simm.s32 $0x1;
	s26 =	rddreg [dreg:$0x1]  }
0x193: {  	_ =	sfence.sel $0x180000  }
0x194: {  	[bflag:$0x0] =	sbarrier.arrive $0xFFFF  }
0x195: {  	_ =	strace $0x9000004A  }
0x196: {  	s0 =	stileid.u32;
	[bflag:$0x2] =	sbarrier.arrive $0xFFFF  }
0x197: {  	p0 =	sne.s32 s0, $0x0;
	s0 =	rddreg [dreg:$0x3]  }
0x198: {  	s0 =	sadd.s32 @!p0 $0x100000, s0  }
0x199: {  	[sflag:s0] =	ssyncadd.tile.s32 @!p0 $0x1;
	_ =	shalt  }
.Lfunc_end2:
_tile_overlayer_lowered:
.L_overlay_start_2:
0x19a: {  	(tag) =	ssettag $0x2  }
0x19b: {  	s0 =	rddreg [dreg:$0x0];
	s2 =	stileid.u32  }
0x19c: {  	s1 =	rddreg [dreg:$0x1];
	p0 =	sne.s32 s2, $0x0  }
0x19d: {  	s3 =	rddreg [dreg:$0x2];
	[bflag:$0x3] =	sbarrier.arrive $0xFFFF;
	s2 =	simm.s32 @!p0 $0x1C0D  }
0x19e: {  	[timem:s3], [sflag:s2] =	dma.local @!p0 [hbm:s0], s1  }
0x19f: {  	s0 =	simm.s32 @!p0 $0xD  }
0x1a0: {  	_ =	swait.ge @!p0 [sflag:s0], s1  }
0x1a1: {  	s1 =	ssub.s32 @!p0 $0x0, s1;
	[sflag:s0] =	ssyncset.done @!p0 $0x0  }
0x1a2: {  	[sflag:s0] =	ssyncadd.s32 @!p0 s1  }
0x1a3: {  	[bflag:$0x3] =	sbarrier.arrive $0xFFFF  }
0x1a4: {  	_ =	shalt  }

// kernel: kernel.15.cloned.1.call-start
scs
__scs_entry_jumppad:
0x0: {  	(pc) =	sbr.rel $0x88, $3  }
0x1: {  	(tag) =	ssettag $0x0;
	lr =	simm.s32 $0x1  }
0x2: {  	[smem:$0x3F98] =	sst lr;
	_ =	strace $0xD0000000  }
0x3: {  	_ = 	snop  }
0x4: {  	_ = 	snop  }
0x5: {  	_ = 	snop  }
0x6: {  	_ = 	snop  }
0x7: {  	_ = 	snop  }
__scs_overlays_trampoline_lowered:
0x8: {  	[smem:$0x3FA7] =	sst s0  }
0x9: {  	[smem:$0x3FA8] =	sst s1  }
0xa: {  	[smem:$0x3FA9] =	sst s2  }
0xb: {  	[smem:$0x3FAA] =	sst s3  }
0xc: {  	[smem:$0x3FAB] =	sst s4  }
0xd: {  	[smem:$0x3FAC] =	sst s5  }
0xe: {  	[smem:$0x3FAD] =	sst s6  }
0xf: {  	[smem:$0x3FAE] =	sst s7  }
0x10: {  	[smem:$0x3FAF] =	sst s8  }
0x11: {  	[smem:$0x3FB0] =	sst s9;
	s0 =	simm.s32 @!p0 $0x0  }
0x12: {  	s1 =	sld [smem:$0x3F96];
	s0 =	simm.s32 @p0 $0x1  }
0x13: {  	[smem:$0x3FB1] =	sst s0;
	s0 =	simm.s32 @!p1 $0x0  }
0x14: {  	s2 =	sld [smem:$0x3F95];
	s0 =	simm.s32 @p1 $0x1  }
0x15: {  	[smem:$0x3FB2] =	sst s0;
	s0 =	simm.s32 @!p2 $0x0  }
0x16: {  	s3 =	sld [smem:$0x3FDB];
	s0 =	simm.s32 @p2 $0x1  }
0x17: {  	s4 =	simm.s32 $0x1BF5;
	[smem:$0x3FB4] =	sst s0  }
0x18: {  	s0 =	sld [smem:$0x3F97];
	_ =	swait.ge [sflag:s4], $0x0  }
0x19: {  	s7 =	sld [smem:$0x3F98]  }
0x1a: {  	s8 =	sadd.s32 $0xFFFFE003, lr  }
0x1b: {  	s9 =	sadd.s32 $0xFFFFFEF7, lr;
	s5 =	simm.s32 $0xFFFFFFFF;
	p2 =	slt.u32 s8, $0xFFFFF086  }
0x1c: {  	p1 =	slt.u32 s9, $0xF7A;
	s5 =	simm.s32 @!p2 $0x0  }
0x1d: {  	s5 =	simm.s32 @p1 $0x1;
	p0 =	seq.s32 s7, s2  }
0x1e: {  	s7 =	smul.u32 @!p0 $0xF7A, s2;
	p2 =	seq.s32 @!p0 s5, $0x0  }
0x1f: {  	s9 =	smul.u32 $0xF7A, s1;
	s8 =	simm.s32 @!p0 $0x1BF5;
	p2 =	por !p2, p0  }
0x20: {  	[sflag:s8] =	ssyncset.s32 @!p0 $0xFFFFF086;
	s6 =	sadd.s32 @!p0 s3, s7;
	s7 =	simm.s32 @!p0 $0x108  }
0x21: {  	s3 =	sadd.s32 s3, s9;
	s6 =	sadd.s32 @!p0 $0x88, s6;
	s7 =	simm.s32 @p2 $0x1082  }
0x22: {  	[simem:s7], [sflag:s8] =	dma.local @!p0 [hbm:s6], $0xF7A  }
0x23: {  	s9 =	sor.u32 $0xD0000000, s2;
	s6 =	simm.s32 $0x108;
	_ =	swait.ge @!p0 [sflag:s8], $0x0  }
0x24: {  	s3 =	sadd.s32 $0x88, s3;
	s6 =	simm.s32 @!p1 $0x1082;
	[sflag:s4] =	ssyncset.s32 $0xFFFFF086  }
0x25: {  	[simem:s6], [sflag:s4] =	dma.local [hbm:s3], $0xF7A  }
0x26: {  	[smem:$0x3F98] =	sst s1;
	(tag) =	ssettag s2;
	_ =	strace s9  }
0x27: {  	s1 =	sld [smem:$0x3FA8]  }
0x28: {  	s2 =	sld [smem:$0x3FA9]  }
0x29: {  	s4 =	sld [smem:$0x3FAB]  }
0x2a: {  	p0 =	seq.s32 s5, $0x0;
	s5 =	sld [smem:$0x3FAC]  }
0x2b: {  	s6 =	sld [smem:$0x3FAD]  }
0x2c: {  	s7 =	sld [smem:$0x3FAE]  }
0x2d: {  	s3 =	simm.s32 $0x108;
	s8 =	sld [smem:$0x3FAF]  }
0x2e: {  	s3 =	simm.s32 @!p0 $0x1082;
	s9 =	sld [smem:$0x3FB0]  }
0x2f: {  	lr =	sadd.s32 s0, s3;
	s0 =	sld [smem:$0x3FA7]  }
0x30: {  	s3 =	sld [smem:$0x3FAA]  }
0x31: {  	[smem:$0x3FB3] =	sst s10  }
0x32: {  	s10 =	sld [smem:$0x3FB1];
	_ =	sdelay $0x3  }
0x33: {  	p0 =	seq.s32 s10, $0x1;
	s10 =	sld [smem:$0x3FB3];
	_ =	sdelay $0x3  }
0x34: {  	[smem:$0x3FB3] =	sst s10  }
0x35: {  	s10 =	sld [smem:$0x3FB2];
	_ =	sdelay $0x3  }
0x36: {  	p1 =	seq.s32 s10, $0x1;
	s10 =	sld [smem:$0x3FB3];
	_ =	sdelay $0x3  }
0x37: {  	[smem:$0x3FB3] =	sst s10  }
0x38: {  	s10 =	sld [smem:$0x3FB4]  }
0x39: {  	_ = 	snop;
	(pc) =	sbr.ind lr, $3  }
0x3a: {  	_ = 	snop  }
0x3b: {  	_ = 	snop  }
0x3c: {  	p2 =	seq.s32 s10, $0x1;
	s10 =	sld [smem:$0x3FB3]  }
0x3d: {  	_ =	shalt  }
0x3e: {  	_ =	shalt  }
0x3f: {  	_ =	shalt  }
0x40: {  	_ =	shalt  }
0x41: {  	_ =	shalt  }
0x42: {  	_ =	shalt  }
0x43: {  	_ =	shalt  }
0x44: {  	_ =	shalt  }
0x45: {  	_ =	shalt  }
0x46: {  	_ =	shalt  }
0x47: {  	_ =	shalt  }
0x48: {  	_ =	shalt  }
0x49: {  	_ =	shalt  }
0x4a: {  	_ =	shalt  }
0x4b: {  	_ =	shalt  }
0x4c: {  	_ =	shalt  }
0x4d: {  	_ =	shalt  }
0x4e: {  	_ =	shalt  }
0x4f: {  	_ =	shalt  }
0x50: {  	_ =	shalt  }
0x51: {  	_ =	shalt  }
0x52: {  	_ =	shalt  }
0x53: {  	_ =	shalt  }
0x54: {  	_ =	shalt  }
0x55: {  	_ =	shalt  }
0x56: {  	_ =	shalt  }
0x57: {  	_ =	shalt  }
0x58: {  	_ =	shalt  }
0x59: {  	_ =	shalt  }
0x5a: {  	_ =	shalt  }
0x5b: {  	_ =	shalt  }
0x5c: {  	_ =	shalt  }
0x5d: {  	_ =	shalt  }
0x5e: {  	_ =	shalt  }
0x5f: {  	_ =	shalt  }
0x60: {  	_ =	shalt  }
0x61: {  	_ =	shalt  }
0x62: {  	_ =	shalt  }
0x63: {  	_ =	shalt  }
0x64: {  	_ =	shalt  }
0x65: {  	_ =	shalt  }
0x66: {  	_ =	shalt  }
0x67: {  	_ =	shalt  }
0x68: {  	_ =	shalt  }
0x69: {  	_ =	shalt  }
0x6a: {  	_ =	shalt  }
0x6b: {  	_ =	shalt  }
0x6c: {  	_ =	shalt  }
0x6d: {  	_ =	shalt  }
0x6e: {  	_ =	shalt  }
0x6f: {  	_ =	shalt  }
0x70: {  	_ =	shalt  }
0x71: {  	_ =	shalt  }
0x72: {  	_ =	shalt  }
0x73: {  	_ =	shalt  }
0x74: {  	_ =	shalt  }
0x75: {  	_ =	shalt  }
0x76: {  	_ =	shalt  }
0x77: {  	_ =	shalt  }
0x78: {  	_ =	shalt  }
0x79: {  	_ =	shalt  }
0x7a: {  	_ =	shalt  }
0x7b: {  	_ =	shalt  }
0x7c: {  	_ =	shalt  }
0x7d: {  	_ =	shalt  }
0x7e: {  	_ =	shalt  }
0x7f: {  	_ =	shalt  }
0x80: {  	_ =	shalt  }
0x81: {  	_ =	shalt  }
0x82: {  	_ =	shalt  }
0x83: {  	_ =	shalt  }
0x84: {  	_ =	shalt  }
0x85: {  	_ =	shalt  }
0x86: {  	_ =	shalt  }
0x87: {  	_ =	shalt  }
.Lfunc_end0:
.L_simem_size_0:
called_computation.2_lowered:
.L_overlay_start_0:
0x88: {  	s2 =	sld [smem:$0x3FD9]  }
0x89: {  	s3 =	sld [smem:$0x3FFE];
	_ =	sdelay $0x1  }
0x8a: {  	s1 =	srdreg.scid  }
0x8b: {  	s0 =	sand.u32 $0x1, s1  }
0x8c: {  	s17 =	sshll.u32 s0, $0xA;
	s2 =	sadd.s32 s3, s2  }
0x8d: {  	s2 =	sadd.s32 s2, s17  }
0x8e: {  	[smem:$0x3FBF] =	sst s2  }
0x8f: {  	_ = 	snop  }
0x90: {  	s2 =	sld [smem:$0x3FD0];
	(tm) =	ssettm $0x1  }
0x91: {  	s18 =	sld [smem:$0x3FFB];
	_ =	sdelay $0x3  }
0x92: {  	_ =	strace s18  }
0x93: {  	s3 =	sld [smem:$0x3FFC];
	_ =	sdelay $0x3  }
0x94: {  	_ =	strace s3  }
0x95: {  	s3 =	sld [smem:$0x3FFD];
	_ =	sdelay $0x3  }
0x96: {  	_ =	strace s3  }
0x97: {  	_ =	strace $0x8FFFFFFF  }
0x98: {  	s19 =	sld [smem:$0x3FDB];
	_ =	sdelay $0x1  }
0x99: {  	s4 =	simm.s32 $_scs_section_size  }
0x9a: {  	s5 =	simm.s32 $_size__tile_overlayer_lowered;
	s6 =	simm.s32 $_tile_overlayer_lowered  }
0x9b: {  	s22 =	simm.s32 $0x1BFF;
	s21 =	sshll.u32 s6, $0x1;
	s3 =	sadd.s32 s4, s19  }
0x9c: {  	s7 =	simm.s32 $0x0;
	s20 =	sshll.u32 s5, $0x1;
	s5 =	sadd.s32 s21, s3  }
0x9d: {  	[timem:s7], [sflag:s22] =	dma.local [hbm:s5], s20  }
0x9e: {  	_ =	swait.ge [sflag:s22], s20  }
0x9f: {  	s4 =	ssub.s32 $0x0, s20;
	[sflag:s22] =	ssyncset.done $0x0  }
0xa0: {  	[sflag:s22] =	ssyncadd.s32 s4;
	_ =	sdelay $0x1  }
0xa1: {  	s23 =	simm.s32 $0x1B8B  }
0xa2: {  	_ =	swait.ge [sflag:s23], $0x1  }
0xa3: {  	[sflag:s23] =	ssyncset.done $0x0  }
0xa4: {  	s25 =	simm.s32 $0x1B8E;
	s24 =	sld [smem:$0x3FFE];
	[sflag:s23] =	ssyncadd.s32 $0xFFFFFFFF  }
0xa5: {  	s26 =	simm.s32 $execute0_lowered;
	[smem:$0x3FD2] =	sst s25  }
0xa6: {  	s5 =	sshll.u32 s26, $0x1;
	_ =	strace $0x8000004C;
	[dreg:$0x1] =	wrdreg $0xFFFFFFFF  }
0xa7: {  	s28 =	simm.s32 $_size_execute0_lowered;
	s3 =	sadd.s32 s3, s5;
	[dreg:$0x0] =	wrdreg $0x0  }
0xa8: {  	s5 =	sshll.u32 s28, $0x1;
	[dreg:$0x2] =	wrdreg s3  }
0xa9: {  	[dreg:$0x3] =	wrdreg s5  }
0xaa: {  	[dreg:$0x4] =	wrdreg $0xC0  }
0xab: {  	_ =	task [dreg:s7], $0x5FFFF  }
0xac: {  	[dreg:$0x1] =	wrdreg $0xFFFFFFFF  }
0xad: {  	[dreg:$0x0] =	wrdreg $0x60  }
0xae: {  	[dreg:$0x2] =	wrdreg s24  }
0xaf: {  	[dreg:$0x3] =	wrdreg s2  }
0xb0: {  	[dreg:$0x4] =	wrdreg $0xAB000  }
0xb1: {  	[dreg:$0x5] =	wrdreg $0x9  }
0xb2: {  	_ =	task.clear_ibuf [dreg:s7], $0x6FFFF;
	_ =	strace $0x9000004C  }
0xb3: {  	s29 =	simm.s32 $0x9;
	_ =	strace $0x8000004E  }
0xb4: {  	_ =	swait.ge [sflag:s29], $0x1  }
0xb5: {  	[sflag:s29] =	ssyncadd.s32 $0xFFFFFFFF  }
0xb6: {  	_ =	strace $0x9000004E  }
0xb7: {  	_ =	sfence  }
0xb8: {  	s30 =	sld [smem:$0x0];
	_ =	sdelay $0x2  }
0xb9: {  	s31 =	sshll.u32 s1, $0xD;
	s1 =	sshrl.u32 s1, $0x2  }
0xba: {  	s3 =	sand.u32 $0x4000, s31;
	s1 =	sadd.s32 s1, s30  }
0xbb: {  	s0 =	sor.u32 s3, s0;
	s1 =	sshll.u32 s1, $0x11  }
0xbc: {  	s0 =	sor.u32 s1, s0  }
0xbd: {  	s0 =	sadd.s32 $0x8F2B, s0  }
0xbe: {  	[sflag:s0] =	ssyncadd.remote.s32 $0x1  }
0xbf: {  	_ =	sfence.sel $0xFFFF  }
0xc0: {  	[dreg:$0x0] =	wrdreg $0xFFFFFFFF;
	(pc) =	sbr.abs _section_cstart, $3  }
0xc1: {  	[dreg:$0x1] =	wrdreg $0xFFFFFFFF  }
0xc2: {  	_ =	task.clear_ibuf [dreg:s7], $0x2FFFF;
	_ =	strace $0x9FFFFFFF  }
0xc3: {  	(tm) =	ssettm $0x7FFFFFFF  }
tec
execute0_lowered:
.L_overlay_start_1:
0x0: {  	(tag) =	ssettag $0x1  }
0x1: {  	s0 =	rddreg [dreg:$0x0]  }
0x2: {  	s26 =	rddreg [dreg:$0x1]  }
0x3: {  	s2 =	rddreg [dreg:$0x2];
	s1 =	srdreg.scid  }
0x4: {  	s4 =	simm.s32 $0x0;
	s12 =	stileid.u32;
	s3 =	sand.u32 $0x1, s1  }
0x5: {  	[smem:$0x7FF] =	sst s4;
	s5 =	smul.u32 $0x14000, s12;
	s31 =	sadd.s32 $0x1E00, s0  }
0x6: {  	s6 =	sadd.s32 $0xBC00, s0;
	s8 =	sadd.s32 $0x33C00, s0;
	s17 =	smul.u32 $0x2710, s12  }
0x7: {  	s1 =	smul.u32 $0x140000, s3;
	_ =	strace $0x8000004D;
	s7 =	sshll.u32 s3, $0x4  }
0x8: {  	s11 =	ssub.s32 $0x2, s3;
	[dreg:$0xe] =	wrdreg s8;
	s3 =	smul.u32 $0x27100, s3  }
0x9: {  	s10 =	sor.u32 s12, s7;
	s13 =	sshrl.u32 s11, $0x1;
	s1 =	sadd.s32 s5, s1  }
0xa: {  	s5 =	smul.u32 $0x2710, s10;
	s3 =	sadd.s32 s17, s3;
	s1 =	sshrl.u32 s1, $0x3  }
0xb: {  	s30 =	sadd.s32 $0x478, s3;
	s0 =	sadd.s32 s1, s0;
	s1 =	ssub.s32 s11, s13  }
0xc: {  	s7 =	sshrl.u32 s5, $0x3;
	s13 =	sshrl.u32 s30, $0x3;
	s30 =	sadd.s32 $0x270, s3  }
0xd: {  	s25 =	sadd.s32 $0x410, s3;
	s9 =	sadd.s32 s31, s7;
	[smem:$0x7FD] =	sst s30  }
0xe: {  	s28 =	sshrl.u32 s25, $0x3;
	s15 =	sadd.s32 s26, s7;
	[dreg:$0xf] =	wrdreg s9  }
0xf: {  	s14 =	sadd.s32 $0x68, s5;
	s29 =	sadd.s32 s28, s26;
	[dreg:$0x10] =	wrdreg s15  }
0x10: {  	s8 =	sshrl.u32 s14, $0x3;
	s14 =	sadd.s32 s13, s26;
	[dreg:$0x6] =	wrdreg s29  }
0x11: {  	s0 =	sadd.s32 $0x36400, s0;
	[dreg:$0x8] =	wrdreg s14  }
0x12: {  	s10 =	sadd.s32 $0x138, s5;
	s16 =	sadd.s32 s31, s8;
	[dreg:$0x1f] =	wrdreg s0  }
0x13: {  	s18 =	sadd.s32 $0x1A, s7;
	s8 =	sadd.s32 s26, s8;
	[dreg:$0x11] =	wrdreg s16  }
0x14: {  	s10 =	sshrl.u32 s10, $0x3;
	s11 =	sadd.s32 s31, s18;
	[dreg:$0x12] =	wrdreg s8  }
0x15: {  	s20 =	sadd.s32 $0x3A8, s3;
	s19 =	sadd.s32 s31, s10;
	[dreg:$0x13] =	wrdreg s11  }
0x16: {  	s22 =	sadd.s32 $0x34, s7;
	s21 =	sadd.s32 s26, s10;
	[dreg:$0x15] =	wrdreg s19  }
0x17: {  	s5 =	sadd.s32 $0x208, s5;
	s23 =	sadd.s32 s31, s22;
	[dreg:$0x16] =	wrdreg s21  }
0x18: {  	s25 =	sshll.u32 s12, $0x6;
	s10 =	sadd.s32 s28, s31;
	[dreg:$0x17] =	wrdreg s23  }
0x19: {  	s5 =	sshrl.u32 s5, $0x3;
	s9 =	sadd.s32 s26, s22;
	[dreg:$0x7] =	wrdreg s10  }
0x1a: {  	s7 =	sadd.s32 $0x4E0, s7;
	s22 =	sadd.s32 s31, s5;
	[dreg:$0x18] =	wrdreg s9  }
0x1b: {  	s15 =	sadd.s32 $0x340, s3;
	s5 =	sadd.s32 s26, s5;
	[dreg:$0x19] =	wrdreg s22  }
0x1c: {  	s28 =	sadd.s32 s31, s7;
	s7 =	sadd.s32 s26, s7;
	[dreg:$0x1a] =	wrdreg s5  }
0x1d: {  	s29 =	smax.u32 s1, $0x1;
	s14 =	simm.s32 $0x68;
	[dreg:$0x1d] =	wrdreg s28  }
0x1e: {  	s0 =	simm.s32 $0x0;
	s8 =	sadd.s32 s26, s18;
	[dreg:$0x1e] =	wrdreg s7  }
0x1f: {  	s16 =	sadd.s32 s13, s31;
	s17 =	sshrl.u32 s15, $0x3;
	[smem:$0x7FC] =	sst s29  }
0x20: {  	s19 =	sadd.s32 $0x2D8, s3;
	s5 =	sor.u32 $0x1C0D, s25;
	[dreg:$0x14] =	wrdreg s8  }
0x21: {  	s3 =	simm.s32 $0x80;
	s8 =	sshrl.u32 s20, $0x3;
	[dreg:$0x9] =	wrdreg s16  }
0x22: {  	s18 =	sadd.s32 s17, s26;
	s20 =	smul.u32 $0x50000, s12;
	[dreg:$0x1c] =	wrdreg s5  }
0x23: {  	s10 =	sadd.s32 s17, s31;
	s16 =	simm.s32 $0xD;
	[dreg:$0xa] =	wrdreg s18  }
0x24: {  	s24 =	sadd.s32 s8, s26;
	s8 =	sadd.s32 s8, s31;
	[dreg:$0xb] =	wrdreg s10  }
0x25: {  	s18 =	simm.s32 $0x3;
	[dreg:$0x5] =	wrdreg s8;
	s8 =	sshrl.u32 s19, $0x3  }
0x26: {  	[dreg:$0x4] =	wrdreg s24;
	s9 =	sshrl.u32 s20, $0x2;
	s21 =	sadd.s32 s8, s26  }
0x27: {  	s20 =	simm.s32 $0x2;
	s23 =	sadd.s32 s9, s2;
	[dreg:$0xc] =	wrdreg s21  }
0x28: {  	s24 =	sadd.s32 s8, s31;
	s9 =	simm.s32 $0x180;
	[dreg:$0x1b] =	wrdreg s23  }
0x29: {  	s2 =	simm.s32 $0x1;
	[dreg:$0xd] =	wrdreg s24;
	s23 =	simm.s32 $0x3  }
.LBB2_1:
0x2a: {  	[smem:$0x7FA] =	sst s0  }
0x2b: {  	s7 =	rddreg [dreg:$0xf]  }
0x2c: {  	s8 =	rddreg [dreg:$0x10]  }
0x2d: {  	s10 =	rddreg [dreg:$0x11]  }
0x2e: {  	s11 =	rddreg [dreg:$0x12]  }
0x2f: {  	[tilespmem:s4], [sflag:$0x1] =	stream.linear.gather [hbm4b:s7+s4], $0x68, $0x38;
	[tilespmem:$0x1EB00] =	vst v63  }
0x30: {  	s12 =	rddreg [dreg:$0x13]  }
0x31: {  	[tilespmem:s3], [sflag:$0x1] =	stream.linear.gather [hbm4b:s8+s4], $0x68, $0x38;
	[tilespmem:$0x1EB00] =	vst v63  }
0x32: {  	s13 =	rddreg [dreg:$0x14];
	s7 =	simm.s32 $0x100  }
0x33: {  	[tilespmem:s7], [sflag:$0x2] =	stream.linear.gather [hbm4b:s10+s4], $0x68, $0x38;
	[tilespmem:$0x1EB00] =	vst v63  }
0x34: {  	s15 =	rddreg [dreg:$0x15]  }
0x35: {  	[tilespmem:s9], [sflag:$0x2] =	stream.linear.gather [hbm4b:s11+s4], $0x68, $0x38;
	[tilespmem:$0x1EB00] =	vst v63  }
0x36: {  	s17 =	rddreg [dreg:$0x16];
	s8 =	simm.s32 $0x200  }
0x37: {  	[tilespmem:s8], [sflag:$0x3] =	stream.linear.gather [hbm4b:s12+s4], $0x68, $0x38;
	[tilespmem:$0x1EB00] =	vst v63  }
0x38: {  	s19 =	rddreg [dreg:$0x17];
	s10 =	simm.s32 $0x280  }
0x39: {  	[tilespmem:s10], [sflag:$0x3] =	stream.linear.gather [hbm4b:s13+s4], $0x68, $0x38;
	[tilespmem:$0x1EB00] =	vst v63  }
0x3a: {  	s21 =	rddreg [dreg:$0x18];
	s11 =	simm.s32 $0x300  }
0x3b: {  	[tilespmem:s11], [sflag:$0x4] =	stream.linear.gather [hbm4b:s15+s4], $0x68, $0x38;
	[tilespmem:$0x1EB00] =	vst v63  }
0x3c: {  	s22 =	rddreg [dreg:$0x19];
	s15 =	simm.s32 $0x380  }
0x3d: {  	[tilespmem:s15], [sflag:$0x4] =	stream.linear.gather [hbm4b:s17+s4], $0x68, $0x38;
	[tilespmem:$0x1EB00] =	vst v63  }
0x3e: {  	s24 =	rddreg [dreg:$0x1a];
	s17 =	simm.s32 $0x400  }
0x3f: {  	[tilespmem:s17], [sflag:$0x5] =	stream.linear.gather [hbm4b:s19+s4], $0x68, $0x38;
	[tilespmem:$0x1EB00] =	vst v63  }
0x40: {  	s25 =	rddreg [dreg:$0x1b];
	s19 =	simm.s32 $0x480  }
0x41: {  	[tilespmem:s19], [sflag:$0x5] =	stream.linear.gather [hbm4b:s21+s4], $0x68, $0x38;
	[tilespmem:$0x1EB00] =	vst v63  }
0x42: {  	s30 =	simm.s32 $0x500;
	s29 =	rddreg [dreg:$0xe];
	s13 =	sshrl.u32 s25, $0x3  }
0x43: {  	[tilespmem:s30], [sflag:$0x6] =	stream.linear.gather [hbm4b:s22+s4], $0x68, $0x38;
	[tilespmem:$0x1EB00] =	vst v63  }
0x44: {  	s12 =	simm.s32 $0x580;
	[smem:$0x7FB] =	sst s13  }
0x45: {  	[tilespmem:s12], [sflag:$0x6] =	stream.linear.gather [hbm4b:s24+s4], $0x68, $0x38;
	[tilespmem:$0x1EB00] =	vst v63  }
0x46: {  	[spmem:s13], [sflag:s5] =	dma.local [hbm:s29], $0x2800  }
0x47: {  	_ =	swait.ge [sflag:s16], $0x2800  }
0x48: {  	[sflag:s16] =	ssyncset.done $0x0  }
0x49: {  	[sflag:s16] =	ssyncadd.s32 $0xFFFFD800  }
0x4a: {  	_ =	swait.ge [sflag:s2], $0x68  }
0x4b: {  	[sflag:s2] =	ssyncset.done $0x0  }
0x4c: {  	[sflag:s2] =	ssyncadd.s32 $0xFFFFFF98  }
0x4d: {  	_ =	swait.ge [sflag:s2], $0x68  }
0x4e: {  	[sflag:s2] =	ssyncset.done $0x0  }
0x4f: {  	s16 =	simm.s32 $0x600;
	[sflag:s2] =	ssyncadd.s32 $0xFFFFFF98  }
0x50: {  	[tilespmem:s16], [sflag:$0x7] =	stream.indirect.gather [hbm4b:s6+s14], $0x80, s3, s14, $0xb8;
	[tilespmem:$0x1EB00] =	vst v63  }
0x51: {  	_ =	swait.ge [sflag:s20], $0x68  }
0x52: {  	[sflag:s20] =	ssyncset.done $0x0  }
0x53: {  	[sflag:s20] =	ssyncadd.s32 $0xFFFFFF98  }
0x54: {  	_ =	swait.ge [sflag:s20], $0x68  }
0x55: {  	[sflag:s20] =	ssyncset.done $0x0  }
0x56: {  	s22 =	simm.s32 $0x3A00;
	[sflag:s20] =	ssyncadd.s32 $0xFFFFFF98  }
0x57: {  	[tilespmem:s22], [sflag:$0x8] =	stream.indirect.gather [hbm4b:s6+s14], $0x80, s9, s14, $0xb8;
	[tilespmem:$0x1EB00] =	vst v63  }
0x58: {  	_ =	swait.ge [sflag:s18], $0x68  }
0x59: {  	[sflag:s18] =	ssyncset.done $0x0  }
0x5a: {  	[sflag:s18] =	ssyncadd.s32 $0xFFFFFF98  }
0x5b: {  	_ =	swait.ge [sflag:s18], $0x68  }
0x5c: {  	[sflag:s18] =	ssyncset.done $0x0  }
0x5d: {  	s24 =	simm.s32 $0x6E00;
	[sflag:s18] =	ssyncadd.s32 $0xFFFFFF98  }
0x5e: {  	[tilespmem:s24], [sflag:$0x9] =	stream.indirect.gather [hbm4b:s6+s14], $0x80, s10, s14, $0xb8;
	[tilespmem:$0x1EB00] =	vst v63  }
0x5f: {  	s29 =	simm.s32 $0x7;
	[bflag:$0x0] =	sbarrier.arrive $0xFFFF  }
0x60: {  	_ =	swait.ge [sflag:s29], $0x3400  }
0x61: {  	[sflag:s29] =	ssyncset.done $0x0  }
0x62: {  	[sflag:s29] =	ssyncadd.s32 $0xFFFFCC00  }
0x63: {  	s13 =	simm.s32 $0x8;
	s2 =	rddreg [dreg:$0x2]  }
0x64: {  	[spmem:s2] =	stream.indirect.scatter.add.f32 [tilespmem:s16], [sflag:$0xA], $0x80, s4, s14, $0xb8;
	[tilespmem:$0x1EB00] =	vst v63  }
0x65: {  	_ =	swait.ge [sflag:s13], $0x3400  }
0x66: {  	[sflag:s13] =	ssyncset.done $0x0  }
0x67: {  	s25 =	simm.s32 $0x9;
	[sflag:s13] =	ssyncadd.s32 $0xFFFFCC00  }
0x68: {  	[spmem:s2] =	stream.indirect.scatter.add.f32 [tilespmem:s22], [sflag:$0xB], $0x80, s7, s14, $0xb8;
	[tilespmem:$0x1EB00] =	vst v63  }
0x69: {  	_ =	swait.ge [sflag:s25], $0x3400  }
0x6a: {  	[sflag:s25] =	ssyncset.done $0x0  }
0x6b: {  	s21 =	simm.s32 $0xA;
	[sflag:s25] =	ssyncadd.s32 $0xFFFFCC00  }
0x6c: {  	[spmem:s2] =	stream.indirect.scatter.add.f32 [tilespmem:s24], [sflag:$0xC], $0x80, s8, s14, $0xb8;
	[tilespmem:$0x1EB00] =	vst v63  }
0x6d: {  	_ =	swait.ge [sflag:s21], $0x3400  }
0x6e: {  	s0 =	sld [smem:$0x7FD];
	_ =	sdelay $0x2  }
0x6f: {  	[sflag:s21] =	ssyncset.done $0x0;
	s1 =	sshrl.u32 s0, $0x3  }
0x70: {  	[sflag:s21] =	ssyncadd.s32 $0xFFFFCC00;
	s28 =	sadd.s32 s31, s1  }
0x71: {  	[tilespmem:s4], [sflag:$0x1] =	stream.linear.gather [hbm4b:s28+s4], $0x68, $0x38;
	[tilespmem:$0x1EB00] =	vst v63  }
0x72: {  	s5 =	sadd.s32 s26, s1;
	s26 =	simm.s32 $0x4  }
0x73: {  	[tilespmem:s3], [sflag:$0x1] =	stream.linear.gather [hbm4b:s5+s4], $0x68, $0x38;
	[tilespmem:$0x1EB00] =	vst v63  }
0x74: {  	_ =	swait.ge [sflag:s26], $0x68  }
0x75: {  	[sflag:s26] =	ssyncset.done $0x0  }
0x76: {  	[sflag:s26] =	ssyncadd.s32 $0xFFFFFF98  }
0x77: {  	_ =	swait.ge [sflag:s26], $0x68  }
0x78: {  	[sflag:s26] =	ssyncset.done $0x0  }
0x79: {  	[sflag:s26] =	ssyncadd.s32 $0xFFFFFF98;
	s26 =	simm.s32 $0xB  }
0x7a: {  	[tilespmem:s16], [sflag:$0x7] =	stream.indirect.gather [hbm4b:s6+s14], $0x80, s15, s14, $0xb8;
	[tilespmem:$0x1EB00] =	vst v63  }
0x7b: {  	_ =	swait.ge [sflag:s26], $0x3400  }
0x7c: {  	s1 =	rddreg [dreg:$0xd];
	[sflag:s26] =	ssyncset.done $0x0  }
0x7d: {  	s28 =	rddreg [dreg:$0xc];
	[sflag:s26] =	ssyncadd.s32 $0xFFFFCC00;
	s5 =	sadd.s32 $0x0, s1  }
0x7e: {  	[tilespmem:s7], [sflag:$0x2] =	stream.linear.gather [hbm4b:s5+s4], $0x68, $0x38;
	[tilespmem:$0x1EB00] =	vst v63  }
0x7f: {  	s1 =	simm.s32 $0x5;
	s7 =	sadd.s32 $0x0, s28  }
0x80: {  	[tilespmem:s9], [sflag:$0x2] =	stream.linear.gather [hbm4b:s7+s4], $0x68, $0x38;
	[tilespmem:$0x1EB00] =	vst v63  }
0x81: {  	_ =	swait.ge [sflag:s1], $0x68  }
0x82: {  	[sflag:s1] =	ssyncset.done $0x0  }
0x83: {  	[sflag:s1] =	ssyncadd.s32 $0xFFFFFF98  }
0x84: {  	_ =	swait.ge [sflag:s1], $0x68  }
0x85: {  	[sflag:s1] =	ssyncset.done $0x0  }
0x86: {  	[sflag:s1] =	ssyncadd.s32 $0xFFFFFF98;
	s1 =	simm.s32 $0xC  }
0x87: {  	[tilespmem:s22], [sflag:$0x8] =	stream.indirect.gather [hbm4b:s6+s14], $0x80, s19, s14, $0xb8;
	[tilespmem:$0x1EB00] =	vst v63  }
0x88: {  	_ =	swait.ge [sflag:s1], $0x3400  }
0x89: {  	s7 =	rddreg [dreg:$0xb];
	[sflag:s1] =	ssyncset.done $0x0  }
0x8a: {  	s28 =	rddreg [dreg:$0xa];
	[sflag:s1] =	ssyncadd.s32 $0xFFFFCC00;
	s5 =	sadd.s32 $0x0, s7  }
0x8b: {  	[tilespmem:s8], [sflag:$0x3] =	stream.linear.gather [hbm4b:s5+s4], $0x68, $0x38;
	[tilespmem:$0x1EB00] =	vst v63  }
0x8c: {  	s8 =	sadd.s32 $0x0, s28  }
0x8d: {  	[tilespmem:s10], [sflag:$0x3] =	stream.linear.gather [hbm4b:s8+s4], $0x68, $0x38;
	[tilespmem:$0x1EB00] =	vst v63  }
0x8e: {  	s10 =	simm.s32 $0x6  }
0x8f: {  	_ =	swait.ge [sflag:s10], $0x68  }
0x90: {  	[sflag:s10] =	ssyncset.done $0x0  }
0x91: {  	[sflag:s10] =	ssyncadd.s32 $0xFFFFFF98  }
0x92: {  	_ =	swait.ge [sflag:s10], $0x68  }
0x93: {  	[sflag:s10] =	ssyncset.done $0x0  }
0x94: {  	[sflag:s10] =	ssyncadd.s32 $0xFFFFFF98  }
0x95: {  	[tilespmem:s24], [sflag:$0x9] =	stream.indirect.gather [hbm4b:s6+s14], $0x80, s12, s14, $0xb8;
	[tilespmem:$0x1EB00] =	vst v63  }
0x96: {  	_ =	swait.ge [sflag:s29], $0x3400  }
0x97: {  	[sflag:s29] =	ssyncset.done $0x0  }
0x98: {  	[sflag:s29] =	ssyncadd.s32 $0xFFFFCC00  }
0x99: {  	[spmem:s2] =	stream.indirect.scatter.add.f32 [tilespmem:s16], [sflag:$0xA], $0x80, s11, s14, $0xb8;
	[tilespmem:$0x1EB00] =	vst v63  }
0x9a: {  	_ =	swait.ge [sflag:s13], $0x3400  }
0x9b: {  	[sflag:s13] =	ssyncset.done $0x0  }
0x9c: {  	[sflag:s13] =	ssyncadd.s32 $0xFFFFCC00  }
0x9d: {  	[spmem:s2] =	stream.indirect.scatter.add.f32 [tilespmem:s22], [sflag:$0xB], $0x80, s17, s14, $0xb8;
	[tilespmem:$0x1EB00] =	vst v63  }
0x9e: {  	_ =	swait.ge [sflag:s25], $0x3400  }
0x9f: {  	[sflag:s25] =	ssyncset.done $0x0  }
0xa0: {  	[sflag:s25] =	ssyncadd.s32 $0xFFFFCC00  }
0xa1: {  	[spmem:s2] =	stream.indirect.scatter.add.f32 [tilespmem:s24], [sflag:$0xC], $0x80, s30, s14, $0xb8;
	[tilespmem:$0x1EB00] =	vst v63  }
0xa2: {  	_ =	swait.ge [sflag:s21], $0x3400  }
0xa3: {  	s13 =	rddreg [dreg:$0x5];
	[sflag:s21] =	ssyncset.done $0x0  }
0xa4: {  	s28 =	rddreg [dreg:$0x4];
	[sflag:s21] =	ssyncadd.s32 $0xFFFFCC00;
	s5 =	sadd.s32 $0x0, s13  }
0xa5: {  	[tilespmem:s11], [sflag:$0x4] =	stream.linear.gather [hbm4b:s5+s4], $0x68, $0x38;
	[tilespmem:$0x1EB00] =	vst v63  }
0xa6: {  	s18 =	simm.s32 $0x1;
	s24 =	sadd.s32 $0x0, s28  }
0xa7: {  	[tilespmem:s15], [sflag:$0x4] =	stream.linear.gather [hbm4b:s24+s4], $0x68, $0x38;
	[tilespmem:$0x1EB00] =	vst v63  }
0xa8: {  	_ =	swait.ge [sflag:s18], $0x68  }
0xa9: {  	[sflag:s18] =	ssyncset.done $0x0  }
0xaa: {  	[sflag:s18] =	ssyncadd.s32 $0xFFFFFF98  }
0xab: {  	_ =	swait.ge [sflag:s18], $0x68  }
0xac: {  	[sflag:s18] =	ssyncset.done $0x0  }
0xad: {  	[sflag:s18] =	ssyncadd.s32 $0xFFFFFF98  }
0xae: {  	[tilespmem:s16], [sflag:$0x7] =	stream.indirect.gather [hbm4b:s6+s14], $0x80, s3, s14, $0xb8;
	[tilespmem:$0x1EB00] =	vst v63  }
0xaf: {  	_ =	swait.ge [sflag:s26], $0x3400  }
0xb0: {  	s25 =	rddreg [dreg:$0x7];
	[sflag:s26] =	ssyncset.done $0x0  }
0xb1: {  	s28 =	rddreg [dreg:$0x6];
	[sflag:s26] =	ssyncadd.s32 $0xFFFFCC00;
	s5 =	sadd.s32 $0x0, s25  }
0xb2: {  	[tilespmem:s17], [sflag:$0x5] =	stream.linear.gather [hbm4b:s5+s4], $0x68, $0x38;
	[tilespmem:$0x1EB00] =	vst v63  }
0xb3: {  	s26 =	sadd.s32 $0x0, s28  }
0xb4: {  	[tilespmem:s19], [sflag:$0x5] =	stream.linear.gather [hbm4b:s26+s4], $0x68, $0x38;
	[tilespmem:$0x1EB00] =	vst v63  }
0xb5: {  	_ =	swait.ge [sflag:s20], $0x68  }
0xb6: {  	[sflag:s20] =	ssyncset.done $0x0  }
0xb7: {  	[sflag:s20] =	ssyncadd.s32 $0xFFFFFF98  }
0xb8: {  	_ =	swait.ge [sflag:s20], $0x68  }
0xb9: {  	[sflag:s20] =	ssyncset.done $0x0  }
0xba: {  	[sflag:s20] =	ssyncadd.s32 $0xFFFFFF98  }
0xbb: {  	[tilespmem:s22], [sflag:$0x8] =	stream.indirect.gather [hbm4b:s6+s14], $0x80, s9, s14, $0xb8;
	[tilespmem:$0x1EB00] =	vst v63  }
0xbc: {  	_ =	swait.ge [sflag:s1], $0x3400  }
0xbd: {  	s29 =	rddreg [dreg:$0x9];
	[sflag:s1] =	ssyncset.done $0x0  }
0xbe: {  	s28 =	rddreg [dreg:$0x8];
	[sflag:s1] =	ssyncadd.s32 $0xFFFFCC00;
	s5 =	sadd.s32 $0x0, s29  }
0xbf: {  	[tilespmem:s30], [sflag:$0x6] =	stream.linear.gather [hbm4b:s5+s4], $0x68, $0x38;
	[tilespmem:$0x1EB00] =	vst v63  }
0xc0: {  	s30 =	sadd.s32 $0x0, s28  }
0xc1: {  	[tilespmem:s12], [sflag:$0x6] =	stream.linear.gather [hbm4b:s30+s4], $0x68, $0x38;
	[tilespmem:$0x1EB00] =	vst v63  }
0xc2: {  	_ =	swait.ge [sflag:s23], $0x68  }
0xc3: {  	[sflag:s23] =	ssyncset.done $0x0  }
0xc4: {  	[sflag:s23] =	ssyncadd.s32 $0xFFFFFF98  }
0xc5: {  	_ =	swait.ge [sflag:s23], $0x68  }
0xc6: {  	[sflag:s23] =	ssyncset.done $0x0  }
0xc7: {  	s5 =	simm.s32 $0x4E;
	s28 =	sadd.s32 $0x270, s0;
	[sflag:s23] =	ssyncadd.s32 $0xFFFFFF98  }
.LBB2_2:
0xc8: {  	s0 =	simm.s32 $0x280;
	s24 =	simm.s32 $0x6E00;
	s2 =	simm.s32 $0x7  }
0xc9: {  	[tilespmem:s24], [sflag:$0x9] =	stream.indirect.gather [hbm4b:s6+s14], $0x80, s0, s14, $0xb8;
	[tilespmem:$0x1EB00] =	vst v63  }
0xca: {  	_ =	swait.ge [sflag:s2], $0x3400  }
0xcb: {  	[sflag:s2] =	ssyncset.done $0x0  }
0xcc: {  	[sflag:s2] =	ssyncadd.s32 $0xFFFFCC00  }
0xcd: {  	s20 =	simm.s32 $0x600;
	s19 =	simm.s32 $0x8;
	s13 =	rddreg [dreg:$0x2]  }
0xce: {  	[spmem:s13] =	stream.indirect.scatter.add.f32 [tilespmem:s20], [sflag:$0xA], $0x80, s4, s14, $0xb8;
	[tilespmem:$0x1EB00] =	vst v63  }
0xcf: {  	_ =	swait.ge [sflag:s19], $0x3400  }
0xd0: {  	s9 =	simm.s32 $0x100;
	[sflag:s19] =	ssyncset.done $0x0  }
0xd1: {  	s22 =	simm.s32 $0x3A00;
	s25 =	simm.s32 $0x9;
	[sflag:s19] =	ssyncadd.s32 $0xFFFFCC00  }
0xd2: {  	[spmem:s13] =	stream.indirect.scatter.add.f32 [tilespmem:s22], [sflag:$0xB], $0x80, s9, s14, $0xb8;
	[tilespmem:$0x1EB00] =	vst v63  }
0xd3: {  	_ =	swait.ge [sflag:s25], $0x3400  }
0xd4: {  	[sflag:s25] =	ssyncset.done $0x0  }
0xd5: {  	s11 =	simm.s32 $0x200;
	s21 =	simm.s32 $0xA;
	[sflag:s25] =	ssyncadd.s32 $0xFFFFCC00  }
0xd6: {  	[spmem:s13] =	stream.indirect.scatter.add.f32 [tilespmem:s24], [sflag:$0xC], $0x80, s11, s14, $0xb8;
	[tilespmem:$0x1EB00] =	vst v63  }
0xd7: {  	_ =	swait.ge [sflag:s21], $0x3400  }
0xd8: {  	s30 =	sshrl.u32 s28, $0x3;
	[sflag:s21] =	ssyncset.done $0x0  }
0xd9: {  	s3 =	smov.u32 s31;
	s31 =	sadd.s32 s31, s30;
	[sflag:s21] =	ssyncadd.s32 $0xFFFFCC00  }
0xda: {  	[tilespmem:s4], [sflag:$0x1] =	stream.linear.gather [hbm4b:s31+s4], $0x68, $0x38;
	[tilespmem:$0x1EB00] =	vst v63  }
0xdb: {  	s7 =	rddreg [dreg:$0x1]  }
0xdc: {  	s12 =	simm.s32 $0x80;
	s30 =	sadd.s32 s7, s30  }
0xdd: {  	[tilespmem:s12], [sflag:$0x1] =	stream.linear.gather [hbm4b:s30+s4], $0x68, $0x38;
	[tilespmem:$0x1EB00] =	vst v63  }
0xde: {  	s30 =	simm.s32 $0x4  }
0xdf: {  	_ =	swait.ge [sflag:s30], $0x68  }
0xe0: {  	[sflag:s30] =	ssyncset.done $0x0  }
0xe1: {  	[sflag:s30] =	ssyncadd.s32 $0xFFFFFF98  }
0xe2: {  	_ =	swait.ge [sflag:s30], $0x68  }
0xe3: {  	[sflag:s30] =	ssyncset.done $0x0  }
0xe4: {  	s17 =	simm.s32 $0x380;
	s26 =	simm.s32 $0xB;
	[sflag:s30] =	ssyncadd.s32 $0xFFFFFF98  }
0xe5: {  	[tilespmem:s20], [sflag:$0x7] =	stream.indirect.gather [hbm4b:s6+s14], $0x80, s17, s14, $0xb8;
	[tilespmem:$0x1EB00] =	vst v63  }
0xe6: {  	_ =	swait.ge [sflag:s26], $0x3400  }
0xe7: {  	s29 =	smov.u32 s5;
	s1 =	rddreg [dreg:$0xd];
	[sflag:s26] =	ssyncset.done $0x0  }
0xe8: {  	s31 =	rddreg [dreg:$0xc];
	[sflag:s26] =	ssyncadd.s32 $0xFFFFCC00;
	s30 =	sadd.s32 s29, s1  }
0xe9: {  	[tilespmem:s9], [sflag:$0x2] =	stream.linear.gather [hbm4b:s30+s4], $0x68, $0x38;
	[tilespmem:$0x1EB00] =	vst v63  }
0xea: {  	s10 =	simm.s32 $0x5;
	s7 =	sadd.s32 s29, s31;
	s9 =	simm.s32 $0x180  }
0xeb: {  	[tilespmem:s9], [sflag:$0x2] =	stream.linear.gather [hbm4b:s7+s4], $0x68, $0x38;
	[tilespmem:$0x1EB00] =	vst v63  }
0xec: {  	_ =	swait.ge [sflag:s10], $0x68  }
0xed: {  	[sflag:s10] =	ssyncset.done $0x0  }
0xee: {  	[sflag:s10] =	ssyncadd.s32 $0xFFFFFF98  }
0xef: {  	_ =	swait.ge [sflag:s10], $0x68  }
0xf0: {  	[sflag:s10] =	ssyncset.done $0x0  }
0xf1: {  	s1 =	simm.s32 $0xC;
	s7 =	simm.s32 $0x480;
	[sflag:s10] =	ssyncadd.s32 $0xFFFFFF98  }
0xf2: {  	[tilespmem:s22], [sflag:$0x8] =	stream.indirect.gather [hbm4b:s6+s14], $0x80, s7, s14, $0xb8;
	[tilespmem:$0x1EB00] =	vst v63  }
0xf3: {  	_ =	swait.ge [sflag:s1], $0x3400  }
0xf4: {  	s15 =	rddreg [dreg:$0xb];
	[sflag:s1] =	ssyncset.done $0x0  }
0xf5: {  	s31 =	rddreg [dreg:$0xa];
	[sflag:s1] =	ssyncadd.s32 $0xFFFFCC00;
	s30 =	sadd.s32 s29, s15  }
0xf6: {  	[tilespmem:s11], [sflag:$0x3] =	stream.linear.gather [hbm4b:s30+s4], $0x68, $0x38;
	[tilespmem:$0x1EB00] =	vst v63  }
0xf7: {  	s16 =	sadd.s32 s29, s31;
	s30 =	simm.s32 $0x6  }
0xf8: {  	[tilespmem:s0], [sflag:$0x3] =	stream.linear.gather [hbm4b:s16+s4], $0x68, $0x38;
	[tilespmem:$0x1EB00] =	vst v63  }
0xf9: {  	_ =	swait.ge [sflag:s30], $0x68  }
0xfa: {  	[sflag:s30] =	ssyncset.done $0x0  }
0xfb: {  	[sflag:s30] =	ssyncadd.s32 $0xFFFFFF98  }
0xfc: {  	_ =	swait.ge [sflag:s30], $0x68  }
0xfd: {  	[sflag:s30] =	ssyncset.done $0x0  }
0xfe: {  	s16 =	simm.s32 $0x580;
	[sflag:s30] =	ssyncadd.s32 $0xFFFFFF98  }
0xff: {  	[tilespmem:s24], [sflag:$0x9] =	stream.indirect.gather [hbm4b:s6+s14], $0x80, s16, s14, $0xb8;
	[tilespmem:$0x1EB00] =	vst v63  }
0x100: {  	_ =	swait.ge [sflag:s2], $0x3400  }
0x101: {  	[sflag:s2] =	ssyncset.done $0x0  }
0x102: {  	s15 =	simm.s32 $0x300;
	[sflag:s2] =	ssyncadd.s32 $0xFFFFCC00  }
0x103: {  	[spmem:s13] =	stream.indirect.scatter.add.f32 [tilespmem:s20], [sflag:$0xA], $0x80, s15, s14, $0xb8;
	[tilespmem:$0x1EB00] =	vst v63  }
0x104: {  	_ =	swait.ge [sflag:s19], $0x3400  }
0x105: {  	[sflag:s19] =	ssyncset.done $0x0  }
0x106: {  	[sflag:s19] =	ssyncadd.s32 $0xFFFFCC00;
	s19 =	simm.s32 $0x400  }
0x107: {  	[spmem:s13] =	stream.indirect.scatter.add.f32 [tilespmem:s22], [sflag:$0xB], $0x80, s19, s14, $0xb8;
	[tilespmem:$0x1EB00] =	vst v63  }
0x108: {  	_ =	swait.ge [sflag:s25], $0x3400  }
0x109: {  	[sflag:s25] =	ssyncset.done $0x0  }
0x10a: {  	s2 =	simm.s32 $0x500;
	[sflag:s25] =	ssyncadd.s32 $0xFFFFCC00  }
0x10b: {  	[spmem:s13] =	stream.indirect.scatter.add.f32 [tilespmem:s24], [sflag:$0xC], $0x80, s2, s14, $0xb8;
	[tilespmem:$0x1EB00] =	vst v63  }
0x10c: {  	_ =	swait.ge [sflag:s21], $0x3400  }
0x10d: {  	s13 =	rddreg [dreg:$0x5];
	[sflag:s21] =	ssyncset.done $0x0  }
0x10e: {  	s31 =	rddreg [dreg:$0x4];
	[sflag:s21] =	ssyncadd.s32 $0xFFFFCC00;
	s30 =	sadd.s32 s29, s13  }
0x10f: {  	[tilespmem:s15], [sflag:$0x4] =	stream.linear.gather [hbm4b:s30+s4], $0x68, $0x38;
	[tilespmem:$0x1EB00] =	vst v63  }
0x110: {  	s21 =	sadd.s32 s29, s31  }
0x111: {  	[tilespmem:s17], [sflag:$0x4] =	stream.linear.gather [hbm4b:s21+s4], $0x68, $0x38;
	[tilespmem:$0x1EB00] =	vst v63  }
0x112: {  	_ =	swait.ge [sflag:s18], $0x68  }
0x113: {  	[sflag:s18] =	ssyncset.done $0x0  }
0x114: {  	[sflag:s18] =	ssyncadd.s32 $0xFFFFFF98  }
0x115: {  	_ =	swait.ge [sflag:s18], $0x68  }
0x116: {  	[sflag:s18] =	ssyncset.done $0x0  }
0x117: {  	[sflag:s18] =	ssyncadd.s32 $0xFFFFFF98  }
0x118: {  	[tilespmem:s20], [sflag:$0x7] =	stream.indirect.gather [hbm4b:s6+s14], $0x80, s12, s14, $0xb8;
	[tilespmem:$0x1EB00] =	vst v63  }
0x119: {  	_ =	swait.ge [sflag:s26], $0x3400  }
0x11a: {  	s24 =	rddreg [dreg:$0x7];
	[sflag:s26] =	ssyncset.done $0x0  }
0x11b: {  	s31 =	rddreg [dreg:$0x6];
	[sflag:s26] =	ssyncadd.s32 $0xFFFFCC00;
	s30 =	sadd.s32 s29, s24  }
0x11c: {  	[tilespmem:s19], [sflag:$0x5] =	stream.linear.gather [hbm4b:s30+s4], $0x68, $0x38;
	[tilespmem:$0x1EB00] =	vst v63  }
0x11d: {  	s20 =	simm.s32 $0x2;
	s25 =	sadd.s32 s29, s31  }
0x11e: {  	[tilespmem:s7], [sflag:$0x5] =	stream.linear.gather [hbm4b:s25+s4], $0x68, $0x38;
	[tilespmem:$0x1EB00] =	vst v63  }
0x11f: {  	_ =	swait.ge [sflag:s20], $0x68  }
0x120: {  	[sflag:s20] =	ssyncset.done $0x0  }
0x121: {  	[sflag:s20] =	ssyncadd.s32 $0xFFFFFF98  }
0x122: {  	_ =	swait.ge [sflag:s20], $0x68  }
0x123: {  	[sflag:s20] =	ssyncset.done $0x0  }
0x124: {  	[sflag:s20] =	ssyncadd.s32 $0xFFFFFF98  }
0x125: {  	[tilespmem:s22], [sflag:$0x8] =	stream.indirect.gather [hbm4b:s6+s14], $0x80, s9, s14, $0xb8;
	[tilespmem:$0x1EB00] =	vst v63  }
0x126: {  	_ =	swait.ge [sflag:s1], $0x3400  }
0x127: {  	s26 =	rddreg [dreg:$0x9];
	[sflag:s1] =	ssyncset.done $0x0  }
0x128: {  	s31 =	rddreg [dreg:$0x8];
	[sflag:s1] =	ssyncadd.s32 $0xFFFFCC00;
	s30 =	sadd.s32 s29, s26  }
0x129: {  	[tilespmem:s2], [sflag:$0x6] =	stream.linear.gather [hbm4b:s30+s4], $0x68, $0x38;
	[tilespmem:$0x1EB00] =	vst v63  }
0x12a: {  	p0 =	sne.s32 s5, $0x444;
	s5 =	sadd.s32 $0x4E, s5;
	s29 =	sadd.s32 s29, s31  }
0x12b: {  	[tilespmem:s16], [sflag:$0x6] =	stream.linear.gather [hbm4b:s29+s4], $0x68, $0x38;
	[tilespmem:$0x1EB00] =	vst v63  }
0x12c: {  	s8 =	simm.s32 $0x100;
	s28 =	sadd.s32 $0x270, s28;
	_ =	swait.ge [sflag:s23], $0x68  }
.Ltmp0:
0x12d: {  	s10 =	simm.s32 $0x200;
	[sflag:s23] =	ssyncset.done $0x0;
	(pc) =	sbr.rel @p0 .LBB2_2-.Ltmp0, $4  }
0x12e: {  	s11 =	simm.s32 $0x280;
	s0 =	simm.s32 $0x300;
	[sflag:s23] =	ssyncadd.s32 $0xFFFFFF98  }
0x12f: {  	s15 =	simm.s32 $0x380;
	s17 =	simm.s32 $0x400;
	_ =	swait.ge [sflag:s23], $0x68  }
0x130: {  	s19 =	simm.s32 $0x480;
	s7 =	simm.s32 $0x500;
	[sflag:s23] =	ssyncset.done $0x0  }
0x131: {  	s31 =	smov.u32 s3;
	s3 =	simm.s32 $0x580;
	[sflag:s23] =	ssyncadd.s32 $0xFFFFFF98  }
0x132: {  	s13 =	simm.s32 $0x6E00;
	s16 =	simm.s32 $0x7  }
0x133: {  	[tilespmem:s13], [sflag:$0x9] =	stream.indirect.gather [hbm4b:s6+s14], $0x80, s11, s14, $0xb8;
	[tilespmem:$0x1EB00] =	vst v63  }
0x134: {  	_ =	swait.ge [sflag:s16], $0x3400  }
0x135: {  	[sflag:s16] =	ssyncset.done $0x0  }
0x136: {  	[sflag:s16] =	ssyncadd.s32 $0xFFFFCC00  }
0x137: {  	s5 =	simm.s32 $0x600;
	s18 =	simm.s32 $0x8;
	s2 =	rddreg [dreg:$0x2]  }
0x138: {  	[spmem:s2] =	stream.indirect.scatter.add.f32 [tilespmem:s5], [sflag:$0xA], $0x80, s4, s14, $0xb8;
	[tilespmem:$0x1EB00] =	vst v63  }
0x139: {  	_ =	swait.ge [sflag:s18], $0x3400  }
0x13a: {  	[sflag:s18] =	ssyncset.done $0x0  }
0x13b: {  	s26 =	simm.s32 $0x3A00;
	s28 =	simm.s32 $0x9;
	[sflag:s18] =	ssyncadd.s32 $0xFFFFCC00  }
0x13c: {  	[spmem:s2] =	stream.indirect.scatter.add.f32 [tilespmem:s26], [sflag:$0xB], $0x80, s8, s14, $0xb8;
	[tilespmem:$0x1EB00] =	vst v63  }
0x13d: {  	_ =	swait.ge [sflag:s28], $0x3400  }
0x13e: {  	[sflag:s28] =	ssyncset.done $0x0  }
0x13f: {  	s29 =	simm.s32 $0xA;
	[sflag:s28] =	ssyncadd.s32 $0xFFFFCC00  }
0x140: {  	[spmem:s2] =	stream.indirect.scatter.add.f32 [tilespmem:s13], [sflag:$0xC], $0x80, s10, s14, $0xb8;
	[tilespmem:$0x1EB00] =	vst v63  }
0x141: {  	_ =	swait.ge [sflag:s29], $0x3400  }
0x142: {  	[sflag:s29] =	ssyncset.done $0x0  }
0x143: {  	s21 =	simm.s32 $0x4;
	[sflag:s29] =	ssyncadd.s32 $0xFFFFCC00  }
0x144: {  	_ =	swait.ge [sflag:s21], $0x68  }
0x145: {  	[sflag:s21] =	ssyncset.done $0x0  }
0x146: {  	[sflag:s21] =	ssyncadd.s32 $0xFFFFFF98  }
0x147: {  	_ =	swait.ge [sflag:s21], $0x68  }
0x148: {  	[sflag:s21] =	ssyncset.done $0x0  }
0x149: {  	s30 =	simm.s32 $0xB;
	[sflag:s21] =	ssyncadd.s32 $0xFFFFFF98  }
0x14a: {  	[tilespmem:s5], [sflag:$0x7] =	stream.indirect.gather [hbm4b:s6+s14], $0x80, s15, s14, $0xb8;
	[tilespmem:$0x1EB00] =	vst v63  }
0x14b: {  	_ =	swait.ge [sflag:s30], $0x3400  }
0x14c: {  	[sflag:s30] =	ssyncset.done $0x0  }
0x14d: {  	s12 =	simm.s32 $0x5;
	[sflag:s30] =	ssyncadd.s32 $0xFFFFCC00  }
0x14e: {  	_ =	swait.ge [sflag:s12], $0x68  }
0x14f: {  	[sflag:s12] =	ssyncset.done $0x0  }
0x150: {  	[sflag:s12] =	ssyncadd.s32 $0xFFFFFF98  }
0x151: {  	_ =	swait.ge [sflag:s12], $0x68  }
0x152: {  	[sflag:s12] =	ssyncset.done $0x0  }
0x153: {  	s1 =	simm.s32 $0xC;
	[sflag:s12] =	ssyncadd.s32 $0xFFFFFF98  }
0x154: {  	[tilespmem:s26], [sflag:$0x8] =	stream.indirect.gather [hbm4b:s6+s14], $0x80, s19, s14, $0xb8;
	[tilespmem:$0x1EB00] =	vst v63  }
0x155: {  	_ =	swait.ge [sflag:s1], $0x3400  }
0x156: {  	[sflag:s1] =	ssyncset.done $0x0  }
0x157: {  	s12 =	simm.s32 $0x6;
	[sflag:s1] =	ssyncadd.s32 $0xFFFFCC00  }
0x158: {  	_ =	swait.ge [sflag:s12], $0x68  }
0x159: {  	[sflag:s12] =	ssyncset.done $0x0  }
0x15a: {  	[sflag:s12] =	ssyncadd.s32 $0xFFFFFF98  }
0x15b: {  	_ =	swait.ge [sflag:s12], $0x68  }
0x15c: {  	[sflag:s12] =	ssyncset.done $0x0  }
0x15d: {  	[sflag:s12] =	ssyncadd.s32 $0xFFFFFF98  }
0x15e: {  	[tilespmem:s13], [sflag:$0x9] =	stream.indirect.gather [hbm4b:s6+s14], $0x80, s3, s14, $0xb8;
	[tilespmem:$0x1EB00] =	vst v63  }
0x15f: {  	_ =	swait.ge [sflag:s16], $0x3400  }
0x160: {  	[sflag:s16] =	ssyncset.done $0x0  }
0x161: {  	[sflag:s16] =	ssyncadd.s32 $0xFFFFCC00  }
0x162: {  	[spmem:s2] =	stream.indirect.scatter.add.f32 [tilespmem:s5], [sflag:$0xA], $0x80, s0, s14, $0xb8;
	[tilespmem:$0x1EB00] =	vst v63  }
0x163: {  	_ =	swait.ge [sflag:s18], $0x3400  }
0x164: {  	[sflag:s18] =	ssyncset.done $0x0  }
0x165: {  	[sflag:s18] =	ssyncadd.s32 $0xFFFFCC00  }
0x166: {  	[spmem:s2] =	stream.indirect.scatter.add.f32 [tilespmem:s26], [sflag:$0xB], $0x80, s17, s14, $0xb8;
	[tilespmem:$0x1EB00] =	vst v63  }
0x167: {  	_ =	swait.ge [sflag:s28], $0x3400  }
0x168: {  	[sflag:s28] =	ssyncset.done $0x0  }
0x169: {  	[sflag:s28] =	ssyncadd.s32 $0xFFFFCC00  }
0x16a: {  	[spmem:s2] =	stream.indirect.scatter.add.f32 [tilespmem:s13], [sflag:$0xC], $0x80, s7, s14, $0xb8;
	[tilespmem:$0x1EB00] =	vst v63  }
0x16b: {  	_ =	swait.ge [sflag:s29], $0x3400  }
0x16c: {  	[sflag:s29] =	ssyncset.done $0x0  }
0x16d: {  	[sflag:s29] =	ssyncadd.s32 $0xFFFFCC00  }
0x16e: {  	_ =	swait.ge [sflag:s30], $0x3400  }
0x16f: {  	[sflag:s30] =	ssyncset.done $0x0  }
0x170: {  	[sflag:s30] =	ssyncadd.s32 $0xFFFFCC00  }
0x171: {  	_ =	swait.ge [sflag:s1], $0x3400  }
0x172: {  	s19 =	simm.s32 $0xA200;
	[sflag:s1] =	ssyncset.done $0x0  }
0x173: {  	s16 =	simm.s32 $0xD;
	s18 =	rddreg [dreg:$0x1d];
	[sflag:s1] =	ssyncadd.s32 $0xFFFFCC00  }
0x174: {  	[tilespmem:s19], [sflag:$0xD] =	stream.linear.gather [hbm4b:s18+s4], $0x10, $0x38;
	[tilespmem:$0x1EB00] =	vst v63  }
0x175: {  	_ =	swait.ge [sflag:s16], $0x10  }
0x176: {  	[sflag:s16] =	ssyncset.done $0x0  }
0x177: {  	s22 =	simm.s32 $0xA280;
	s21 =	rddreg [dreg:$0x1e];
	[sflag:s16] =	ssyncadd.s32 $0xFFFFFFF0  }
0x178: {  	[tilespmem:s22], [sflag:$0xD] =	stream.linear.gather [hbm4b:s21+s4], $0x10, $0x38;
	[tilespmem:$0x1EB00] =	vst v63  }
0x179: {  	_ =	swait.ge [sflag:s16], $0x10  }
0x17a: {  	[sflag:s16] =	ssyncset.done $0x0  }
0x17b: {  	s24 =	simm.s32 $0x10;
	s25 =	simm.s32 $0xA300;
	[sflag:s16] =	ssyncadd.s32 $0xFFFFFFF0  }
0x17c: {  	[tilespmem:s25], [sflag:$0xD] =	stream.indirect.gather [hbm4b:s6+s24], $0x80, s22, s24, $0xb8;
	[tilespmem:$0x1EB00] =	vst v63  }
0x17d: {  	_ =	swait.ge [sflag:s16], $0x800  }
0x17e: {  	[sflag:s16] =	ssyncset.done $0x0  }
0x17f: {  	[sflag:s16] =	ssyncadd.s32 $0xFFFFF800  }
0x180: {  	[spmem:s2] =	stream.indirect.scatter.add.f32 [tilespmem:s25], [sflag:$0xD], $0x80, s19, s24, $0xb8;
	[tilespmem:$0x1EB00] =	vst v63  }
0x181: {  	_ =	swait.ge [sflag:s16], $0x800  }
0x182: {  	[sflag:s16] =	ssyncset.done $0x0  }
0x183: {  	[sflag:s16] =	ssyncadd.s32 $0xFFFFF800  }
0x184: {  	[bflag:$0x0] =	sbarrier.arrive $0xFFFF  }
0x185: {  	s28 =	sld [smem:$0x7FB]  }
0x186: {  	s5 =	rddreg [dreg:$0x1c]  }
0x187: {  	s26 =	rddreg [dreg:$0x1f]  }
0x188: {  	[hbm:s26], [sflag:s5] =	dma.local [spmem:s28], $0x2800  }
0x189: {  	_ =	swait.ge [sflag:s16], $0x2800  }
0x18a: {  	s29 =	sld [smem:$0x7FA]  }
0x18b: {  	s30 =	sld [smem:$0x7FC];
	_ =	sdelay $0x1  }
0x18c: {  	s0 =	sadd.s32 $0x1, s29  }
0x18d: {  	p0 =	sne.s32 s0, s30  }
.Ltmp1:
0x18e: {  	_ = 	snop;
	(pc) =	sbr.rel @p0 .LBB2_1-.Ltmp1, $4  }
0x18f: {  	_ = 	snop  }
0x190: {  	[sflag:s16] =	ssyncset.done $0x0  }
0x191: {  	s3 =	simm.s32 $0x80;
	[sflag:s16] =	ssyncadd.s32 $0xFFFFD800  }
0x192: {  	s18 =	simm.s32 $0x3;
	s2 =	simm.s32 $0x1;
	s26 =	rddreg [dreg:$0x1]  }
0x193: {  	_ =	sfence.sel $0x180000  }
0x194: {  	[bflag:$0x0] =	sbarrier.arrive $0xFFFF  }
0x195: {  	_ =	strace $0x9000004D  }
0x196: {  	s0 =	stileid.u32;
	[bflag:$0x2] =	sbarrier.arrive $0xFFFF  }
0x197: {  	p0 =	sne.s32 s0, $0x0;
	s0 =	rddreg [dreg:$0x3]  }
0x198: {  	s0 =	sadd.s32 @!p0 $0x100000, s0  }
0x199: {  	[sflag:s0] =	ssyncadd.tile.s32 @!p0 $0x1;
	_ =	shalt  }
.Lfunc_end2:
_tile_overlayer_lowered:
.L_overlay_start_2:
0x19a: {  	(tag) =	ssettag $0x2  }
0x19b: {  	s0 =	rddreg [dreg:$0x0];
	s2 =	stileid.u32  }
0x19c: {  	s1 =	rddreg [dreg:$0x1];
	p0 =	sne.s32 s2, $0x0  }
0x19d: {  	s3 =	rddreg [dreg:$0x2];
	[bflag:$0x3] =	sbarrier.arrive $0xFFFF;
	s2 =	simm.s32 @!p0 $0x1C0D  }
0x19e: {  	[timem:s3], [sflag:s2] =	dma.local @!p0 [hbm:s0], s1  }
0x19f: {  	s0 =	simm.s32 @!p0 $0xD  }
0x1a0: {  	_ =	swait.ge @!p0 [sflag:s0], s1  }
0x1a1: {  	s1 =	ssub.s32 @!p0 $0x0, s1;
	[sflag:s0] =	ssyncset.done @!p0 $0x0  }
0x1a2: {  	[sflag:s0] =	ssyncadd.s32 @!p0 s1  }
0x1a3: {  	[bflag:$0x3] =	sbarrier.arrive $0xFFFF  }
0x1a4: {  	_ =	shalt  }

// kernel: kernel.9.cloned.1.call-start
scs
__scs_entry_jumppad:
0x0: {  	(pc) =	sbr.rel $0x88, $3  }
0x1: {  	(tag) =	ssettag $0x0;
	lr =	simm.s32 $0x1  }
0x2: {  	[smem:$0x3F98] =	sst lr;
	_ =	strace $0xD0000000  }
0x3: {  	_ = 	snop  }
0x4: {  	_ = 	snop  }
0x5: {  	_ = 	snop  }
0x6: {  	_ = 	snop  }
0x7: {  	_ = 	snop  }
__scs_overlays_trampoline_lowered:
0x8: {  	[smem:$0x3FA7] =	sst s0  }
0x9: {  	[smem:$0x3FA8] =	sst s1  }
0xa: {  	[smem:$0x3FA9] =	sst s2  }
0xb: {  	[smem:$0x3FAA] =	sst s3  }
0xc: {  	[smem:$0x3FAB] =	sst s4  }
0xd: {  	[smem:$0x3FAC] =	sst s5  }
0xe: {  	[smem:$0x3FAD] =	sst s6  }
0xf: {  	[smem:$0x3FAE] =	sst s7  }
0x10: {  	[smem:$0x3FAF] =	sst s8  }
0x11: {  	[smem:$0x3FB0] =	sst s9;
	s0 =	simm.s32 @!p0 $0x0  }
0x12: {  	s1 =	sld [smem:$0x3F96];
	s0 =	simm.s32 @p0 $0x1  }
0x13: {  	[smem:$0x3FB1] =	sst s0;
	s0 =	simm.s32 @!p1 $0x0  }
0x14: {  	s2 =	sld [smem:$0x3F95];
	s0 =	simm.s32 @p1 $0x1  }
0x15: {  	[smem:$0x3FB2] =	sst s0;
	s0 =	simm.s32 @!p2 $0x0  }
0x16: {  	s3 =	sld [smem:$0x3FDB];
	s0 =	simm.s32 @p2 $0x1  }
0x17: {  	s4 =	simm.s32 $0x1BF5;
	[smem:$0x3FB4] =	sst s0  }
0x18: {  	s0 =	sld [smem:$0x3F97];
	_ =	swait.ge [sflag:s4], $0x0  }
0x19: {  	s7 =	sld [smem:$0x3F98]  }
0x1a: {  	s8 =	sadd.s32 $0xFFFFE003, lr  }
0x1b: {  	s9 =	sadd.s32 $0xFFFFFEF7, lr;
	s5 =	simm.s32 $0xFFFFFFFF;
	p2 =	slt.u32 s8, $0xFFFFF086  }
0x1c: {  	p1 =	slt.u32 s9, $0xF7A;
	s5 =	simm.s32 @!p2 $0x0  }
0x1d: {  	s5 =	simm.s32 @p1 $0x1;
	p0 =	seq.s32 s7, s2  }
0x1e: {  	s7 =	smul.u32 @!p0 $0xF7A, s2;
	p2 =	seq.s32 @!p0 s5, $0x0  }
0x1f: {  	s9 =	smul.u32 $0xF7A, s1;
	s8 =	simm.s32 @!p0 $0x1BF5;
	p2 =	por !p2, p0  }
0x20: {  	[sflag:s8] =	ssyncset.s32 @!p0 $0xFFFFF086;
	s6 =	sadd.s32 @!p0 s3, s7;
	s7 =	simm.s32 @!p0 $0x108  }
0x21: {  	s3 =	sadd.s32 s3, s9;
	s6 =	sadd.s32 @!p0 $0x88, s6;
	s7 =	simm.s32 @p2 $0x1082  }
0x22: {  	[simem:s7], [sflag:s8] =	dma.local @!p0 [hbm:s6], $0xF7A  }
0x23: {  	s9 =	sor.u32 $0xD0000000, s2;
	s6 =	simm.s32 $0x108;
	_ =	swait.ge @!p0 [sflag:s8], $0x0  }
0x24: {  	s3 =	sadd.s32 $0x88, s3;
	s6 =	simm.s32 @!p1 $0x1082;
	[sflag:s4] =	ssyncset.s32 $0xFFFFF086  }
0x25: {  	[simem:s6], [sflag:s4] =	dma.local [hbm:s3], $0xF7A  }
0x26: {  	[smem:$0x3F98] =	sst s1;
	(tag) =	ssettag s2;
	_ =	strace s9  }
0x27: {  	s1 =	sld [smem:$0x3FA8]  }
0x28: {  	s2 =	sld [smem:$0x3FA9]  }
0x29: {  	s4 =	sld [smem:$0x3FAB]  }
0x2a: {  	p0 =	seq.s32 s5, $0x0;
	s5 =	sld [smem:$0x3FAC]  }
0x2b: {  	s6 =	sld [smem:$0x3FAD]  }
0x2c: {  	s7 =	sld [smem:$0x3FAE]  }
0x2d: {  	s3 =	simm.s32 $0x108;
	s8 =	sld [smem:$0x3FAF]  }
0x2e: {  	s3 =	simm.s32 @!p0 $0x1082;
	s9 =	sld [smem:$0x3FB0]  }
0x2f: {  	lr =	sadd.s32 s0, s3;
	s0 =	sld [smem:$0x3FA7]  }
0x30: {  	s3 =	sld [smem:$0x3FAA]  }
0x31: {  	[smem:$0x3FB3] =	sst s10  }
0x32: {  	s10 =	sld [smem:$0x3FB1];
	_ =	sdelay $0x3  }
0x33: {  	p0 =	seq.s32 s10, $0x1;
	s10 =	sld [smem:$0x3FB3];
	_ =	sdelay $0x3  }
0x34: {  	[smem:$0x3FB3] =	sst s10  }
0x35: {  	s10 =	sld [smem:$0x3FB2];
	_ =	sdelay $0x3  }
0x36: {  	p1 =	seq.s32 s10, $0x1;
	s10 =	sld [smem:$0x3FB3];
	_ =	sdelay $0x3  }
0x37: {  	[smem:$0x3FB3] =	sst s10  }
0x38: {  	s10 =	sld [smem:$0x3FB4]  }
0x39: {  	_ = 	snop;
	(pc) =	sbr.ind lr, $3  }
0x3a: {  	_ = 	snop  }
0x3b: {  	_ = 	snop  }
0x3c: {  	p2 =	seq.s32 s10, $0x1;
	s10 =	sld [smem:$0x3FB3]  }
0x3d: {  	_ =	shalt  }
0x3e: {  	_ =	shalt  }
0x3f: {  	_ =	shalt  }
0x40: {  	_ =	shalt  }
0x41: {  	_ =	shalt  }
0x42: {  	_ =	shalt  }
0x43: {  	_ =	shalt  }
0x44: {  	_ =	shalt  }
0x45: {  	_ =	shalt  }
0x46: {  	_ =	shalt  }
0x47: {  	_ =	shalt  }
0x48: {  	_ =	shalt  }
0x49: {  	_ =	shalt  }
0x4a: {  	_ =	shalt  }
0x4b: {  	_ =	shalt  }
0x4c: {  	_ =	shalt  }
0x4d: {  	_ =	shalt  }
0x4e: {  	_ =	shalt  }
0x4f: {  	_ =	shalt  }
0x50: {  	_ =	shalt  }
0x51: {  	_ =	shalt  }
0x52: {  	_ =	shalt  }
0x53: {  	_ =	shalt  }
0x54: {  	_ =	shalt  }
0x55: {  	_ =	shalt  }
0x56: {  	_ =	shalt  }
0x57: {  	_ =	shalt  }
0x58: {  	_ =	shalt  }
0x59: {  	_ =	shalt  }
0x5a: {  	_ =	shalt  }
0x5b: {  	_ =	shalt  }
0x5c: {  	_ =	shalt  }
0x5d: {  	_ =	shalt  }
0x5e: {  	_ =	shalt  }
0x5f: {  	_ =	shalt  }
0x60: {  	_ =	shalt  }
0x61: {  	_ =	shalt  }
0x62: {  	_ =	shalt  }
0x63: {  	_ =	shalt  }
0x64: {  	_ =	shalt  }
0x65: {  	_ =	shalt  }
0x66: {  	_ =	shalt  }
0x67: {  	_ =	shalt  }
0x68: {  	_ =	shalt  }
0x69: {  	_ =	shalt  }
0x6a: {  	_ =	shalt  }
0x6b: {  	_ =	shalt  }
0x6c: {  	_ =	shalt  }
0x6d: {  	_ =	shalt  }
0x6e: {  	_ =	shalt  }
0x6f: {  	_ =	shalt  }
0x70: {  	_ =	shalt  }
0x71: {  	_ =	shalt  }
0x72: {  	_ =	shalt  }
0x73: {  	_ =	shalt  }
0x74: {  	_ =	shalt  }
0x75: {  	_ =	shalt  }
0x76: {  	_ =	shalt  }
0x77: {  	_ =	shalt  }
0x78: {  	_ =	shalt  }
0x79: {  	_ =	shalt  }
0x7a: {  	_ =	shalt  }
0x7b: {  	_ =	shalt  }
0x7c: {  	_ =	shalt  }
0x7d: {  	_ =	shalt  }
0x7e: {  	_ =	shalt  }
0x7f: {  	_ =	shalt  }
0x80: {  	_ =	shalt  }
0x81: {  	_ =	shalt  }
0x82: {  	_ =	shalt  }
0x83: {  	_ =	shalt  }
0x84: {  	_ =	shalt  }
0x85: {  	_ =	shalt  }
0x86: {  	_ =	shalt  }
0x87: {  	_ =	shalt  }
.Lfunc_end0:
.L_simem_size_0:
called_computation_lowered:
.L_overlay_start_0:
0x88: {  	s2 =	sld [smem:$0x3FD9]  }
0x89: {  	s3 =	sld [smem:$0x3FFE];
	_ =	sdelay $0x1  }
0x8a: {  	s1 =	srdreg.scid  }
0x8b: {  	s0 =	sand.u32 $0x1, s1  }
0x8c: {  	s16 =	sshll.u32 s0, $0xA;
	s2 =	sadd.s32 s3, s2  }
0x8d: {  	s2 =	sadd.s32 s2, s16  }
0x8e: {  	[smem:$0x3FBF] =	sst s2  }
0x8f: {  	_ = 	snop  }
0x90: {  	(tm) =	ssettm $0x1  }
0x91: {  	s17 =	sld [smem:$0x3FFB];
	_ =	sdelay $0x3  }
0x92: {  	_ =	strace s17  }
0x93: {  	s2 =	sld [smem:$0x3FFC];
	_ =	sdelay $0x3  }
0x94: {  	_ =	strace s2  }
0x95: {  	s2 =	sld [smem:$0x3FFD];
	_ =	sdelay $0x3  }
0x96: {  	_ =	strace s2  }
0x97: {  	_ =	strace $0x8FFFFFFF  }
0x98: {  	s18 =	sld [smem:$0x3FDB];
	_ =	sdelay $0x1  }
0x99: {  	s19 =	simm.s32 $_scs_section_size  }
0x9a: {  	s4 =	simm.s32 $_size__tile_overlayer_lowered;
	s5 =	simm.s32 $_tile_overlayer_lowered  }
0x9b: {  	s22 =	simm.s32 $0x1BFF;
	s21 =	sshll.u32 s5, $0x1;
	s2 =	sadd.s32 s19, s18  }
0x9c: {  	s6 =	simm.s32 $0x0;
	s20 =	sshll.u32 s4, $0x1;
	s4 =	sadd.s32 s21, s2  }
0x9d: {  	[timem:s6], [sflag:s22] =	dma.local [hbm:s4], s20  }
0x9e: {  	_ =	swait.ge [sflag:s22], s20  }
0x9f: {  	s3 =	ssub.s32 $0x0, s20;
	[sflag:s22] =	ssyncset.done $0x0  }
0xa0: {  	[sflag:s22] =	ssyncadd.s32 s3;
	_ =	sdelay $0x1  }
0xa1: {  	s23 =	simm.s32 $0x1B8B  }
0xa2: {  	_ =	swait.ge [sflag:s23], $0x1  }
0xa3: {  	[sflag:s23] =	ssyncset.done $0x0  }
0xa4: {  	s25 =	simm.s32 $0x1B8E;
	s24 =	sld [smem:$0x3FFE];
	[sflag:s23] =	ssyncadd.s32 $0xFFFFFFFF  }
0xa5: {  	s26 =	simm.s32 $execute0_lowered;
	[smem:$0x3FD2] =	sst s25  }
0xa6: {  	s4 =	sshll.u32 s26, $0x1;
	_ =	strace $0x80000046;
	[dreg:$0x1] =	wrdreg $0xFFFFFFFF  }
0xa7: {  	s28 =	simm.s32 $_size_execute0_lowered;
	s2 =	sadd.s32 s2, s4;
	[dreg:$0x0] =	wrdreg $0x0  }
0xa8: {  	s4 =	sshll.u32 s28, $0x1;
	[dreg:$0x2] =	wrdreg s2  }
0xa9: {  	[dreg:$0x3] =	wrdreg s4  }
0xaa: {  	[dreg:$0x4] =	wrdreg $0xC0  }
0xab: {  	_ =	task [dreg:s6], $0x5FFFF  }
0xac: {  	[dreg:$0x1] =	wrdreg $0xFFFFFFFF  }
0xad: {  	[dreg:$0x0] =	wrdreg $0x60  }
0xae: {  	[dreg:$0x2] =	wrdreg s24  }
0xaf: {  	[dreg:$0x3] =	wrdreg $0x7A000  }
0xb0: {  	[dreg:$0x4] =	wrdreg $0x9  }
0xb1: {  	_ =	task.clear_ibuf [dreg:s6], $0x5FFFF;
	_ =	strace $0x90000046  }
0xb2: {  	s29 =	simm.s32 $0x9;
	_ =	strace $0x80000048  }
0xb3: {  	_ =	swait.ge [sflag:s29], $0x1  }
0xb4: {  	[sflag:s29] =	ssyncadd.s32 $0xFFFFFFFF  }
0xb5: {  	_ =	strace $0x90000048  }
0xb6: {  	_ =	sfence  }
0xb7: {  	s30 =	sld [smem:$0x0];
	_ =	sdelay $0x2  }
0xb8: {  	s31 =	sshll.u32 s1, $0xD;
	s1 =	sshrl.u32 s1, $0x2  }
0xb9: {  	s3 =	sand.u32 $0x4000, s31;
	s1 =	sadd.s32 s1, s30  }
0xba: {  	s0 =	sor.u32 s3, s0;
	s1 =	sshll.u32 s1, $0x11  }
0xbb: {  	s0 =	sor.u32 s1, s0  }
0xbc: {  	s0 =	sadd.s32 $0x8F2B, s0  }
0xbd: {  	[sflag:s0] =	ssyncadd.remote.s32 $0x1  }
0xbe: {  	_ =	sfence.sel $0xFFFF  }
0xbf: {  	[dreg:$0x0] =	wrdreg $0xFFFFFFFF;
	(pc) =	sbr.abs _section_cstart, $3  }
0xc0: {  	[dreg:$0x1] =	wrdreg $0xFFFFFFFF  }
0xc1: {  	_ =	task.clear_ibuf [dreg:s6], $0x2FFFF;
	_ =	strace $0x9FFFFFFF  }
0xc2: {  	(tm) =	ssettm $0x7FFFFFFF  }
0xc3: {  	_ =	shalt  }
tec
execute0_lowered:
.L_overlay_start_1:
0x0: {  	(tag) =	ssettag $0x1  }
0x1: {  	s8 =	stileid.u32  }
0x2: {  	s0 =	srdreg.scid;
	s5 =	smul.u32 $0x500, s8  }
0x3: {  	s1 =	rddreg [dreg:$0x0];
	s0 =	sand.u32 $0x1, s0;
	s12 =	smul.u32 $0xA00, s8  }
0x4: {  	s4 =	rddreg [dreg:$0x1];
	s13 =	smul.u32 $0xA000, s8;
	s2 =	sshll.u32 s0, $0x4  }
0x5: {  	s6 =	sshll.u32 s0, $0x7;
	s0 =	ssub.s32 $0x2, s0;
	s3 =	sor.u32 s8, s2  }
0x6: {  	s2 =	simm.s32 $0x0;
	s11 =	sor.u32 s6, s5;
	s14 =	sshrl.u32 s0, $0x1  }
0x7: {  	s5 =	sshrl.u32 s12, $0x2;
	s3 =	smul.u32 $0x4E2, s3;
	[smem:$0x7FF] =	sst s2  }
0x8: {  	s6 =	sshrl.u32 s13, $0x2;
	s0 =	ssub.s32 s0, s14;
	_ =	strace $0x80000047  }
0x9: {  	s0 =	smax.u32 s0, $0x1;
	s7 =	sadd.s32 s3, s1;
	s3 =	sshrl.u32 s11, $0x3  }
0xa: {  	[dreg:$0x15] =	wrdreg s0;
	s1 =	sadd.s32 s3, s1;
	s15 =	sadd.s32 $0x1E00, s7  }
0xb: {  	s3 =	sadd.s32 s5, s4;
	s4 =	sadd.s32 s6, s4;
	[dreg:$0x3] =	wrdreg s15  }
0xc: {  	[dreg:$0x4] =	wrdreg s4;
	s16 =	sadd.s32 $0x2800, s3  }
0xd: {  	s17 =	sadd.s32 $0x5000, s3;
	[dreg:$0x5] =	wrdreg s16  }
0xe: {  	s18 =	sadd.s32 $0x7800, s3;
	[dreg:$0x6] =	wrdreg s17  }
0xf: {  	s19 =	sadd.s32 $0xA000, s3;
	[dreg:$0x7] =	wrdreg s18  }
0x10: {  	s20 =	sadd.s32 $0xC800, s3;
	[dreg:$0x8] =	wrdreg s19  }
0x11: {  	s21 =	sadd.s32 $0xF000, s3;
	[dreg:$0x9] =	wrdreg s20  }
0x12: {  	s22 =	sadd.s32 $0x11800, s3;
	[dreg:$0xa] =	wrdreg s21  }
0x13: {  	s23 =	sadd.s32 $0x14000, s3;
	[dreg:$0xb] =	wrdreg s22  }
0x14: {  	s24 =	sadd.s32 $0x16800, s3;
	[dreg:$0xc] =	wrdreg s23  }
0x15: {  	s25 =	sadd.s32 $0x19000, s3;
	[dreg:$0xd] =	wrdreg s24  }
0x16: {  	s26 =	sadd.s32 $0x1B800, s3;
	[dreg:$0xe] =	wrdreg s25  }
0x17: {  	s5 =	sadd.s32 $0x1E000, s3;
	[dreg:$0xf] =	wrdreg s26  }
0x18: {  	s6 =	sadd.s32 $0x20800, s3;
	[dreg:$0x10] =	wrdreg s5  }
0x19: {  	s7 =	sadd.s32 $0x23000, s3;
	[dreg:$0x11] =	wrdreg s6  }
0x1a: {  	s8 =	sadd.s32 $0x25800, s3;
	[dreg:$0x12] =	wrdreg s7  }
0x1b: {  	s1 =	sadd.s32 $0xBC00, s1;
	[dreg:$0x13] =	wrdreg s8  }
0x1c: {  	s9 =	sadd.s32 $0x80, s3;
	[dreg:$0x14] =	wrdreg s1  }
0x1d: {  	s10 =	sadd.s32 $0x100, s3;
	[dreg:$0x16] =	wrdreg s9  }
0x1e: {  	s11 =	sadd.s32 $0x180, s3;
	[dreg:$0x17] =	wrdreg s10  }
0x1f: {  	s12 =	sadd.s32 $0x200, s3;
	[dreg:$0x18] =	wrdreg s11  }
0x20: {  	s13 =	sadd.s32 $0x2880, s3;
	[dreg:$0x19] =	wrdreg s12  }
0x21: {  	s14 =	sadd.s32 $0x2900, s3;
	[dreg:$0x1a] =	wrdreg s13  }
0x22: {  	s15 =	sadd.s32 $0x2980, s3;
	[dreg:$0x1b] =	wrdreg s14  }
0x23: {  	s4 =	sadd.s32 $0xA200, s3;
	[dreg:$0x1c] =	wrdreg s15  }
0x24: {  	s16 =	sadd.s32 $0x2A00, s3;
	[smem:$0x7E7] =	sst s4  }
0x25: {  	s17 =	sadd.s32 $0x5080, s3;
	[dreg:$0x1d] =	wrdreg s16  }
0x26: {  	s18 =	sadd.s32 $0x5100, s3;
	[dreg:$0x1e] =	wrdreg s17  }
0x27: {  	s19 =	sadd.s32 $0x5180, s3;
	[dreg:$0x1f] =	wrdreg s18  }
0x28: {  	s20 =	sadd.s32 $0x5200, s3;
	[smem:$0x7DE] =	sst s19  }
0x29: {  	s21 =	sadd.s32 $0x7880, s3;
	[smem:$0x7DF] =	sst s20  }
0x2a: {  	s22 =	sadd.s32 $0x7900, s3;
	[smem:$0x7E0] =	sst s21  }
0x2b: {  	s23 =	sadd.s32 $0x7980, s3;
	[smem:$0x7E1] =	sst s22  }
0x2c: {  	s24 =	sadd.s32 $0x7A00, s3;
	[smem:$0x7E2] =	sst s23  }
0x2d: {  	s25 =	sadd.s32 $0xA080, s3;
	[smem:$0x7E3] =	sst s24  }
0x2e: {  	s26 =	sadd.s32 $0xA100, s3;
	[smem:$0x7E4] =	sst s25  }
0x2f: {  	s1 =	sadd.s32 $0xA180, s3;
	[smem:$0x7E5] =	sst s26  }
0x30: {  	s5 =	sadd.s32 $0xC880, s3;
	[smem:$0x7E6] =	sst s1  }
0x31: {  	s6 =	sadd.s32 $0xC900, s3;
	[smem:$0x7E8] =	sst s5  }
0x32: {  	s7 =	sadd.s32 $0xC980, s3;
	[smem:$0x7E9] =	sst s6  }
0x33: {  	s8 =	sadd.s32 $0xCA00, s3;
	[smem:$0x7EA] =	sst s7  }
0x34: {  	s9 =	sadd.s32 $0xF080, s3;
	[smem:$0x7EB] =	sst s8  }
0x35: {  	s10 =	sadd.s32 $0xF100, s3;
	[smem:$0x7EC] =	sst s9  }
0x36: {  	s11 =	sadd.s32 $0xF180, s3;
	[smem:$0x7ED] =	sst s10  }
0x37: {  	s12 =	sadd.s32 $0xF200, s3;
	[smem:$0x7EE] =	sst s11  }
0x38: {  	s13 =	sadd.s32 $0x11880, s3;
	[smem:$0x7EF] =	sst s12  }
0x39: {  	s30 =	simm.s32 $0x1;
	s14 =	sadd.s32 $0x11900, s3;
	[smem:$0x7F0] =	sst s13  }
0x3a: {  	s31 =	simm.s32 $0x2780;
	s15 =	sadd.s32 $0x11980, s3;
	[smem:$0x7F1] =	sst s14  }
0x3b: {  	s28 =	sadd.s32 $0x25980, s3;
	[smem:$0x7F2] =	sst s15;
	s16 =	sadd.s32 $0x11A00, s3  }
0x3c: {  	s29 =	sadd.s32 $0x25A00, s3;
	s17 =	sadd.s32 $0x14080, s3;
	[smem:$0x7F3] =	sst s16  }
0x3d: {  	s18 =	sadd.s32 $0x14100, s3;
	s19 =	sadd.s32 $0x14180, s3;
	[smem:$0x7F4] =	sst s17  }
0x3e: {  	s20 =	sadd.s32 $0x14200, s3;
	s21 =	sadd.s32 $0x16880, s3;
	[smem:$0x7F5] =	sst s18  }
0x3f: {  	s22 =	sadd.s32 $0x16900, s3;
	s23 =	sadd.s32 $0x16980, s3;
	[smem:$0x7F6] =	sst s19  }
0x40: {  	s24 =	sadd.s32 $0x16A00, s3;
	s25 =	sadd.s32 $0x19080, s3;
	[smem:$0x7F7] =	sst s20  }
0x41: {  	s26 =	sadd.s32 $0x19100, s3;
	s7 =	sadd.s32 $0x19180, s3;
	[smem:$0x7F8] =	sst s21  }
0x42: {  	s8 =	sadd.s32 $0x19200, s3;
	s9 =	sadd.s32 $0x1B880, s3;
	[smem:$0x7F9] =	sst s22  }
0x43: {  	s10 =	sadd.s32 $0x1B900, s3;
	s11 =	sadd.s32 $0x1B980, s3;
	[smem:$0x7FA] =	sst s23  }
0x44: {  	s12 =	sadd.s32 $0x1BA00, s3;
	s13 =	sadd.s32 $0x1E080, s3;
	[smem:$0x7FB] =	sst s24  }
0x45: {  	s14 =	sadd.s32 $0x1E100, s3;
	s15 =	sadd.s32 $0x1E180, s3;
	[smem:$0x7FC] =	sst s25  }
0x46: {  	[smem:$0x7FD] =	sst s26;
	s16 =	sadd.s32 $0x1E200, s3;
	s17 =	sadd.s32 $0x20880, s3  }
0x47: {  	s18 =	sadd.s32 $0x20900, s3;
	s19 =	sadd.s32 $0x20980, s3;
	s20 =	sadd.s32 $0x20A00, s3  }
0x48: {  	s21 =	sadd.s32 $0x23080, s3;
	s22 =	sadd.s32 $0x23100, s3;
	s23 =	sadd.s32 $0x23180, s3  }
0x49: {  	v0 =	vimm.f32 $0.0e+00;
	v1 =	vimm.f32 $1.000000000e+00;
	s24 =	sadd.s32 $0x23200, s3;
	s25 =	sadd.s32 $0x25880, s3;
	s26 =	sadd.s32 $0x25900, s3  }
.LBB2_1:
0x4a: {  	s0 =	simm.s32 $0x40;
	s1 =	simm.s32 $0x0  }
.LBB2_2:
0x4b: {  	p0 =	sne.s32 s0, $0x9FC0;
	[tilespmem:s1+$0x2780] =	vst v0;
	s1 =	smov.u32 s0;
	s0 =	sadd.s32 $0x40, s0  }
.Ltmp0:
0x4c: {  	(pc) =	sbr.rel @p0 .LBB2_2-.Ltmp0, $2  }
0x4d: {  	_ =	sdelay $0x2  }
0x4e: {  	s1 =	sshra.s32 s1, $0x2  }
0x4f: {  	[tilespmem:s1+$0x2780] =	vst v0;
	s0 =	simm.s32 $0x0;
	s6 =	rddreg [dreg:$0x3]  }
0x50: {  	[tilespmem:s0], [sflag:$0x1] =	stream.linear.gather [hbm4b:s6+s0], $0x2710, $0x38;
	[tilespmem:$0xA200] =	vst v63  }
0x51: {  	_ =	swait.ge [sflag:s30], $0x2710  }
0x52: {  	[sflag:s30] =	ssyncset.done $0x0  }
0x53: {  	[sflag:s30] =	ssyncadd.s32 $0xFFFFD8F0  }
.LBB2_4:
0x54: {  	s1 =	sshra.s32 s0, $0x2  }
0x55: {  	v2 =	vld [tilespmem:s1+$0x0];
	_ =	sdelay $0x7  }
0x56: {  	[tilespmem:v2+s31+$0x0] =	vst.idx.add.f32.msk $0xffff, v1  }
0x57: {  	v2 =	vld [tilespmem:s1+$0x10];
	_ =	sdelay $0x7  }
0x58: {  	[tilespmem:v2+s31+$0x0] =	vst.idx.add.f32.msk $0xffff, v1  }
0x59: {  	v2 =	vld [tilespmem:s1+$0x20];
	_ =	sdelay $0x7  }
0x5a: {  	[tilespmem:v2+s31+$0x0] =	vst.idx.add.f32.msk $0xffff, v1  }
0x5b: {  	v2 =	vld [tilespmem:s1+$0x30];
	_ =	sdelay $0x7  }
0x5c: {  	[tilespmem:v2+s31+$0x0] =	vst.idx.add.f32.msk $0xffff, v1  }
0x5d: {  	v2 =	vld [tilespmem:s1+$0x40];
	_ =	sdelay $0x2  }
0x5e: {  	p0 =	sne.s32 s0, $0x9B00  }
.Ltmp1:
0x5f: {  	_ = 	snop;
	(pc) =	sbr.rel @p0 .LBB2_4-.Ltmp1, $2  }
0x60: {  	_ =	sdelay $0x2  }
0x61: {  	s0 =	sadd.s32 $0x140, s0;
	[tilespmem:v2+s31+$0x0] =	vst.idx.add.f32.msk $0xffff, v1  }
0x62: {  	s0 =	rddreg [dreg:$0x4]  }
0x63: {  	[spmem:s0] =	stream.linear.scatter [tilespmem:s31], [sflag:$0x1], $0x2800, $0x38;
	[tilespmem:$0xA200] =	vst v63  }
0x64: {  	_ =	swait.ge [sflag:s30], $0x2800  }
0x65: {  	[sflag:s30] =	ssyncset.done $0x0  }
0x66: {  	[sflag:s30] =	ssyncadd.s32 $0xFFFFD800  }
0x67: {  	s1 =	simm.s32 $0x4F80;
	[bflag:$0x0] =	sbarrier.arrive $0xFFFF  }
0x68: {  	[tilespmem:s1], [sflag:$0x1] =	stream.linear.gather [spmem:s3], $0x80, $0x38;
	[tilespmem:$0xA200] =	vst v63  }
0x69: {  	s4 =	rddreg [dreg:$0x16];
	s1 =	simm.s32 $0x5380  }
0x6a: {  	[tilespmem:s1], [sflag:$0x1] =	stream.linear.gather [spmem:s4], $0x80, $0x38;
	[tilespmem:$0xA200] =	vst v63  }
0x6b: {  	s6 =	simm.s32 $0x5780;
	s5 =	rddreg [dreg:$0x17]  }
0x6c: {  	[tilespmem:s6], [sflag:$0x1] =	stream.linear.gather [spmem:s5], $0x80, $0x38;
	[tilespmem:$0xA200] =	vst v63  }
0x6d: {  	s1 =	rddreg [dreg:$0x18];
	s4 =	simm.s32 $0x5B80  }
0x6e: {  	[tilespmem:s4], [sflag:$0x1] =	stream.linear.gather [spmem:s1], $0x80, $0x38;
	[tilespmem:$0xA200] =	vst v63  }
0x6f: {  	s5 =	rddreg [dreg:$0x19];
	s6 =	simm.s32 $0x5F80  }
0x70: {  	[tilespmem:s6], [sflag:$0x1] =	stream.linear.gather [spmem:s5], $0x80, $0x38;
	[tilespmem:$0xA200] =	vst v63  }
0x71: {  	_ =	swait.ge [sflag:s30], $0x280  }
0x72: {  	[sflag:s30] =	ssyncset.done $0x0  }
0x73: {  	s4 =	simm.s32 $0x5000;
	s1 =	rddreg [dreg:$0x5];
	[sflag:s30] =	ssyncadd.s32 $0xFFFFFD80  }
0x74: {  	[tilespmem:s4], [sflag:$0x1] =	stream.linear.gather [spmem:s1], $0x80, $0x38;
	[tilespmem:$0xA200] =	vst v63  }
0x75: {  	s6 =	simm.s32 $0x5400;
	s5 =	rddreg [dreg:$0x1a]  }
0x76: {  	[tilespmem:s6], [sflag:$0x1] =	stream.linear.gather [spmem:s5], $0x80, $0x38;
	[tilespmem:$0xA200] =	vst v63  }
0x77: {  	s1 =	rddreg [dreg:$0x1b];
	s4 =	simm.s32 $0x5800  }
0x78: {  	[tilespmem:s4], [sflag:$0x1] =	stream.linear.gather [spmem:s1], $0x80, $0x38;
	[tilespmem:$0xA200] =	vst v63  }
0x79: {  	s5 =	rddreg [dreg:$0x1c];
	s6 =	simm.s32 $0x5C00  }
0x7a: {  	[tilespmem:s6], [sflag:$0x1] =	stream.linear.gather [spmem:s5], $0x80, $0x38;
	[tilespmem:$0xA200] =	vst v63  }
0x7b: {  	s1 =	rddreg [dreg:$0x1d];
	s4 =	simm.s32 $0x6000  }
0x7c: {  	[tilespmem:s4], [sflag:$0x1] =	stream.linear.gather [spmem:s1], $0x80, $0x38;
	[tilespmem:$0xA200] =	vst v63  }
0x7d: {  	_ =	swait.ge [sflag:s30], $0x280  }
0x7e: {  	[sflag:s30] =	ssyncset.done $0x0;
	s5 =	rddreg [dreg:$0x6]  }
0x7f: {  	s6 =	simm.s32 $0x5080;
	s1 =	rddreg [dreg:$0x1e];
	[sflag:s30] =	ssyncadd.s32 $0xFFFFFD80  }
0x80: {  	[tilespmem:s6], [sflag:$0x1] =	stream.linear.gather [spmem:s5], $0x80, $0x38;
	[tilespmem:$0xA200] =	vst v63  }
0x81: {  	s4 =	simm.s32 $0x5480;
	s5 =	rddreg [dreg:$0x1f]  }
0x82: {  	[tilespmem:s4], [sflag:$0x1] =	stream.linear.gather [spmem:s1], $0x80, $0x38;
	[tilespmem:$0xA200] =	vst v63  }
0x83: {  	s6 =	simm.s32 $0x5880;
	s1 =	sld [smem:$0x7DE]  }
0x84: {  	[tilespmem:s6], [sflag:$0x1] =	stream.linear.gather [spmem:s5], $0x80, $0x38;
	[tilespmem:$0xA200] =	vst v63  }
0x85: {  	s4 =	simm.s32 $0x5C80;
	s5 =	sld [smem:$0x7DF]  }
0x86: {  	[tilespmem:s4], [sflag:$0x1] =	stream.linear.gather [spmem:s1], $0x80, $0x38;
	[tilespmem:$0xA200] =	vst v63  }
0x87: {  	s6 =	simm.s32 $0x6080  }
0x88: {  	[tilespmem:s6], [sflag:$0x1] =	stream.linear.gather [spmem:s5], $0x80, $0x38;
	[tilespmem:$0xA200] =	vst v63  }
0x89: {  	_ =	swait.ge [sflag:s30], $0x280  }
0x8a: {  	[sflag:s30] =	ssyncset.done $0x0;
	s1 =	rddreg [dreg:$0x7]  }
0x8b: {  	s4 =	simm.s32 $0x5100;
	s5 =	sld [smem:$0x7E0];
	[sflag:s30] =	ssyncadd.s32 $0xFFFFFD80  }
0x8c: {  	[tilespmem:s4], [sflag:$0x1] =	stream.linear.gather [spmem:s1], $0x80, $0x38;
	[tilespmem:$0xA200] =	vst v63  }
0x8d: {  	s6 =	simm.s32 $0x5500;
	s1 =	sld [smem:$0x7E1]  }
0x8e: {  	[tilespmem:s6], [sflag:$0x1] =	stream.linear.gather [spmem:s5], $0x80, $0x38;
	[tilespmem:$0xA200] =	vst v63  }
0x8f: {  	s4 =	simm.s32 $0x5900;
	s5 =	sld [smem:$0x7E2]  }
0x90: {  	[tilespmem:s4], [sflag:$0x1] =	stream.linear.gather [spmem:s1], $0x80, $0x38;
	[tilespmem:$0xA200] =	vst v63  }
0x91: {  	s6 =	simm.s32 $0x5D00;
	s1 =	sld [smem:$0x7E3]  }
0x92: {  	[tilespmem:s6], [sflag:$0x1] =	stream.linear.gather [spmem:s5], $0x80, $0x38;
	[tilespmem:$0xA200] =	vst v63  }
0x93: {  	s4 =	simm.s32 $0x6100  }
0x94: {  	[tilespmem:s4], [sflag:$0x1] =	stream.linear.gather [spmem:s1], $0x80, $0x38;
	[tilespmem:$0xA200] =	vst v63  }
0x95: {  	_ =	swait.ge [sflag:s30], $0x280  }
0x96: {  	[sflag:s30] =	ssyncset.done $0x0;
	s5 =	rddreg [dreg:$0x8]  }
0x97: {  	s6 =	simm.s32 $0x5180;
	s1 =	sld [smem:$0x7E4];
	[sflag:s30] =	ssyncadd.s32 $0xFFFFFD80  }
0x98: {  	[tilespmem:s6], [sflag:$0x1] =	stream.linear.gather [spmem:s5], $0x80, $0x38;
	[tilespmem:$0xA200] =	vst v63  }
0x99: {  	s4 =	simm.s32 $0x5580;
	s5 =	sld [smem:$0x7E5]  }
0x9a: {  	[tilespmem:s4], [sflag:$0x1] =	stream.linear.gather [spmem:s1], $0x80, $0x38;
	[tilespmem:$0xA200] =	vst v63  }
0x9b: {  	s6 =	simm.s32 $0x5980;
	s1 =	sld [smem:$0x7E6]  }
0x9c: {  	[tilespmem:s6], [sflag:$0x1] =	stream.linear.gather [spmem:s5], $0x80, $0x38;
	[tilespmem:$0xA200] =	vst v63  }
0x9d: {  	s4 =	simm.s32 $0x5D80;
	s5 =	sld [smem:$0x7E7]  }
0x9e: {  	[tilespmem:s4], [sflag:$0x1] =	stream.linear.gather [spmem:s1], $0x80, $0x38;
	[tilespmem:$0xA200] =	vst v63  }
0x9f: {  	s6 =	simm.s32 $0x6180  }
0xa0: {  	[tilespmem:s6], [sflag:$0x1] =	stream.linear.gather [spmem:s5], $0x80, $0x38;
	[tilespmem:$0xA200] =	vst v63  }
0xa1: {  	_ =	swait.ge [sflag:s30], $0x280  }
0xa2: {  	[sflag:s30] =	ssyncset.done $0x0;
	s1 =	rddreg [dreg:$0x9]  }
0xa3: {  	s4 =	simm.s32 $0x5200;
	s5 =	sld [smem:$0x7E8];
	[sflag:s30] =	ssyncadd.s32 $0xFFFFFD80  }
0xa4: {  	[tilespmem:s4], [sflag:$0x1] =	stream.linear.gather [spmem:s1], $0x80, $0x38;
	[tilespmem:$0xA200] =	vst v63  }
0xa5: {  	s6 =	simm.s32 $0x5600;
	s1 =	sld [smem:$0x7E9]  }
0xa6: {  	[tilespmem:s6], [sflag:$0x1] =	stream.linear.gather [spmem:s5], $0x80, $0x38;
	[tilespmem:$0xA200] =	vst v63  }
0xa7: {  	s4 =	simm.s32 $0x5A00;
	s5 =	sld [smem:$0x7EA]  }
0xa8: {  	[tilespmem:s4], [sflag:$0x1] =	stream.linear.gather [spmem:s1], $0x80, $0x38;
	[tilespmem:$0xA200] =	vst v63  }
0xa9: {  	s6 =	simm.s32 $0x5E00;
	s1 =	sld [smem:$0x7EB]  }
0xaa: {  	[tilespmem:s6], [sflag:$0x1] =	stream.linear.gather [spmem:s5], $0x80, $0x38;
	[tilespmem:$0xA200] =	vst v63  }
0xab: {  	s4 =	simm.s32 $0x6200  }
0xac: {  	[tilespmem:s4], [sflag:$0x1] =	stream.linear.gather [spmem:s1], $0x80, $0x38;
	[tilespmem:$0xA200] =	vst v63  }
0xad: {  	_ =	swait.ge [sflag:s30], $0x280  }
0xae: {  	[sflag:s30] =	ssyncset.done $0x0;
	s5 =	rddreg [dreg:$0xa]  }
0xaf: {  	s6 =	simm.s32 $0x5280;
	s1 =	sld [smem:$0x7EC];
	[sflag:s30] =	ssyncadd.s32 $0xFFFFFD80  }
0xb0: {  	[tilespmem:s6], [sflag:$0x1] =	stream.linear.gather [spmem:s5], $0x80, $0x38;
	[tilespmem:$0xA200] =	vst v63  }
0xb1: {  	s4 =	simm.s32 $0x5680;
	s5 =	sld [smem:$0x7ED]  }
0xb2: {  	[tilespmem:s4], [sflag:$0x1] =	stream.linear.gather [spmem:s1], $0x80, $0x38;
	[tilespmem:$0xA200] =	vst v63  }
0xb3: {  	s6 =	simm.s32 $0x5A80;
	s1 =	sld [smem:$0x7EE]  }
0xb4: {  	[tilespmem:s6], [sflag:$0x1] =	stream.linear.gather [spmem:s5], $0x80, $0x38;
	[tilespmem:$0xA200] =	vst v63  }
0xb5: {  	s4 =	simm.s32 $0x5E80;
	s5 =	sld [smem:$0x7EF]  }
0xb6: {  	[tilespmem:s4], [sflag:$0x1] =	stream.linear.gather [spmem:s1], $0x80, $0x38;
	[tilespmem:$0xA200] =	vst v63  }
0xb7: {  	s6 =	simm.s32 $0x6280  }
0xb8: {  	[tilespmem:s6], [sflag:$0x1] =	stream.linear.gather [spmem:s5], $0x80, $0x38;
	[tilespmem:$0xA200] =	vst v63  }
0xb9: {  	_ =	swait.ge [sflag:s30], $0x280  }
0xba: {  	[sflag:s30] =	ssyncset.done $0x0;
	s1 =	rddreg [dreg:$0xb]  }
0xbb: {  	s4 =	simm.s32 $0x5300;
	s5 =	sld [smem:$0x7F0];
	[sflag:s30] =	ssyncadd.s32 $0xFFFFFD80  }
0xbc: {  	[tilespmem:s4], [sflag:$0x1] =	stream.linear.gather [spmem:s1], $0x80, $0x38;
	[tilespmem:$0xA200] =	vst v63  }
0xbd: {  	s6 =	simm.s32 $0x5700;
	s1 =	sld [smem:$0x7F1]  }
0xbe: {  	[tilespmem:s6], [sflag:$0x1] =	stream.linear.gather [spmem:s5], $0x80, $0x38;
	[tilespmem:$0xA200] =	vst v63  }
0xbf: {  	s4 =	simm.s32 $0x5B00;
	s5 =	sld [smem:$0x7F2]  }
0xc0: {  	[tilespmem:s4], [sflag:$0x1] =	stream.linear.gather [spmem:s1], $0x80, $0x38;
	[tilespmem:$0xA200] =	vst v63  }
0xc1: {  	s6 =	simm.s32 $0x5F00;
	s1 =	sld [smem:$0x7F3]  }
0xc2: {  	[tilespmem:s6], [sflag:$0x1] =	stream.linear.gather [spmem:s5], $0x80, $0x38;
	[tilespmem:$0xA200] =	vst v63  }
0xc3: {  	s4 =	simm.s32 $0x6300  }
0xc4: {  	[tilespmem:s4], [sflag:$0x1] =	stream.linear.gather [spmem:s1], $0x80, $0x38;
	[tilespmem:$0xA200] =	vst v63  }
0xc5: {  	_ =	swait.ge [sflag:s30], $0x280  }
0xc6: {  	[sflag:s30] =	ssyncset.done $0x0;
	s5 =	rddreg [dreg:$0xc]  }
0xc7: {  	s6 =	simm.s32 $0x6380;
	s1 =	sld [smem:$0x7F4];
	[sflag:s30] =	ssyncadd.s32 $0xFFFFFD80  }
0xc8: {  	[tilespmem:s6], [sflag:$0x1] =	stream.linear.gather [spmem:s5], $0x80, $0x38;
	[tilespmem:$0xA200] =	vst v63  }
0xc9: {  	s4 =	simm.s32 $0x6780;
	s5 =	sld [smem:$0x7F5]  }
0xca: {  	[tilespmem:s4], [sflag:$0x1] =	stream.linear.gather [spmem:s1], $0x80, $0x38;
	[tilespmem:$0xA200] =	vst v63  }
0xcb: {  	s6 =	simm.s32 $0x6B80;
	s1 =	sld [smem:$0x7F6]  }
0xcc: {  	[tilespmem:s6], [sflag:$0x1] =	stream.linear.gather [spmem:s5], $0x80, $0x38;
	[tilespmem:$0xA200] =	vst v63  }
0xcd: {  	s4 =	simm.s32 $0x6F80;
	s5 =	sld [smem:$0x7F7]  }
0xce: {  	[tilespmem:s4], [sflag:$0x1] =	stream.linear.gather [spmem:s1], $0x80, $0x38;
	[tilespmem:$0xA200] =	vst v63  }
0xcf: {  	s6 =	simm.s32 $0x7380  }
0xd0: {  	[tilespmem:s6], [sflag:$0x1] =	stream.linear.gather [spmem:s5], $0x80, $0x38;
	[tilespmem:$0xA200] =	vst v63  }
0xd1: {  	_ =	swait.ge [sflag:s30], $0x280  }
0xd2: {  	[sflag:s30] =	ssyncset.done $0x0;
	s1 =	rddreg [dreg:$0xd]  }
0xd3: {  	s4 =	simm.s32 $0x6400;
	s5 =	sld [smem:$0x7F8];
	[sflag:s30] =	ssyncadd.s32 $0xFFFFFD80  }
0xd4: {  	[tilespmem:s4], [sflag:$0x1] =	stream.linear.gather [spmem:s1], $0x80, $0x38;
	[tilespmem:$0xA200] =	vst v63  }
0xd5: {  	s6 =	simm.s32 $0x6800;
	s1 =	sld [smem:$0x7F9]  }
0xd6: {  	[tilespmem:s6], [sflag:$0x1] =	stream.linear.gather [spmem:s5], $0x80, $0x38;
	[tilespmem:$0xA200] =	vst v63  }
0xd7: {  	s4 =	simm.s32 $0x6C00;
	s5 =	sld [smem:$0x7FA]  }
0xd8: {  	[tilespmem:s4], [sflag:$0x1] =	stream.linear.gather [spmem:s1], $0x80, $0x38;
	[tilespmem:$0xA200] =	vst v63  }
0xd9: {  	s6 =	simm.s32 $0x7000;
	s1 =	sld [smem:$0x7FB]  }
0xda: {  	[tilespmem:s6], [sflag:$0x1] =	stream.linear.gather [spmem:s5], $0x80, $0x38;
	[tilespmem:$0xA200] =	vst v63  }
0xdb: {  	s4 =	simm.s32 $0x7400  }
0xdc: {  	[tilespmem:s4], [sflag:$0x1] =	stream.linear.gather [spmem:s1], $0x80, $0x38;
	[tilespmem:$0xA200] =	vst v63  }
0xdd: {  	_ =	swait.ge [sflag:s30], $0x280  }
0xde: {  	[sflag:s30] =	ssyncset.done $0x0;
	s5 =	rddreg [dreg:$0xe]  }
0xdf: {  	s6 =	simm.s32 $0x6480;
	s1 =	sld [smem:$0x7FC];
	[sflag:s30] =	ssyncadd.s32 $0xFFFFFD80  }
0xe0: {  	[tilespmem:s6], [sflag:$0x1] =	stream.linear.gather [spmem:s5], $0x80, $0x38;
	[tilespmem:$0xA200] =	vst v63  }
0xe1: {  	s4 =	simm.s32 $0x6880;
	s5 =	sld [smem:$0x7FD]  }
0xe2: {  	[tilespmem:s4], [sflag:$0x1] =	stream.linear.gather [spmem:s1], $0x80, $0x38;
	[tilespmem:$0xA200] =	vst v63  }
0xe3: {  	s6 =	simm.s32 $0x6C80  }
0xe4: {  	[tilespmem:s6], [sflag:$0x1] =	stream.linear.gather [spmem:s5], $0x80, $0x38;
	[tilespmem:$0xA200] =	vst v63  }
0xe5: {  	s1 =	simm.s32 $0x7080  }
0xe6: {  	[tilespmem:s1], [sflag:$0x1] =	stream.linear.gather [spmem:s7], $0x80, $0x38;
	[tilespmem:$0xA200] =	vst v63  }
0xe7: {  	s4 =	simm.s32 $0x7480  }
0xe8: {  	[tilespmem:s4], [sflag:$0x1] =	stream.linear.gather [spmem:s8], $0x80, $0x38;
	[tilespmem:$0xA200] =	vst v63  }
0xe9: {  	_ =	swait.ge [sflag:s30], $0x280  }
0xea: {  	[sflag:s30] =	ssyncset.done $0x0  }
0xeb: {  	s6 =	simm.s32 $0x6500;
	s5 =	rddreg [dreg:$0xf];
	[sflag:s30] =	ssyncadd.s32 $0xFFFFFD80  }
0xec: {  	[tilespmem:s6], [sflag:$0x1] =	stream.linear.gather [spmem:s5], $0x80, $0x38;
	[tilespmem:$0xA200] =	vst v63  }
0xed: {  	s1 =	simm.s32 $0x6900  }
0xee: {  	[tilespmem:s1], [sflag:$0x1] =	stream.linear.gather [spmem:s9], $0x80, $0x38;
	[tilespmem:$0xA200] =	vst v63  }
0xef: {  	s4 =	simm.s32 $0x6D00  }
0xf0: {  	[tilespmem:s4], [sflag:$0x1] =	stream.linear.gather [spmem:s10], $0x80, $0x38;
	[tilespmem:$0xA200] =	vst v63  }
0xf1: {  	s5 =	simm.s32 $0x7100  }
0xf2: {  	[tilespmem:s5], [sflag:$0x1] =	stream.linear.gather [spmem:s11], $0x80, $0x38;
	[tilespmem:$0xA200] =	vst v63  }
0xf3: {  	s6 =	simm.s32 $0x7500  }
0xf4: {  	[tilespmem:s6], [sflag:$0x1] =	stream.linear.gather [spmem:s12], $0x80, $0x38;
	[tilespmem:$0xA200] =	vst v63  }
0xf5: {  	_ =	swait.ge [sflag:s30], $0x280  }
0xf6: {  	[sflag:s30] =	ssyncset.done $0x0  }
0xf7: {  	s4 =	simm.s32 $0x6580;
	s1 =	rddreg [dreg:$0x10];
	[sflag:s30] =	ssyncadd.s32 $0xFFFFFD80  }
0xf8: {  	[tilespmem:s4], [sflag:$0x1] =	stream.linear.gather [spmem:s1], $0x80, $0x38;
	[tilespmem:$0xA200] =	vst v63  }
0xf9: {  	s5 =	simm.s32 $0x6980  }
0xfa: {  	[tilespmem:s5], [sflag:$0x1] =	stream.linear.gather [spmem:s13], $0x80, $0x38;
	[tilespmem:$0xA200] =	vst v63  }
0xfb: {  	s6 =	simm.s32 $0x6D80  }
0xfc: {  	[tilespmem:s6], [sflag:$0x1] =	stream.linear.gather [spmem:s14], $0x80, $0x38;
	[tilespmem:$0xA200] =	vst v63  }
0xfd: {  	s1 =	simm.s32 $0x7180  }
0xfe: {  	[tilespmem:s1], [sflag:$0x1] =	stream.linear.gather [spmem:s15], $0x80, $0x38;
	[tilespmem:$0xA200] =	vst v63  }
0xff: {  	s4 =	simm.s32 $0x7580  }
0x100: {  	[tilespmem:s4], [sflag:$0x1] =	stream.linear.gather [spmem:s16], $0x80, $0x38;
	[tilespmem:$0xA200] =	vst v63  }
0x101: {  	_ =	swait.ge [sflag:s30], $0x280  }
0x102: {  	[sflag:s30] =	ssyncset.done $0x0  }
0x103: {  	s6 =	simm.s32 $0x6600;
	s5 =	rddreg [dreg:$0x11];
	[sflag:s30] =	ssyncadd.s32 $0xFFFFFD80  }
0x104: {  	[tilespmem:s6], [sflag:$0x1] =	stream.linear.gather [spmem:s5], $0x80, $0x38;
	[tilespmem:$0xA200] =	vst v63  }
0x105: {  	s1 =	simm.s32 $0x6A00  }
0x106: {  	[tilespmem:s1], [sflag:$0x1] =	stream.linear.gather [spmem:s17], $0x80, $0x38;
	[tilespmem:$0xA200] =	vst v63  }
0x107: {  	s4 =	simm.s32 $0x6E00  }
0x108: {  	[tilespmem:s4], [sflag:$0x1] =	stream.linear.gather [spmem:s18], $0x80, $0x38;
	[tilespmem:$0xA200] =	vst v63  }
0x109: {  	s5 =	simm.s32 $0x7200  }
0x10a: {  	[tilespmem:s5], [sflag:$0x1] =	stream.linear.gather [spmem:s19], $0x80, $0x38;
	[tilespmem:$0xA200] =	vst v63  }
0x10b: {  	s6 =	simm.s32 $0x7600  }
0x10c: {  	[tilespmem:s6], [sflag:$0x1] =	stream.linear.gather [spmem:s20], $0x80, $0x38;
	[tilespmem:$0xA200] =	vst v63  }
0x10d: {  	_ =	swait.ge [sflag:s30], $0x280  }
0x10e: {  	[sflag:s30] =	ssyncset.done $0x0  }
0x10f: {  	s4 =	simm.s32 $0x6680;
	s1 =	rddreg [dreg:$0x12];
	[sflag:s30] =	ssyncadd.s32 $0xFFFFFD80  }
0x110: {  	[tilespmem:s4], [sflag:$0x1] =	stream.linear.gather [spmem:s1], $0x80, $0x38;
	[tilespmem:$0xA200] =	vst v63  }
0x111: {  	s5 =	simm.s32 $0x6A80  }
0x112: {  	[tilespmem:s5], [sflag:$0x1] =	stream.linear.gather [spmem:s21], $0x80, $0x38;
	[tilespmem:$0xA200] =	vst v63  }
0x113: {  	s6 =	simm.s32 $0x6E80  }
0x114: {  	[tilespmem:s6], [sflag:$0x1] =	stream.linear.gather [spmem:s22], $0x80, $0x38;
	[tilespmem:$0xA200] =	vst v63  }
0x115: {  	s1 =	simm.s32 $0x7280  }
0x116: {  	[tilespmem:s1], [sflag:$0x1] =	stream.linear.gather [spmem:s23], $0x80, $0x38;
	[tilespmem:$0xA200] =	vst v63  }
0x117: {  	s4 =	simm.s32 $0x7680  }
0x118: {  	[tilespmem:s4], [sflag:$0x1] =	stream.linear.gather [spmem:s24], $0x80, $0x38;
	[tilespmem:$0xA200] =	vst v63  }
0x119: {  	_ =	swait.ge [sflag:s30], $0x280  }
0x11a: {  	[sflag:s30] =	ssyncset.done $0x0  }
0x11b: {  	s6 =	simm.s32 $0x6700;
	s5 =	rddreg [dreg:$0x13];
	[sflag:s30] =	ssyncadd.s32 $0xFFFFFD80  }
0x11c: {  	[tilespmem:s6], [sflag:$0x1] =	stream.linear.gather [spmem:s5], $0x80, $0x38;
	[tilespmem:$0xA200] =	vst v63  }
0x11d: {  	s4 =	simm.s32 $0x6B00  }
0x11e: {  	[tilespmem:s4], [sflag:$0x1] =	stream.linear.gather [spmem:s25], $0x80, $0x38;
	[tilespmem:$0xA200] =	vst v63  }
0x11f: {  	s5 =	simm.s32 $0x6F00  }
0x120: {  	[tilespmem:s5], [sflag:$0x1] =	stream.linear.gather [spmem:s26], $0x80, $0x38;
	[tilespmem:$0xA200] =	vst v63  }
0x121: {  	s6 =	simm.s32 $0x7300  }
0x122: {  	[tilespmem:s6], [sflag:$0x1] =	stream.linear.gather [spmem:s28], $0x80, $0x38;
	[tilespmem:$0xA200] =	vst v63  }
0x123: {  	s1 =	simm.s32 $0x7700  }
0x124: {  	[tilespmem:s1], [sflag:$0x1] =	stream.linear.gather [spmem:s29], $0x80, $0x38;
	[tilespmem:$0xA200] =	vst v63  }
0x125: {  	s4 =	simm.s32 $0x0;
	_ =	swait.ge [sflag:s30], $0x280  }
0x126: {  	s0 =	sand.u32 $0x1C00, s4;
	s5 =	sand.u32 $0x70, s4;
	[sflag:s30] =	ssyncset.done $0x0  }
0x127: {  	s0 =	sor.u32 s5, s0;
	[sflag:s30] =	ssyncadd.s32 $0xFFFFFD80  }
0x128: {  	v2 =	vld [tilespmem:s0+$0x5000]  }
0x129: {  	v3 =	vld [tilespmem:s0+$0x4F80];
	_ =	sdelay $0x1  }
0x12a: {  	v4 =	vld [tilespmem:s0+$0x5080];
	_ =	sdelay $0x1  }
0x12b: {  	v5 =	vld [tilespmem:s0+$0x5100]  }
0x12c: {  	v2 =	vadd.f32 v2, v3  }
0x12d: {  	v3 =	vld [tilespmem:s0+$0x5180]  }
0x12e: {  	v2 =	vadd.f32 v4, v2  }
0x12f: {  	v56 =	vld [tilespmem:s0+$0x5200]  }
0x130: {  	v2 =	vadd.f32 v5, v2  }
0x131: {  	v57 =	vld [tilespmem:s0+$0x5280]  }
0x132: {  	v2 =	vadd.f32 v3, v2  }
0x133: {  	v3 =	vld [tilespmem:s0+$0x5300]  }
0x134: {  	v2 =	vadd.f32 v56, v2  }
0x135: {  	v58 =	vld [tilespmem:s0+$0x6380]  }
0x136: {  	v2 =	vadd.f32 v57, v2  }
0x137: {  	v59 =	vld [tilespmem:s0+$0x6400]  }
0x138: {  	v2 =	vadd.f32 v3, v2  }
0x139: {  	v3 =	vld [tilespmem:s0+$0x6480]  }
0x13a: {  	v2 =	vadd.f32 v58, v2  }
0x13b: {  	v60 =	vld [tilespmem:s0+$0x6500]  }
0x13c: {  	v2 =	vadd.f32 v59, v2  }
0x13d: {  	v61 =	vld [tilespmem:s0+$0x6580]  }
0x13e: {  	v2 =	vadd.f32 v3, v2  }
0x13f: {  	v3 =	vld [tilespmem:s0+$0x6600]  }
0x140: {  	v2 =	vadd.f32 v60, v2  }
0x141: {  	v62 =	vld [tilespmem:s0+$0x6680]  }
0x142: {  	v2 =	vadd.f32 v61, v2  }
0x143: {  	v63 =	vld [tilespmem:s0+$0x6700]  }
0x144: {  	v2 =	vadd.f32 v3, v2;
	_ =	sdelay $0x1  }
0x145: {  	v2 =	vadd.f32 v62, v2;
	_ =	sdelay $0x1  }
0x146: {  	s4 =	simm.s32 $0x80;
	s6 =	simm.s32 $0x10;
	v2 =	vadd.f32 v63, v2  }
0x147: {  	s5 =	sand.u32 $0x1C00, s4;
	s1 =	simm.s32 $0x7780;
	s0 =	sand.u32 $0x70, s6  }
0x148: {  	s0 =	sor.u32 s0, s5;
	s5 =	simm.s32 $0x20;
	[tilespmem:s1+$0x0] =	vst v2  }
.LBB2_6:
0x149: {  	p0 =	sne.s32 s5, $0x270;
	v2 =	vld [tilespmem:s0+$0x5000]  }
0x14a: {  	v3 =	vld [tilespmem:s0+$0x4F80];
	_ =	sdelay $0x1  }
0x14b: {  	v4 =	vld [tilespmem:s0+$0x5080];
	_ =	sdelay $0x1  }
0x14c: {  	v5 =	vld [tilespmem:s0+$0x5100]  }
0x14d: {  	v2 =	vadd.f32 v2, v3  }
0x14e: {  	v3 =	vld [tilespmem:s0+$0x5180]  }
0x14f: {  	v2 =	vadd.f32 v4, v2  }
0x150: {  	v4 =	vld [tilespmem:s0+$0x5200]  }
0x151: {  	v2 =	vadd.f32 v5, v2  }
0x152: {  	v5 =	vld [tilespmem:s0+$0x5280]  }
0x153: {  	v2 =	vadd.f32 v3, v2  }
0x154: {  	v3 =	vld [tilespmem:s0+$0x5300]  }
0x155: {  	v2 =	vadd.f32 v4, v2  }
0x156: {  	v4 =	vld [tilespmem:s0+$0x6380]  }
0x157: {  	v2 =	vadd.f32 v5, v2  }
0x158: {  	v5 =	vld [tilespmem:s0+$0x6400]  }
0x159: {  	v2 =	vadd.f32 v3, v2  }
0x15a: {  	v3 =	vld [tilespmem:s0+$0x6480]  }
0x15b: {  	v2 =	vadd.f32 v4, v2  }
0x15c: {  	v4 =	vld [tilespmem:s0+$0x6500]  }
0x15d: {  	v2 =	vadd.f32 v5, v2  }
0x15e: {  	v5 =	vld [tilespmem:s0+$0x6580]  }
0x15f: {  	v2 =	vadd.f32 v3, v2  }
0x160: {  	v3 =	vld [tilespmem:s0+$0x6600]  }
0x161: {  	v2 =	vadd.f32 v4, v2  }
0x162: {  	v4 =	vld [tilespmem:s0+$0x6680]  }
0x163: {  	v2 =	vadd.f32 v5, v2  }
0x164: {  	v5 =	vld [tilespmem:s0+$0x6700]  }
0x165: {  	v2 =	vadd.f32 v3, v2;
	_ =	sdelay $0x1  }
.Ltmp2:
0x166: {  	v2 =	vadd.f32 v4, v2;
	(pc) =	sbr.rel @p0 .LBB2_6-.Ltmp2, $4  }
0x167: {  	_ = 	snop  }
0x168: {  	s4 =	sadd.s32 $0x80, s4;
	v2 =	vadd.f32 v5, v2  }
0x169: {  	s1 =	sadd.s32 $0x10, s1;
	s6 =	sand.u32 $0x1C00, s4;
	s0 =	sand.u32 $0x70, s5  }
0x16a: {  	s5 =	sadd.s32 $0x10, s5;
	s0 =	sor.u32 s0, s6;
	[tilespmem:s1+$0x0] =	vst v2  }
0x16b: {  	v2 =	vld [tilespmem:s0+$0x5000]  }
0x16c: {  	v3 =	vld [tilespmem:s0+$0x4F80];
	_ =	sdelay $0x1  }
0x16d: {  	v4 =	vld [tilespmem:s0+$0x5080];
	_ =	sdelay $0x1  }
0x16e: {  	v5 =	vld [tilespmem:s0+$0x5100]  }
0x16f: {  	v2 =	vadd.f32 v2, v3  }
0x170: {  	v3 =	vld [tilespmem:s0+$0x5180]  }
0x171: {  	v2 =	vadd.f32 v4, v2  }
0x172: {  	v56 =	vld [tilespmem:s0+$0x5200]  }
0x173: {  	v2 =	vadd.f32 v5, v2  }
0x174: {  	v57 =	vld [tilespmem:s0+$0x5280]  }
0x175: {  	v2 =	vadd.f32 v3, v2  }
0x176: {  	v3 =	vld [tilespmem:s0+$0x5300]  }
0x177: {  	v2 =	vadd.f32 v56, v2  }
0x178: {  	v58 =	vld [tilespmem:s0+$0x6380]  }
0x179: {  	v2 =	vadd.f32 v57, v2  }
0x17a: {  	v59 =	vld [tilespmem:s0+$0x6400]  }
0x17b: {  	v2 =	vadd.f32 v3, v2  }
0x17c: {  	v3 =	vld [tilespmem:s0+$0x6480]  }
0x17d: {  	v2 =	vadd.f32 v58, v2  }
0x17e: {  	v60 =	vld [tilespmem:s0+$0x6500]  }
0x17f: {  	v2 =	vadd.f32 v59, v2  }
0x180: {  	v61 =	vld [tilespmem:s0+$0x6580]  }
0x181: {  	v2 =	vadd.f32 v3, v2  }
0x182: {  	v3 =	vld [tilespmem:s0+$0x6600]  }
0x183: {  	v2 =	vadd.f32 v60, v2  }
0x184: {  	v62 =	vld [tilespmem:s0+$0x6680]  }
0x185: {  	v2 =	vadd.f32 v61, v2  }
0x186: {  	v63 =	vld [tilespmem:s0+$0x6700]  }
0x187: {  	v2 =	vadd.f32 v3, v2;
	_ =	sdelay $0x1  }
0x188: {  	v2 =	vadd.f32 v62, v2;
	_ =	sdelay $0x1  }
0x189: {  	v2 =	vadd.f32 v63, v2  }
0x18a: {  	s6 =	sadd.s32 $0x10, s1;
	s1 =	rddreg [dreg:$0x14]  }
0x18b: {  	s4 =	simm.s32 $0x100;
	s5 =	simm.s32 $0x7780;
	[tilespmem:s6+$0x0] =	vst v2;
	s6 =	simm.s32 $0x80  }
0x18c: {  	[hbm4b:s1+s6] =	stream.strided.scatter [tilespmem:s5], [sflag:$0x1], $0x280, s4, s6, $0x38;
	[tilespmem:$0xA200] =	vst v63  }
0x18d: {  	_ =	swait.ge [sflag:s30], $0x280  }
0x18e: {  	s2 =	sadd.s32 $0x1, s2;
	s6 =	rddreg [dreg:$0x15]  }
0x18f: {  	p0 =	sne.s32 s2, s6  }
.Ltmp3:
0x190: {  	_ = 	snop;
	(pc) =	sbr.rel @p0 .LBB2_1-.Ltmp3, $3  }
0x191: {  	_ =	sdelay $0x1  }
0x192: {  	[sflag:s30] =	ssyncset.done $0x0  }
0x193: {  	[sflag:s30] =	ssyncadd.s32 $0xFFFFFD80  }
0x194: {  	_ =	sfence.sel $0x180000  }
0x195: {  	[bflag:$0x0] =	sbarrier.arrive $0xFFFF  }
0x196: {  	_ =	strace $0x90000047  }
0x197: {  	s0 =	stileid.u32;
	[bflag:$0x2] =	sbarrier.arrive $0xFFFF  }
0x198: {  	p0 =	sne.s32 s0, $0x0;
	s0 =	rddreg [dreg:$0x2]  }
0x199: {  	s0 =	sadd.s32 @!p0 $0x100000, s0  }
0x19a: {  	[sflag:s0] =	ssyncadd.tile.s32 @!p0 $0x1;
	_ =	shalt  }
.Lfunc_end2:
_tile_overlayer_lowered:
.L_overlay_start_2:
0x19b: {  	(tag) =	ssettag $0x2  }
0x19c: {  	s0 =	rddreg [dreg:$0x0];
	s2 =	stileid.u32  }
0x19d: {  	s1 =	rddreg [dreg:$0x1];
	p0 =	sne.s32 s2, $0x0  }
0x19e: {  	s3 =	rddreg [dreg:$0x2];
	[bflag:$0x3] =	sbarrier.arrive $0xFFFF;
	s2 =	simm.s32 @!p0 $0x1C01  }
0x19f: {  	[timem:s3], [sflag:s2] =	dma.local @!p0 [hbm:s0], s1  }
0x1a0: {  	s0 =	simm.s32 @!p0 $0x1  }
0x1a1: {  	_ =	swait.ge @!p0 [sflag:s0], s1  }
0x1a2: {  	s1 =	ssub.s32 @!p0 $0x0, s1;
	[sflag:s0] =	ssyncset.done @!p0 $0x0  }
0x1a3: {  	[sflag:s0] =	ssyncadd.s32 @!p0 s1  }
0x1a4: {  	[bflag:$0x3] =	sbarrier.arrive $0xFFFF  }
0x1a5: {  	_ =	shalt  }

</sc_bundles>
